<compile_context>
chip_gen: v7x
topology: tpu7x:2x2x1
jax: 0.10.2.dev20260603
libtpu: 0.0.44.dev20260713+nightly
codegen_flags: <defaults>
</compile_context>

<pallas_src>
import functools

import jax
import jax.numpy as jnp
from jax import lax
from jax.experimental import pallas as pl
from jax.experimental.pallas import tpu as pltpu
from jax.experimental.pallas import tpu_sc as plsc

_B = 50
_NPG = 200
_N = _B * _NPG
_EPG = 6400
_E = _B * _EPG
_D = 128
_ADIM = 25
_NW = 32
_GPW = 2


def _histogram(src_v, dst_v, acc_v, off):
    ones16 = jnp.ones((16,), jnp.float32)

    @plsc.parallel_loop(0, _EPG // 16, unroll=8)
    def _(i):
        s16 = src_v[pl.ds(i * 16, 16)]
        d16 = dst_v[pl.ds(i * 16, 16)]
        plsc.addupdate_scatter(acc_v, [s16 - off, d16 - off], ones16)


def _zero_acc(acc_v):
    z = jnp.zeros((16,), jnp.float32)

    @plsc.parallel_loop(0, _NPG, unroll=4)
    def _(r):
        for c in range(_NPG // 16):
            acc_v[r, pl.ds(c * 16, 16)] = z
        acc_v[r, pl.ds(_NPG - 16, 16)] = z


def _build_adj_sc(edge_index):
    mesh = plsc.VectorSubcoreMesh(core_axis_name="c", subcore_axis_name="s")

    @functools.partial(
        pl.kernel,
        out_type=jax.ShapeDtypeStruct((_N, _NPG), jnp.float32),
        mesh=mesh,
        scratch_types=[
            pltpu.VMEM((_EPG,), jnp.int32),
            pltpu.VMEM((_EPG,), jnp.int32),
            pltpu.VMEM((_EPG,), jnp.int32),
            pltpu.VMEM((_EPG,), jnp.int32),
            pltpu.VMEM((_NPG, _NPG), jnp.float32),
            pltpu.VMEM((_NPG, _NPG), jnp.float32),
            pltpu.SemaphoreType.DMA,
            pltpu.SemaphoreType.DMA,
            pltpu.SemaphoreType.DMA,
        ],
        compiler_params=pltpu.CompilerParams(needs_layout_passes=False),
    )
    def sc_kernel(edges_hbm, out_hbm, s0, d0, s1, d1, acc0, acc1,
                  sem0, sem1, semo):
        wid = lax.axis_index("s") * 2 + lax.axis_index("c")
        g0 = wid
        g1 = wid + _NW

        c0s = pltpu.async_copy(edges_hbm.at[0, pl.ds(g0 * _EPG, _EPG)], s0, sem0)
        c0d = pltpu.async_copy(edges_hbm.at[1, pl.ds(g0 * _EPG, _EPG)], d0, sem0)

        @pl.when(g1 < _B)
        def _():
            pltpu.async_copy(edges_hbm.at[0, pl.ds(g1 * _EPG, _EPG)], s1, sem1)
            pltpu.async_copy(edges_hbm.at[1, pl.ds(g1 * _EPG, _EPG)], d1, sem1)

        _zero_acc(acc0)
        c0s.wait()
        c0d.wait()
        _histogram(s0, d0, acc0, g0 * _NPG)
        co0 = pltpu.async_copy(
            acc0, out_hbm.at[pl.ds(g0 * _NPG, _NPG), :], semo
        )

        @pl.when(g1 < _B)
        def _():
            _zero_acc(acc1)
            pltpu.make_async_copy(
                edges_hbm.at[0, pl.ds(g1 * _EPG, _EPG)], s1, sem1
            ).wait()
            pltpu.make_async_copy(
                edges_hbm.at[1, pl.ds(g1 * _EPG, _EPG)], d1, sem1
            ).wait()
            _histogram(s1, d1, acc1, g1 * _NPG)
            pltpu.sync_copy(acc1, out_hbm.at[pl.ds(g1 * _NPG, _NPG), :])

        co0.wait()

    return sc_kernel(edge_index)


_GPS = 25


def _tc_body(a_ref, h_ref, w_ref, b_ref, adj_ref, hb_ref, adjs_scr):
    s = pl.program_id(0)
    b = b_ref[...]
    w_bf = w_ref[...].astype(jnp.bfloat16)
    h_bf = h_ref[...].astype(jnp.bfloat16)
    hw_all = jax.lax.dot_general(
        h_bf, w_bf, (((1,), (0,)), ((), ())), preferred_element_type=jnp.float32
    )
    hwe_all = jnp.concatenate(
        [hw_all, jnp.ones((_GPS * _NPG, 1), jnp.float32)], axis=1
    ).astype(jnp.bfloat16)

    ik = lax.broadcasted_iota(jnp.int32, (_ADIM, _B * _ADIM), 0)
    jc = lax.broadcasted_iota(jnp.int32, (_ADIM, _B * _ADIM), 1)

    def gsl(i):
        return slice(i * _NPG, (i + 1) * _NPG)

    a_bf = [a_ref[gsl(i), :].astype(jnp.bfloat16) for i in range(_GPS)]

    agg_ext = [
        jax.lax.dot_general(
            a_bf[i], hwe_all[gsl(i), :], (((0,), (0,)), ((), ())),
            preferred_element_type=jnp.float32,
        )
        for i in range(_GPS)
    ]

    assigns = []
    for i in range(_GPS):
        aggw = agg_ext[i][:, :_ADIM]
        deg = agg_ext[i][:, _ADIM:]
        logits = aggw / jnp.maximum(deg, 1.0) + b
        m = jnp.max(logits, axis=1, keepdims=True)
        e = jnp.exp(logits - m)
        sm = e / jnp.sum(e, axis=1, keepdims=True)
        assigns.append(sm.astype(jnp.bfloat16))

    as_ = [
        jax.lax.dot_general(
            a_bf[i], assigns[i], (((1,), (0,)), ((), ())),
            preferred_element_type=jnp.float32,
        )
        for i in range(_GPS)
    ]

    pooled = [
        jax.lax.dot_general(
            assigns[i],
            jnp.concatenate(
                [h_bf[gsl(i), :], as_[i].astype(jnp.bfloat16)], axis=1
            ),
            (((0,), (0,)), ((), ())),
            preferred_element_type=jnp.float32,
        )
        for i in range(_GPS)
    ]

    for i in range(_GPS):
        adjs_scr[pl.ds(s * _GPS + i, 1)] = pooled[i][jnp.newaxis, :, :]

    @pl.when(s == _B // _GPS - 1)
    def _():
        for g in range(_B):
            p = adjs_scr[g]
            hb_ref[:, g:g + 1, :] = p[:, :_D].reshape(_ADIM, 1, _D)
            sel = (jc == ik + g * _ADIM).astype(jnp.bfloat16)
            adj_ref[g * _ADIM:(g + 1) * _ADIM, :] = jax.lax.dot_general(
                p[:, _D:].astype(jnp.bfloat16), sel,
                (((1,), (0,)), ((), ())),
                preferred_element_type=jnp.float32,
            )


def _pool_tc(a, h, w_fc, b2d):
    return pl.pallas_call(
        _tc_body,
        grid=(_B // _GPS,),
        in_specs=[
            pl.BlockSpec((_GPS * _NPG, _NPG), lambda s: (s, 0)),
            pl.BlockSpec((_GPS * _NPG, _D), lambda s: (s, 0)),
            pl.BlockSpec((_D, _ADIM), lambda s: (0, 0)),
            pl.BlockSpec((1, _ADIM), lambda s: (0, 0)),
        ],
        out_specs=[
            pl.BlockSpec((_B * _ADIM, _B * _ADIM), lambda s: (0, 0)),
            pl.BlockSpec((_ADIM, _B, _D), lambda s: (0, 0, 0)),
        ],
        out_shape=[
            jax.ShapeDtypeStruct((_B * _ADIM, _B * _ADIM), jnp.float32),
            jax.ShapeDtypeStruct((_ADIM, _B, _D), jnp.float32),
        ],
        scratch_shapes=[pltpu.VMEM((_B, _ADIM, _D + _ADIM), jnp.float32)],
        compiler_params=pltpu.CompilerParams(
            dimension_semantics=("arbitrary",),
        ),
    )(a, h, w_fc, b2d)


def kernel(h, edge_index, r, W_fc, b_fc):
    del r
    a = _build_adj_sc(edge_index)
    adj_new, hb_t = _pool_tc(a, h, W_fc, b_fc.reshape(1, _ADIM))
    return (adj_new, jnp.swapaxes(hb_t, 0, 1))

# --- scband reference (transcript-rebuilt; emitter-appended) ---
"""Pipeline reference for scband-diff-pool-batched-graph-layer-12730283065989 (READ-ONLY COPY).

The authoritative reference and input builder live on the scoring server;
editing this copy changes nothing except your own understanding.
"""

import jax, jax.numpy as jnp
import numpy as np

B = 50        # number of graphs in the batch
NPG = 200     # nodes per graph
N = B * NPG   # total nodes = 10000
E = 320000    # total edges (avg_degree = 32)
D = 128       # input feature dim
A_DIM = 25    # assign_dim (clusters per graph)


def _make_edges(key):
    # DGL batched graphs never have cross-graph edges: build within-block edges.
    epg = E // B
    local = jax.random.randint(key, (2, E), 0, NPG, dtype=jnp.int32)
    offsets = (jnp.arange(E, dtype=jnp.int32) // epg) * NPG
    return local + offsets[None, :]


def setup_inputs(seed: int = 0) -> dict:
    key = jax.random.key(seed)
    k1, k2, k3, k4 = jax.random.split(key, 4)
    h = jax.random.normal(k1, (N, D), dtype=jnp.float32)
    edge_index = _make_edges(k2)
    r = jax.random.normal(k3, (E, D), dtype=jnp.float32)  # unused (pool_rel=False) but part of forward signature
    W_fc = jax.random.normal(k4, (D, A_DIM), dtype=jnp.float32) / np.sqrt(D)
    b_fc = jnp.zeros((A_DIM,), dtype=jnp.float32)
    return {"h": h, "edge_index": edge_index, "r": r, "W_fc": W_fc, "b_fc": b_fc}


def reference(h, edge_index, r, W_fc, b_fc):
    src = edge_index[0]
    dst = edge_index[1]
    # --- GCNLayer (pool_rel=False): mean aggregation over incoming edges, then Linear ---
    msg = jnp.take(h, src, axis=0)                                   # gather  [E, D]
    agg = jax.ops.segment_sum(msg, dst, num_segments=N)              # scatter-add [N, D]
    deg = jax.ops.segment_sum(jnp.ones((E,), jnp.float32), dst, num_segments=N)
    feat = agg / jnp.maximum(deg, 1.0)[:, None]                      # fn.mean semantics (0 for isolated nodes)
    assign = feat @ W_fc + b_fc                                      # self.fc
    # --- DiffPool: softmax over cluster dim, block-diagonal assignment ---
    assign = jax.nn.softmax(assign, axis=1)                          # [N, A_DIM]
    graph_id = jnp.arange(N, dtype=jnp.int32) // NPG
    rows = jnp.arange(N)[:, None]
    cols = (graph_id * A_DIM)[:, None] + jnp.arange(A_DIM)[None, :]
    S = jnp.zeros((N, B * A_DIM), jnp.float32).at[rows, cols].set(assign)  # torch.block_diag(*split)
    # h = S^T feat
    h_pool = S.T @ h                                                 # [B*A_DIM, D]
    # adj (transpose=True): A[src, dst] = 1 ; A @ S via edge gather + segment_sum.
    # Within-graph edges => (A S)[u] lives in graph(u)'s column block.
    AS_small = jax.ops.segment_sum(jnp.take(assign, dst, axis=0), src, num_segments=N)  # [N, A_DIM]
    AS = jnp.zeros((N, B * A_DIM), jnp.float32).at[rows, cols].set(AS_small)
    adj_new = S.T @ AS                                               # [B*A_DIM, B*A_DIM]
    # batch2tensor: node_per_pool_graph = (B*A_DIM)/B = A_DIM
    h_batched = h_pool.reshape(B, A_DIM, D)                          # [B, A_DIM, D]
    return (adj_new, h_batched)

if __name__ == "__main__":
    import jax
    _d = setup_inputs()
    print(jax.jit(kernel)(*tuple(_d.values())))

</pallas_src>

<mosaic_0001>
#map = affine_map<(d0, d1) -> (0, 0)>
module attributes {stable_mosaic.version = 14 : i64} {
  func.func @sc_kernel(%arg0: i32, %arg1: i32, %arg2: memref<2x320000xi32, #tpu.memory_space<hbm>>, %arg3: memref<10000x200xf32, #tpu.memory_space<hbm>>, %arg4: memref<6400xi32, #tpu.memory_space<vmem>>, %arg5: memref<6400xi32, #tpu.memory_space<vmem>>, %arg6: memref<6400xi32, #tpu.memory_space<vmem>>, %arg7: memref<6400xi32, #tpu.memory_space<vmem>>, %arg8: memref<200x200xf32, #tpu.memory_space<vmem>>, %arg9: memref<200x200xf32, #tpu.memory_space<vmem>>, %arg10: memref<!tpu.dma_semaphore, #tpu.memory_space<semaphore_mem>>, %arg11: memref<!tpu.dma_semaphore, #tpu.memory_space<semaphore_mem>>, %arg12: memref<!tpu.dma_semaphore, #tpu.memory_space<semaphore_mem>>) attributes {dimension_semantics = [#tpu.dimension_semantics<core_parallel>, #tpu.dimension_semantics<subcore_parallel>], iteration_bounds = array<i64: 2, 16>, scalar_prefetch = 0 : i64, scratch_operands = 9 : i64, tpu.core_type = #tpu.core_type<sc_vector_subcore>, window_params = [{transform_indices = #map}, {transform_indices = #map}]} {
    %mul3A = arith.constant 2 : i32
    %mul3A_0 = arith.muli %arg1, %mul3A : i32
    %add3A = arith.addi %mul3A_0, %arg0 : i32
    %add3A_1 = arith.constant 32 : i32
    %add3A_2 = arith.addi %add3A, %add3A_1 : i32
    %mul3A_3 = arith.constant 6400 : i32
    %mul3A_4 = arith.muli %add3A, %mul3A_3 : i32
    %dma_start3A = arith.constant 0 : i32
    %dma_start3A_5 = tpu.memref_slice %arg2[%dma_start3A, %mul3A_4] : memref<2x320000xi32, #tpu.memory_space<hbm>> -> memref<1x6400xi32, #tpu.memory_space<hbm>>
    %dma_start3A_6 = tpu.memref_squeeze %dma_start3A_5 : memref<1x6400xi32, #tpu.memory_space<hbm>> -> memref<6400xi32, #tpu.memory_space<hbm>>
    %dma_start3A_7 = tpu.memref_slice %arg2[%dma_start3A, %mul3A_4] : memref<2x320000xi32, #tpu.memory_space<hbm>> -> memref<1x6400xi32, #tpu.memory_space<hbm>>
    %dma_start3A_8 = tpu.memref_squeeze %dma_start3A_7 : memref<1x6400xi32, #tpu.memory_space<hbm>> -> memref<6400xi32, #tpu.memory_space<hbm>>
    tpu.enqueue_dma source(%dma_start3A_8 : memref<6400xi32, #tpu.memory_space<hbm>>) target(%arg4 : memref<6400xi32, #tpu.memory_space<vmem>>) target_semaphore(%arg10 : memref<!tpu.dma_semaphore, #tpu.memory_space<semaphore_mem>>)
    %mul3A_9 = arith.constant 6400 : i32
    %mul3A_10 = arith.muli %add3A, %mul3A_9 : i32
    %dma_start3A_11 = arith.constant 1 : i32
    %dma_start3A_12 = tpu.memref_slice %arg2[%dma_start3A_11, %mul3A_10] : memref<2x320000xi32, #tpu.memory_space<hbm>> -> memref<1x6400xi32, #tpu.memory_space<hbm>>
    %dma_start3A_13 = tpu.memref_squeeze %dma_start3A_12 : memref<1x6400xi32, #tpu.memory_space<hbm>> -> memref<6400xi32, #tpu.memory_space<hbm>>
    %dma_start3A_14 = tpu.memref_slice %arg2[%dma_start3A_11, %mul3A_10] : memref<2x320000xi32, #tpu.memory_space<hbm>> -> memref<1x6400xi32, #tpu.memory_space<hbm>>
    %dma_start3A_15 = tpu.memref_squeeze %dma_start3A_14 : memref<1x6400xi32, #tpu.memory_space<hbm>> -> memref<6400xi32, #tpu.memory_space<hbm>>
    tpu.enqueue_dma source(%dma_start3A_15 : memref<6400xi32, #tpu.memory_space<hbm>>) target(%arg5 : memref<6400xi32, #tpu.memory_space<vmem>>) target_semaphore(%arg10 : memref<!tpu.dma_semaphore, #tpu.memory_space<semaphore_mem>>)
    %lt3A = arith.constant 50 : i32
    %lt3A_16 = arith.cmpi slt, %add3A_2, %lt3A : i32
    %convert_element_type3A = arith.extui %lt3A_16 : i1 to i32
    %cond3A = arith.constant 0 : i32
    %cond3A_17 = arith.cmpi ne, %convert_element_type3A, %cond3A : i32
    scf.if %cond3A_17 {
      %mul3A_52 = arith.constant 6400 : i32
      %mul3A_53 = arith.muli %add3A_2, %mul3A_52 : i32
      %dma_start3A_54 = arith.constant 0 : i32
      %dma_start3A_55 = tpu.memref_slice %arg2[%dma_start3A_54, %mul3A_53] : memref<2x320000xi32, #tpu.memory_space<hbm>> -> memref<1x6400xi32, #tpu.memory_space<hbm>>
      %dma_start3A_56 = tpu.memref_squeeze %dma_start3A_55 : memref<1x6400xi32, #tpu.memory_space<hbm>> -> memref<6400xi32, #tpu.memory_space<hbm>>
      %dma_start3A_57 = tpu.memref_slice %arg2[%dma_start3A_54, %mul3A_53] : memref<2x320000xi32, #tpu.memory_space<hbm>> -> memref<1x6400xi32, #tpu.memory_space<hbm>>
      %dma_start3A_58 = tpu.memref_squeeze %dma_start3A_57 : memref<1x6400xi32, #tpu.memory_space<hbm>> -> memref<6400xi32, #tpu.memory_space<hbm>>
      tpu.enqueue_dma source(%dma_start3A_58 : memref<6400xi32, #tpu.memory_space<hbm>>) target(%arg6 : memref<6400xi32, #tpu.memory_space<vmem>>) target_semaphore(%arg11 : memref<!tpu.dma_semaphore, #tpu.memory_space<semaphore_mem>>)
      %mul3A_59 = arith.constant 6400 : i32
      %mul3A_60 = arith.muli %add3A_2, %mul3A_59 : i32
      %dma_start3A_61 = arith.constant 1 : i32
      %dma_start3A_62 = tpu.memref_slice %arg2[%dma_start3A_61, %mul3A_60] : memref<2x320000xi32, #tpu.memory_space<hbm>> -> memref<1x6400xi32, #tpu.memory_space<hbm>>
      %dma_start3A_63 = tpu.memref_squeeze %dma_start3A_62 : memref<1x6400xi32, #tpu.memory_space<hbm>> -> memref<6400xi32, #tpu.memory_space<hbm>>
      %dma_start3A_64 = tpu.memref_slice %arg2[%dma_start3A_61, %mul3A_60] : memref<2x320000xi32, #tpu.memory_space<hbm>> -> memref<1x6400xi32, #tpu.memory_space<hbm>>
      %dma_start3A_65 = tpu.memref_squeeze %dma_start3A_64 : memref<1x6400xi32, #tpu.memory_space<hbm>> -> memref<6400xi32, #tpu.memory_space<hbm>>
      tpu.enqueue_dma source(%dma_start3A_65 : memref<6400xi32, #tpu.memory_space<hbm>>) target(%arg7 : memref<6400xi32, #tpu.memory_space<vmem>>) target_semaphore(%arg11 : memref<!tpu.dma_semaphore, #tpu.memory_space<semaphore_mem>>)
    } else {
    }
    %broadcast_in_dim3A = arith.constant 0.000000e+00 : f32
    %broadcast_in_dim3A_18 = vector.broadcast %broadcast_in_dim3A : f32 to vector<16xf32>
    %parallel_loop3A = arith.constant 0 : i32
    %parallel_loop3A_19 = arith.constant 200 : i32
    %parallel_loop3A_20 = arith.constant 1 : i32
    scf.for %parallel_loop3A_52 = %parallel_loop3A to %parallel_loop3A_19 step %parallel_loop3A_20  : i32 {
      %parallel_loop3A_53 = arith.index_cast %parallel_loop3A_52 : i32 to index
      %parallel_loop3A_54 = arith.constant 0 : index
      %parallel_loop3A_55 = tpu.vector_load %arg8[%parallel_loop3A_53, %parallel_loop3A_54] {strides = array<i32>} : memref<200x200xf32, #tpu.memory_space<vmem>>, vector<16xf32>,
      tpu.vector_store %arg8[%parallel_loop3A_53, %parallel_loop3A_54], %broadcast_in_dim3A_18 {strides = array<i32>} : memref<200x200xf32, #tpu.memory_space<vmem>>, vector<16xf32>,
      %parallel_loop3A_56 = arith.index_cast %parallel_loop3A_52 : i32 to index
      %parallel_loop3A_57 = arith.constant 16 : index
      %parallel_loop3A_58 = tpu.vector_load %arg8[%parallel_loop3A_56, %parallel_loop3A_57] {strides = array<i32>} : memref<200x200xf32, #tpu.memory_space<vmem>>, vector<16xf32>,
      tpu.vector_store %arg8[%parallel_loop3A_56, %parallel_loop3A_57], %broadcast_in_dim3A_18 {strides = array<i32>} : memref<200x200xf32, #tpu.memory_space<vmem>>, vector<16xf32>,
      %parallel_loop3A_59 = arith.index_cast %parallel_loop3A_52 : i32 to index
      %parallel_loop3A_60 = arith.constant 32 : index
      %parallel_loop3A_61 = tpu.vector_load %arg8[%parallel_loop3A_59, %parallel_loop3A_60] {strides = array<i32>} : memref<200x200xf32, #tpu.memory_space<vmem>>, vector<16xf32>,
      tpu.vector_store %arg8[%parallel_loop3A_59, %parallel_loop3A_60], %broadcast_in_dim3A_18 {strides = array<i32>} : memref<200x200xf32, #tpu.memory_space<vmem>>, vector<16xf32>,
      %parallel_loop3A_62 = arith.index_cast %parallel_loop3A_52 : i32 to index
      %parallel_loop3A_63 = arith.constant 48 : index
      %parallel_loop3A_64 = tpu.vector_load %arg8[%parallel_loop3A_62, %parallel_loop3A_63] {strides = array<i32>} : memref<200x200xf32, #tpu.memory_space<vmem>>, vector<16xf32>,
      tpu.vector_store %arg8[%parallel_loop3A_62, %parallel_loop3A_63], %broadcast_in_dim3A_18 {strides = array<i32>} : memref<200x200xf32, #tpu.memory_space<vmem>>, vector<16xf32>,
      %parallel_loop3A_65 = arith.index_cast %parallel_loop3A_52 : i32 to index
      %parallel_loop3A_66 = arith.constant 64 : index
      %parallel_loop3A_67 = tpu.vector_load %arg8[%parallel_loop3A_65, %parallel_loop3A_66] {strides = array<i32>} : memref<200x200xf32, #tpu.memory_space<vmem>>, vector<16xf32>,
      tpu.vector_store %arg8[%parallel_loop3A_65, %parallel_loop3A_66], %broadcast_in_dim3A_18 {strides = array<i32>} : memref<200x200xf32, #tpu.memory_space<vmem>>, vector<16xf32>,
      %parallel_loop3A_68 = arith.index_cast %parallel_loop3A_52 : i32 to index
      %parallel_loop3A_69 = arith.constant 80 : index
      %parallel_loop3A_70 = tpu.vector_load %arg8[%parallel_loop3A_68, %parallel_loop3A_69] {strides = array<i32>} : memref<200x200xf32, #tpu.memory_space<vmem>>, vector<16xf32>,
      tpu.vector_store %arg8[%parallel_loop3A_68, %parallel_loop3A_69], %broadcast_in_dim3A_18 {strides = array<i32>} : memref<200x200xf32, #tpu.memory_space<vmem>>, vector<16xf32>,
      %parallel_loop3A_71 = arith.index_cast %parallel_loop3A_52 : i32 to index
      %parallel_loop3A_72 = arith.constant 96 : index
      %parallel_loop3A_73 = tpu.vector_load %arg8[%parallel_loop3A_71, %parallel_loop3A_72] {strides = array<i32>} : memref<200x200xf32, #tpu.memory_space<vmem>>, vector<16xf32>,
      tpu.vector_store %arg8[%parallel_loop3A_71, %parallel_loop3A_72], %broadcast_in_dim3A_18 {strides = array<i32>} : memref<200x200xf32, #tpu.memory_space<vmem>>, vector<16xf32>,
      %parallel_loop3A_74 = arith.index_cast %parallel_loop3A_52 : i32 to index
      %parallel_loop3A_75 = arith.constant 112 : index
      %parallel_loop3A_76 = tpu.vector_load %arg8[%parallel_loop3A_74, %parallel_loop3A_75] {strides = array<i32>} : memref<200x200xf32, #tpu.memory_space<vmem>>, vector<16xf32>,
      tpu.vector_store %arg8[%parallel_loop3A_74, %parallel_loop3A_75], %broadcast_in_dim3A_18 {strides = array<i32>} : memref<200x200xf32, #tpu.memory_space<vmem>>, vector<16xf32>,
      %parallel_loop3A_77 = arith.index_cast %parallel_loop3A_52 : i32 to index
      %parallel_loop3A_78 = arith.constant 128 : index
      %parallel_loop3A_79 = tpu.vector_load %arg8[%parallel_loop3A_77, %parallel_loop3A_78] {strides = array<i32>} : memref<200x200xf32, #tpu.memory_space<vmem>>, vector<16xf32>,
      tpu.vector_store %arg8[%parallel_loop3A_77, %parallel_loop3A_78], %broadcast_in_dim3A_18 {strides = array<i32>} : memref<200x200xf32, #tpu.memory_space<vmem>>, vector<16xf32>,
      %parallel_loop3A_80 = arith.index_cast %parallel_loop3A_52 : i32 to index
      %parallel_loop3A_81 = arith.constant 144 : index
      %parallel_loop3A_82 = tpu.vector_load %arg8[%parallel_loop3A_80, %parallel_loop3A_81] {strides = array<i32>} : memref<200x200xf32, #tpu.memory_space<vmem>>, vector<16xf32>,
      tpu.vector_store %arg8[%parallel_loop3A_80, %parallel_loop3A_81], %broadcast_in_dim3A_18 {strides = array<i32>} : memref<200x200xf32, #tpu.memory_space<vmem>>, vector<16xf32>,
      %parallel_loop3A_83 = arith.index_cast %parallel_loop3A_52 : i32 to index
      %parallel_loop3A_84 = arith.constant 160 : index
      %parallel_loop3A_85 = tpu.vector_load %arg8[%parallel_loop3A_83, %parallel_loop3A_84] {strides = array<i32>} : memref<200x200xf32, #tpu.memory_space<vmem>>, vector<16xf32>,
      tpu.vector_store %arg8[%parallel_loop3A_83, %parallel_loop3A_84], %broadcast_in_dim3A_18 {strides = array<i32>} : memref<200x200xf32, #tpu.memory_space<vmem>>, vector<16xf32>,
      %parallel_loop3A_86 = arith.index_cast %parallel_loop3A_52 : i32 to index
      %parallel_loop3A_87 = arith.constant 176 : index
      %parallel_loop3A_88 = tpu.vector_load %arg8[%parallel_loop3A_86, %parallel_loop3A_87] {strides = array<i32>} : memref<200x200xf32, #tpu.memory_space<vmem>>, vector<16xf32>,
      tpu.vector_store %arg8[%parallel_loop3A_86, %parallel_loop3A_87], %broadcast_in_dim3A_18 {strides = array<i32>} : memref<200x200xf32, #tpu.memory_space<vmem>>, vector<16xf32>,
      %parallel_loop3A_89 = arith.index_cast %parallel_loop3A_52 : i32 to index
      %parallel_loop3A_90 = arith.constant 184 : index
      %parallel_loop3A_91 = tpu.vector_load %arg8[%parallel_loop3A_89, %parallel_loop3A_90] {strides = array<i32>} : memref<200x200xf32, #tpu.memory_space<vmem>>, vector<16xf32>,
      tpu.vector_store %arg8[%parallel_loop3A_89, %parallel_loop3A_90], %broadcast_in_dim3A_18 {strides = array<i32>} : memref<200x200xf32, #tpu.memory_space<vmem>>, vector<16xf32>,
    } {sc.loop_unroll_factor = 4 : i64, sc.parallel_access}
    %dma_wait3A = arith.constant 0 : i32
    %dma_wait3A_21 = tpu.memref_slice %arg2[%dma_wait3A, %mul3A_4] : memref<2x320000xi32, #tpu.memory_space<hbm>> -> memref<1x6400xi32, #tpu.memory_space<hbm>>
    %dma_wait3A_22 = tpu.memref_squeeze %dma_wait3A_21 : memref<1x6400xi32, #tpu.memory_space<hbm>> -> memref<6400xi32, #tpu.memory_space<hbm>>
    %dma_wait3A_23 = tpu.memref_slice %arg2[%dma_wait3A, %mul3A_4] : memref<2x320000xi32, #tpu.memory_space<hbm>> -> memref<1x6400xi32, #tpu.memory_space<hbm>>
    %dma_wait3A_24 = tpu.memref_squeeze %dma_wait3A_23 : memref<1x6400xi32, #tpu.memory_space<hbm>> -> memref<6400xi32, #tpu.memory_space<hbm>>
    tpu.wait_dma2 semaphore(%arg10 : memref<!tpu.dma_semaphore, #tpu.memory_space<semaphore_mem>>) src(%dma_wait3A_24 : memref<6400xi32, #tpu.memory_space<hbm>>) dst(%arg4 : memref<6400xi32, #tpu.memory_space<vmem>>)
    %dma_wait3A_25 = arith.constant 1 : i32
    %dma_wait3A_26 = tpu.memref_slice %arg2[%dma_wait3A_25, %mul3A_10] : memref<2x320000xi32, #tpu.memory_space<hbm>> -> memref<1x6400xi32, #tpu.memory_space<hbm>>
    %dma_wait3A_27 = tpu.memref_squeeze %dma_wait3A_26 : memref<1x6400xi32, #tpu.memory_space<hbm>> -> memref<6400xi32, #tpu.memory_space<hbm>>
    %dma_wait3A_28 = tpu.memref_slice %arg2[%dma_wait3A_25, %mul3A_10] : memref<2x320000xi32, #tpu.memory_space<hbm>> -> memref<1x6400xi32, #tpu.memory_space<hbm>>
    %dma_wait3A_29 = tpu.memref_squeeze %dma_wait3A_28 : memref<1x6400xi32, #tpu.memory_space<hbm>> -> memref<6400xi32, #tpu.memory_space<hbm>>
    tpu.wait_dma2 semaphore(%arg10 : memref<!tpu.dma_semaphore, #tpu.memory_space<semaphore_mem>>) src(%dma_wait3A_29 : memref<6400xi32, #tpu.memory_space<hbm>>) dst(%arg5 : memref<6400xi32, #tpu.memory_space<vmem>>)
    %mul3A_30 = arith.constant 200 : i32
    %mul3A_31 = arith.muli %add3A, %mul3A_30 : i32
    %broadcast_in_dim3A_32 = arith.constant 1.000000e+00 : f32
    %broadcast_in_dim3A_33 = vector.broadcast %broadcast_in_dim3A_32 : f32 to vector<16xf32>
    %parallel_loop3A_34 = arith.constant 0 : i32
    %parallel_loop3A_35 = arith.constant 400 : i32
    %parallel_loop3A_36 = arith.constant 1 : i32
    scf.for %parallel_loop3A_52 = %parallel_loop3A_34 to %parallel_loop3A_35 step %parallel_loop3A_36  : i32 {
      %parallel_loop3A_53 = arith.constant 16 : i32
      %parallel_loop3A_54 = arith.muli %parallel_loop3A_52, %parallel_loop3A_53 : i32
      %parallel_loop3A_55 = arith.index_cast %parallel_loop3A_54 : i32 to index
      %parallel_loop3A_56 = tpu.vector_load %arg4[%parallel_loop3A_55] {strides = array<i32>} : memref<6400xi32, #tpu.memory_space<vmem>>, vector<16xi32>,
      %parallel_loop3A_57 = arith.constant 16 : i32
      %parallel_loop3A_58 = arith.muli %parallel_loop3A_52, %parallel_loop3A_57 : i32
      %parallel_loop3A_59 = arith.index_cast %parallel_loop3A_58 : i32 to index
      %parallel_loop3A_60 = tpu.vector_load %arg5[%parallel_loop3A_59] {strides = array<i32>} : memref<6400xi32, #tpu.memory_space<vmem>>, vector<16xi32>,
      %parallel_loop3A_61 = vector.broadcast %mul3A_31 : i32 to vector<16xi32>
      %parallel_loop3A_62 = arith.subi %parallel_loop3A_56, %parallel_loop3A_61 : vector<16xi32>
      %parallel_loop3A_63 = vector.broadcast %mul3A_31 : i32 to vector<16xi32>
      %parallel_loop3A_64 = arith.subi %parallel_loop3A_60, %parallel_loop3A_63 : vector<16xi32>
      tpu.vector_store_idx %arg8[%parallel_loop3A_62, %parallel_loop3A_64], %broadcast_in_dim3A_33 {add = true} : memref<200x200xf32, #tpu.memory_space<vmem>>[vector<16xi32>, vector<16xi32>], vector<16xf32>,
    } {sc.loop_unroll_factor = 8 : i64, sc.parallel_access}
    %mul3A_37 = arith.constant 200 : i32
    %mul3A_38 = arith.muli %add3A, %mul3A_37 : i32
    %dma_start3A_39 = arith.constant 0 : i32
    %dma_start3A_40 = tpu.memref_slice %arg3[%mul3A_38, %dma_start3A_39] : memref<10000x200xf32, #tpu.memory_space<hbm>> -> memref<200x200xf32, #tpu.memory_space<hbm>>
    %dma_start3A_41 = arith.constant 0 : i32
    %dma_start3A_42 = tpu.memref_slice %arg3[%mul3A_38, %dma_start3A_41] : memref<10000x200xf32, #tpu.memory_space<hbm>> -> memref<200x200xf32, #tpu.memory_space<hbm>>
    tpu.enqueue_dma source(%arg8 : memref<200x200xf32, #tpu.memory_space<vmem>>) target(%dma_start3A_42 : memref<200x200xf32, #tpu.memory_space<hbm>>) target_semaphore(%arg12 : memref<!tpu.dma_semaphore, #tpu.memory_space<semaphore_mem>>)
    %lt3A_43 = arith.constant 50 : i32
    %lt3A_44 = arith.cmpi slt, %add3A_2, %lt3A_43 : i32
    %convert_element_type3A_45 = arith.extui %lt3A_44 : i1 to i32
    %cond3A_46 = arith.constant 0 : i32
    %cond3A_47 = arith.cmpi ne, %convert_element_type3A_45, %cond3A_46 : i32
    scf.if %cond3A_47 {
      %broadcast_in_dim3A_52 = arith.constant 0.000000e+00 : f32
      %broadcast_in_dim3A_53 = vector.broadcast %broadcast_in_dim3A_52 : f32 to vector<16xf32>
      %parallel_loop3A_54 = arith.constant 0 : i32
      %parallel_loop3A_55 = arith.constant 200 : i32
      %parallel_loop3A_56 = arith.constant 1 : i32
      scf.for %parallel_loop3A_80 = %parallel_loop3A_54 to %parallel_loop3A_55 step %parallel_loop3A_56  : i32 {
        %parallel_loop3A_81 = arith.index_cast %parallel_loop3A_80 : i32 to index
        %parallel_loop3A_82 = arith.constant 0 : index
        %parallel_loop3A_83 = tpu.vector_load %arg9[%parallel_loop3A_81, %parallel_loop3A_82] {strides = array<i32>} : memref<200x200xf32, #tpu.memory_space<vmem>>, vector<16xf32>,
        tpu.vector_store %arg9[%parallel_loop3A_81, %parallel_loop3A_82], %broadcast_in_dim3A_53 {strides = array<i32>} : memref<200x200xf32, #tpu.memory_space<vmem>>, vector<16xf32>,
        %parallel_loop3A_84 = arith.index_cast %parallel_loop3A_80 : i32 to index
        %parallel_loop3A_85 = arith.constant 16 : index
        %parallel_loop3A_86 = tpu.vector_load %arg9[%parallel_loop3A_84, %parallel_loop3A_85] {strides = array<i32>} : memref<200x200xf32, #tpu.memory_space<vmem>>, vector<16xf32>,
        tpu.vector_store %arg9[%parallel_loop3A_84, %parallel_loop3A_85], %broadcast_in_dim3A_53 {strides = array<i32>} : memref<200x200xf32, #tpu.memory_space<vmem>>, vector<16xf32>,
        %parallel_loop3A_87 = arith.index_cast %parallel_loop3A_80 : i32 to index
        %parallel_loop3A_88 = arith.constant 32 : index
        %parallel_loop3A_89 = tpu.vector_load %arg9[%parallel_loop3A_87, %parallel_loop3A_88] {strides = array<i32>} : memref<200x200xf32, #tpu.memory_space<vmem>>, vector<16xf32>,
        tpu.vector_store %arg9[%parallel_loop3A_87, %parallel_loop3A_88], %broadcast_in_dim3A_53 {strides = array<i32>} : memref<200x200xf32, #tpu.memory_space<vmem>>, vector<16xf32>,
        %parallel_loop3A_90 = arith.index_cast %parallel_loop3A_80 : i32 to index
        %parallel_loop3A_91 = arith.constant 48 : index
        %parallel_loop3A_92 = tpu.vector_load %arg9[%parallel_loop3A_90, %parallel_loop3A_91] {strides = array<i32>} : memref<200x200xf32, #tpu.memory_space<vmem>>, vector<16xf32>,
        tpu.vector_store %arg9[%parallel_loop3A_90, %parallel_loop3A_91], %broadcast_in_dim3A_53 {strides = array<i32>} : memref<200x200xf32, #tpu.memory_space<vmem>>, vector<16xf32>,
        %parallel_loop3A_93 = arith.index_cast %parallel_loop3A_80 : i32 to index
        %parallel_loop3A_94 = arith.constant 64 : index
        %parallel_loop3A_95 = tpu.vector_load %arg9[%parallel_loop3A_93, %parallel_loop3A_94] {strides = array<i32>} : memref<200x200xf32, #tpu.memory_space<vmem>>, vector<16xf32>,
        tpu.vector_store %arg9[%parallel_loop3A_93, %parallel_loop3A_94], %broadcast_in_dim3A_53 {strides = array<i32>} : memref<200x200xf32, #tpu.memory_space<vmem>>, vector<16xf32>,
        %parallel_loop3A_96 = arith.index_cast %parallel_loop3A_80 : i32 to index
        %parallel_loop3A_97 = arith.constant 80 : index
        %parallel_loop3A_98 = tpu.vector_load %arg9[%parallel_loop3A_96, %parallel_loop3A_97] {strides = array<i32>} : memref<200x200xf32, #tpu.memory_space<vmem>>, vector<16xf32>,
        tpu.vector_store %arg9[%parallel_loop3A_96, %parallel_loop3A_97], %broadcast_in_dim3A_53 {strides = array<i32>} : memref<200x200xf32, #tpu.memory_space<vmem>>, vector<16xf32>,
        %parallel_loop3A_99 = arith.index_cast %parallel_loop3A_80 : i32 to index
        %parallel_loop3A_100 = arith.constant 96 : index
        %parallel_loop3A_101 = tpu.vector_load %arg9[%parallel_loop3A_99, %parallel_loop3A_100] {strides = array<i32>} : memref<200x200xf32, #tpu.memory_space<vmem>>, vector<16xf32>,
        tpu.vector_store %arg9[%parallel_loop3A_99, %parallel_loop3A_100], %broadcast_in_dim3A_53 {strides = array<i32>} : memref<200x200xf32, #tpu.memory_space<vmem>>, vector<16xf32>,
        %parallel_loop3A_102 = arith.index_cast %parallel_loop3A_80 : i32 to index
        %parallel_loop3A_103 = arith.constant 112 : index
        %parallel_loop3A_104 = tpu.vector_load %arg9[%parallel_loop3A_102, %parallel_loop3A_103] {strides = array<i32>} : memref<200x200xf32, #tpu.memory_space<vmem>>, vector<16xf32>,
        tpu.vector_store %arg9[%parallel_loop3A_102, %parallel_loop3A_103], %broadcast_in_dim3A_53 {strides = array<i32>} : memref<200x200xf32, #tpu.memory_space<vmem>>, vector<16xf32>,
        %parallel_loop3A_105 = arith.index_cast %parallel_loop3A_80 : i32 to index
        %parallel_loop3A_106 = arith.constant 128 : index
        %parallel_loop3A_107 = tpu.vector_load %arg9[%parallel_loop3A_105, %parallel_loop3A_106] {strides = array<i32>} : memref<200x200xf32, #tpu.memory_space<vmem>>, vector<16xf32>,
        tpu.vector_store %arg9[%parallel_loop3A_105, %parallel_loop3A_106], %broadcast_in_dim3A_53 {strides = array<i32>} : memref<200x200xf32, #tpu.memory_space<vmem>>, vector<16xf32>,
        %parallel_loop3A_108 = arith.index_cast %parallel_loop3A_80 : i32 to index
        %parallel_loop3A_109 = arith.constant 144 : index
        %parallel_loop3A_110 = tpu.vector_load %arg9[%parallel_loop3A_108, %parallel_loop3A_109] {strides = array<i32>} : memref<200x200xf32, #tpu.memory_space<vmem>>, vector<16xf32>,
        tpu.vector_store %arg9[%parallel_loop3A_108, %parallel_loop3A_109], %broadcast_in_dim3A_53 {strides = array<i32>} : memref<200x200xf32, #tpu.memory_space<vmem>>, vector<16xf32>,
        %parallel_loop3A_111 = arith.index_cast %parallel_loop3A_80 : i32 to index
        %parallel_loop3A_112 = arith.constant 160 : index
        %parallel_loop3A_113 = tpu.vector_load %arg9[%parallel_loop3A_111, %parallel_loop3A_112] {strides = array<i32>} : memref<200x200xf32, #tpu.memory_space<vmem>>, vector<16xf32>,
        tpu.vector_store %arg9[%parallel_loop3A_111, %parallel_loop3A_112], %broadcast_in_dim3A_53 {strides = array<i32>} : memref<200x200xf32, #tpu.memory_space<vmem>>, vector<16xf32>,
        %parallel_loop3A_114 = arith.index_cast %parallel_loop3A_80 : i32 to index
        %parallel_loop3A_115 = arith.constant 176 : index
        %parallel_loop3A_116 = tpu.vector_load %arg9[%parallel_loop3A_114, %parallel_loop3A_115] {strides = array<i32>} : memref<200x200xf32, #tpu.memory_space<vmem>>, vector<16xf32>,
        tpu.vector_store %arg9[%parallel_loop3A_114, %parallel_loop3A_115], %broadcast_in_dim3A_53 {strides = array<i32>} : memref<200x200xf32, #tpu.memory_space<vmem>>, vector<16xf32>,
        %parallel_loop3A_117 = arith.index_cast %parallel_loop3A_80 : i32 to index
        %parallel_loop3A_118 = arith.constant 184 : index
        %parallel_loop3A_119 = tpu.vector_load %arg9[%parallel_loop3A_117, %parallel_loop3A_118] {strides = array<i32>} : memref<200x200xf32, #tpu.memory_space<vmem>>, vector<16xf32>,
        tpu.vector_store %arg9[%parallel_loop3A_117, %parallel_loop3A_118], %broadcast_in_dim3A_53 {strides = array<i32>} : memref<200x200xf32, #tpu.memory_space<vmem>>, vector<16xf32>,
      } {sc.loop_unroll_factor = 4 : i64, sc.parallel_access}
      %mul3A_57 = arith.constant 6400 : i32
      %mul3A_58 = arith.muli %add3A_2, %mul3A_57 : i32
      %dma_wait3A_59 = arith.constant 0 : i32
      %dma_wait3A_60 = tpu.memref_slice %arg2[%dma_wait3A_59, %mul3A_58] : memref<2x320000xi32, #tpu.memory_space<hbm>> -> memref<1x6400xi32, #tpu.memory_space<hbm>>
      %dma_wait3A_61 = tpu.memref_squeeze %dma_wait3A_60 : memref<1x6400xi32, #tpu.memory_space<hbm>> -> memref<6400xi32, #tpu.memory_space<hbm>>
      %dma_wait3A_62 = tpu.memref_slice %arg2[%dma_wait3A_59, %mul3A_58] : memref<2x320000xi32, #tpu.memory_space<hbm>> -> memref<1x6400xi32, #tpu.memory_space<hbm>>
      %dma_wait3A_63 = tpu.memref_squeeze %dma_wait3A_62 : memref<1x6400xi32, #tpu.memory_space<hbm>> -> memref<6400xi32, #tpu.memory_space<hbm>>
      tpu.wait_dma2 semaphore(%arg11 : memref<!tpu.dma_semaphore, #tpu.memory_space<semaphore_mem>>) src(%dma_wait3A_63 : memref<6400xi32, #tpu.memory_space<hbm>>) dst(%arg6 : memref<6400xi32, #tpu.memory_space<vmem>>)
      %mul3A_64 = arith.constant 6400 : i32
      %mul3A_65 = arith.muli %add3A_2, %mul3A_64 : i32
      %dma_wait3A_66 = arith.constant 1 : i32
      %dma_wait3A_67 = tpu.memref_slice %arg2[%dma_wait3A_66, %mul3A_65] : memref<2x320000xi32, #tpu.memory_space<hbm>> -> memref<1x6400xi32, #tpu.memory_space<hbm>>
      %dma_wait3A_68 = tpu.memref_squeeze %dma_wait3A_67 : memref<1x6400xi32, #tpu.memory_space<hbm>> -> memref<6400xi32, #tpu.memory_space<hbm>>
      %dma_wait3A_69 = tpu.memref_slice %arg2[%dma_wait3A_66, %mul3A_65] : memref<2x320000xi32, #tpu.memory_space<hbm>> -> memref<1x6400xi32, #tpu.memory_space<hbm>>
      %dma_wait3A_70 = tpu.memref_squeeze %dma_wait3A_69 : memref<1x6400xi32, #tpu.memory_space<hbm>> -> memref<6400xi32, #tpu.memory_space<hbm>>
      tpu.wait_dma2 semaphore(%arg11 : memref<!tpu.dma_semaphore, #tpu.memory_space<semaphore_mem>>) src(%dma_wait3A_70 : memref<6400xi32, #tpu.memory_space<hbm>>) dst(%arg7 : memref<6400xi32, #tpu.memory_space<vmem>>)
      %mul3A_71 = arith.constant 200 : i32
      %mul3A_72 = arith.muli %add3A_2, %mul3A_71 : i32
      %broadcast_in_dim3A_73 = arith.constant 1.000000e+00 : f32
      %broadcast_in_dim3A_74 = vector.broadcast %broadcast_in_dim3A_73 : f32 to vector<16xf32>
      %parallel_loop3A_75 = arith.constant 0 : i32
      %parallel_loop3A_76 = arith.constant 400 : i32
      %parallel_loop3A_77 = arith.constant 1 : i32
      scf.for %parallel_loop3A_80 = %parallel_loop3A_75 to %parallel_loop3A_76 step %parallel_loop3A_77  : i32 {
        %parallel_loop3A_81 = arith.constant 16 : i32
        %parallel_loop3A_82 = arith.muli %parallel_loop3A_80, %parallel_loop3A_81 : i32
        %parallel_loop3A_83 = arith.index_cast %parallel_loop3A_82 : i32 to index
        %parallel_loop3A_84 = tpu.vector_load %arg6[%parallel_loop3A_83] {strides = array<i32>} : memref<6400xi32, #tpu.memory_space<vmem>>, vector<16xi32>,
        %parallel_loop3A_85 = arith.constant 16 : i32
        %parallel_loop3A_86 = arith.muli %parallel_loop3A_80, %parallel_loop3A_85 : i32
        %parallel_loop3A_87 = arith.index_cast %parallel_loop3A_86 : i32 to index
        %parallel_loop3A_88 = tpu.vector_load %arg7[%parallel_loop3A_87] {strides = array<i32>} : memref<6400xi32, #tpu.memory_space<vmem>>, vector<16xi32>,
        %parallel_loop3A_89 = vector.broadcast %mul3A_72 : i32 to vector<16xi32>
        %parallel_loop3A_90 = arith.subi %parallel_loop3A_84, %parallel_loop3A_89 : vector<16xi32>
        %parallel_loop3A_91 = vector.broadcast %mul3A_72 : i32 to vector<16xi32>
        %parallel_loop3A_92 = arith.subi %parallel_loop3A_88, %parallel_loop3A_91 : vector<16xi32>
        tpu.vector_store_idx %arg9[%parallel_loop3A_90, %parallel_loop3A_92], %broadcast_in_dim3A_74 {add = true} : memref<200x200xf32, #tpu.memory_space<vmem>>[vector<16xi32>, vector<16xi32>], vector<16xf32>,
      } {sc.loop_unroll_factor = 8 : i64, sc.parallel_access}
      %mul3A_78 = arith.constant 200 : i32
      %mul3A_79 = arith.muli %add3A_2, %mul3A_78 : i32
      "tpu.region"() ({
        %run_scoped3A = tpu.sem_alloc : memref<!tpu.dma_semaphore, #tpu.memory_space<semaphore_mem>>
        %dma_start3A_80 = arith.constant 0 : i32
        %dma_start3A_81 = tpu.memref_slice %arg3[%mul3A_79, %dma_start3A_80] : memref<10000x200xf32, #tpu.memory_space<hbm>> -> memref<200x200xf32, #tpu.memory_space<hbm>>
        %dma_start3A_82 = arith.constant 0 : i32
        %dma_start3A_83 = tpu.memref_slice %arg3[%mul3A_79, %dma_start3A_82] : memref<10000x200xf32, #tpu.memory_space<hbm>> -> memref<200x200xf32, #tpu.memory_space<hbm>>
        tpu.enqueue_dma source(%arg9 : memref<200x200xf32, #tpu.memory_space<vmem>>) target(%dma_start3A_83 : memref<200x200xf32, #tpu.memory_space<hbm>>) target_semaphore(%run_scoped3A : memref<!tpu.dma_semaphore, #tpu.memory_space<semaphore_mem>>)
        %dma_wait3A_84 = arith.constant 0 : i32
        %dma_wait3A_85 = tpu.memref_slice %arg3[%mul3A_79, %dma_wait3A_84] : memref<10000x200xf32, #tpu.memory_space<hbm>> -> memref<200x200xf32, #tpu.memory_space<hbm>>
        %dma_wait3A_86 = arith.constant 0 : i32
        %dma_wait3A_87 = tpu.memref_slice %arg3[%mul3A_79, %dma_wait3A_86] : memref<10000x200xf32, #tpu.memory_space<hbm>> -> memref<200x200xf32, #tpu.memory_space<hbm>>
        tpu.wait_dma2 semaphore(%run_scoped3A : memref<!tpu.dma_semaphore, #tpu.memory_space<semaphore_mem>>) src(%arg9 : memref<200x200xf32, #tpu.memory_space<vmem>>) dst(%dma_wait3A_87 : memref<200x200xf32, #tpu.memory_space<hbm>>)
        tpu.yield
      }) : () -> ()
    } else {
    }
    %dma_wait3A_48 = arith.constant 0 : i32
    %dma_wait3A_49 = tpu.memref_slice %arg3[%mul3A_38, %dma_wait3A_48] : memref<10000x200xf32, #tpu.memory_space<hbm>> -> memref<200x200xf32, #tpu.memory_space<hbm>>
    %dma_wait3A_50 = arith.constant 0 : i32
    %dma_wait3A_51 = tpu.memref_slice %arg3[%mul3A_38, %dma_wait3A_50] : memref<10000x200xf32, #tpu.memory_space<hbm>> -> memref<200x200xf32, #tpu.memory_space<hbm>>
    tpu.wait_dma2 semaphore(%arg12 : memref<!tpu.dma_semaphore, #tpu.memory_space<semaphore_mem>>) src(%arg8 : memref<200x200xf32, #tpu.memory_space<vmem>>) dst(%dma_wait3A_51 : memref<200x200xf32, #tpu.memory_space<hbm>>)
    return
  }
}

module attributes {stable_mosaic.version = 14 : i64} {
  func.func @_tc_body(%arg0: i32, %arg1: memref<5000x200xf32, #tpu.memory_space<vmem>>, %arg2: memref<5000x128xf32, #tpu.memory_space<vmem>>, %arg3: memref<128x25xf32, #tpu.memory_space<vmem>>, %arg4: memref<1x25xf32, #tpu.memory_space<vmem>>, %arg5: memref<1250x1250xf32, #tpu.memory_space<vmem>>, %arg6: memref<25x50x128xf32, #tpu.memory_space<vmem>>, %arg7: memref<50x25x153xf32, #tpu.memory_space<vmem>>) attributes {dimension_semantics = [#tpu.dimension_semantics<arbitrary>], iteration_bounds = array<i64: 2>, scalar_prefetch = 0 : i64, scratch_operands = 1 : i64, tpu.core_type = #tpu.core_type<tc>, window_params = [{transform_indices = @transform_0, window_bounds = array<i64: 5000, 200>}, {transform_indices = @transform_1, window_bounds = array<i64: 5000, 128>}, {pipeline_mode = #tpu.pipeline_mode<synchronous>, transform_indices = @transform_2, window_bounds = array<i64: 128, 25>}, {pipeline_mode = #tpu.pipeline_mode<synchronous>, transform_indices = @transform_3, window_bounds = array<i64: 1, 25>}, {pipeline_mode = #tpu.pipeline_mode<synchronous>, transform_indices = @transform_4, window_bounds = array<i64: 1250, 1250>}, {pipeline_mode = #tpu.pipeline_mode<synchronous>, transform_indices = @transform_5, window_bounds = array<i64: 25, 50, 128>}]} {
    %get3A = arith.constant 0 : index
    %get3A_0 = arith.constant 0 : index
    %get3A_1 = vector.load %arg4[%get3A, %get3A_0] : memref<1x25xf32, #tpu.memory_space<vmem>>, vector<1x25xf32>
    %get3A_2 = arith.constant 0 : index
    %get3A_3 = arith.constant 0 : index
    %get3A_4 = vector.load %arg3[%get3A_2, %get3A_3] : memref<128x25xf32, #tpu.memory_space<vmem>>, vector<128x25xf32>
    %convert_element_type3A = arith.truncf %get3A_4 : vector<128x25xf32> to vector<128x25xbf16>
    %get3A_5 = arith.constant 0 : index
    %get3A_6 = arith.constant 0 : index
    %get3A_7 = vector.load %arg2[%get3A_5, %get3A_6] : memref<5000x128xf32, #tpu.memory_space<vmem>>, vector<5000x128xf32>
    %convert_element_type3A_8 = arith.truncf %get3A_7 : vector<5000x128xf32> to vector<5000x128xbf16>
    %dot_general3A = arith.constant dense<0.000000e+00> : vector<5000x25xf32>
    %dot_general3A_9 = tpu.matmul %convert_element_type3A_8, %convert_element_type3A, %dot_general3A {dimension_numbers = #tpu.dot_dimension_numbers<[1], [0], [0], [1], [0, 0, 1, 1], [], []>, transpose_lhs_hint = false} : vector<5000x128xbf16>, vector<128x25xbf16>, vector<5000x25xf32> -> vector<5000x25xf32>
    %broadcast_in_dim3A = arith.constant 1.000000e+00 : f32
    %broadcast_in_dim3A_10 = vector.broadcast %broadcast_in_dim3A : f32 to vector<5000x1xf32>
    %concatenate3A = tpu.concatenate %dot_general3A_9, %broadcast_in_dim3A_10 in 1 : vector<5000x25xf32>, vector<5000x1xf32> -> vector<5000x26xf32>
    %convert_element_type3A_11 = arith.truncf %concatenate3A : vector<5000x26xf32> to vector<5000x26xbf16>
    %iota3A = tpu.iota {dimensions = array<i32: 0>} : vector<25x1250xi32>
    %iota3A_12 = tpu.iota {dimensions = array<i32: 1>} : vector<25x1250xi32>
    %get3A_13 = arith.constant 0 : index
    %get3A_14 = arith.constant 0 : index
    %get3A_15 = vector.load %arg1[%get3A_13, %get3A_14] : memref<5000x200xf32, #tpu.memory_space<vmem>>, vector<200x200xf32>
    %convert_element_type3A_16 = arith.truncf %get3A_15 : vector<200x200xf32> to vector<200x200xbf16>
    %get3A_17 = arith.constant 200 : index
    %get3A_18 = arith.constant 0 : index
    %get3A_19 = vector.load %arg1[%get3A_17, %get3A_18] : memref<5000x200xf32, #tpu.memory_space<vmem>>, vector<200x200xf32>
    %convert_element_type3A_20 = arith.truncf %get3A_19 : vector<200x200xf32> to vector<200x200xbf16>
    %get3A_21 = arith.constant 400 : index
    %get3A_22 = arith.constant 0 : index
    %get3A_23 = vector.load %arg1[%get3A_21, %get3A_22] : memref<5000x200xf32, #tpu.memory_space<vmem>>, vector<200x200xf32>
    %convert_element_type3A_24 = arith.truncf %get3A_23 : vector<200x200xf32> to vector<200x200xbf16>
    %get3A_25 = arith.constant 600 : index
    %get3A_26 = arith.constant 0 : index
    %get3A_27 = vector.load %arg1[%get3A_25, %get3A_26] : memref<5000x200xf32, #tpu.memory_space<vmem>>, vector<200x200xf32>
    %convert_element_type3A_28 = arith.truncf %get3A_27 : vector<200x200xf32> to vector<200x200xbf16>
    %get3A_29 = arith.constant 800 : index
    %get3A_30 = arith.constant 0 : index
    %get3A_31 = vector.load %arg1[%get3A_29, %get3A_30] : memref<5000x200xf32, #tpu.memory_space<vmem>>, vector<200x200xf32>
    %convert_element_type3A_32 = arith.truncf %get3A_31 : vector<200x200xf32> to vector<200x200xbf16>
    %get3A_33 = arith.constant 1000 : index
    %get3A_34 = arith.constant 0 : index
    %get3A_35 = vector.load %arg1[%get3A_33, %get3A_34] : memref<5000x200xf32, #tpu.memory_space<vmem>>, vector<200x200xf32>
    %convert_element_type3A_36 = arith.truncf %get3A_35 : vector<200x200xf32> to vector<200x200xbf16>
    %get3A_37 = arith.constant 1200 : index
    %get3A_38 = arith.constant 0 : index
    %get3A_39 = vector.load %arg1[%get3A_37, %get3A_38] : memref<5000x200xf32, #tpu.memory_space<vmem>>, vector<200x200xf32>
    %convert_element_type3A_40 = arith.truncf %get3A_39 : vector<200x200xf32> to vector<200x200xbf16>
    %get3A_41 = arith.constant 1400 : index
    %get3A_42 = arith.constant 0 : index
    %get3A_43 = vector.load %arg1[%get3A_41, %get3A_42] : memref<5000x200xf32, #tpu.memory_space<vmem>>, vector<200x200xf32>
    %convert_element_type3A_44 = arith.truncf %get3A_43 : vector<200x200xf32> to vector<200x200xbf16>
    %get3A_45 = arith.constant 1600 : index
    %get3A_46 = arith.constant 0 : index
    %get3A_47 = vector.load %arg1[%get3A_45, %get3A_46] : memref<5000x200xf32, #tpu.memory_space<vmem>>, vector<200x200xf32>
    %convert_element_type3A_48 = arith.truncf %get3A_47 : vector<200x200xf32> to vector<200x200xbf16>
    %get3A_49 = arith.constant 1800 : index
    %get3A_50 = arith.constant 0 : index
    %get3A_51 = vector.load %arg1[%get3A_49, %get3A_50] : memref<5000x200xf32, #tpu.memory_space<vmem>>, vector<200x200xf32>
    %convert_element_type3A_52 = arith.truncf %get3A_51 : vector<200x200xf32> to vector<200x200xbf16>
    %get3A_53 = arith.constant 2000 : index
    %get3A_54 = arith.constant 0 : index
    %get3A_55 = vector.load %arg1[%get3A_53, %get3A_54] : memref<5000x200xf32, #tpu.memory_space<vmem>>, vector<200x200xf32>
    %convert_element_type3A_56 = arith.truncf %get3A_55 : vector<200x200xf32> to vector<200x200xbf16>
    %get3A_57 = arith.constant 2200 : index
    %get3A_58 = arith.constant 0 : index
    %get3A_59 = vector.load %arg1[%get3A_57, %get3A_58] : memref<5000x200xf32, #tpu.memory_space<vmem>>, vector<200x200xf32>
    %convert_element_type3A_60 = arith.truncf %get3A_59 : vector<200x200xf32> to vector<200x200xbf16>
    %get3A_61 = arith.constant 2400 : index
    %get3A_62 = arith.constant 0 : index
    %get3A_63 = vector.load %arg1[%get3A_61, %get3A_62] : memref<5000x200xf32, #tpu.memory_space<vmem>>, vector<200x200xf32>
    %convert_element_type3A_64 = arith.truncf %get3A_63 : vector<200x200xf32> to vector<200x200xbf16>
    %get3A_65 = arith.constant 2600 : index
    %get3A_66 = arith.constant 0 : index
    %get3A_67 = vector.load %arg1[%get3A_65, %get3A_66] : memref<5000x200xf32, #tpu.memory_space<vmem>>, vector<200x200xf32>
    %convert_element_type3A_68 = arith.truncf %get3A_67 : vector<200x200xf32> to vector<200x200xbf16>
    %get3A_69 = arith.constant 2800 : index
    %get3A_70 = arith.constant 0 : index
    %get3A_71 = vector.load %arg1[%get3A_69, %get3A_70] : memref<5000x200xf32, #tpu.memory_space<vmem>>, vector<200x200xf32>
    %convert_element_type3A_72 = arith.truncf %get3A_71 : vector<200x200xf32> to vector<200x200xbf16>
    %get3A_73 = arith.constant 3000 : index
    %get3A_74 = arith.constant 0 : index
    %get3A_75 = vector.load %arg1[%get3A_73, %get3A_74] : memref<5000x200xf32, #tpu.memory_space<vmem>>, vector<200x200xf32>
    %convert_element_type3A_76 = arith.truncf %get3A_75 : vector<200x200xf32> to vector<200x200xbf16>
    %get3A_77 = arith.constant 3200 : index
    %get3A_78 = arith.constant 0 : index
    %get3A_79 = vector.load %arg1[%get3A_77, %get3A_78] : memref<5000x200xf32, #tpu.memory_space<vmem>>, vector<200x200xf32>
    %convert_element_type3A_80 = arith.truncf %get3A_79 : vector<200x200xf32> to vector<200x200xbf16>
    %get3A_81 = arith.constant 3400 : index
    %get3A_82 = arith.constant 0 : index
    %get3A_83 = vector.load %arg1[%get3A_81, %get3A_82] : memref<5000x200xf32, #tpu.memory_space<vmem>>, vector<200x200xf32>
    %convert_element_type3A_84 = arith.truncf %get3A_83 : vector<200x200xf32> to vector<200x200xbf16>
    %get3A_85 = arith.constant 3600 : index
    %get3A_86 = arith.constant 0 : index
    %get3A_87 = vector.load %arg1[%get3A_85, %get3A_86] : memref<5000x200xf32, #tpu.memory_space<vmem>>, vector<200x200xf32>
    %convert_element_type3A_88 = arith.truncf %get3A_87 : vector<200x200xf32> to vector<200x200xbf16>
    %get3A_89 = arith.constant 3800 : index
    %get3A_90 = arith.constant 0 : index
    %get3A_91 = vector.load %arg1[%get3A_89, %get3A_90] : memref<5000x200xf32, #tpu.memory_space<vmem>>, vector<200x200xf32>
    %convert_element_type3A_92 = arith.truncf %get3A_91 : vector<200x200xf32> to vector<200x200xbf16>
    %get3A_93 = arith.constant 4000 : index
    %get3A_94 = arith.constant 0 : index
    %get3A_95 = vector.load %arg1[%get3A_93, %get3A_94] : memref<5000x200xf32, #tpu.memory_space<vmem>>, vector<200x200xf32>
    %convert_element_type3A_96 = arith.truncf %get3A_95 : vector<200x200xf32> to vector<200x200xbf16>
    %get3A_97 = arith.constant 4200 : index
    %get3A_98 = arith.constant 0 : index
    %get3A_99 = vector.load %arg1[%get3A_97, %get3A_98] : memref<5000x200xf32, #tpu.memory_space<vmem>>, vector<200x200xf32>
    %convert_element_type3A_100 = arith.truncf %get3A_99 : vector<200x200xf32> to vector<200x200xbf16>
    %get3A_101 = arith.constant 4400 : index
    %get3A_102 = arith.constant 0 : index
    %get3A_103 = vector.load %arg1[%get3A_101, %get3A_102] : memref<5000x200xf32, #tpu.memory_space<vmem>>, vector<200x200xf32>
    %convert_element_type3A_104 = arith.truncf %get3A_103 : vector<200x200xf32> to vector<200x200xbf16>
    %get3A_105 = arith.constant 4600 : index
    %get3A_106 = arith.constant 0 : index
    %get3A_107 = vector.load %arg1[%get3A_105, %get3A_106] : memref<5000x200xf32, #tpu.memory_space<vmem>>, vector<200x200xf32>
    %convert_element_type3A_108 = arith.truncf %get3A_107 : vector<200x200xf32> to vector<200x200xbf16>
    %get3A_109 = arith.constant 4800 : index
    %get3A_110 = arith.constant 0 : index
    %get3A_111 = vector.load %arg1[%get3A_109, %get3A_110] : memref<5000x200xf32, #tpu.memory_space<vmem>>, vector<200x200xf32>
    %convert_element_type3A_112 = arith.truncf %get3A_111 : vector<200x200xf32> to vector<200x200xbf16>
    %slice3A = vector.extract_strided_slice %convert_element_type3A_11 {offsets = [0, 0], sizes = [200, 26], strides = [1, 1]} : vector<5000x26xbf16> to vector<200x26xbf16>
    %dot_general3A_113 = arith.constant dense<0.000000e+00> : vector<200x26xf32>
    %dot_general3A_114 = tpu.matmul %convert_element_type3A_16, %slice3A, %dot_general3A_113 {dimension_numbers = #tpu.dot_dimension_numbers<[0], [0], [1], [1], [0, 1, 1, 1], [], []>, transpose_lhs_hint = false} : vector<200x200xbf16>, vector<200x26xbf16>, vector<200x26xf32> -> vector<200x26xf32>
    %slice3A_115 = vector.extract_strided_slice %convert_element_type3A_11 {offsets = [200, 0], sizes = [200, 26], strides = [1, 1]} : vector<5000x26xbf16> to vector<200x26xbf16>
    %dot_general3A_116 = arith.constant dense<0.000000e+00> : vector<200x26xf32>
    %dot_general3A_117 = tpu.matmul %convert_element_type3A_20, %slice3A_115, %dot_general3A_116 {dimension_numbers = #tpu.dot_dimension_numbers<[0], [0], [1], [1], [0, 1, 1, 1], [], []>, transpose_lhs_hint = false} : vector<200x200xbf16>, vector<200x26xbf16>, vector<200x26xf32> -> vector<200x26xf32>
    %slice3A_118 = vector.extract_strided_slice %convert_element_type3A_11 {offsets = [400, 0], sizes = [200, 26], strides = [1, 1]} : vector<5000x26xbf16> to vector<200x26xbf16>
    %dot_general3A_119 = arith.constant dense<0.000000e+00> : vector<200x26xf32>
    %dot_general3A_120 = tpu.matmul %convert_element_type3A_24, %slice3A_118, %dot_general3A_119 {dimension_numbers = #tpu.dot_dimension_numbers<[0], [0], [1], [1], [0, 1, 1, 1], [], []>, transpose_lhs_hint = false} : vector<200x200xbf16>, vector<200x26xbf16>, vector<200x26xf32> -> vector<200x26xf32>
    %slice3A_121 = vector.extract_strided_slice %convert_element_type3A_11 {offsets = [600, 0], sizes = [200, 26], strides = [1, 1]} : vector<5000x26xbf16> to vector<200x26xbf16>
    %dot_general3A_122 = arith.constant dense<0.000000e+00> : vector<200x26xf32>
    %dot_general3A_123 = tpu.matmul %convert_element_type3A_28, %slice3A_121, %dot_general3A_122 {dimension_numbers = #tpu.dot_dimension_numbers<[0], [0], [1], [1], [0, 1, 1, 1], [], []>, transpose_lhs_hint = false} : vector<200x200xbf16>, vector<200x26xbf16>, vector<200x26xf32> -> vector<200x26xf32>
    %slice3A_124 = vector.extract_strided_slice %convert_element_type3A_11 {offsets = [800, 0], sizes = [200, 26], strides = [1, 1]} : vector<5000x26xbf16> to vector<200x26xbf16>
    %dot_general3A_125 = arith.constant dense<0.000000e+00> : vector<200x26xf32>
    %dot_general3A_126 = tpu.matmul %convert_element_type3A_32, %slice3A_124, %dot_general3A_125 {dimension_numbers = #tpu.dot_dimension_numbers<[0], [0], [1], [1], [0, 1, 1, 1], [], []>, transpose_lhs_hint = false} : vector<200x200xbf16>, vector<200x26xbf16>, vector<200x26xf32> -> vector<200x26xf32>
    %slice3A_127 = vector.extract_strided_slice %convert_element_type3A_11 {offsets = [1000, 0], sizes = [200, 26], strides = [1, 1]} : vector<5000x26xbf16> to vector<200x26xbf16>
    %dot_general3A_128 = arith.constant dense<0.000000e+00> : vector<200x26xf32>
    %dot_general3A_129 = tpu.matmul %convert_element_type3A_36, %slice3A_127, %dot_general3A_128 {dimension_numbers = #tpu.dot_dimension_numbers<[0], [0], [1], [1], [0, 1, 1, 1], [], []>, transpose_lhs_hint = false} : vector<200x200xbf16>, vector<200x26xbf16>, vector<200x26xf32> -> vector<200x26xf32>
    %slice3A_130 = vector.extract_strided_slice %convert_element_type3A_11 {offsets = [1200, 0], sizes = [200, 26], strides = [1, 1]} : vector<5000x26xbf16> to vector<200x26xbf16>
    %dot_general3A_131 = arith.constant dense<0.000000e+00> : vector<200x26xf32>
    %dot_general3A_132 = tpu.matmul %convert_element_type3A_40, %slice3A_130, %dot_general3A_131 {dimension_numbers = #tpu.dot_dimension_numbers<[0], [0], [1], [1], [0, 1, 1, 1], [], []>, transpose_lhs_hint = false} : vector<200x200xbf16>, vector<200x26xbf16>, vector<200x26xf32> -> vector<200x26xf32>
    %slice3A_133 = vector.extract_strided_slice %convert_element_type3A_11 {offsets = [1400, 0], sizes = [200, 26], strides = [1, 1]} : vector<5000x26xbf16> to vector<200x26xbf16>
    %dot_general3A_134 = arith.constant dense<0.000000e+00> : vector<200x26xf32>
    %dot_general3A_135 = tpu.matmul %convert_element_type3A_44, %slice3A_133, %dot_general3A_134 {dimension_numbers = #tpu.dot_dimension_numbers<[0], [0], [1], [1], [0, 1, 1, 1], [], []>, transpose_lhs_hint = false} : vector<200x200xbf16>, vector<200x26xbf16>, vector<200x26xf32> -> vector<200x26xf32>
    %slice3A_136 = vector.extract_strided_slice %convert_element_type3A_11 {offsets = [1600, 0], sizes = [200, 26], strides = [1, 1]} : vector<5000x26xbf16> to vector<200x26xbf16>
    %dot_general3A_137 = arith.constant dense<0.000000e+00> : vector<200x26xf32>
    %dot_general3A_138 = tpu.matmul %convert_element_type3A_48, %slice3A_136, %dot_general3A_137 {dimension_numbers = #tpu.dot_dimension_numbers<[0], [0], [1], [1], [0, 1, 1, 1], [], []>, transpose_lhs_hint = false} : vector<200x200xbf16>, vector<200x26xbf16>, vector<200x26xf32> -> vector<200x26xf32>
    %slice3A_139 = vector.extract_strided_slice %convert_element_type3A_11 {offsets = [1800, 0], sizes = [200, 26], strides = [1, 1]} : vector<5000x26xbf16> to vector<200x26xbf16>
    %dot_general3A_140 = arith.constant dense<0.000000e+00> : vector<200x26xf32>
    %dot_general3A_141 = tpu.matmul %convert_element_type3A_52, %slice3A_139, %dot_general3A_140 {dimension_numbers = #tpu.dot_dimension_numbers<[0], [0], [1], [1], [0, 1, 1, 1], [], []>, transpose_lhs_hint = false} : vector<200x200xbf16>, vector<200x26xbf16>, vector<200x26xf32> -> vector<200x26xf32>
    %slice3A_142 = vector.extract_strided_slice %convert_element_type3A_11 {offsets = [2000, 0], sizes = [200, 26], strides = [1, 1]} : vector<5000x26xbf16> to vector<200x26xbf16>
    %dot_general3A_143 = arith.constant dense<0.000000e+00> : vector<200x26xf32>
    %dot_general3A_144 = tpu.matmul %convert_element_type3A_56, %slice3A_142, %dot_general3A_143 {dimension_numbers = #tpu.dot_dimension_numbers<[0], [0], [1], [1], [0, 1, 1, 1], [], []>, transpose_lhs_hint = false} : vector<200x200xbf16>, vector<200x26xbf16>, vector<200x26xf32> -> vector<200x26xf32>
    %slice3A_145 = vector.extract_strided_slice %convert_element_type3A_11 {offsets = [2200, 0], sizes = [200, 26], strides = [1, 1]} : vector<5000x26xbf16> to vector<200x26xbf16>
    %dot_general3A_146 = arith.constant dense<0.000000e+00> : vector<200x26xf32>
    %dot_general3A_147 = tpu.matmul %convert_element_type3A_60, %slice3A_145, %dot_general3A_146 {dimension_numbers = #tpu.dot_dimension_numbers<[0], [0], [1], [1], [0, 1, 1, 1], [], []>, transpose_lhs_hint = false} : vector<200x200xbf16>, vector<200x26xbf16>, vector<200x26xf32> -> vector<200x26xf32>
    %slice3A_148 = vector.extract_strided_slice %convert_element_type3A_11 {offsets = [2400, 0], sizes = [200, 26], strides = [1, 1]} : vector<5000x26xbf16> to vector<200x26xbf16>
    %dot_general3A_149 = arith.constant dense<0.000000e+00> : vector<200x26xf32>
    %dot_general3A_150 = tpu.matmul %convert_element_type3A_64, %slice3A_148, %dot_general3A_149 {dimension_numbers = #tpu.dot_dimension_numbers<[0], [0], [1], [1], [0, 1, 1, 1], [], []>, transpose_lhs_hint = false} : vector<200x200xbf16>, vector<200x26xbf16>, vector<200x26xf32> -> vector<200x26xf32>
    %slice3A_151 = vector.extract_strided_slice %convert_element_type3A_11 {offsets = [2600, 0], sizes = [200, 26], strides = [1, 1]} : vector<5000x26xbf16> to vector<200x26xbf16>
    %dot_general3A_152 = arith.constant dense<0.000000e+00> : vector<200x26xf32>
    %dot_general3A_153 = tpu.matmul %convert_element_type3A_68, %slice3A_151, %dot_general3A_152 {dimension_numbers = #tpu.dot_dimension_numbers<[0], [0], [1], [1], [0, 1, 1, 1], [], []>, transpose_lhs_hint = false} : vector<200x200xbf16>, vector<200x26xbf16>, vector<200x26xf32> -> vector<200x26xf32>
    %slice3A_154 = vector.extract_strided_slice %convert_element_type3A_11 {offsets = [2800, 0], sizes = [200, 26], strides = [1, 1]} : vector<5000x26xbf16> to vector<200x26xbf16>
    %dot_general3A_155 = arith.constant dense<0.000000e+00> : vector<200x26xf32>
    %dot_general3A_156 = tpu.matmul %convert_element_type3A_72, %slice3A_154, %dot_general3A_155 {dimension_numbers = #tpu.dot_dimension_numbers<[0], [0], [1], [1], [0, 1, 1, 1], [], []>, transpose_lhs_hint = false} : vector<200x200xbf16>, vector<200x26xbf16>, vector<200x26xf32> -> vector<200x26xf32>
    %slice3A_157 = vector.extract_strided_slice %convert_element_type3A_11 {offsets = [3000, 0], sizes = [200, 26], strides = [1, 1]} : vector<5000x26xbf16> to vector<200x26xbf16>
    %dot_general3A_158 = arith.constant dense<0.000000e+00> : vector<200x26xf32>
    %dot_general3A_159 = tpu.matmul %convert_element_type3A_76, %slice3A_157, %dot_general3A_158 {dimension_numbers = #tpu.dot_dimension_numbers<[0], [0], [1], [1], [0, 1, 1, 1], [], []>, transpose_lhs_hint = false} : vector<200x200xbf16>, vector<200x26xbf16>, vector<200x26xf32> -> vector<200x26xf32>
    %slice3A_160 = vector.extract_strided_slice %convert_element_type3A_11 {offsets = [3200, 0], sizes = [200, 26], strides = [1, 1]} : vector<5000x26xbf16> to vector<200x26xbf16>
    %dot_general3A_161 = arith.constant dense<0.000000e+00> : vector<200x26xf32>
    %dot_general3A_162 = tpu.matmul %convert_element_type3A_80, %slice3A_160, %dot_general3A_161 {dimension_numbers = #tpu.dot_dimension_numbers<[0], [0], [1], [1], [0, 1, 1, 1], [], []>, transpose_lhs_hint = false} : vector<200x200xbf16>, vector<200x26xbf16>, vector<200x26xf32> -> vector<200x26xf32>
    %slice3A_163 = vector.extract_strided_slice %convert_element_type3A_11 {offsets = [3400, 0], sizes = [200, 26], strides = [1, 1]} : vector<5000x26xbf16> to vector<200x26xbf16>
    %dot_general3A_164 = arith.constant dense<0.000000e+00> : vector<200x26xf32>
    %dot_general3A_165 = tpu.matmul %convert_element_type3A_84, %slice3A_163, %dot_general3A_164 {dimension_numbers = #tpu.dot_dimension_numbers<[0], [0], [1], [1], [0, 1, 1, 1], [], []>, transpose_lhs_hint = false} : vector<200x200xbf16>, vector<200x26xbf16>, vector<200x26xf32> -> vector<200x26xf32>
    %slice3A_166 = vector.extract_strided_slice %convert_element_type3A_11 {offsets = [3600, 0], sizes = [200, 26], strides = [1, 1]} : vector<5000x26xbf16> to vector<200x26xbf16>
    %dot_general3A_167 = arith.constant dense<0.000000e+00> : vector<200x26xf32>
    %dot_general3A_168 = tpu.matmul %convert_element_type3A_88, %slice3A_166, %dot_general3A_167 {dimension_numbers = #tpu.dot_dimension_numbers<[0], [0], [1], [1], [0, 1, 1, 1], [], []>, transpose_lhs_hint = false} : vector<200x200xbf16>, vector<200x26xbf16>, vector<200x26xf32> -> vector<200x26xf32>
    %slice3A_169 = vector.extract_strided_slice %convert_element_type3A_11 {offsets = [3800, 0], sizes = [200, 26], strides = [1, 1]} : vector<5000x26xbf16> to vector<200x26xbf16>
    %dot_general3A_170 = arith.constant dense<0.000000e+00> : vector<200x26xf32>
    %dot_general3A_171 = tpu.matmul %convert_element_type3A_92, %slice3A_169, %dot_general3A_170 {dimension_numbers = #tpu.dot_dimension_numbers<[0], [0], [1], [1], [0, 1, 1, 1], [], []>, transpose_lhs_hint = false} : vector<200x200xbf16>, vector<200x26xbf16>, vector<200x26xf32> -> vector<200x26xf32>
    %slice3A_172 = vector.extract_strided_slice %convert_element_type3A_11 {offsets = [4000, 0], sizes = [200, 26], strides = [1, 1]} : vector<5000x26xbf16> to vector<200x26xbf16>
    %dot_general3A_173 = arith.constant dense<0.000000e+00> : vector<200x26xf32>
    %dot_general3A_174 = tpu.matmul %convert_element_type3A_96, %slice3A_172, %dot_general3A_173 {dimension_numbers = #tpu.dot_dimension_numbers<[0], [0], [1], [1], [0, 1, 1, 1], [], []>, transpose_lhs_hint = false} : vector<200x200xbf16>, vector<200x26xbf16>, vector<200x26xf32> -> vector<200x26xf32>
    %slice3A_175 = vector.extract_strided_slice %convert_element_type3A_11 {offsets = [4200, 0], sizes = [200, 26], strides = [1, 1]} : vector<5000x26xbf16> to vector<200x26xbf16>
    %dot_general3A_176 = arith.constant dense<0.000000e+00> : vector<200x26xf32>
    %dot_general3A_177 = tpu.matmul %convert_element_type3A_100, %slice3A_175, %dot_general3A_176 {dimension_numbers = #tpu.dot_dimension_numbers<[0], [0], [1], [1], [0, 1, 1, 1], [], []>, transpose_lhs_hint = false} : vector<200x200xbf16>, vector<200x26xbf16>, vector<200x26xf32> -> vector<200x26xf32>
    %slice3A_178 = vector.extract_strided_slice %convert_element_type3A_11 {offsets = [4400, 0], sizes = [200, 26], strides = [1, 1]} : vector<5000x26xbf16> to vector<200x26xbf16>
    %dot_general3A_179 = arith.constant dense<0.000000e+00> : vector<200x26xf32>
    %dot_general3A_180 = tpu.matmul %convert_element_type3A_104, %slice3A_178, %dot_general3A_179 {dimension_numbers = #tpu.dot_dimension_numbers<[0], [0], [1], [1], [0, 1, 1, 1], [], []>, transpose_lhs_hint = false} : vector<200x200xbf16>, vector<200x26xbf16>, vector<200x26xf32> -> vector<200x26xf32>
    %slice3A_181 = vector.extract_strided_slice %convert_element_type3A_11 {offsets = [4600, 0], sizes = [200, 26], strides = [1, 1]} : vector<5000x26xbf16> to vector<200x26xbf16>
    %dot_general3A_182 = arith.constant dense<0.000000e+00> : vector<200x26xf32>
    %dot_general3A_183 = tpu.matmul %convert_element_type3A_108, %slice3A_181, %dot_general3A_182 {dimension_numbers = #tpu.dot_dimension_numbers<[0], [0], [1], [1], [0, 1, 1, 1], [], []>, transpose_lhs_hint = false} : vector<200x200xbf16>, vector<200x26xbf16>, vector<200x26xf32> -> vector<200x26xf32>
    %slice3A_184 = vector.extract_strided_slice %convert_element_type3A_11 {offsets = [4800, 0], sizes = [200, 26], strides = [1, 1]} : vector<5000x26xbf16> to vector<200x26xbf16>
    %dot_general3A_185 = arith.constant dense<0.000000e+00> : vector<200x26xf32>
    %dot_general3A_186 = tpu.matmul %convert_element_type3A_112, %slice3A_184, %dot_general3A_185 {dimension_numbers = #tpu.dot_dimension_numbers<[0], [0], [1], [1], [0, 1, 1, 1], [], []>, transpose_lhs_hint = false} : vector<200x200xbf16>, vector<200x26xbf16>, vector<200x26xf32> -> vector<200x26xf32>
    %slice3A_187 = vector.extract_strided_slice %dot_general3A_114 {offsets = [0, 0], sizes = [200, 25], strides = [1, 1]} : vector<200x26xf32> to vector<200x25xf32>
    %slice3A_188 = vector.extract_strided_slice %dot_general3A_114 {offsets = [0, 25], sizes = [200, 1], strides = [1, 1]} : vector<200x26xf32> to vector<200x1xf32>
    %max3A = arith.constant 1.000000e+00 : f32
    %max3A_189 = vector.broadcast %max3A : f32 to vector<200x1xf32>
    %max3A_190 = arith.maximumf %slice3A_188, %max3A_189 : vector<200x1xf32>
    %div3A = vector.broadcast %max3A_190 : vector<200x1xf32> to vector<200x25xf32>
    %div3A_191 = arith.divf %slice3A_187, %div3A : vector<200x25xf32>
    %add3A = vector.broadcast %get3A_1 : vector<1x25xf32> to vector<200x25xf32>
    %add3A_192 = arith.addf %div3A_191, %add3A : vector<200x25xf32>
    %reduce_max3A = arith.constant dense<0xFF800000> : vector<200xf32>
    %reduce_max3A_193 = vector.multi_reduction <maximumf>, %add3A_192, %reduce_max3A [1] : vector<200x25xf32> to vector<200xf32>
    %broadcast_in_dim3A_194 = vector.shape_cast %reduce_max3A_193 : vector<200xf32> to vector<200x1xf32>
    %sub3A = vector.broadcast %broadcast_in_dim3A_194 : vector<200x1xf32> to vector<200x25xf32>
    %sub3A_195 = arith.subf %add3A_192, %sub3A : vector<200x25xf32>
    %exp3A = math.exp %sub3A_195 : vector<200x25xf32>
    %reduce_sum3A = arith.constant dense<0.000000e+00> : vector<200xf32>
    %reduce_sum3A_196 = vector.multi_reduction <add>, %exp3A, %reduce_sum3A [1] : vector<200x25xf32> to vector<200xf32>
    %broadcast_in_dim3A_197 = vector.shape_cast %reduce_sum3A_196 : vector<200xf32> to vector<200x1xf32>
    %div3A_198 = vector.broadcast %broadcast_in_dim3A_197 : vector<200x1xf32> to vector<200x25xf32>
    %div3A_199 = arith.divf %exp3A, %div3A_198 : vector<200x25xf32>
    %convert_element_type3A_200 = arith.truncf %div3A_199 : vector<200x25xf32> to vector<200x25xbf16>
    %slice3A_201 = vector.extract_strided_slice %dot_general3A_117 {offsets = [0, 0], sizes = [200, 25], strides = [1, 1]} : vector<200x26xf32> to vector<200x25xf32>
    %slice3A_202 = vector.extract_strided_slice %dot_general3A_117 {offsets = [0, 25], sizes = [200, 1], strides = [1, 1]} : vector<200x26xf32> to vector<200x1xf32>
    %max3A_203 = arith.constant 1.000000e+00 : f32
    %max3A_204 = vector.broadcast %max3A_203 : f32 to vector<200x1xf32>
    %max3A_205 = arith.maximumf %slice3A_202, %max3A_204 : vector<200x1xf32>
    %div3A_206 = vector.broadcast %max3A_205 : vector<200x1xf32> to vector<200x25xf32>
    %div3A_207 = arith.divf %slice3A_201, %div3A_206 : vector<200x25xf32>
    %add3A_208 = vector.broadcast %get3A_1 : vector<1x25xf32> to vector<200x25xf32>
    %add3A_209 = arith.addf %div3A_207, %add3A_208 : vector<200x25xf32>
    %reduce_max3A_210 = arith.constant dense<0xFF800000> : vector<200xf32>
    %reduce_max3A_211 = vector.multi_reduction <maximumf>, %add3A_209, %reduce_max3A_210 [1] : vector<200x25xf32> to vector<200xf32>
    %broadcast_in_dim3A_212 = vector.shape_cast %reduce_max3A_211 : vector<200xf32> to vector<200x1xf32>
    %sub3A_213 = vector.broadcast %broadcast_in_dim3A_212 : vector<200x1xf32> to vector<200x25xf32>
    %sub3A_214 = arith.subf %add3A_209, %sub3A_213 : vector<200x25xf32>
    %exp3A_215 = math.exp %sub3A_214 : vector<200x25xf32>
    %reduce_sum3A_216 = arith.constant dense<0.000000e+00> : vector<200xf32>
    %reduce_sum3A_217 = vector.multi_reduction <add>, %exp3A_215, %reduce_sum3A_216 [1] : vector<200x25xf32> to vector<200xf32>
    %broadcast_in_dim3A_218 = vector.shape_cast %reduce_sum3A_217 : vector<200xf32> to vector<200x1xf32>
    %div3A_219 = vector.broadcast %broadcast_in_dim3A_218 : vector<200x1xf32> to vector<200x25xf32>
    %div3A_220 = arith.divf %exp3A_215, %div3A_219 : vector<200x25xf32>
    %convert_element_type3A_221 = arith.truncf %div3A_220 : vector<200x25xf32> to vector<200x25xbf16>
    %slice3A_222 = vector.extract_strided_slice %dot_general3A_120 {offsets = [0, 0], sizes = [200, 25], strides = [1, 1]} : vector<200x26xf32> to vector<200x25xf32>
    %slice3A_223 = vector.extract_strided_slice %dot_general3A_120 {offsets = [0, 25], sizes = [200, 1], strides = [1, 1]} : vector<200x26xf32> to vector<200x1xf32>
    %max3A_224 = arith.constant 1.000000e+00 : f32
    %max3A_225 = vector.broadcast %max3A_224 : f32 to vector<200x1xf32>
    %max3A_226 = arith.maximumf %slice3A_223, %max3A_225 : vector<200x1xf32>
    %div3A_227 = vector.broadcast %max3A_226 : vector<200x1xf32> to vector<200x25xf32>
    %div3A_228 = arith.divf %slice3A_222, %div3A_227 : vector<200x25xf32>
    %add3A_229 = vector.broadcast %get3A_1 : vector<1x25xf32> to vector<200x25xf32>
    %add3A_230 = arith.addf %div3A_228, %add3A_229 : vector<200x25xf32>
    %reduce_max3A_231 = arith.constant dense<0xFF800000> : vector<200xf32>
    %reduce_max3A_232 = vector.multi_reduction <maximumf>, %add3A_230, %reduce_max3A_231 [1] : vector<200x25xf32> to vector<200xf32>
    %broadcast_in_dim3A_233 = vector.shape_cast %reduce_max3A_232 : vector<200xf32> to vector<200x1xf32>
    %sub3A_234 = vector.broadcast %broadcast_in_dim3A_233 : vector<200x1xf32> to vector<200x25xf32>
    %sub3A_235 = arith.subf %add3A_230, %sub3A_234 : vector<200x25xf32>
    %exp3A_236 = math.exp %sub3A_235 : vector<200x25xf32>
    %reduce_sum3A_237 = arith.constant dense<0.000000e+00> : vector<200xf32>
    %reduce_sum3A_238 = vector.multi_reduction <add>, %exp3A_236, %reduce_sum3A_237 [1] : vector<200x25xf32> to vector<200xf32>
    %broadcast_in_dim3A_239 = vector.shape_cast %reduce_sum3A_238 : vector<200xf32> to vector<200x1xf32>
    %div3A_240 = vector.broadcast %broadcast_in_dim3A_239 : vector<200x1xf32> to vector<200x25xf32>
    %div3A_241 = arith.divf %exp3A_236, %div3A_240 : vector<200x25xf32>
    %convert_element_type3A_242 = arith.truncf %div3A_241 : vector<200x25xf32> to vector<200x25xbf16>
    %slice3A_243 = vector.extract_strided_slice %dot_general3A_123 {offsets = [0, 0], sizes = [200, 25], strides = [1, 1]} : vector<200x26xf32> to vector<200x25xf32>
    %slice3A_244 = vector.extract_strided_slice %dot_general3A_123 {offsets = [0, 25], sizes = [200, 1], strides = [1, 1]} : vector<200x26xf32> to vector<200x1xf32>
    %max3A_245 = arith.constant 1.000000e+00 : f32
    %max3A_246 = vector.broadcast %max3A_245 : f32 to vector<200x1xf32>
    %max3A_247 = arith.maximumf %slice3A_244, %max3A_246 : vector<200x1xf32>
    %div3A_248 = vector.broadcast %max3A_247 : vector<200x1xf32> to vector<200x25xf32>
    %div3A_249 = arith.divf %slice3A_243, %div3A_248 : vector<200x25xf32>
    %add3A_250 = vector.broadcast %get3A_1 : vector<1x25xf32> to vector<200x25xf32>
    %add3A_251 = arith.addf %div3A_249, %add3A_250 : vector<200x25xf32>
    %reduce_max3A_252 = arith.constant dense<0xFF800000> : vector<200xf32>
    %reduce_max3A_253 = vector.multi_reduction <maximumf>, %add3A_251, %reduce_max3A_252 [1] : vector<200x25xf32> to vector<200xf32>
    %broadcast_in_dim3A_254 = vector.shape_cast %reduce_max3A_253 : vector<200xf32> to vector<200x1xf32>
    %sub3A_255 = vector.broadcast %broadcast_in_dim3A_254 : vector<200x1xf32> to vector<200x25xf32>
    %sub3A_256 = arith.subf %add3A_251, %sub3A_255 : vector<200x25xf32>
    %exp3A_257 = math.exp %sub3A_256 : vector<200x25xf32>
    %reduce_sum3A_258 = arith.constant dense<0.000000e+00> : vector<200xf32>
    %reduce_sum3A_259 = vector.multi_reduction <add>, %exp3A_257, %reduce_sum3A_258 [1] : vector<200x25xf32> to vector<200xf32>
    %broadcast_in_dim3A_260 = vector.shape_cast %reduce_sum3A_259 : vector<200xf32> to vector<200x1xf32>
    %div3A_261 = vector.broadcast %broadcast_in_dim3A_260 : vector<200x1xf32> to vector<200x25xf32>
    %div3A_262 = arith.divf %exp3A_257, %div3A_261 : vector<200x25xf32>
    %convert_element_type3A_263 = arith.truncf %div3A_262 : vector<200x25xf32> to vector<200x25xbf16>
    %slice3A_264 = vector.extract_strided_slice %dot_general3A_126 {offsets = [0, 0], sizes = [200, 25], strides = [1, 1]} : vector<200x26xf32> to vector<200x25xf32>
    %slice3A_265 = vector.extract_strided_slice %dot_general3A_126 {offsets = [0, 25], sizes = [200, 1], strides = [1, 1]} : vector<200x26xf32> to vector<200x1xf32>
    %max3A_266 = arith.constant 1.000000e+00 : f32
    %max3A_267 = vector.broadcast %max3A_266 : f32 to vector<200x1xf32>
    %max3A_268 = arith.maximumf %slice3A_265, %max3A_267 : vector<200x1xf32>
    %div3A_269 = vector.broadcast %max3A_268 : vector<200x1xf32> to vector<200x25xf32>
    %div3A_270 = arith.divf %slice3A_264, %div3A_269 : vector<200x25xf32>
    %add3A_271 = vector.broadcast %get3A_1 : vector<1x25xf32> to vector<200x25xf32>
    %add3A_272 = arith.addf %div3A_270, %add3A_271 : vector<200x25xf32>
    %reduce_max3A_273 = arith.constant dense<0xFF800000> : vector<200xf32>
    %reduce_max3A_274 = vector.multi_reduction <maximumf>, %add3A_272, %reduce_max3A_273 [1] : vector<200x25xf32> to vector<200xf32>
    %broadcast_in_dim3A_275 = vector.shape_cast %reduce_max3A_274 : vector<200xf32> to vector<200x1xf32>
    %sub3A_276 = vector.broadcast %broadcast_in_dim3A_275 : vector<200x1xf32> to vector<200x25xf32>
    %sub3A_277 = arith.subf %add3A_272, %sub3A_276 : vector<200x25xf32>
    %exp3A_278 = math.exp %sub3A_277 : vector<200x25xf32>
    %reduce_sum3A_279 = arith.constant dense<0.000000e+00> : vector<200xf32>
    %reduce_sum3A_280 = vector.multi_reduction <add>, %exp3A_278, %reduce_sum3A_279 [1] : vector<200x25xf32> to vector<200xf32>
    %broadcast_in_dim3A_281 = vector.shape_cast %reduce_sum3A_280 : vector<200xf32> to vector<200x1xf32>
    %div3A_282 = vector.broadcast %broadcast_in_dim3A_281 : vector<200x1xf32> to vector<200x25xf32>
    %div3A_283 = arith.divf %exp3A_278, %div3A_282 : vector<200x25xf32>
    %convert_element_type3A_284 = arith.truncf %div3A_283 : vector<200x25xf32> to vector<200x25xbf16>
    %slice3A_285 = vector.extract_strided_slice %dot_general3A_129 {offsets = [0, 0], sizes = [200, 25], strides = [1, 1]} : vector<200x26xf32> to vector<200x25xf32>
    %slice3A_286 = vector.extract_strided_slice %dot_general3A_129 {offsets = [0, 25], sizes = [200, 1], strides = [1, 1]} : vector<200x26xf32> to vector<200x1xf32>
    %max3A_287 = arith.constant 1.000000e+00 : f32
    %max3A_288 = vector.broadcast %max3A_287 : f32 to vector<200x1xf32>
    %max3A_289 = arith.maximumf %slice3A_286, %max3A_288 : vector<200x1xf32>
    %div3A_290 = vector.broadcast %max3A_289 : vector<200x1xf32> to vector<200x25xf32>
    %div3A_291 = arith.divf %slice3A_285, %div3A_290 : vector<200x25xf32>
    %add3A_292 = vector.broadcast %get3A_1 : vector<1x25xf32> to vector<200x25xf32>
    %add3A_293 = arith.addf %div3A_291, %add3A_292 : vector<200x25xf32>
    %reduce_max3A_294 = arith.constant dense<0xFF800000> : vector<200xf32>
    %reduce_max3A_295 = vector.multi_reduction <maximumf>, %add3A_293, %reduce_max3A_294 [1] : vector<200x25xf32> to vector<200xf32>
    %broadcast_in_dim3A_296 = vector.shape_cast %reduce_max3A_295 : vector<200xf32> to vector<200x1xf32>
    %sub3A_297 = vector.broadcast %broadcast_in_dim3A_296 : vector<200x1xf32> to vector<200x25xf32>
    %sub3A_298 = arith.subf %add3A_293, %sub3A_297 : vector<200x25xf32>
    %exp3A_299 = math.exp %sub3A_298 : vector<200x25xf32>
    %reduce_sum3A_300 = arith.constant dense<0.000000e+00> : vector<200xf32>
    %reduce_sum3A_301 = vector.multi_reduction <add>, %exp3A_299, %reduce_sum3A_300 [1] : vector<200x25xf32> to vector<200xf32>
    %broadcast_in_dim3A_302 = vector.shape_cast %reduce_sum3A_301 : vector<200xf32> to vector<200x1xf32>
    %div3A_303 = vector.broadcast %broadcast_in_dim3A_302 : vector<200x1xf32> to vector<200x25xf32>
    %div3A_304 = arith.divf %exp3A_299, %div3A_303 : vector<200x25xf32>
    %convert_element_type3A_305 = arith.truncf %div3A_304 : vector<200x25xf32> to vector<200x25xbf16>
    %slice3A_306 = vector.extract_strided_slice %dot_general3A_132 {offsets = [0, 0], sizes = [200, 25], strides = [1, 1]} : vector<200x26xf32> to vector<200x25xf32>
    %slice3A_307 = vector.extract_strided_slice %dot_general3A_132 {offsets = [0, 25], sizes = [200, 1], strides = [1, 1]} : vector<200x26xf32> to vector<200x1xf32>
    %max3A_308 = arith.constant 1.000000e+00 : f32
    %max3A_309 = vector.broadcast %max3A_308 : f32 to vector<200x1xf32>
    %max3A_310 = arith.maximumf %slice3A_307, %max3A_309 : vector<200x1xf32>
    %div3A_311 = vector.broadcast %max3A_310 : vector<200x1xf32> to vector<200x25xf32>
    %div3A_312 = arith.divf %slice3A_306, %div3A_311 : vector<200x25xf32>
    %add3A_313 = vector.broadcast %get3A_1 : vector<1x25xf32> to vector<200x25xf32>
    %add3A_314 = arith.addf %div3A_312, %add3A_313 : vector<200x25xf32>
    %reduce_max3A_315 = arith.constant dense<0xFF800000> : vector<200xf32>
    %reduce_max3A_316 = vector.multi_reduction <maximumf>, %add3A_314, %reduce_max3A_315 [1] : vector<200x25xf32> to vector<200xf32>
    %broadcast_in_dim3A_317 = vector.shape_cast %reduce_max3A_316 : vector<200xf32> to vector<200x1xf32>
    %sub3A_318 = vector.broadcast %broadcast_in_dim3A_317 : vector<200x1xf32> to vector<200x25xf32>
    %sub3A_319 = arith.subf %add3A_314, %sub3A_318 : vector<200x25xf32>
    %exp3A_320 = math.exp %sub3A_319 : vector<200x25xf32>
    %reduce_sum3A_321 = arith.constant dense<0.000000e+00> : vector<200xf32>
    %reduce_sum3A_322 = vector.multi_reduction <add>, %exp3A_320, %reduce_sum3A_321 [1] : vector<200x25xf32> to vector<200xf32>
    %broadcast_in_dim3A_323 = vector.shape_cast %reduce_sum3A_322 : vector<200xf32> to vector<200x1xf32>
    %div3A_324 = vector.broadcast %broadcast_in_dim3A_323 : vector<200x1xf32> to vector<200x25xf32>
    %div3A_325 = arith.divf %exp3A_320, %div3A_324 : vector<200x25xf32>
    %convert_element_type3A_326 = arith.truncf %div3A_325 : vector<200x25xf32> to vector<200x25xbf16>
    %slice3A_327 = vector.extract_strided_slice %dot_general3A_135 {offsets = [0, 0], sizes = [200, 25], strides = [1, 1]} : vector<200x26xf32> to vector<200x25xf32>
    %slice3A_328 = vector.extract_strided_slice %dot_general3A_135 {offsets = [0, 25], sizes = [200, 1], strides = [1, 1]} : vector<200x26xf32> to vector<200x1xf32>
    %max3A_329 = arith.constant 1.000000e+00 : f32
    %max3A_330 = vector.broadcast %max3A_329 : f32 to vector<200x1xf32>
    %max3A_331 = arith.maximumf %slice3A_328, %max3A_330 : vector<200x1xf32>
    %div3A_332 = vector.broadcast %max3A_331 : vector<200x1xf32> to vector<200x25xf32>
    %div3A_333 = arith.divf %slice3A_327, %div3A_332 : vector<200x25xf32>
    %add3A_334 = vector.broadcast %get3A_1 : vector<1x25xf32> to vector<200x25xf32>
    %add3A_335 = arith.addf %div3A_333, %add3A_334 : vector<200x25xf32>
    %reduce_max3A_336 = arith.constant dense<0xFF800000> : vector<200xf32>
    %reduce_max3A_337 = vector.multi_reduction <maximumf>, %add3A_335, %reduce_max3A_336 [1] : vector<200x25xf32> to vector<200xf32>
    %broadcast_in_dim3A_338 = vector.shape_cast %reduce_max3A_337 : vector<200xf32> to vector<200x1xf32>
    %sub3A_339 = vector.broadcast %broadcast_in_dim3A_338 : vector<200x1xf32> to vector<200x25xf32>
    %sub3A_340 = arith.subf %add3A_335, %sub3A_339 : vector<200x25xf32>
    %exp3A_341 = math.exp %sub3A_340 : vector<200x25xf32>
    %reduce_sum3A_342 = arith.constant dense<0.000000e+00> : vector<200xf32>
    %reduce_sum3A_343 = vector.multi_reduction <add>, %exp3A_341, %reduce_sum3A_342 [1] : vector<200x25xf32> to vector<200xf32>
    %broadcast_in_dim3A_344 = vector.shape_cast %reduce_sum3A_343 : vector<200xf32> to vector<200x1xf32>
    %div3A_345 = vector.broadcast %broadcast_in_dim3A_344 : vector<200x1xf32> to vector<200x25xf32>
    %div3A_346 = arith.divf %exp3A_341, %div3A_345 : vector<200x25xf32>
    %convert_element_type3A_347 = arith.truncf %div3A_346 : vector<200x25xf32> to vector<200x25xbf16>
    %slice3A_348 = vector.extract_strided_slice %dot_general3A_138 {offsets = [0, 0], sizes = [200, 25], strides = [1, 1]} : vector<200x26xf32> to vector<200x25xf32>
    %slice3A_349 = vector.extract_strided_slice %dot_general3A_138 {offsets = [0, 25], sizes = [200, 1], strides = [1, 1]} : vector<200x26xf32> to vector<200x1xf32>
    %max3A_350 = arith.constant 1.000000e+00 : f32
    %max3A_351 = vector.broadcast %max3A_350 : f32 to vector<200x1xf32>
    %max3A_352 = arith.maximumf %slice3A_349, %max3A_351 : vector<200x1xf32>
    %div3A_353 = vector.broadcast %max3A_352 : vector<200x1xf32> to vector<200x25xf32>
    %div3A_354 = arith.divf %slice3A_348, %div3A_353 : vector<200x25xf32>
    %add3A_355 = vector.broadcast %get3A_1 : vector<1x25xf32> to vector<200x25xf32>
    %add3A_356 = arith.addf %div3A_354, %add3A_355 : vector<200x25xf32>
    %reduce_max3A_357 = arith.constant dense<0xFF800000> : vector<200xf32>
    %reduce_max3A_358 = vector.multi_reduction <maximumf>, %add3A_356, %reduce_max3A_357 [1] : vector<200x25xf32> to vector<200xf32>
    %broadcast_in_dim3A_359 = vector.shape_cast %reduce_max3A_358 : vector<200xf32> to vector<200x1xf32>
    %sub3A_360 = vector.broadcast %broadcast_in_dim3A_359 : vector<200x1xf32> to vector<200x25xf32>
    %sub3A_361 = arith.subf %add3A_356, %sub3A_360 : vector<200x25xf32>
    %exp3A_362 = math.exp %sub3A_361 : vector<200x25xf32>
    %reduce_sum3A_363 = arith.constant dense<0.000000e+00> : vector<200xf32>
    %reduce_sum3A_364 = vector.multi_reduction <add>, %exp3A_362, %reduce_sum3A_363 [1] : vector<200x25xf32> to vector<200xf32>
    %broadcast_in_dim3A_365 = vector.shape_cast %reduce_sum3A_364 : vector<200xf32> to vector<200x1xf32>
    %div3A_366 = vector.broadcast %broadcast_in_dim3A_365 : vector<200x1xf32> to vector<200x25xf32>
    %div3A_367 = arith.divf %exp3A_362, %div3A_366 : vector<200x25xf32>
    %convert_element_type3A_368 = arith.truncf %div3A_367 : vector<200x25xf32> to vector<200x25xbf16>
    %slice3A_369 = vector.extract_strided_slice %dot_general3A_141 {offsets = [0, 0], sizes = [200, 25], strides = [1, 1]} : vector<200x26xf32> to vector<200x25xf32>
    %slice3A_370 = vector.extract_strided_slice %dot_general3A_141 {offsets = [0, 25], sizes = [200, 1], strides = [1, 1]} : vector<200x26xf32> to vector<200x1xf32>
    %max3A_371 = arith.constant 1.000000e+00 : f32
    %max3A_372 = vector.broadcast %max3A_371 : f32 to vector<200x1xf32>
    %max3A_373 = arith.maximumf %slice3A_370, %max3A_372 : vector<200x1xf32>
    %div3A_374 = vector.broadcast %max3A_373 : vector<200x1xf32> to vector<200x25xf32>
    %div3A_375 = arith.divf %slice3A_369, %div3A_374 : vector<200x25xf32>
    %add3A_376 = vector.broadcast %get3A_1 : vector<1x25xf32> to vector<200x25xf32>
    %add3A_377 = arith.addf %div3A_375, %add3A_376 : vector<200x25xf32>
    %reduce_max3A_378 = arith.constant dense<0xFF800000> : vector<200xf32>
    %reduce_max3A_379 = vector.multi_reduction <maximumf>, %add3A_377, %reduce_max3A_378 [1] : vector<200x25xf32> to vector<200xf32>
    %broadcast_in_dim3A_380 = vector.shape_cast %reduce_max3A_379 : vector<200xf32> to vector<200x1xf32>
    %sub3A_381 = vector.broadcast %broadcast_in_dim3A_380 : vector<200x1xf32> to vector<200x25xf32>
    %sub3A_382 = arith.subf %add3A_377, %sub3A_381 : vector<200x25xf32>
    %exp3A_383 = math.exp %sub3A_382 : vector<200x25xf32>
    %reduce_sum3A_384 = arith.constant dense<0.000000e+00> : vector<200xf32>
    %reduce_sum3A_385 = vector.multi_reduction <add>, %exp3A_383, %reduce_sum3A_384 [1] : vector<200x25xf32> to vector<200xf32>
    %broadcast_in_dim3A_386 = vector.shape_cast %reduce_sum3A_385 : vector<200xf32> to vector<200x1xf32>
    %div3A_387 = vector.broadcast %broadcast_in_dim3A_386 : vector<200x1xf32> to vector<200x25xf32>
    %div3A_388 = arith.divf %exp3A_383, %div3A_387 : vector<200x25xf32>
    %convert_element_type3A_389 = arith.truncf %div3A_388 : vector<200x25xf32> to vector<200x25xbf16>
    %slice3A_390 = vector.extract_strided_slice %dot_general3A_144 {offsets = [0, 0], sizes = [200, 25], strides = [1, 1]} : vector<200x26xf32> to vector<200x25xf32>
    %slice3A_391 = vector.extract_strided_slice %dot_general3A_144 {offsets = [0, 25], sizes = [200, 1], strides = [1, 1]} : vector<200x26xf32> to vector<200x1xf32>
    %max3A_392 = arith.constant 1.000000e+00 : f32
    %max3A_393 = vector.broadcast %max3A_392 : f32 to vector<200x1xf32>
    %max3A_394 = arith.maximumf %slice3A_391, %max3A_393 : vector<200x1xf32>
    %div3A_395 = vector.broadcast %max3A_394 : vector<200x1xf32> to vector<200x25xf32>
    %div3A_396 = arith.divf %slice3A_390, %div3A_395 : vector<200x25xf32>
    %add3A_397 = vector.broadcast %get3A_1 : vector<1x25xf32> to vector<200x25xf32>
    %add3A_398 = arith.addf %div3A_396, %add3A_397 : vector<200x25xf32>
    %reduce_max3A_399 = arith.constant dense<0xFF800000> : vector<200xf32>
    %reduce_max3A_400 = vector.multi_reduction <maximumf>, %add3A_398, %reduce_max3A_399 [1] : vector<200x25xf32> to vector<200xf32>
    %broadcast_in_dim3A_401 = vector.shape_cast %reduce_max3A_400 : vector<200xf32> to vector<200x1xf32>
    %sub3A_402 = vector.broadcast %broadcast_in_dim3A_401 : vector<200x1xf32> to vector<200x25xf32>
    %sub3A_403 = arith.subf %add3A_398, %sub3A_402 : vector<200x25xf32>
    %exp3A_404 = math.exp %sub3A_403 : vector<200x25xf32>
    %reduce_sum3A_405 = arith.constant dense<0.000000e+00> : vector<200xf32>
    %reduce_sum3A_406 = vector.multi_reduction <add>, %exp3A_404, %reduce_sum3A_405 [1] : vector<200x25xf32> to vector<200xf32>
    %broadcast_in_dim3A_407 = vector.shape_cast %reduce_sum3A_406 : vector<200xf32> to vector<200x1xf32>
    %div3A_408 = vector.broadcast %broadcast_in_dim3A_407 : vector<200x1xf32> to vector<200x25xf32>
    %div3A_409 = arith.divf %exp3A_404, %div3A_408 : vector<200x25xf32>
    %convert_element_type3A_410 = arith.truncf %div3A_409 : vector<200x25xf32> to vector<200x25xbf16>
    %slice3A_411 = vector.extract_strided_slice %dot_general3A_147 {offsets = [0, 0], sizes = [200, 25], strides = [1, 1]} : vector<200x26xf32> to vector<200x25xf32>
    %slice3A_412 = vector.extract_strided_slice %dot_general3A_147 {offsets = [0, 25], sizes = [200, 1], strides = [1, 1]} : vector<200x26xf32> to vector<200x1xf32>
    %max3A_413 = arith.constant 1.000000e+00 : f32
    %max3A_414 = vector.broadcast %max3A_413 : f32 to vector<200x1xf32>
    %max3A_415 = arith.maximumf %slice3A_412, %max3A_414 : vector<200x1xf32>
    %div3A_416 = vector.broadcast %max3A_415 : vector<200x1xf32> to vector<200x25xf32>
    %div3A_417 = arith.divf %slice3A_411, %div3A_416 : vector<200x25xf32>
    %add3A_418 = vector.broadcast %get3A_1 : vector<1x25xf32> to vector<200x25xf32>
    %add3A_419 = arith.addf %div3A_417, %add3A_418 : vector<200x25xf32>
    %reduce_max3A_420 = arith.constant dense<0xFF800000> : vector<200xf32>
    %reduce_max3A_421 = vector.multi_reduction <maximumf>, %add3A_419, %reduce_max3A_420 [1] : vector<200x25xf32> to vector<200xf32>
    %broadcast_in_dim3A_422 = vector.shape_cast %reduce_max3A_421 : vector<200xf32> to vector<200x1xf32>
    %sub3A_423 = vector.broadcast %broadcast_in_dim3A_422 : vector<200x1xf32> to vector<200x25xf32>
    %sub3A_424 = arith.subf %add3A_419, %sub3A_423 : vector<200x25xf32>
    %exp3A_425 = math.exp %sub3A_424 : vector<200x25xf32>
    %reduce_sum3A_426 = arith.constant dense<0.000000e+00> : vector<200xf32>
    %reduce_sum3A_427 = vector.multi_reduction <add>, %exp3A_425, %reduce_sum3A_426 [1] : vector<200x25xf32> to vector<200xf32>
    %broadcast_in_dim3A_428 = vector.shape_cast %reduce_sum3A_427 : vector<200xf32> to vector<200x1xf32>
    %div3A_429 = vector.broadcast %broadcast_in_dim3A_428 : vector<200x1xf32> to vector<200x25xf32>
    %div3A_430 = arith.divf %exp3A_425, %div3A_429 : vector<200x25xf32>
    %convert_element_type3A_431 = arith.truncf %div3A_430 : vector<200x25xf32> to vector<200x25xbf16>
    %slice3A_432 = vector.extract_strided_slice %dot_general3A_150 {offsets = [0, 0], sizes = [200, 25], strides = [1, 1]} : vector<200x26xf32> to vector<200x25xf32>
    %slice3A_433 = vector.extract_strided_slice %dot_general3A_150 {offsets = [0, 25], sizes = [200, 1], strides = [1, 1]} : vector<200x26xf32> to vector<200x1xf32>
    %max3A_434 = arith.constant 1.000000e+00 : f32
    %max3A_435 = vector.broadcast %max3A_434 : f32 to vector<200x1xf32>
    %max3A_436 = arith.maximumf %slice3A_433, %max3A_435 : vector<200x1xf32>
    %div3A_437 = vector.broadcast %max3A_436 : vector<200x1xf32> to vector<200x25xf32>
    %div3A_438 = arith.divf %slice3A_432, %div3A_437 : vector<200x25xf32>
    %add3A_439 = vector.broadcast %get3A_1 : vector<1x25xf32> to vector<200x25xf32>
    %add3A_440 = arith.addf %div3A_438, %add3A_439 : vector<200x25xf32>
    %reduce_max3A_441 = arith.constant dense<0xFF800000> : vector<200xf32>
    %reduce_max3A_442 = vector.multi_reduction <maximumf>, %add3A_440, %reduce_max3A_441 [1] : vector<200x25xf32> to vector<200xf32>
    %broadcast_in_dim3A_443 = vector.shape_cast %reduce_max3A_442 : vector<200xf32> to vector<200x1xf32>
    %sub3A_444 = vector.broadcast %broadcast_in_dim3A_443 : vector<200x1xf32> to vector<200x25xf32>
    %sub3A_445 = arith.subf %add3A_440, %sub3A_444 : vector<200x25xf32>
    %exp3A_446 = math.exp %sub3A_445 : vector<200x25xf32>
    %reduce_sum3A_447 = arith.constant dense<0.000000e+00> : vector<200xf32>
    %reduce_sum3A_448 = vector.multi_reduction <add>, %exp3A_446, %reduce_sum3A_447 [1] : vector<200x25xf32> to vector<200xf32>
    %broadcast_in_dim3A_449 = vector.shape_cast %reduce_sum3A_448 : vector<200xf32> to vector<200x1xf32>
    %div3A_450 = vector.broadcast %broadcast_in_dim3A_449 : vector<200x1xf32> to vector<200x25xf32>
    %div3A_451 = arith.divf %exp3A_446, %div3A_450 : vector<200x25xf32>
    %convert_element_type3A_452 = arith.truncf %div3A_451 : vector<200x25xf32> to vector<200x25xbf16>
    %slice3A_453 = vector.extract_strided_slice %dot_general3A_153 {offsets = [0, 0], sizes = [200, 25], strides = [1, 1]} : vector<200x26xf32> to vector<200x25xf32>
    %slice3A_454 = vector.extract_strided_slice %dot_general3A_153 {offsets = [0, 25], sizes = [200, 1], strides = [1, 1]} : vector<200x26xf32> to vector<200x1xf32>
    %max3A_455 = arith.constant 1.000000e+00 : f32
    %max3A_456 = vector.broadcast %max3A_455 : f32 to vector<200x1xf32>
    %max3A_457 = arith.maximumf %slice3A_454, %max3A_456 : vector<200x1xf32>
    %div3A_458 = vector.broadcast %max3A_457 : vector<200x1xf32> to vector<200x25xf32>
    %div3A_459 = arith.divf %slice3A_453, %div3A_458 : vector<200x25xf32>
    %add3A_460 = vector.broadcast %get3A_1 : vector<1x25xf32> to vector<200x25xf32>
    %add3A_461 = arith.addf %div3A_459, %add3A_460 : vector<200x25xf32>
    %reduce_max3A_462 = arith.constant dense<0xFF800000> : vector<200xf32>
    %reduce_max3A_463 = vector.multi_reduction <maximumf>, %add3A_461, %reduce_max3A_462 [1] : vector<200x25xf32> to vector<200xf32>
    %broadcast_in_dim3A_464 = vector.shape_cast %reduce_max3A_463 : vector<200xf32> to vector<200x1xf32>
    %sub3A_465 = vector.broadcast %broadcast_in_dim3A_464 : vector<200x1xf32> to vector<200x25xf32>
    %sub3A_466 = arith.subf %add3A_461, %sub3A_465 : vector<200x25xf32>
    %exp3A_467 = math.exp %sub3A_466 : vector<200x25xf32>
    %reduce_sum3A_468 = arith.constant dense<0.000000e+00> : vector<200xf32>
    %reduce_sum3A_469 = vector.multi_reduction <add>, %exp3A_467, %reduce_sum3A_468 [1] : vector<200x25xf32> to vector<200xf32>
    %broadcast_in_dim3A_470 = vector.shape_cast %reduce_sum3A_469 : vector<200xf32> to vector<200x1xf32>
    %div3A_471 = vector.broadcast %broadcast_in_dim3A_470 : vector<200x1xf32> to vector<200x25xf32>
    %div3A_472 = arith.divf %exp3A_467, %div3A_471 : vector<200x25xf32>
    %convert_element_type3A_473 = arith.truncf %div3A_472 : vector<200x25xf32> to vector<200x25xbf16>
    %slice3A_474 = vector.extract_strided_slice %dot_general3A_156 {offsets = [0, 0], sizes = [200, 25], strides = [1, 1]} : vector<200x26xf32> to vector<200x25xf32>
    %slice3A_475 = vector.extract_strided_slice %dot_general3A_156 {offsets = [0, 25], sizes = [200, 1], strides = [1, 1]} : vector<200x26xf32> to vector<200x1xf32>
    %max3A_476 = arith.constant 1.000000e+00 : f32
    %max3A_477 = vector.broadcast %max3A_476 : f32 to vector<200x1xf32>
    %max3A_478 = arith.maximumf %slice3A_475, %max3A_477 : vector<200x1xf32>
    %div3A_479 = vector.broadcast %max3A_478 : vector<200x1xf32> to vector<200x25xf32>
    %div3A_480 = arith.divf %slice3A_474, %div3A_479 : vector<200x25xf32>
    %add3A_481 = vector.broadcast %get3A_1 : vector<1x25xf32> to vector<200x25xf32>
    %add3A_482 = arith.addf %div3A_480, %add3A_481 : vector<200x25xf32>
    %reduce_max3A_483 = arith.constant dense<0xFF800000> : vector<200xf32>
    %reduce_max3A_484 = vector.multi_reduction <maximumf>, %add3A_482, %reduce_max3A_483 [1] : vector<200x25xf32> to vector<200xf32>
    %broadcast_in_dim3A_485 = vector.shape_cast %reduce_max3A_484 : vector<200xf32> to vector<200x1xf32>
    %sub3A_486 = vector.broadcast %broadcast_in_dim3A_485 : vector<200x1xf32> to vector<200x25xf32>
    %sub3A_487 = arith.subf %add3A_482, %sub3A_486 : vector<200x25xf32>
    %exp3A_488 = math.exp %sub3A_487 : vector<200x25xf32>
    %reduce_sum3A_489 = arith.constant dense<0.000000e+00> : vector<200xf32>
    %reduce_sum3A_490 = vector.multi_reduction <add>, %exp3A_488, %reduce_sum3A_489 [1] : vector<200x25xf32> to vector<200xf32>
    %broadcast_in_dim3A_491 = vector.shape_cast %reduce_sum3A_490 : vector<200xf32> to vector<200x1xf32>
    %div3A_492 = vector.broadcast %broadcast_in_dim3A_491 : vector<200x1xf32> to vector<200x25xf32>
    %div3A_493 = arith.divf %exp3A_488, %div3A_492 : vector<200x25xf32>
    %convert_element_type3A_494 = arith.truncf %div3A_493 : vector<200x25xf32> to vector<200x25xbf16>
    %slice3A_495 = vector.extract_strided_slice %dot_general3A_159 {offsets = [0, 0], sizes = [200, 25], strides = [1, 1]} : vector<200x26xf32> to vector<200x25xf32>
    %slice3A_496 = vector.extract_strided_slice %dot_general3A_159 {offsets = [0, 25], sizes = [200, 1], strides = [1, 1]} : vector<200x26xf32> to vector<200x1xf32>
    %max3A_497 = arith.constant 1.000000e+00 : f32
    %max3A_498 = vector.broadcast %max3A_497 : f32 to vector<200x1xf32>
    %max3A_499 = arith.maximumf %slice3A_496, %max3A_498 : vector<200x1xf32>
    %div3A_500 = vector.broadcast %max3A_499 : vector<200x1xf32> to vector<200x25xf32>
    %div3A_501 = arith.divf %slice3A_495, %div3A_500 : vector<200x25xf32>
    %add3A_502 = vector.broadcast %get3A_1 : vector<1x25xf32> to vector<200x25xf32>
    %add3A_503 = arith.addf %div3A_501, %add3A_502 : vector<200x25xf32>
    %reduce_max3A_504 = arith.constant dense<0xFF800000> : vector<200xf32>
    %reduce_max3A_505 = vector.multi_reduction <maximumf>, %add3A_503, %reduce_max3A_504 [1] : vector<200x25xf32> to vector<200xf32>
    %broadcast_in_dim3A_506 = vector.shape_cast %reduce_max3A_505 : vector<200xf32> to vector<200x1xf32>
    %sub3A_507 = vector.broadcast %broadcast_in_dim3A_506 : vector<200x1xf32> to vector<200x25xf32>
    %sub3A_508 = arith.subf %add3A_503, %sub3A_507 : vector<200x25xf32>
    %exp3A_509 = math.exp %sub3A_508 : vector<200x25xf32>
    %reduce_sum3A_510 = arith.constant dense<0.000000e+00> : vector<200xf32>
    %reduce_sum3A_511 = vector.multi_reduction <add>, %exp3A_509, %reduce_sum3A_510 [1] : vector<200x25xf32> to vector<200xf32>
    %broadcast_in_dim3A_512 = vector.shape_cast %reduce_sum3A_511 : vector<200xf32> to vector<200x1xf32>
    %div3A_513 = vector.broadcast %broadcast_in_dim3A_512 : vector<200x1xf32> to vector<200x25xf32>
    %div3A_514 = arith.divf %exp3A_509, %div3A_513 : vector<200x25xf32>
    %convert_element_type3A_515 = arith.truncf %div3A_514 : vector<200x25xf32> to vector<200x25xbf16>
    %slice3A_516 = vector.extract_strided_slice %dot_general3A_162 {offsets = [0, 0], sizes = [200, 25], strides = [1, 1]} : vector<200x26xf32> to vector<200x25xf32>
    %slice3A_517 = vector.extract_strided_slice %dot_general3A_162 {offsets = [0, 25], sizes = [200, 1], strides = [1, 1]} : vector<200x26xf32> to vector<200x1xf32>
    %max3A_518 = arith.constant 1.000000e+00 : f32
    %max3A_519 = vector.broadcast %max3A_518 : f32 to vector<200x1xf32>
    %max3A_520 = arith.maximumf %slice3A_517, %max3A_519 : vector<200x1xf32>
    %div3A_521 = vector.broadcast %max3A_520 : vector<200x1xf32> to vector<200x25xf32>
    %div3A_522 = arith.divf %slice3A_516, %div3A_521 : vector<200x25xf32>
    %add3A_523 = vector.broadcast %get3A_1 : vector<1x25xf32> to vector<200x25xf32>
    %add3A_524 = arith.addf %div3A_522, %add3A_523 : vector<200x25xf32>
    %reduce_max3A_525 = arith.constant dense<0xFF800000> : vector<200xf32>
    %reduce_max3A_526 = vector.multi_reduction <maximumf>, %add3A_524, %reduce_max3A_525 [1] : vector<200x25xf32> to vector<200xf32>
    %broadcast_in_dim3A_527 = vector.shape_cast %reduce_max3A_526 : vector<200xf32> to vector<200x1xf32>
    %sub3A_528 = vector.broadcast %broadcast_in_dim3A_527 : vector<200x1xf32> to vector<200x25xf32>
    %sub3A_529 = arith.subf %add3A_524, %sub3A_528 : vector<200x25xf32>
    %exp3A_530 = math.exp %sub3A_529 : vector<200x25xf32>
    %reduce_sum3A_531 = arith.constant dense<0.000000e+00> : vector<200xf32>
    %reduce_sum3A_532 = vector.multi_reduction <add>, %exp3A_530, %reduce_sum3A_531 [1] : vector<200x25xf32> to vector<200xf32>
    %broadcast_in_dim3A_533 = vector.shape_cast %reduce_sum3A_532 : vector<200xf32> to vector<200x1xf32>
    %div3A_534 = vector.broadcast %broadcast_in_dim3A_533 : vector<200x1xf32> to vector<200x25xf32>
    %div3A_535 = arith.divf %exp3A_530, %div3A_534 : vector<200x25xf32>
    %convert_element_type3A_536 = arith.truncf %div3A_535 : vector<200x25xf32> to vector<200x25xbf16>
    %slice3A_537 = vector.extract_strided_slice %dot_general3A_165 {offsets = [0, 0], sizes = [200, 25], strides = [1, 1]} : vector<200x26xf32> to vector<200x25xf32>
    %slice3A_538 = vector.extract_strided_slice %dot_general3A_165 {offsets = [0, 25], sizes = [200, 1], strides = [1, 1]} : vector<200x26xf32> to vector<200x1xf32>
    %max3A_539 = arith.constant 1.000000e+00 : f32
    %max3A_540 = vector.broadcast %max3A_539 : f32 to vector<200x1xf32>
    %max3A_541 = arith.maximumf %slice3A_538, %max3A_540 : vector<200x1xf32>
    %div3A_542 = vector.broadcast %max3A_541 : vector<200x1xf32> to vector<200x25xf32>
    %div3A_543 = arith.divf %slice3A_537, %div3A_542 : vector<200x25xf32>
    %add3A_544 = vector.broadcast %get3A_1 : vector<1x25xf32> to vector<200x25xf32>
    %add3A_545 = arith.addf %div3A_543, %add3A_544 : vector<200x25xf32>
    %reduce_max3A_546 = arith.constant dense<0xFF800000> : vector<200xf32>
    %reduce_max3A_547 = vector.multi_reduction <maximumf>, %add3A_545, %reduce_max3A_546 [1] : vector<200x25xf32> to vector<200xf32>
    %broadcast_in_dim3A_548 = vector.shape_cast %reduce_max3A_547 : vector<200xf32> to vector<200x1xf32>
    %sub3A_549 = vector.broadcast %broadcast_in_dim3A_548 : vector<200x1xf32> to vector<200x25xf32>
    %sub3A_550 = arith.subf %add3A_545, %sub3A_549 : vector<200x25xf32>
    %exp3A_551 = math.exp %sub3A_550 : vector<200x25xf32>
    %reduce_sum3A_552 = arith.constant dense<0.000000e+00> : vector<200xf32>
    %reduce_sum3A_553 = vector.multi_reduction <add>, %exp3A_551, %reduce_sum3A_552 [1] : vector<200x25xf32> to vector<200xf32>
    %broadcast_in_dim3A_554 = vector.shape_cast %reduce_sum3A_553 : vector<200xf32> to vector<200x1xf32>
    %div3A_555 = vector.broadcast %broadcast_in_dim3A_554 : vector<200x1xf32> to vector<200x25xf32>
    %div3A_556 = arith.divf %exp3A_551, %div3A_555 : vector<200x25xf32>
    %convert_element_type3A_557 = arith.truncf %div3A_556 : vector<200x25xf32> to vector<200x25xbf16>
    %slice3A_558 = vector.extract_strided_slice %dot_general3A_168 {offsets = [0, 0], sizes = [200, 25], strides = [1, 1]} : vector<200x26xf32> to vector<200x25xf32>
    %slice3A_559 = vector.extract_strided_slice %dot_general3A_168 {offsets = [0, 25], sizes = [200, 1], strides = [1, 1]} : vector<200x26xf32> to vector<200x1xf32>
    %max3A_560 = arith.constant 1.000000e+00 : f32
    %max3A_561 = vector.broadcast %max3A_560 : f32 to vector<200x1xf32>
    %max3A_562 = arith.maximumf %slice3A_559, %max3A_561 : vector<200x1xf32>
    %div3A_563 = vector.broadcast %max3A_562 : vector<200x1xf32> to vector<200x25xf32>
    %div3A_564 = arith.divf %slice3A_558, %div3A_563 : vector<200x25xf32>
    %add3A_565 = vector.broadcast %get3A_1 : vector<1x25xf32> to vector<200x25xf32>
    %add3A_566 = arith.addf %div3A_564, %add3A_565 : vector<200x25xf32>
    %reduce_max3A_567 = arith.constant dense<0xFF800000> : vector<200xf32>
    %reduce_max3A_568 = vector.multi_reduction <maximumf>, %add3A_566, %reduce_max3A_567 [1] : vector<200x25xf32> to vector<200xf32>
    %broadcast_in_dim3A_569 = vector.shape_cast %reduce_max3A_568 : vector<200xf32> to vector<200x1xf32>
    %sub3A_570 = vector.broadcast %broadcast_in_dim3A_569 : vector<200x1xf32> to vector<200x25xf32>
    %sub3A_571 = arith.subf %add3A_566, %sub3A_570 : vector<200x25xf32>
    %exp3A_572 = math.exp %sub3A_571 : vector<200x25xf32>
    %reduce_sum3A_573 = arith.constant dense<0.000000e+00> : vector<200xf32>
    %reduce_sum3A_574 = vector.multi_reduction <add>, %exp3A_572, %reduce_sum3A_573 [1] : vector<200x25xf32> to vector<200xf32>
    %broadcast_in_dim3A_575 = vector.shape_cast %reduce_sum3A_574 : vector<200xf32> to vector<200x1xf32>
    %div3A_576 = vector.broadcast %broadcast_in_dim3A_575 : vector<200x1xf32> to vector<200x25xf32>
    %div3A_577 = arith.divf %exp3A_572, %div3A_576 : vector<200x25xf32>
    %convert_element_type3A_578 = arith.truncf %div3A_577 : vector<200x25xf32> to vector<200x25xbf16>
    %slice3A_579 = vector.extract_strided_slice %dot_general3A_171 {offsets = [0, 0], sizes = [200, 25], strides = [1, 1]} : vector<200x26xf32> to vector<200x25xf32>
    %slice3A_580 = vector.extract_strided_slice %dot_general3A_171 {offsets = [0, 25], sizes = [200, 1], strides = [1, 1]} : vector<200x26xf32> to vector<200x1xf32>
    %max3A_581 = arith.constant 1.000000e+00 : f32
    %max3A_582 = vector.broadcast %max3A_581 : f32 to vector<200x1xf32>
    %max3A_583 = arith.maximumf %slice3A_580, %max3A_582 : vector<200x1xf32>
    %div3A_584 = vector.broadcast %max3A_583 : vector<200x1xf32> to vector<200x25xf32>
    %div3A_585 = arith.divf %slice3A_579, %div3A_584 : vector<200x25xf32>
    %add3A_586 = vector.broadcast %get3A_1 : vector<1x25xf32> to vector<200x25xf32>
    %add3A_587 = arith.addf %div3A_585, %add3A_586 : vector<200x25xf32>
    %reduce_max3A_588 = arith.constant dense<0xFF800000> : vector<200xf32>
    %reduce_max3A_589 = vector.multi_reduction <maximumf>, %add3A_587, %reduce_max3A_588 [1] : vector<200x25xf32> to vector<200xf32>
    %broadcast_in_dim3A_590 = vector.shape_cast %reduce_max3A_589 : vector<200xf32> to vector<200x1xf32>
    %sub3A_591 = vector.broadcast %broadcast_in_dim3A_590 : vector<200x1xf32> to vector<200x25xf32>
    %sub3A_592 = arith.subf %add3A_587, %sub3A_591 : vector<200x25xf32>
    %exp3A_593 = math.exp %sub3A_592 : vector<200x25xf32>
    %reduce_sum3A_594 = arith.constant dense<0.000000e+00> : vector<200xf32>
    %reduce_sum3A_595 = vector.multi_reduction <add>, %exp3A_593, %reduce_sum3A_594 [1] : vector<200x25xf32> to vector<200xf32>
    %broadcast_in_dim3A_596 = vector.shape_cast %reduce_sum3A_595 : vector<200xf32> to vector<200x1xf32>
    %div3A_597 = vector.broadcast %broadcast_in_dim3A_596 : vector<200x1xf32> to vector<200x25xf32>
    %div3A_598 = arith.divf %exp3A_593, %div3A_597 : vector<200x25xf32>
    %convert_element_type3A_599 = arith.truncf %div3A_598 : vector<200x25xf32> to vector<200x25xbf16>
    %slice3A_600 = vector.extract_strided_slice %dot_general3A_174 {offsets = [0, 0], sizes = [200, 25], strides = [1, 1]} : vector<200x26xf32> to vector<200x25xf32>
    %slice3A_601 = vector.extract_strided_slice %dot_general3A_174 {offsets = [0, 25], sizes = [200, 1], strides = [1, 1]} : vector<200x26xf32> to vector<200x1xf32>
    %max3A_602 = arith.constant 1.000000e+00 : f32
    %max3A_603 = vector.broadcast %max3A_602 : f32 to vector<200x1xf32>
    %max3A_604 = arith.maximumf %slice3A_601, %max3A_603 : vector<200x1xf32>
    %div3A_605 = vector.broadcast %max3A_604 : vector<200x1xf32> to vector<200x25xf32>
    %div3A_606 = arith.divf %slice3A_600, %div3A_605 : vector<200x25xf32>
    %add3A_607 = vector.broadcast %get3A_1 : vector<1x25xf32> to vector<200x25xf32>
    %add3A_608 = arith.addf %div3A_606, %add3A_607 : vector<200x25xf32>
    %reduce_max3A_609 = arith.constant dense<0xFF800000> : vector<200xf32>
    %reduce_max3A_610 = vector.multi_reduction <maximumf>, %add3A_608, %reduce_max3A_609 [1] : vector<200x25xf32> to vector<200xf32>
    %broadcast_in_dim3A_611 = vector.shape_cast %reduce_max3A_610 : vector<200xf32> to vector<200x1xf32>
    %sub3A_612 = vector.broadcast %broadcast_in_dim3A_611 : vector<200x1xf32> to vector<200x25xf32>
    %sub3A_613 = arith.subf %add3A_608, %sub3A_612 : vector<200x25xf32>
    %exp3A_614 = math.exp %sub3A_613 : vector<200x25xf32>
    %reduce_sum3A_615 = arith.constant dense<0.000000e+00> : vector<200xf32>
    %reduce_sum3A_616 = vector.multi_reduction <add>, %exp3A_614, %reduce_sum3A_615 [1] : vector<200x25xf32> to vector<200xf32>
    %broadcast_in_dim3A_617 = vector.shape_cast %reduce_sum3A_616 : vector<200xf32> to vector<200x1xf32>
    %div3A_618 = vector.broadcast %broadcast_in_dim3A_617 : vector<200x1xf32> to vector<200x25xf32>
    %div3A_619 = arith.divf %exp3A_614, %div3A_618 : vector<200x25xf32>
    %convert_element_type3A_620 = arith.truncf %div3A_619 : vector<200x25xf32> to vector<200x25xbf16>
    %slice3A_621 = vector.extract_strided_slice %dot_general3A_177 {offsets = [0, 0], sizes = [200, 25], strides = [1, 1]} : vector<200x26xf32> to vector<200x25xf32>
    %slice3A_622 = vector.extract_strided_slice %dot_general3A_177 {offsets = [0, 25], sizes = [200, 1], strides = [1, 1]} : vector<200x26xf32> to vector<200x1xf32>
    %max3A_623 = arith.constant 1.000000e+00 : f32
    %max3A_624 = vector.broadcast %max3A_623 : f32 to vector<200x1xf32>
    %max3A_625 = arith.maximumf %slice3A_622, %max3A_624 : vector<200x1xf32>
    %div3A_626 = vector.broadcast %max3A_625 : vector<200x1xf32> to vector<200x25xf32>
    %div3A_627 = arith.divf %slice3A_621, %div3A_626 : vector<200x25xf32>
    %add3A_628 = vector.broadcast %get3A_1 : vector<1x25xf32> to vector<200x25xf32>
    %add3A_629 = arith.addf %div3A_627, %add3A_628 : vector<200x25xf32>
    %reduce_max3A_630 = arith.constant dense<0xFF800000> : vector<200xf32>
    %reduce_max3A_631 = vector.multi_reduction <maximumf>, %add3A_629, %reduce_max3A_630 [1] : vector<200x25xf32> to vector<200xf32>
    %broadcast_in_dim3A_632 = vector.shape_cast %reduce_max3A_631 : vector<200xf32> to vector<200x1xf32>
    %sub3A_633 = vector.broadcast %broadcast_in_dim3A_632 : vector<200x1xf32> to vector<200x25xf32>
    %sub3A_634 = arith.subf %add3A_629, %sub3A_633 : vector<200x25xf32>
    %exp3A_635 = math.exp %sub3A_634 : vector<200x25xf32>
    %reduce_sum3A_636 = arith.constant dense<0.000000e+00> : vector<200xf32>
    %reduce_sum3A_637 = vector.multi_reduction <add>, %exp3A_635, %reduce_sum3A_636 [1] : vector<200x25xf32> to vector<200xf32>
    %broadcast_in_dim3A_638 = vector.shape_cast %reduce_sum3A_637 : vector<200xf32> to vector<200x1xf32>
    %div3A_639 = vector.broadcast %broadcast_in_dim3A_638 : vector<200x1xf32> to vector<200x25xf32>
    %div3A_640 = arith.divf %exp3A_635, %div3A_639 : vector<200x25xf32>
    %convert_element_type3A_641 = arith.truncf %div3A_640 : vector<200x25xf32> to vector<200x25xbf16>
    %slice3A_642 = vector.extract_strided_slice %dot_general3A_180 {offsets = [0, 0], sizes = [200, 25], strides = [1, 1]} : vector<200x26xf32> to vector<200x25xf32>
    %slice3A_643 = vector.extract_strided_slice %dot_general3A_180 {offsets = [0, 25], sizes = [200, 1], strides = [1, 1]} : vector<200x26xf32> to vector<200x1xf32>
    %max3A_644 = arith.constant 1.000000e+00 : f32
    %max3A_645 = vector.broadcast %max3A_644 : f32 to vector<200x1xf32>
    %max3A_646 = arith.maximumf %slice3A_643, %max3A_645 : vector<200x1xf32>
    %div3A_647 = vector.broadcast %max3A_646 : vector<200x1xf32> to vector<200x25xf32>
    %div3A_648 = arith.divf %slice3A_642, %div3A_647 : vector<200x25xf32>
    %add3A_649 = vector.broadcast %get3A_1 : vector<1x25xf32> to vector<200x25xf32>
    %add3A_650 = arith.addf %div3A_648, %add3A_649 : vector<200x25xf32>
    %reduce_max3A_651 = arith.constant dense<0xFF800000> : vector<200xf32>
    %reduce_max3A_652 = vector.multi_reduction <maximumf>, %add3A_650, %reduce_max3A_651 [1] : vector<200x25xf32> to vector<200xf32>
    %broadcast_in_dim3A_653 = vector.shape_cast %reduce_max3A_652 : vector<200xf32> to vector<200x1xf32>
    %sub3A_654 = vector.broadcast %broadcast_in_dim3A_653 : vector<200x1xf32> to vector<200x25xf32>
    %sub3A_655 = arith.subf %add3A_650, %sub3A_654 : vector<200x25xf32>
    %exp3A_656 = math.exp %sub3A_655 : vector<200x25xf32>
    %reduce_sum3A_657 = arith.constant dense<0.000000e+00> : vector<200xf32>
    %reduce_sum3A_658 = vector.multi_reduction <add>, %exp3A_656, %reduce_sum3A_657 [1] : vector<200x25xf32> to vector<200xf32>
    %broadcast_in_dim3A_659 = vector.shape_cast %reduce_sum3A_658 : vector<200xf32> to vector<200x1xf32>
    %div3A_660 = vector.broadcast %broadcast_in_dim3A_659 : vector<200x1xf32> to vector<200x25xf32>
    %div3A_661 = arith.divf %exp3A_656, %div3A_660 : vector<200x25xf32>
    %convert_element_type3A_662 = arith.truncf %div3A_661 : vector<200x25xf32> to vector<200x25xbf16>
    %slice3A_663 = vector.extract_strided_slice %dot_general3A_183 {offsets = [0, 0], sizes = [200, 25], strides = [1, 1]} : vector<200x26xf32> to vector<200x25xf32>
    %slice3A_664 = vector.extract_strided_slice %dot_general3A_183 {offsets = [0, 25], sizes = [200, 1], strides = [1, 1]} : vector<200x26xf32> to vector<200x1xf32>
    %max3A_665 = arith.constant 1.000000e+00 : f32
    %max3A_666 = vector.broadcast %max3A_665 : f32 to vector<200x1xf32>
    %max3A_667 = arith.maximumf %slice3A_664, %max3A_666 : vector<200x1xf32>
    %div3A_668 = vector.broadcast %max3A_667 : vector<200x1xf32> to vector<200x25xf32>
    %div3A_669 = arith.divf %slice3A_663, %div3A_668 : vector<200x25xf32>
    %add3A_670 = vector.broadcast %get3A_1 : vector<1x25xf32> to vector<200x25xf32>
    %add3A_671 = arith.addf %div3A_669, %add3A_670 : vector<200x25xf32>
    %reduce_max3A_672 = arith.constant dense<0xFF800000> : vector<200xf32>
    %reduce_max3A_673 = vector.multi_reduction <maximumf>, %add3A_671, %reduce_max3A_672 [1] : vector<200x25xf32> to vector<200xf32>
    %broadcast_in_dim3A_674 = vector.shape_cast %reduce_max3A_673 : vector<200xf32> to vector<200x1xf32>
    %sub3A_675 = vector.broadcast %broadcast_in_dim3A_674 : vector<200x1xf32> to vector<200x25xf32>
    %sub3A_676 = arith.subf %add3A_671, %sub3A_675 : vector<200x25xf32>
    %exp3A_677 = math.exp %sub3A_676 : vector<200x25xf32>
    %reduce_sum3A_678 = arith.constant dense<0.000000e+00> : vector<200xf32>
    %reduce_sum3A_679 = vector.multi_reduction <add>, %exp3A_677, %reduce_sum3A_678 [1] : vector<200x25xf32> to vector<200xf32>
    %broadcast_in_dim3A_680 = vector.shape_cast %reduce_sum3A_679 : vector<200xf32> to vector<200x1xf32>
    %div3A_681 = vector.broadcast %broadcast_in_dim3A_680 : vector<200x1xf32> to vector<200x25xf32>
    %div3A_682 = arith.divf %exp3A_677, %div3A_681 : vector<200x25xf32>
    %convert_element_type3A_683 = arith.truncf %div3A_682 : vector<200x25xf32> to vector<200x25xbf16>
    %slice3A_684 = vector.extract_strided_slice %dot_general3A_186 {offsets = [0, 0], sizes = [200, 25], strides = [1, 1]} : vector<200x26xf32> to vector<200x25xf32>
    %slice3A_685 = vector.extract_strided_slice %dot_general3A_186 {offsets = [0, 25], sizes = [200, 1], strides = [1, 1]} : vector<200x26xf32> to vector<200x1xf32>
    %max3A_686 = arith.constant 1.000000e+00 : f32
    %max3A_687 = vector.broadcast %max3A_686 : f32 to vector<200x1xf32>
    %max3A_688 = arith.maximumf %slice3A_685, %max3A_687 : vector<200x1xf32>
    %div3A_689 = vector.broadcast %max3A_688 : vector<200x1xf32> to vector<200x25xf32>
    %div3A_690 = arith.divf %slice3A_684, %div3A_689 : vector<200x25xf32>
    %add3A_691 = vector.broadcast %get3A_1 : vector<1x25xf32> to vector<200x25xf32>
    %add3A_692 = arith.addf %div3A_690, %add3A_691 : vector<200x25xf32>
    %reduce_max3A_693 = arith.constant dense<0xFF800000> : vector<200xf32>
    %reduce_max3A_694 = vector.multi_reduction <maximumf>, %add3A_692, %reduce_max3A_693 [1] : vector<200x25xf32> to vector<200xf32>
    %broadcast_in_dim3A_695 = vector.shape_cast %reduce_max3A_694 : vector<200xf32> to vector<200x1xf32>
    %sub3A_696 = vector.broadcast %broadcast_in_dim3A_695 : vector<200x1xf32> to vector<200x25xf32>
    %sub3A_697 = arith.subf %add3A_692, %sub3A_696 : vector<200x25xf32>
    %exp3A_698 = math.exp %sub3A_697 : vector<200x25xf32>
    %reduce_sum3A_699 = arith.constant dense<0.000000e+00> : vector<200xf32>
    %reduce_sum3A_700 = vector.multi_reduction <add>, %exp3A_698, %reduce_sum3A_699 [1] : vector<200x25xf32> to vector<200xf32>
    %broadcast_in_dim3A_701 = vector.shape_cast %reduce_sum3A_700 : vector<200xf32> to vector<200x1xf32>
    %div3A_702 = vector.broadcast %broadcast_in_dim3A_701 : vector<200x1xf32> to vector<200x25xf32>
    %div3A_703 = arith.divf %exp3A_698, %div3A_702 : vector<200x25xf32>
    %convert_element_type3A_704 = arith.truncf %div3A_703 : vector<200x25xf32> to vector<200x25xbf16>
    %dot_general3A_705 = arith.constant dense<0.000000e+00> : vector<200x25xf32>
    %dot_general3A_706 = tpu.matmul %convert_element_type3A_16, %convert_element_type3A_200, %dot_general3A_705 {dimension_numbers = #tpu.dot_dimension_numbers<[1], [0], [0], [1], [0, 0, 1, 1], [], []>, transpose_lhs_hint = false} : vector<200x200xbf16>, vector<200x25xbf16>, vector<200x25xf32> -> vector<200x25xf32>
    %dot_general3A_707 = arith.constant dense<0.000000e+00> : vector<200x25xf32>
    %dot_general3A_708 = tpu.matmul %convert_element_type3A_20, %convert_element_type3A_221, %dot_general3A_707 {dimension_numbers = #tpu.dot_dimension_numbers<[1], [0], [0], [1], [0, 0, 1, 1], [], []>, transpose_lhs_hint = false} : vector<200x200xbf16>, vector<200x25xbf16>, vector<200x25xf32> -> vector<200x25xf32>
    %dot_general3A_709 = arith.constant dense<0.000000e+00> : vector<200x25xf32>
    %dot_general3A_710 = tpu.matmul %convert_element_type3A_24, %convert_element_type3A_242, %dot_general3A_709 {dimension_numbers = #tpu.dot_dimension_numbers<[1], [0], [0], [1], [0, 0, 1, 1], [], []>, transpose_lhs_hint = false} : vector<200x200xbf16>, vector<200x25xbf16>, vector<200x25xf32> -> vector<200x25xf32>
    %dot_general3A_711 = arith.constant dense<0.000000e+00> : vector<200x25xf32>
    %dot_general3A_712 = tpu.matmul %convert_element_type3A_28, %convert_element_type3A_263, %dot_general3A_711 {dimension_numbers = #tpu.dot_dimension_numbers<[1], [0], [0], [1], [0, 0, 1, 1], [], []>, transpose_lhs_hint = false} : vector<200x200xbf16>, vector<200x25xbf16>, vector<200x25xf32> -> vector<200x25xf32>
    %dot_general3A_713 = arith.constant dense<0.000000e+00> : vector<200x25xf32>
    %dot_general3A_714 = tpu.matmul %convert_element_type3A_32, %convert_element_type3A_284, %dot_general3A_713 {dimension_numbers = #tpu.dot_dimension_numbers<[1], [0], [0], [1], [0, 0, 1, 1], [], []>, transpose_lhs_hint = false} : vector<200x200xbf16>, vector<200x25xbf16>, vector<200x25xf32> -> vector<200x25xf32>
    %dot_general3A_715 = arith.constant dense<0.000000e+00> : vector<200x25xf32>
    %dot_general3A_716 = tpu.matmul %convert_element_type3A_36, %convert_element_type3A_305, %dot_general3A_715 {dimension_numbers = #tpu.dot_dimension_numbers<[1], [0], [0], [1], [0, 0, 1, 1], [], []>, transpose_lhs_hint = false} : vector<200x200xbf16>, vector<200x25xbf16>, vector<200x25xf32> -> vector<200x25xf32>
    %dot_general3A_717 = arith.constant dense<0.000000e+00> : vector<200x25xf32>
    %dot_general3A_718 = tpu.matmul %convert_element_type3A_40, %convert_element_type3A_326, %dot_general3A_717 {dimension_numbers = #tpu.dot_dimension_numbers<[1], [0], [0], [1], [0, 0, 1, 1], [], []>, transpose_lhs_hint = false} : vector<200x200xbf16>, vector<200x25xbf16>, vector<200x25xf32> -> vector<200x25xf32>
    %dot_general3A_719 = arith.constant dense<0.000000e+00> : vector<200x25xf32>
    %dot_general3A_720 = tpu.matmul %convert_element_type3A_44, %convert_element_type3A_347, %dot_general3A_719 {dimension_numbers = #tpu.dot_dimension_numbers<[1], [0], [0], [1], [0, 0, 1, 1], [], []>, transpose_lhs_hint = false} : vector<200x200xbf16>, vector<200x25xbf16>, vector<200x25xf32> -> vector<200x25xf32>
    %dot_general3A_721 = arith.constant dense<0.000000e+00> : vector<200x25xf32>
    %dot_general3A_722 = tpu.matmul %convert_element_type3A_48, %convert_element_type3A_368, %dot_general3A_721 {dimension_numbers = #tpu.dot_dimension_numbers<[1], [0], [0], [1], [0, 0, 1, 1], [], []>, transpose_lhs_hint = false} : vector<200x200xbf16>, vector<200x25xbf16>, vector<200x25xf32> -> vector<200x25xf32>
    %dot_general3A_723 = arith.constant dense<0.000000e+00> : vector<200x25xf32>
    %dot_general3A_724 = tpu.matmul %convert_element_type3A_52, %convert_element_type3A_389, %dot_general3A_723 {dimension_numbers = #tpu.dot_dimension_numbers<[1], [0], [0], [1], [0, 0, 1, 1], [], []>, transpose_lhs_hint = false} : vector<200x200xbf16>, vector<200x25xbf16>, vector<200x25xf32> -> vector<200x25xf32>
    %dot_general3A_725 = arith.constant dense<0.000000e+00> : vector<200x25xf32>
    %dot_general3A_726 = tpu.matmul %convert_element_type3A_56, %convert_element_type3A_410, %dot_general3A_725 {dimension_numbers = #tpu.dot_dimension_numbers<[1], [0], [0], [1], [0, 0, 1, 1], [], []>, transpose_lhs_hint = false} : vector<200x200xbf16>, vector<200x25xbf16>, vector<200x25xf32> -> vector<200x25xf32>
    %dot_general3A_727 = arith.constant dense<0.000000e+00> : vector<200x25xf32>
    %dot_general3A_728 = tpu.matmul %convert_element_type3A_60, %convert_element_type3A_431, %dot_general3A_727 {dimension_numbers = #tpu.dot_dimension_numbers<[1], [0], [0], [1], [0, 0, 1, 1], [], []>, transpose_lhs_hint = false} : vector<200x200xbf16>, vector<200x25xbf16>, vector<200x25xf32> -> vector<200x25xf32>
    %dot_general3A_729 = arith.constant dense<0.000000e+00> : vector<200x25xf32>
    %dot_general3A_730 = tpu.matmul %convert_element_type3A_64, %convert_element_type3A_452, %dot_general3A_729 {dimension_numbers = #tpu.dot_dimension_numbers<[1], [0], [0], [1], [0, 0, 1, 1], [], []>, transpose_lhs_hint = false} : vector<200x200xbf16>, vector<200x25xbf16>, vector<200x25xf32> -> vector<200x25xf32>
    %dot_general3A_731 = arith.constant dense<0.000000e+00> : vector<200x25xf32>
    %dot_general3A_732 = tpu.matmul %convert_element_type3A_68, %convert_element_type3A_473, %dot_general3A_731 {dimension_numbers = #tpu.dot_dimension_numbers<[1], [0], [0], [1], [0, 0, 1, 1], [], []>, transpose_lhs_hint = false} : vector<200x200xbf16>, vector<200x25xbf16>, vector<200x25xf32> -> vector<200x25xf32>
    %dot_general3A_733 = arith.constant dense<0.000000e+00> : vector<200x25xf32>
    %dot_general3A_734 = tpu.matmul %convert_element_type3A_72, %convert_element_type3A_494, %dot_general3A_733 {dimension_numbers = #tpu.dot_dimension_numbers<[1], [0], [0], [1], [0, 0, 1, 1], [], []>, transpose_lhs_hint = false} : vector<200x200xbf16>, vector<200x25xbf16>, vector<200x25xf32> -> vector<200x25xf32>
    %dot_general3A_735 = arith.constant dense<0.000000e+00> : vector<200x25xf32>
    %dot_general3A_736 = tpu.matmul %convert_element_type3A_76, %convert_element_type3A_515, %dot_general3A_735 {dimension_numbers = #tpu.dot_dimension_numbers<[1], [0], [0], [1], [0, 0, 1, 1], [], []>, transpose_lhs_hint = false} : vector<200x200xbf16>, vector<200x25xbf16>, vector<200x25xf32> -> vector<200x25xf32>
    %dot_general3A_737 = arith.constant dense<0.000000e+00> : vector<200x25xf32>
    %dot_general3A_738 = tpu.matmul %convert_element_type3A_80, %convert_element_type3A_536, %dot_general3A_737 {dimension_numbers = #tpu.dot_dimension_numbers<[1], [0], [0], [1], [0, 0, 1, 1], [], []>, transpose_lhs_hint = false} : vector<200x200xbf16>, vector<200x25xbf16>, vector<200x25xf32> -> vector<200x25xf32>
    %dot_general3A_739 = arith.constant dense<0.000000e+00> : vector<200x25xf32>
    %dot_general3A_740 = tpu.matmul %convert_element_type3A_84, %convert_element_type3A_557, %dot_general3A_739 {dimension_numbers = #tpu.dot_dimension_numbers<[1], [0], [0], [1], [0, 0, 1, 1], [], []>, transpose_lhs_hint = false} : vector<200x200xbf16>, vector<200x25xbf16>, vector<200x25xf32> -> vector<200x25xf32>
    %dot_general3A_741 = arith.constant dense<0.000000e+00> : vector<200x25xf32>
    %dot_general3A_742 = tpu.matmul %convert_element_type3A_88, %convert_element_type3A_578, %dot_general3A_741 {dimension_numbers = #tpu.dot_dimension_numbers<[1], [0], [0], [1], [0, 0, 1, 1], [], []>, transpose_lhs_hint = false} : vector<200x200xbf16>, vector<200x25xbf16>, vector<200x25xf32> -> vector<200x25xf32>
    %dot_general3A_743 = arith.constant dense<0.000000e+00> : vector<200x25xf32>
    %dot_general3A_744 = tpu.matmul %convert_element_type3A_92, %convert_element_type3A_599, %dot_general3A_743 {dimension_numbers = #tpu.dot_dimension_numbers<[1], [0], [0], [1], [0, 0, 1, 1], [], []>, transpose_lhs_hint = false} : vector<200x200xbf16>, vector<200x25xbf16>, vector<200x25xf32> -> vector<200x25xf32>
    %dot_general3A_745 = arith.constant dense<0.000000e+00> : vector<200x25xf32>
    %dot_general3A_746 = tpu.matmul %convert_element_type3A_96, %convert_element_type3A_620, %dot_general3A_745 {dimension_numbers = #tpu.dot_dimension_numbers<[1], [0], [0], [1], [0, 0, 1, 1], [], []>, transpose_lhs_hint = false} : vector<200x200xbf16>, vector<200x25xbf16>, vector<200x25xf32> -> vector<200x25xf32>
    %dot_general3A_747 = arith.constant dense<0.000000e+00> : vector<200x25xf32>
    %dot_general3A_748 = tpu.matmul %convert_element_type3A_100, %convert_element_type3A_641, %dot_general3A_747 {dimension_numbers = #tpu.dot_dimension_numbers<[1], [0], [0], [1], [0, 0, 1, 1], [], []>, transpose_lhs_hint = false} : vector<200x200xbf16>, vector<200x25xbf16>, vector<200x25xf32> -> vector<200x25xf32>
    %dot_general3A_749 = arith.constant dense<0.000000e+00> : vector<200x25xf32>
    %dot_general3A_750 = tpu.matmul %convert_element_type3A_104, %convert_element_type3A_662, %dot_general3A_749 {dimension_numbers = #tpu.dot_dimension_numbers<[1], [0], [0], [1], [0, 0, 1, 1], [], []>, transpose_lhs_hint = false} : vector<200x200xbf16>, vector<200x25xbf16>, vector<200x25xf32> -> vector<200x25xf32>
    %dot_general3A_751 = arith.constant dense<0.000000e+00> : vector<200x25xf32>
    %dot_general3A_752 = tpu.matmul %convert_element_type3A_108, %convert_element_type3A_683, %dot_general3A_751 {dimension_numbers = #tpu.dot_dimension_numbers<[1], [0], [0], [1], [0, 0, 1, 1], [], []>, transpose_lhs_hint = false} : vector<200x200xbf16>, vector<200x25xbf16>, vector<200x25xf32> -> vector<200x25xf32>
    %dot_general3A_753 = arith.constant dense<0.000000e+00> : vector<200x25xf32>
    %dot_general3A_754 = tpu.matmul %convert_element_type3A_112, %convert_element_type3A_704, %dot_general3A_753 {dimension_numbers = #tpu.dot_dimension_numbers<[1], [0], [0], [1], [0, 0, 1, 1], [], []>, transpose_lhs_hint = false} : vector<200x200xbf16>, vector<200x25xbf16>, vector<200x25xf32> -> vector<200x25xf32>
    %slice3A_755 = vector.extract_strided_slice %convert_element_type3A_8 {offsets = [0, 0], sizes = [200, 128], strides = [1, 1]} : vector<5000x128xbf16> to vector<200x128xbf16>
    %convert_element_type3A_756 = arith.truncf %dot_general3A_706 : vector<200x25xf32> to vector<200x25xbf16>
    %concatenate3A_757 = tpu.concatenate %slice3A_755, %convert_element_type3A_756 in 1 : vector<200x128xbf16>, vector<200x25xbf16> -> vector<200x153xbf16>
    %dot_general3A_758 = arith.constant dense<0.000000e+00> : vector<25x153xf32>
    %dot_general3A_759 = tpu.matmul %convert_element_type3A_200, %concatenate3A_757, %dot_general3A_758 {dimension_numbers = #tpu.dot_dimension_numbers<[0], [0], [1], [1], [0, 1, 1, 1], [], []>, transpose_lhs_hint = false} : vector<200x25xbf16>, vector<200x153xbf16>, vector<25x153xf32> -> vector<25x153xf32>
    %slice3A_760 = vector.extract_strided_slice %convert_element_type3A_8 {offsets = [200, 0], sizes = [200, 128], strides = [1, 1]} : vector<5000x128xbf16> to vector<200x128xbf16>
    %convert_element_type3A_761 = arith.truncf %dot_general3A_708 : vector<200x25xf32> to vector<200x25xbf16>
    %concatenate3A_762 = tpu.concatenate %slice3A_760, %convert_element_type3A_761 in 1 : vector<200x128xbf16>, vector<200x25xbf16> -> vector<200x153xbf16>
    %dot_general3A_763 = arith.constant dense<0.000000e+00> : vector<25x153xf32>
    %dot_general3A_764 = tpu.matmul %convert_element_type3A_221, %concatenate3A_762, %dot_general3A_763 {dimension_numbers = #tpu.dot_dimension_numbers<[0], [0], [1], [1], [0, 1, 1, 1], [], []>, transpose_lhs_hint = false} : vector<200x25xbf16>, vector<200x153xbf16>, vector<25x153xf32> -> vector<25x153xf32>
    %slice3A_765 = vector.extract_strided_slice %convert_element_type3A_8 {offsets = [400, 0], sizes = [200, 128], strides = [1, 1]} : vector<5000x128xbf16> to vector<200x128xbf16>
    %convert_element_type3A_766 = arith.truncf %dot_general3A_710 : vector<200x25xf32> to vector<200x25xbf16>
    %concatenate3A_767 = tpu.concatenate %slice3A_765, %convert_element_type3A_766 in 1 : vector<200x128xbf16>, vector<200x25xbf16> -> vector<200x153xbf16>
    %dot_general3A_768 = arith.constant dense<0.000000e+00> : vector<25x153xf32>
    %dot_general3A_769 = tpu.matmul %convert_element_type3A_242, %concatenate3A_767, %dot_general3A_768 {dimension_numbers = #tpu.dot_dimension_numbers<[0], [0], [1], [1], [0, 1, 1, 1], [], []>, transpose_lhs_hint = false} : vector<200x25xbf16>, vector<200x153xbf16>, vector<25x153xf32> -> vector<25x153xf32>
    %slice3A_770 = vector.extract_strided_slice %convert_element_type3A_8 {offsets = [600, 0], sizes = [200, 128], strides = [1, 1]} : vector<5000x128xbf16> to vector<200x128xbf16>
    %convert_element_type3A_771 = arith.truncf %dot_general3A_712 : vector<200x25xf32> to vector<200x25xbf16>
    %concatenate3A_772 = tpu.concatenate %slice3A_770, %convert_element_type3A_771 in 1 : vector<200x128xbf16>, vector<200x25xbf16> -> vector<200x153xbf16>
    %dot_general3A_773 = arith.constant dense<0.000000e+00> : vector<25x153xf32>
    %dot_general3A_774 = tpu.matmul %convert_element_type3A_263, %concatenate3A_772, %dot_general3A_773 {dimension_numbers = #tpu.dot_dimension_numbers<[0], [0], [1], [1], [0, 1, 1, 1], [], []>, transpose_lhs_hint = false} : vector<200x25xbf16>, vector<200x153xbf16>, vector<25x153xf32> -> vector<25x153xf32>
    %slice3A_775 = vector.extract_strided_slice %convert_element_type3A_8 {offsets = [800, 0], sizes = [200, 128], strides = [1, 1]} : vector<5000x128xbf16> to vector<200x128xbf16>
    %convert_element_type3A_776 = arith.truncf %dot_general3A_714 : vector<200x25xf32> to vector<200x25xbf16>
    %concatenate3A_777 = tpu.concatenate %slice3A_775, %convert_element_type3A_776 in 1 : vector<200x128xbf16>, vector<200x25xbf16> -> vector<200x153xbf16>
    %dot_general3A_778 = arith.constant dense<0.000000e+00> : vector<25x153xf32>
    %dot_general3A_779 = tpu.matmul %convert_element_type3A_284, %concatenate3A_777, %dot_general3A_778 {dimension_numbers = #tpu.dot_dimension_numbers<[0], [0], [1], [1], [0, 1, 1, 1], [], []>, transpose_lhs_hint = false} : vector<200x25xbf16>, vector<200x153xbf16>, vector<25x153xf32> -> vector<25x153xf32>
    %slice3A_780 = vector.extract_strided_slice %convert_element_type3A_8 {offsets = [1000, 0], sizes = [200, 128], strides = [1, 1]} : vector<5000x128xbf16> to vector<200x128xbf16>
    %convert_element_type3A_781 = arith.truncf %dot_general3A_716 : vector<200x25xf32> to vector<200x25xbf16>
    %concatenate3A_782 = tpu.concatenate %slice3A_780, %convert_element_type3A_781 in 1 : vector<200x128xbf16>, vector<200x25xbf16> -> vector<200x153xbf16>
    %dot_general3A_783 = arith.constant dense<0.000000e+00> : vector<25x153xf32>
    %dot_general3A_784 = tpu.matmul %convert_element_type3A_305, %concatenate3A_782, %dot_general3A_783 {dimension_numbers = #tpu.dot_dimension_numbers<[0], [0], [1], [1], [0, 1, 1, 1], [], []>, transpose_lhs_hint = false} : vector<200x25xbf16>, vector<200x153xbf16>, vector<25x153xf32> -> vector<25x153xf32>
    %slice3A_785 = vector.extract_strided_slice %convert_element_type3A_8 {offsets = [1200, 0], sizes = [200, 128], strides = [1, 1]} : vector<5000x128xbf16> to vector<200x128xbf16>
    %convert_element_type3A_786 = arith.truncf %dot_general3A_718 : vector<200x25xf32> to vector<200x25xbf16>
    %concatenate3A_787 = tpu.concatenate %slice3A_785, %convert_element_type3A_786 in 1 : vector<200x128xbf16>, vector<200x25xbf16> -> vector<200x153xbf16>
    %dot_general3A_788 = arith.constant dense<0.000000e+00> : vector<25x153xf32>
    %dot_general3A_789 = tpu.matmul %convert_element_type3A_326, %concatenate3A_787, %dot_general3A_788 {dimension_numbers = #tpu.dot_dimension_numbers<[0], [0], [1], [1], [0, 1, 1, 1], [], []>, transpose_lhs_hint = false} : vector<200x25xbf16>, vector<200x153xbf16>, vector<25x153xf32> -> vector<25x153xf32>
    %slice3A_790 = vector.extract_strided_slice %convert_element_type3A_8 {offsets = [1400, 0], sizes = [200, 128], strides = [1, 1]} : vector<5000x128xbf16> to vector<200x128xbf16>
    %convert_element_type3A_791 = arith.truncf %dot_general3A_720 : vector<200x25xf32> to vector<200x25xbf16>
    %concatenate3A_792 = tpu.concatenate %slice3A_790, %convert_element_type3A_791 in 1 : vector<200x128xbf16>, vector<200x25xbf16> -> vector<200x153xbf16>
    %dot_general3A_793 = arith.constant dense<0.000000e+00> : vector<25x153xf32>
    %dot_general3A_794 = tpu.matmul %convert_element_type3A_347, %concatenate3A_792, %dot_general3A_793 {dimension_numbers = #tpu.dot_dimension_numbers<[0], [0], [1], [1], [0, 1, 1, 1], [], []>, transpose_lhs_hint = false} : vector<200x25xbf16>, vector<200x153xbf16>, vector<25x153xf32> -> vector<25x153xf32>
    %slice3A_795 = vector.extract_strided_slice %convert_element_type3A_8 {offsets = [1600, 0], sizes = [200, 128], strides = [1, 1]} : vector<5000x128xbf16> to vector<200x128xbf16>
    %convert_element_type3A_796 = arith.truncf %dot_general3A_722 : vector<200x25xf32> to vector<200x25xbf16>
    %concatenate3A_797 = tpu.concatenate %slice3A_795, %convert_element_type3A_796 in 1 : vector<200x128xbf16>, vector<200x25xbf16> -> vector<200x153xbf16>
    %dot_general3A_798 = arith.constant dense<0.000000e+00> : vector<25x153xf32>
    %dot_general3A_799 = tpu.matmul %convert_element_type3A_368, %concatenate3A_797, %dot_general3A_798 {dimension_numbers = #tpu.dot_dimension_numbers<[0], [0], [1], [1], [0, 1, 1, 1], [], []>, transpose_lhs_hint = false} : vector<200x25xbf16>, vector<200x153xbf16>, vector<25x153xf32> -> vector<25x153xf32>
    %slice3A_800 = vector.extract_strided_slice %convert_element_type3A_8 {offsets = [1800, 0], sizes = [200, 128], strides = [1, 1]} : vector<5000x128xbf16> to vector<200x128xbf16>
    %convert_element_type3A_801 = arith.truncf %dot_general3A_724 : vector<200x25xf32> to vector<200x25xbf16>
    %concatenate3A_802 = tpu.concatenate %slice3A_800, %convert_element_type3A_801 in 1 : vector<200x128xbf16>, vector<200x25xbf16> -> vector<200x153xbf16>
    %dot_general3A_803 = arith.constant dense<0.000000e+00> : vector<25x153xf32>
    %dot_general3A_804 = tpu.matmul %convert_element_type3A_389, %concatenate3A_802, %dot_general3A_803 {dimension_numbers = #tpu.dot_dimension_numbers<[0], [0], [1], [1], [0, 1, 1, 1], [], []>, transpose_lhs_hint = false} : vector<200x25xbf16>, vector<200x153xbf16>, vector<25x153xf32> -> vector<25x153xf32>
    %slice3A_805 = vector.extract_strided_slice %convert_element_type3A_8 {offsets = [2000, 0], sizes = [200, 128], strides = [1, 1]} : vector<5000x128xbf16> to vector<200x128xbf16>
    %convert_element_type3A_806 = arith.truncf %dot_general3A_726 : vector<200x25xf32> to vector<200x25xbf16>
    %concatenate3A_807 = tpu.concatenate %slice3A_805, %convert_element_type3A_806 in 1 : vector<200x128xbf16>, vector<200x25xbf16> -> vector<200x153xbf16>
    %dot_general3A_808 = arith.constant dense<0.000000e+00> : vector<25x153xf32>
    %dot_general3A_809 = tpu.matmul %convert_element_type3A_410, %concatenate3A_807, %dot_general3A_808 {dimension_numbers = #tpu.dot_dimension_numbers<[0], [0], [1], [1], [0, 1, 1, 1], [], []>, transpose_lhs_hint = false} : vector<200x25xbf16>, vector<200x153xbf16>, vector<25x153xf32> -> vector<25x153xf32>
    %slice3A_810 = vector.extract_strided_slice %convert_element_type3A_8 {offsets = [2200, 0], sizes = [200, 128], strides = [1, 1]} : vector<5000x128xbf16> to vector<200x128xbf16>
    %convert_element_type3A_811 = arith.truncf %dot_general3A_728 : vector<200x25xf32> to vector<200x25xbf16>
    %concatenate3A_812 = tpu.concatenate %slice3A_810, %convert_element_type3A_811 in 1 : vector<200x128xbf16>, vector<200x25xbf16> -> vector<200x153xbf16>
    %dot_general3A_813 = arith.constant dense<0.000000e+00> : vector<25x153xf32>
    %dot_general3A_814 = tpu.matmul %convert_element_type3A_431, %concatenate3A_812, %dot_general3A_813 {dimension_numbers = #tpu.dot_dimension_numbers<[0], [0], [1], [1], [0, 1, 1, 1], [], []>, transpose_lhs_hint = false} : vector<200x25xbf16>, vector<200x153xbf16>, vector<25x153xf32> -> vector<25x153xf32>
    %slice3A_815 = vector.extract_strided_slice %convert_element_type3A_8 {offsets = [2400, 0], sizes = [200, 128], strides = [1, 1]} : vector<5000x128xbf16> to vector<200x128xbf16>
    %convert_element_type3A_816 = arith.truncf %dot_general3A_730 : vector<200x25xf32> to vector<200x25xbf16>
    %concatenate3A_817 = tpu.concatenate %slice3A_815, %convert_element_type3A_816 in 1 : vector<200x128xbf16>, vector<200x25xbf16> -> vector<200x153xbf16>
    %dot_general3A_818 = arith.constant dense<0.000000e+00> : vector<25x153xf32>
    %dot_general3A_819 = tpu.matmul %convert_element_type3A_452, %concatenate3A_817, %dot_general3A_818 {dimension_numbers = #tpu.dot_dimension_numbers<[0], [0], [1], [1], [0, 1, 1, 1], [], []>, transpose_lhs_hint = false} : vector<200x25xbf16>, vector<200x153xbf16>, vector<25x153xf32> -> vector<25x153xf32>
    %slice3A_820 = vector.extract_strided_slice %convert_element_type3A_8 {offsets = [2600, 0], sizes = [200, 128], strides = [1, 1]} : vector<5000x128xbf16> to vector<200x128xbf16>
    %convert_element_type3A_821 = arith.truncf %dot_general3A_732 : vector<200x25xf32> to vector<200x25xbf16>
    %concatenate3A_822 = tpu.concatenate %slice3A_820, %convert_element_type3A_821 in 1 : vector<200x128xbf16>, vector<200x25xbf16> -> vector<200x153xbf16>
    %dot_general3A_823 = arith.constant dense<0.000000e+00> : vector<25x153xf32>
    %dot_general3A_824 = tpu.matmul %convert_element_type3A_473, %concatenate3A_822, %dot_general3A_823 {dimension_numbers = #tpu.dot_dimension_numbers<[0], [0], [1], [1], [0, 1, 1, 1], [], []>, transpose_lhs_hint = false} : vector<200x25xbf16>, vector<200x153xbf16>, vector<25x153xf32> -> vector<25x153xf32>
    %slice3A_825 = vector.extract_strided_slice %convert_element_type3A_8 {offsets = [2800, 0], sizes = [200, 128], strides = [1, 1]} : vector<5000x128xbf16> to vector<200x128xbf16>
    %convert_element_type3A_826 = arith.truncf %dot_general3A_734 : vector<200x25xf32> to vector<200x25xbf16>
    %concatenate3A_827 = tpu.concatenate %slice3A_825, %convert_element_type3A_826 in 1 : vector<200x128xbf16>, vector<200x25xbf16> -> vector<200x153xbf16>
    %dot_general3A_828 = arith.constant dense<0.000000e+00> : vector<25x153xf32>
    %dot_general3A_829 = tpu.matmul %convert_element_type3A_494, %concatenate3A_827, %dot_general3A_828 {dimension_numbers = #tpu.dot_dimension_numbers<[0], [0], [1], [1], [0, 1, 1, 1], [], []>, transpose_lhs_hint = false} : vector<200x25xbf16>, vector<200x153xbf16>, vector<25x153xf32> -> vector<25x153xf32>
    %slice3A_830 = vector.extract_strided_slice %convert_element_type3A_8 {offsets = [3000, 0], sizes = [200, 128], strides = [1, 1]} : vector<5000x128xbf16> to vector<200x128xbf16>
    %convert_element_type3A_831 = arith.truncf %dot_general3A_736 : vector<200x25xf32> to vector<200x25xbf16>
    %concatenate3A_832 = tpu.concatenate %slice3A_830, %convert_element_type3A_831 in 1 : vector<200x128xbf16>, vector<200x25xbf16> -> vector<200x153xbf16>
    %dot_general3A_833 = arith.constant dense<0.000000e+00> : vector<25x153xf32>
    %dot_general3A_834 = tpu.matmul %convert_element_type3A_515, %concatenate3A_832, %dot_general3A_833 {dimension_numbers = #tpu.dot_dimension_numbers<[0], [0], [1], [1], [0, 1, 1, 1], [], []>, transpose_lhs_hint = false} : vector<200x25xbf16>, vector<200x153xbf16>, vector<25x153xf32> -> vector<25x153xf32>
    %slice3A_835 = vector.extract_strided_slice %convert_element_type3A_8 {offsets = [3200, 0], sizes = [200, 128], strides = [1, 1]} : vector<5000x128xbf16> to vector<200x128xbf16>
    %convert_element_type3A_836 = arith.truncf %dot_general3A_738 : vector<200x25xf32> to vector<200x25xbf16>
    %concatenate3A_837 = tpu.concatenate %slice3A_835, %convert_element_type3A_836 in 1 : vector<200x128xbf16>, vector<200x25xbf16> -> vector<200x153xbf16>
    %dot_general3A_838 = arith.constant dense<0.000000e+00> : vector<25x153xf32>
    %dot_general3A_839 = tpu.matmul %convert_element_type3A_536, %concatenate3A_837, %dot_general3A_838 {dimension_numbers = #tpu.dot_dimension_numbers<[0], [0], [1], [1], [0, 1, 1, 1], [], []>, transpose_lhs_hint = false} : vector<200x25xbf16>, vector<200x153xbf16>, vector<25x153xf32> -> vector<25x153xf32>
    %slice3A_840 = vector.extract_strided_slice %convert_element_type3A_8 {offsets = [3400, 0], sizes = [200, 128], strides = [1, 1]} : vector<5000x128xbf16> to vector<200x128xbf16>
    %convert_element_type3A_841 = arith.truncf %dot_general3A_740 : vector<200x25xf32> to vector<200x25xbf16>
    %concatenate3A_842 = tpu.concatenate %slice3A_840, %convert_element_type3A_841 in 1 : vector<200x128xbf16>, vector<200x25xbf16> -> vector<200x153xbf16>
    %dot_general3A_843 = arith.constant dense<0.000000e+00> : vector<25x153xf32>
    %dot_general3A_844 = tpu.matmul %convert_element_type3A_557, %concatenate3A_842, %dot_general3A_843 {dimension_numbers = #tpu.dot_dimension_numbers<[0], [0], [1], [1], [0, 1, 1, 1], [], []>, transpose_lhs_hint = false} : vector<200x25xbf16>, vector<200x153xbf16>, vector<25x153xf32> -> vector<25x153xf32>
    %slice3A_845 = vector.extract_strided_slice %convert_element_type3A_8 {offsets = [3600, 0], sizes = [200, 128], strides = [1, 1]} : vector<5000x128xbf16> to vector<200x128xbf16>
    %convert_element_type3A_846 = arith.truncf %dot_general3A_742 : vector<200x25xf32> to vector<200x25xbf16>
    %concatenate3A_847 = tpu.concatenate %slice3A_845, %convert_element_type3A_846 in 1 : vector<200x128xbf16>, vector<200x25xbf16> -> vector<200x153xbf16>
    %dot_general3A_848 = arith.constant dense<0.000000e+00> : vector<25x153xf32>
    %dot_general3A_849 = tpu.matmul %convert_element_type3A_578, %concatenate3A_847, %dot_general3A_848 {dimension_numbers = #tpu.dot_dimension_numbers<[0], [0], [1], [1], [0, 1, 1, 1], [], []>, transpose_lhs_hint = false} : vector<200x25xbf16>, vector<200x153xbf16>, vector<25x153xf32> -> vector<25x153xf32>
    %slice3A_850 = vector.extract_strided_slice %convert_element_type3A_8 {offsets = [3800, 0], sizes = [200, 128], strides = [1, 1]} : vector<5000x128xbf16> to vector<200x128xbf16>
    %convert_element_type3A_851 = arith.truncf %dot_general3A_744 : vector<200x25xf32> to vector<200x25xbf16>
    %concatenate3A_852 = tpu.concatenate %slice3A_850, %convert_element_type3A_851 in 1 : vector<200x128xbf16>, vector<200x25xbf16> -> vector<200x153xbf16>
    %dot_general3A_853 = arith.constant dense<0.000000e+00> : vector<25x153xf32>
    %dot_general3A_854 = tpu.matmul %convert_element_type3A_599, %concatenate3A_852, %dot_general3A_853 {dimension_numbers = #tpu.dot_dimension_numbers<[0], [0], [1], [1], [0, 1, 1, 1], [], []>, transpose_lhs_hint = false} : vector<200x25xbf16>, vector<200x153xbf16>, vector<25x153xf32> -> vector<25x153xf32>
    %slice3A_855 = vector.extract_strided_slice %convert_element_type3A_8 {offsets = [4000, 0], sizes = [200, 128], strides = [1, 1]} : vector<5000x128xbf16> to vector<200x128xbf16>
    %convert_element_type3A_856 = arith.truncf %dot_general3A_746 : vector<200x25xf32> to vector<200x25xbf16>
    %concatenate3A_857 = tpu.concatenate %slice3A_855, %convert_element_type3A_856 in 1 : vector<200x128xbf16>, vector<200x25xbf16> -> vector<200x153xbf16>
    %dot_general3A_858 = arith.constant dense<0.000000e+00> : vector<25x153xf32>
    %dot_general3A_859 = tpu.matmul %convert_element_type3A_620, %concatenate3A_857, %dot_general3A_858 {dimension_numbers = #tpu.dot_dimension_numbers<[0], [0], [1], [1], [0, 1, 1, 1], [], []>, transpose_lhs_hint = false} : vector<200x25xbf16>, vector<200x153xbf16>, vector<25x153xf32> -> vector<25x153xf32>
    %slice3A_860 = vector.extract_strided_slice %convert_element_type3A_8 {offsets = [4200, 0], sizes = [200, 128], strides = [1, 1]} : vector<5000x128xbf16> to vector<200x128xbf16>
    %convert_element_type3A_861 = arith.truncf %dot_general3A_748 : vector<200x25xf32> to vector<200x25xbf16>
    %concatenate3A_862 = tpu.concatenate %slice3A_860, %convert_element_type3A_861 in 1 : vector<200x128xbf16>, vector<200x25xbf16> -> vector<200x153xbf16>
    %dot_general3A_863 = arith.constant dense<0.000000e+00> : vector<25x153xf32>
    %dot_general3A_864 = tpu.matmul %convert_element_type3A_641, %concatenate3A_862, %dot_general3A_863 {dimension_numbers = #tpu.dot_dimension_numbers<[0], [0], [1], [1], [0, 1, 1, 1], [], []>, transpose_lhs_hint = false} : vector<200x25xbf16>, vector<200x153xbf16>, vector<25x153xf32> -> vector<25x153xf32>
    %slice3A_865 = vector.extract_strided_slice %convert_element_type3A_8 {offsets = [4400, 0], sizes = [200, 128], strides = [1, 1]} : vector<5000x128xbf16> to vector<200x128xbf16>
    %convert_element_type3A_866 = arith.truncf %dot_general3A_750 : vector<200x25xf32> to vector<200x25xbf16>
    %concatenate3A_867 = tpu.concatenate %slice3A_865, %convert_element_type3A_866 in 1 : vector<200x128xbf16>, vector<200x25xbf16> -> vector<200x153xbf16>
    %dot_general3A_868 = arith.constant dense<0.000000e+00> : vector<25x153xf32>
    %dot_general3A_869 = tpu.matmul %convert_element_type3A_662, %concatenate3A_867, %dot_general3A_868 {dimension_numbers = #tpu.dot_dimension_numbers<[0], [0], [1], [1], [0, 1, 1, 1], [], []>, transpose_lhs_hint = false} : vector<200x25xbf16>, vector<200x153xbf16>, vector<25x153xf32> -> vector<25x153xf32>
    %slice3A_870 = vector.extract_strided_slice %convert_element_type3A_8 {offsets = [4600, 0], sizes = [200, 128], strides = [1, 1]} : vector<5000x128xbf16> to vector<200x128xbf16>
    %convert_element_type3A_871 = arith.truncf %dot_general3A_752 : vector<200x25xf32> to vector<200x25xbf16>
    %concatenate3A_872 = tpu.concatenate %slice3A_870, %convert_element_type3A_871 in 1 : vector<200x128xbf16>, vector<200x25xbf16> -> vector<200x153xbf16>
    %dot_general3A_873 = arith.constant dense<0.000000e+00> : vector<25x153xf32>
    %dot_general3A_874 = tpu.matmul %convert_element_type3A_683, %concatenate3A_872, %dot_general3A_873 {dimension_numbers = #tpu.dot_dimension_numbers<[0], [0], [1], [1], [0, 1, 1, 1], [], []>, transpose_lhs_hint = false} : vector<200x25xbf16>, vector<200x153xbf16>, vector<25x153xf32> -> vector<25x153xf32>
    %slice3A_875 = vector.extract_strided_slice %convert_element_type3A_8 {offsets = [4800, 0], sizes = [200, 128], strides = [1, 1]} : vector<5000x128xbf16> to vector<200x128xbf16>
    %convert_element_type3A_876 = arith.truncf %dot_general3A_754 : vector<200x25xf32> to vector<200x25xbf16>
    %concatenate3A_877 = tpu.concatenate %slice3A_875, %convert_element_type3A_876 in 1 : vector<200x128xbf16>, vector<200x25xbf16> -> vector<200x153xbf16>
    %dot_general3A_878 = arith.constant dense<0.000000e+00> : vector<25x153xf32>
    %dot_general3A_879 = tpu.matmul %convert_element_type3A_704, %concatenate3A_877, %dot_general3A_878 {dimension_numbers = #tpu.dot_dimension_numbers<[0], [0], [1], [1], [0, 1, 1, 1], [], []>, transpose_lhs_hint = false} : vector<200x25xbf16>, vector<200x153xbf16>, vector<25x153xf32> -> vector<25x153xf32>
    %broadcast_in_dim3A_880 = vector.shape_cast %dot_general3A_759 : vector<25x153xf32> to vector<1x25x153xf32>
    %mul3A = arith.constant 25 : i32
    %mul3A_881 = arith.muli %arg0, %mul3A : i32
    %add3A_882 = arith.constant 0 : i32
    %add3A_883 = arith.addi %mul3A_881, %add3A_882 : i32
    %swap3A = arith.index_cast %add3A_883 : i32 to index
    %swap3A_884 = arith.constant 0 : index
    %swap3A_885 = arith.constant 0 : index
    %swap3A_886 = vector.load %arg7[%swap3A, %swap3A_884, %swap3A_885] : memref<50x25x153xf32, #tpu.memory_space<vmem>>, vector<1x25x153xf32>
    tpu.vector_store %arg7[%swap3A, %swap3A_884, %swap3A_885], %broadcast_in_dim3A_880 {strides = array<i32>} : memref<50x25x153xf32, #tpu.memory_space<vmem>>, vector<1x25x153xf32>,
    %broadcast_in_dim3A_887 = vector.shape_cast %dot_general3A_764 : vector<25x153xf32> to vector<1x25x153xf32>
    %mul3A_888 = arith.constant 25 : i32
    %mul3A_889 = arith.muli %arg0, %mul3A_888 : i32
    %add3A_890 = arith.constant 1 : i32
    %add3A_891 = arith.addi %mul3A_889, %add3A_890 : i32
    %swap3A_892 = arith.index_cast %add3A_891 : i32 to index
    %swap3A_893 = arith.constant 0 : index
    %swap3A_894 = arith.constant 0 : index
    %swap3A_895 = vector.load %arg7[%swap3A_892, %swap3A_893, %swap3A_894] : memref<50x25x153xf32, #tpu.memory_space<vmem>>, vector<1x25x153xf32>
    tpu.vector_store %arg7[%swap3A_892, %swap3A_893, %swap3A_894], %broadcast_in_dim3A_887 {strides = array<i32>} : memref<50x25x153xf32, #tpu.memory_space<vmem>>, vector<1x25x153xf32>,
    %broadcast_in_dim3A_896 = vector.shape_cast %dot_general3A_769 : vector<25x153xf32> to vector<1x25x153xf32>
    %mul3A_897 = arith.constant 25 : i32
    %mul3A_898 = arith.muli %arg0, %mul3A_897 : i32
    %add3A_899 = arith.constant 2 : i32
    %add3A_900 = arith.addi %mul3A_898, %add3A_899 : i32
    %swap3A_901 = arith.index_cast %add3A_900 : i32 to index
    %swap3A_902 = arith.constant 0 : index
    %swap3A_903 = arith.constant 0 : index
    %swap3A_904 = vector.load %arg7[%swap3A_901, %swap3A_902, %swap3A_903] : memref<50x25x153xf32, #tpu.memory_space<vmem>>, vector<1x25x153xf32>
    tpu.vector_store %arg7[%swap3A_901, %swap3A_902, %swap3A_903], %broadcast_in_dim3A_896 {strides = array<i32>} : memref<50x25x153xf32, #tpu.memory_space<vmem>>, vector<1x25x153xf32>,
    %broadcast_in_dim3A_905 = vector.shape_cast %dot_general3A_774 : vector<25x153xf32> to vector<1x25x153xf32>
    %mul3A_906 = arith.constant 25 : i32
    %mul3A_907 = arith.muli %arg0, %mul3A_906 : i32
    %add3A_908 = arith.constant 3 : i32
    %add3A_909 = arith.addi %mul3A_907, %add3A_908 : i32
    %swap3A_910 = arith.index_cast %add3A_909 : i32 to index
    %swap3A_911 = arith.constant 0 : index
    %swap3A_912 = arith.constant 0 : index
    %swap3A_913 = vector.load %arg7[%swap3A_910, %swap3A_911, %swap3A_912] : memref<50x25x153xf32, #tpu.memory_space<vmem>>, vector<1x25x153xf32>
    tpu.vector_store %arg7[%swap3A_910, %swap3A_911, %swap3A_912], %broadcast_in_dim3A_905 {strides = array<i32>} : memref<50x25x153xf32, #tpu.memory_space<vmem>>, vector<1x25x153xf32>,
    %broadcast_in_dim3A_914 = vector.shape_cast %dot_general3A_779 : vector<25x153xf32> to vector<1x25x153xf32>
    %mul3A_915 = arith.constant 25 : i32
    %mul3A_916 = arith.muli %arg0, %mul3A_915 : i32
    %add3A_917 = arith.constant 4 : i32
    %add3A_918 = arith.addi %mul3A_916, %add3A_917 : i32
    %swap3A_919 = arith.index_cast %add3A_918 : i32 to index
    %swap3A_920 = arith.constant 0 : index
    %swap3A_921 = arith.constant 0 : index
    %swap3A_922 = vector.load %arg7[%swap3A_919, %swap3A_920, %swap3A_921] : memref<50x25x153xf32, #tpu.memory_space<vmem>>, vector<1x25x153xf32>
    tpu.vector_store %arg7[%swap3A_919, %swap3A_920, %swap3A_921], %broadcast_in_dim3A_914 {strides = array<i32>} : memref<50x25x153xf32, #tpu.memory_space<vmem>>, vector<1x25x153xf32>,
    %broadcast_in_dim3A_923 = vector.shape_cast %dot_general3A_784 : vector<25x153xf32> to vector<1x25x153xf32>
    %mul3A_924 = arith.constant 25 : i32
    %mul3A_925 = arith.muli %arg0, %mul3A_924 : i32
    %add3A_926 = arith.constant 5 : i32
    %add3A_927 = arith.addi %mul3A_925, %add3A_926 : i32
    %swap3A_928 = arith.index_cast %add3A_927 : i32 to index
    %swap3A_929 = arith.constant 0 : index
    %swap3A_930 = arith.constant 0 : index
    %swap3A_931 = vector.load %arg7[%swap3A_928, %swap3A_929, %swap3A_930] : memref<50x25x153xf32, #tpu.memory_space<vmem>>, vector<1x25x153xf32>
    tpu.vector_store %arg7[%swap3A_928, %swap3A_929, %swap3A_930], %broadcast_in_dim3A_923 {strides = array<i32>} : memref<50x25x153xf32, #tpu.memory_space<vmem>>, vector<1x25x153xf32>,
    %broadcast_in_dim3A_932 = vector.shape_cast %dot_general3A_789 : vector<25x153xf32> to vector<1x25x153xf32>
    %mul3A_933 = arith.constant 25 : i32
    %mul3A_934 = arith.muli %arg0, %mul3A_933 : i32
    %add3A_935 = arith.constant 6 : i32
    %add3A_936 = arith.addi %mul3A_934, %add3A_935 : i32
    %swap3A_937 = arith.index_cast %add3A_936 : i32 to index
    %swap3A_938 = arith.constant 0 : index
    %swap3A_939 = arith.constant 0 : index
    %swap3A_940 = vector.load %arg7[%swap3A_937, %swap3A_938, %swap3A_939] : memref<50x25x153xf32, #tpu.memory_space<vmem>>, vector<1x25x153xf32>
    tpu.vector_store %arg7[%swap3A_937, %swap3A_938, %swap3A_939], %broadcast_in_dim3A_932 {strides = array<i32>} : memref<50x25x153xf32, #tpu.memory_space<vmem>>, vector<1x25x153xf32>,
    %broadcast_in_dim3A_941 = vector.shape_cast %dot_general3A_794 : vector<25x153xf32> to vector<1x25x153xf32>
    %mul3A_942 = arith.constant 25 : i32
    %mul3A_943 = arith.muli %arg0, %mul3A_942 : i32
    %add3A_944 = arith.constant 7 : i32
    %add3A_945 = arith.addi %mul3A_943, %add3A_944 : i32
    %swap3A_946 = arith.index_cast %add3A_945 : i32 to index
    %swap3A_947 = arith.constant 0 : index
    %swap3A_948 = arith.constant 0 : index
    %swap3A_949 = vector.load %arg7[%swap3A_946, %swap3A_947, %swap3A_948] : memref<50x25x153xf32, #tpu.memory_space<vmem>>, vector<1x25x153xf32>
    tpu.vector_store %arg7[%swap3A_946, %swap3A_947, %swap3A_948], %broadcast_in_dim3A_941 {strides = array<i32>} : memref<50x25x153xf32, #tpu.memory_space<vmem>>, vector<1x25x153xf32>,
    %broadcast_in_dim3A_950 = vector.shape_cast %dot_general3A_799 : vector<25x153xf32> to vector<1x25x153xf32>
    %mul3A_951 = arith.constant 25 : i32
    %mul3A_952 = arith.muli %arg0, %mul3A_951 : i32
    %add3A_953 = arith.constant 8 : i32
    %add3A_954 = arith.addi %mul3A_952, %add3A_953 : i32
    %swap3A_955 = arith.index_cast %add3A_954 : i32 to index
    %swap3A_956 = arith.constant 0 : index
    %swap3A_957 = arith.constant 0 : index
    %swap3A_958 = vector.load %arg7[%swap3A_955, %swap3A_956, %swap3A_957] : memref<50x25x153xf32, #tpu.memory_space<vmem>>, vector<1x25x153xf32>
    tpu.vector_store %arg7[%swap3A_955, %swap3A_956, %swap3A_957], %broadcast_in_dim3A_950 {strides = array<i32>} : memref<50x25x153xf32, #tpu.memory_space<vmem>>, vector<1x25x153xf32>,
    %broadcast_in_dim3A_959 = vector.shape_cast %dot_general3A_804 : vector<25x153xf32> to vector<1x25x153xf32>
    %mul3A_960 = arith.constant 25 : i32
    %mul3A_961 = arith.muli %arg0, %mul3A_960 : i32
    %add3A_962 = arith.constant 9 : i32
    %add3A_963 = arith.addi %mul3A_961, %add3A_962 : i32
    %swap3A_964 = arith.index_cast %add3A_963 : i32 to index
    %swap3A_965 = arith.constant 0 : index
    %swap3A_966 = arith.constant 0 : index
    %swap3A_967 = vector.load %arg7[%swap3A_964, %swap3A_965, %swap3A_966] : memref<50x25x153xf32, #tpu.memory_space<vmem>>, vector<1x25x153xf32>
    tpu.vector_store %arg7[%swap3A_964, %swap3A_965, %swap3A_966], %broadcast_in_dim3A_959 {strides = array<i32>} : memref<50x25x153xf32, #tpu.memory_space<vmem>>, vector<1x25x153xf32>,
    %broadcast_in_dim3A_968 = vector.shape_cast %dot_general3A_809 : vector<25x153xf32> to vector<1x25x153xf32>
    %mul3A_969 = arith.constant 25 : i32
    %mul3A_970 = arith.muli %arg0, %mul3A_969 : i32
    %add3A_971 = arith.constant 10 : i32
    %add3A_972 = arith.addi %mul3A_970, %add3A_971 : i32
    %swap3A_973 = arith.index_cast %add3A_972 : i32 to index
    %swap3A_974 = arith.constant 0 : index
    %swap3A_975 = arith.constant 0 : index
    %swap3A_976 = vector.load %arg7[%swap3A_973, %swap3A_974, %swap3A_975] : memref<50x25x153xf32, #tpu.memory_space<vmem>>, vector<1x25x153xf32>
    tpu.vector_store %arg7[%swap3A_973, %swap3A_974, %swap3A_975], %broadcast_in_dim3A_968 {strides = array<i32>} : memref<50x25x153xf32, #tpu.memory_space<vmem>>, vector<1x25x153xf32>,
    %broadcast_in_dim3A_977 = vector.shape_cast %dot_general3A_814 : vector<25x153xf32> to vector<1x25x153xf32>
    %mul3A_978 = arith.constant 25 : i32
    %mul3A_979 = arith.muli %arg0, %mul3A_978 : i32
    %add3A_980 = arith.constant 11 : i32
    %add3A_981 = arith.addi %mul3A_979, %add3A_980 : i32
    %swap3A_982 = arith.index_cast %add3A_981 : i32 to index
    %swap3A_983 = arith.constant 0 : index
    %swap3A_984 = arith.constant 0 : index
    %swap3A_985 = vector.load %arg7[%swap3A_982, %swap3A_983, %swap3A_984] : memref<50x25x153xf32, #tpu.memory_space<vmem>>, vector<1x25x153xf32>
    tpu.vector_store %arg7[%swap3A_982, %swap3A_983, %swap3A_984], %broadcast_in_dim3A_977 {strides = array<i32>} : memref<50x25x153xf32, #tpu.memory_space<vmem>>, vector<1x25x153xf32>,
    %broadcast_in_dim3A_986 = vector.shape_cast %dot_general3A_819 : vector<25x153xf32> to vector<1x25x153xf32>
    %mul3A_987 = arith.constant 25 : i32
    %mul3A_988 = arith.muli %arg0, %mul3A_987 : i32
    %add3A_989 = arith.constant 12 : i32
    %add3A_990 = arith.addi %mul3A_988, %add3A_989 : i32
    %swap3A_991 = arith.index_cast %add3A_990 : i32 to index
    %swap3A_992 = arith.constant 0 : index
    %swap3A_993 = arith.constant 0 : index
    %swap3A_994 = vector.load %arg7[%swap3A_991, %swap3A_992, %swap3A_993] : memref<50x25x153xf32, #tpu.memory_space<vmem>>, vector<1x25x153xf32>
    tpu.vector_store %arg7[%swap3A_991, %swap3A_992, %swap3A_993], %broadcast_in_dim3A_986 {strides = array<i32>} : memref<50x25x153xf32, #tpu.memory_space<vmem>>, vector<1x25x153xf32>,
    %broadcast_in_dim3A_995 = vector.shape_cast %dot_general3A_824 : vector<25x153xf32> to vector<1x25x153xf32>
    %mul3A_996 = arith.constant 25 : i32
    %mul3A_997 = arith.muli %arg0, %mul3A_996 : i32
    %add3A_998 = arith.constant 13 : i32
    %add3A_999 = arith.addi %mul3A_997, %add3A_998 : i32
    %swap3A_1000 = arith.index_cast %add3A_999 : i32 to index
    %swap3A_1001 = arith.constant 0 : index
    %swap3A_1002 = arith.constant 0 : index
    %swap3A_1003 = vector.load %arg7[%swap3A_1000, %swap3A_1001, %swap3A_1002] : memref<50x25x153xf32, #tpu.memory_space<vmem>>, vector<1x25x153xf32>
    tpu.vector_store %arg7[%swap3A_1000, %swap3A_1001, %swap3A_1002], %broadcast_in_dim3A_995 {strides = array<i32>} : memref<50x25x153xf32, #tpu.memory_space<vmem>>, vector<1x25x153xf32>,
    %broadcast_in_dim3A_1004 = vector.shape_cast %dot_general3A_829 : vector<25x153xf32> to vector<1x25x153xf32>
    %mul3A_1005 = arith.constant 25 : i32
    %mul3A_1006 = arith.muli %arg0, %mul3A_1005 : i32
    %add3A_1007 = arith.constant 14 : i32
    %add3A_1008 = arith.addi %mul3A_1006, %add3A_1007 : i32
    %swap3A_1009 = arith.index_cast %add3A_1008 : i32 to index
    %swap3A_1010 = arith.constant 0 : index
    %swap3A_1011 = arith.constant 0 : index
    %swap3A_1012 = vector.load %arg7[%swap3A_1009, %swap3A_1010, %swap3A_1011] : memref<50x25x153xf32, #tpu.memory_space<vmem>>, vector<1x25x153xf32>
    tpu.vector_store %arg7[%swap3A_1009, %swap3A_1010, %swap3A_1011], %broadcast_in_dim3A_1004 {strides = array<i32>} : memref<50x25x153xf32, #tpu.memory_space<vmem>>, vector<1x25x153xf32>,
    %broadcast_in_dim3A_1013 = vector.shape_cast %dot_general3A_834 : vector<25x153xf32> to vector<1x25x153xf32>
    %mul3A_1014 = arith.constant 25 : i32
    %mul3A_1015 = arith.muli %arg0, %mul3A_1014 : i32
    %add3A_1016 = arith.constant 15 : i32
    %add3A_1017 = arith.addi %mul3A_1015, %add3A_1016 : i32
    %swap3A_1018 = arith.index_cast %add3A_1017 : i32 to index
    %swap3A_1019 = arith.constant 0 : index
    %swap3A_1020 = arith.constant 0 : index
    %swap3A_1021 = vector.load %arg7[%swap3A_1018, %swap3A_1019, %swap3A_1020] : memref<50x25x153xf32, #tpu.memory_space<vmem>>, vector<1x25x153xf32>
    tpu.vector_store %arg7[%swap3A_1018, %swap3A_1019, %swap3A_1020], %broadcast_in_dim3A_1013 {strides = array<i32>} : memref<50x25x153xf32, #tpu.memory_space<vmem>>, vector<1x25x153xf32>,
    %broadcast_in_dim3A_1022 = vector.shape_cast %dot_general3A_839 : vector<25x153xf32> to vector<1x25x153xf32>
    %mul3A_1023 = arith.constant 25 : i32
    %mul3A_1024 = arith.muli %arg0, %mul3A_1023 : i32
    %add3A_1025 = arith.constant 16 : i32
    %add3A_1026 = arith.addi %mul3A_1024, %add3A_1025 : i32
    %swap3A_1027 = arith.index_cast %add3A_1026 : i32 to index
    %swap3A_1028 = arith.constant 0 : index
    %swap3A_1029 = arith.constant 0 : index
    %swap3A_1030 = vector.load %arg7[%swap3A_1027, %swap3A_1028, %swap3A_1029] : memref<50x25x153xf32, #tpu.memory_space<vmem>>, vector<1x25x153xf32>
    tpu.vector_store %arg7[%swap3A_1027, %swap3A_1028, %swap3A_1029], %broadcast_in_dim3A_1022 {strides = array<i32>} : memref<50x25x153xf32, #tpu.memory_space<vmem>>, vector<1x25x153xf32>,
    %broadcast_in_dim3A_1031 = vector.shape_cast %dot_general3A_844 : vector<25x153xf32> to vector<1x25x153xf32>
    %mul3A_1032 = arith.constant 25 : i32
    %mul3A_1033 = arith.muli %arg0, %mul3A_1032 : i32
    %add3A_1034 = arith.constant 17 : i32
    %add3A_1035 = arith.addi %mul3A_1033, %add3A_1034 : i32
    %swap3A_1036 = arith.index_cast %add3A_1035 : i32 to index
    %swap3A_1037 = arith.constant 0 : index
    %swap3A_1038 = arith.constant 0 : index
    %swap3A_1039 = vector.load %arg7[%swap3A_1036, %swap3A_1037, %swap3A_1038] : memref<50x25x153xf32, #tpu.memory_space<vmem>>, vector<1x25x153xf32>
    tpu.vector_store %arg7[%swap3A_1036, %swap3A_1037, %swap3A_1038], %broadcast_in_dim3A_1031 {strides = array<i32>} : memref<50x25x153xf32, #tpu.memory_space<vmem>>, vector<1x25x153xf32>,
    %broadcast_in_dim3A_1040 = vector.shape_cast %dot_general3A_849 : vector<25x153xf32> to vector<1x25x153xf32>
    %mul3A_1041 = arith.constant 25 : i32
    %mul3A_1042 = arith.muli %arg0, %mul3A_1041 : i32
    %add3A_1043 = arith.constant 18 : i32
    %add3A_1044 = arith.addi %mul3A_1042, %add3A_1043 : i32
    %swap3A_1045 = arith.index_cast %add3A_1044 : i32 to index
    %swap3A_1046 = arith.constant 0 : index
    %swap3A_1047 = arith.constant 0 : index
    %swap3A_1048 = vector.load %arg7[%swap3A_1045, %swap3A_1046, %swap3A_1047] : memref<50x25x153xf32, #tpu.memory_space<vmem>>, vector<1x25x153xf32>
    tpu.vector_store %arg7[%swap3A_1045, %swap3A_1046, %swap3A_1047], %broadcast_in_dim3A_1040 {strides = array<i32>} : memref<50x25x153xf32, #tpu.memory_space<vmem>>, vector<1x25x153xf32>,
    %broadcast_in_dim3A_1049 = vector.shape_cast %dot_general3A_854 : vector<25x153xf32> to vector<1x25x153xf32>
    %mul3A_1050 = arith.constant 25 : i32
    %mul3A_1051 = arith.muli %arg0, %mul3A_1050 : i32
    %add3A_1052 = arith.constant 19 : i32
    %add3A_1053 = arith.addi %mul3A_1051, %add3A_1052 : i32
    %swap3A_1054 = arith.index_cast %add3A_1053 : i32 to index
    %swap3A_1055 = arith.constant 0 : index
    %swap3A_1056 = arith.constant 0 : index
    %swap3A_1057 = vector.load %arg7[%swap3A_1054, %swap3A_1055, %swap3A_1056] : memref<50x25x153xf32, #tpu.memory_space<vmem>>, vector<1x25x153xf32>
    tpu.vector_store %arg7[%swap3A_1054, %swap3A_1055, %swap3A_1056], %broadcast_in_dim3A_1049 {strides = array<i32>} : memref<50x25x153xf32, #tpu.memory_space<vmem>>, vector<1x25x153xf32>,
    %broadcast_in_dim3A_1058 = vector.shape_cast %dot_general3A_859 : vector<25x153xf32> to vector<1x25x153xf32>
    %mul3A_1059 = arith.constant 25 : i32
    %mul3A_1060 = arith.muli %arg0, %mul3A_1059 : i32
    %add3A_1061 = arith.constant 20 : i32
    %add3A_1062 = arith.addi %mul3A_1060, %add3A_1061 : i32
    %swap3A_1063 = arith.index_cast %add3A_1062 : i32 to index
    %swap3A_1064 = arith.constant 0 : index
    %swap3A_1065 = arith.constant 0 : index
    %swap3A_1066 = vector.load %arg7[%swap3A_1063, %swap3A_1064, %swap3A_1065] : memref<50x25x153xf32, #tpu.memory_space<vmem>>, vector<1x25x153xf32>
    tpu.vector_store %arg7[%swap3A_1063, %swap3A_1064, %swap3A_1065], %broadcast_in_dim3A_1058 {strides = array<i32>} : memref<50x25x153xf32, #tpu.memory_space<vmem>>, vector<1x25x153xf32>,
    %broadcast_in_dim3A_1067 = vector.shape_cast %dot_general3A_864 : vector<25x153xf32> to vector<1x25x153xf32>
    %mul3A_1068 = arith.constant 25 : i32
    %mul3A_1069 = arith.muli %arg0, %mul3A_1068 : i32
    %add3A_1070 = arith.constant 21 : i32
    %add3A_1071 = arith.addi %mul3A_1069, %add3A_1070 : i32
    %swap3A_1072 = arith.index_cast %add3A_1071 : i32 to index
    %swap3A_1073 = arith.constant 0 : index
    %swap3A_1074 = arith.constant 0 : index
    %swap3A_1075 = vector.load %arg7[%swap3A_1072, %swap3A_1073, %swap3A_1074] : memref<50x25x153xf32, #tpu.memory_space<vmem>>, vector<1x25x153xf32>
    tpu.vector_store %arg7[%swap3A_1072, %swap3A_1073, %swap3A_1074], %broadcast_in_dim3A_1067 {strides = array<i32>} : memref<50x25x153xf32, #tpu.memory_space<vmem>>, vector<1x25x153xf32>,
    %broadcast_in_dim3A_1076 = vector.shape_cast %dot_general3A_869 : vector<25x153xf32> to vector<1x25x153xf32>
    %mul3A_1077 = arith.constant 25 : i32
    %mul3A_1078 = arith.muli %arg0, %mul3A_1077 : i32
    %add3A_1079 = arith.constant 22 : i32
    %add3A_1080 = arith.addi %mul3A_1078, %add3A_1079 : i32
    %swap3A_1081 = arith.index_cast %add3A_1080 : i32 to index
    %swap3A_1082 = arith.constant 0 : index
    %swap3A_1083 = arith.constant 0 : index
    %swap3A_1084 = vector.load %arg7[%swap3A_1081, %swap3A_1082, %swap3A_1083] : memref<50x25x153xf32, #tpu.memory_space<vmem>>, vector<1x25x153xf32>
    tpu.vector_store %arg7[%swap3A_1081, %swap3A_1082, %swap3A_1083], %broadcast_in_dim3A_1076 {strides = array<i32>} : memref<50x25x153xf32, #tpu.memory_space<vmem>>, vector<1x25x153xf32>,
    %broadcast_in_dim3A_1085 = vector.shape_cast %dot_general3A_874 : vector<25x153xf32> to vector<1x25x153xf32>
    %mul3A_1086 = arith.constant 25 : i32
    %mul3A_1087 = arith.muli %arg0, %mul3A_1086 : i32
    %add3A_1088 = arith.constant 23 : i32
    %add3A_1089 = arith.addi %mul3A_1087, %add3A_1088 : i32
    %swap3A_1090 = arith.index_cast %add3A_1089 : i32 to index
    %swap3A_1091 = arith.constant 0 : index
    %swap3A_1092 = arith.constant 0 : index
    %swap3A_1093 = vector.load %arg7[%swap3A_1090, %swap3A_1091, %swap3A_1092] : memref<50x25x153xf32, #tpu.memory_space<vmem>>, vector<1x25x153xf32>
    tpu.vector_store %arg7[%swap3A_1090, %swap3A_1091, %swap3A_1092], %broadcast_in_dim3A_1085 {strides = array<i32>} : memref<50x25x153xf32, #tpu.memory_space<vmem>>, vector<1x25x153xf32>,
    %broadcast_in_dim3A_1094 = vector.shape_cast %dot_general3A_879 : vector<25x153xf32> to vector<1x25x153xf32>
    %mul3A_1095 = arith.constant 25 : i32
    %mul3A_1096 = arith.muli %arg0, %mul3A_1095 : i32
    %add3A_1097 = arith.constant 24 : i32
    %add3A_1098 = arith.addi %mul3A_1096, %add3A_1097 : i32
    %swap3A_1099 = arith.index_cast %add3A_1098 : i32 to index
    %swap3A_1100 = arith.constant 0 : index
    %swap3A_1101 = arith.constant 0 : index
    %swap3A_1102 = vector.load %arg7[%swap3A_1099, %swap3A_1100, %swap3A_1101] : memref<50x25x153xf32, #tpu.memory_space<vmem>>, vector<1x25x153xf32>
    tpu.vector_store %arg7[%swap3A_1099, %swap3A_1100, %swap3A_1101], %broadcast_in_dim3A_1094 {strides = array<i32>} : memref<50x25x153xf32, #tpu.memory_space<vmem>>, vector<1x25x153xf32>,
    %eq3A = arith.constant 1 : i32
    %eq3A_1103 = arith.cmpi eq, %arg0, %eq3A : i32
    %convert_element_type3A_1104 = arith.extui %eq3A_1103 : i1 to i32
    %cond3A = arith.constant 0 : i32
    %cond3A_1105 = arith.cmpi ne, %convert_element_type3A_1104, %cond3A : i32
    scf.if %cond3A_1105 {
      %get3A_1106 = arith.constant 0 : index
      %get3A_1107 = arith.constant 0 : index
      %get3A_1108 = arith.constant 0 : index
      %get3A_1109 = vector.load %arg7[%get3A_1106, %get3A_1107, %get3A_1108] : memref<50x25x153xf32, #tpu.memory_space<vmem>>, vector<1x25x153xf32>
      %get3A_1110 = vector.shape_cast %get3A_1109 : vector<1x25x153xf32> to vector<25x153xf32>
      %slice3A_1111 = vector.extract_strided_slice %get3A_1110 {offsets = [0, 0], sizes = [25, 128], strides = [1, 1]} : vector<25x153xf32> to vector<25x128xf32>
      %reshape3A = vector.shape_cast %slice3A_1111 : vector<25x128xf32> to vector<25x1x128xf32>
      %swap3A_1112 = arith.constant 0 : index
      %swap3A_1113 = arith.constant 0 : index
      %swap3A_1114 = arith.constant 0 : index
      %swap3A_1115 = vector.load %arg6[%swap3A_1112, %swap3A_1113, %swap3A_1114] : memref<25x50x128xf32, #tpu.memory_space<vmem>>, vector<25x1x128xf32>
      tpu.vector_store %arg6[%swap3A_1112, %swap3A_1113, %swap3A_1114], %reshape3A {strides = array<i32>} : memref<25x50x128xf32, #tpu.memory_space<vmem>>, vector<25x1x128xf32>,
      %add3A_1116 = arith.constant 0 : i32
      %add3A_1117 = vector.broadcast %add3A_1116 : i32 to vector<25x1250xi32>
      %add3A_1118 = arith.addi %iota3A, %add3A_1117 : vector<25x1250xi32>
      %eq3A_1119 = arith.cmpi eq, %iota3A_12, %add3A_1118 : vector<25x1250xi32>
      %convert_element_type3A_1120 = arith.extui %eq3A_1119 : vector<25x1250xi1> to vector<25x1250xi32>
      %convert_element_type3A_1121 = arith.sitofp %convert_element_type3A_1120 : vector<25x1250xi32> to vector<25x1250xf32>
      %convert_element_type3A_1122 = arith.truncf %convert_element_type3A_1121 : vector<25x1250xf32> to vector<25x1250xbf16>
      %slice3A_1123 = vector.extract_strided_slice %get3A_1110 {offsets = [0, 128], sizes = [25, 25], strides = [1, 1]} : vector<25x153xf32> to vector<25x25xf32>
      %convert_element_type3A_1124 = arith.truncf %slice3A_1123 : vector<25x25xf32> to vector<25x25xbf16>
      %dot_general3A_1125 = arith.constant dense<0.000000e+00> : vector<25x1250xf32>
      %dot_general3A_1126 = tpu.matmul %convert_element_type3A_1124, %convert_element_type3A_1122, %dot_general3A_1125 {dimension_numbers = #tpu.dot_dimension_numbers<[1], [0], [0], [1], [0, 0, 1, 1], [], []>, transpose_lhs_hint = false} : vector<25x25xbf16>, vector<25x1250xbf16>, vector<25x1250xf32> -> vector<25x1250xf32>
      %swap3A_1127 = arith.constant 0 : index
      %swap3A_1128 = arith.constant 0 : index
      %swap3A_1129 = vector.load %arg5[%swap3A_1127, %swap3A_1128] : memref<1250x1250xf32, #tpu.memory_space<vmem>>, vector<25x1250xf32>
      tpu.vector_store %arg5[%swap3A_1127, %swap3A_1128], %dot_general3A_1126 {strides = array<i32>} : memref<1250x1250xf32, #tpu.memory_space<vmem>>, vector<25x1250xf32>,
      %get3A_1130 = arith.constant 1 : index
      %get3A_1131 = arith.constant 0 : index
      %get3A_1132 = arith.constant 0 : index
      %get3A_1133 = vector.load %arg7[%get3A_1130, %get3A_1131, %get3A_1132] : memref<50x25x153xf32, #tpu.memory_space<vmem>>, vector<1x25x153xf32>
      %get3A_1134 = vector.shape_cast %get3A_1133 : vector<1x25x153xf32> to vector<25x153xf32>
      %slice3A_1135 = vector.extract_strided_slice %get3A_1134 {offsets = [0, 0], sizes = [25, 128], strides = [1, 1]} : vector<25x153xf32> to vector<25x128xf32>
      %reshape3A_1136 = vector.shape_cast %slice3A_1135 : vector<25x128xf32> to vector<25x1x128xf32>
      %swap3A_1137 = arith.constant 0 : index
      %swap3A_1138 = arith.constant 1 : index
      %swap3A_1139 = arith.constant 0 : index
      %swap3A_1140 = vector.load %arg6[%swap3A_1137, %swap3A_1138, %swap3A_1139] : memref<25x50x128xf32, #tpu.memory_space<vmem>>, vector<25x1x128xf32>
      tpu.vector_store %arg6[%swap3A_1137, %swap3A_1138, %swap3A_1139], %reshape3A_1136 {strides = array<i32>} : memref<25x50x128xf32, #tpu.memory_space<vmem>>, vector<25x1x128xf32>,
      %add3A_1141 = arith.constant 25 : i32
      %add3A_1142 = vector.broadcast %add3A_1141 : i32 to vector<25x1250xi32>
      %add3A_1143 = arith.addi %iota3A, %add3A_1142 : vector<25x1250xi32>
      %eq3A_1144 = arith.cmpi eq, %iota3A_12, %add3A_1143 : vector<25x1250xi32>
      %convert_element_type3A_1145 = arith.extui %eq3A_1144 : vector<25x1250xi1> to vector<25x1250xi32>
      %convert_element_type3A_1146 = arith.sitofp %convert_element_type3A_1145 : vector<25x1250xi32> to vector<25x1250xf32>
      %convert_element_type3A_1147 = arith.truncf %convert_element_type3A_1146 : vector<25x1250xf32> to vector<25x1250xbf16>
      %slice3A_1148 = vector.extract_strided_slice %get3A_1134 {offsets = [0, 128], sizes = [25, 25], strides = [1, 1]} : vector<25x153xf32> to vector<25x25xf32>
      %convert_element_type3A_1149 = arith.truncf %slice3A_1148 : vector<25x25xf32> to vector<25x25xbf16>
      %dot_general3A_1150 = arith.constant dense<0.000000e+00> : vector<25x1250xf32>
      %dot_general3A_1151 = tpu.matmul %convert_element_type3A_1149, %convert_element_type3A_1147, %dot_general3A_1150 {dimension_numbers = #tpu.dot_dimension_numbers<[1], [0], [0], [1], [0, 0, 1, 1], [], []>, transpose_lhs_hint = false} : vector<25x25xbf16>, vector<25x1250xbf16>, vector<25x1250xf32> -> vector<25x1250xf32>
      %swap3A_1152 = arith.constant 25 : index
      %swap3A_1153 = arith.constant 0 : index
      %swap3A_1154 = vector.load %arg5[%swap3A_1152, %swap3A_1153] : memref<1250x1250xf32, #tpu.memory_space<vmem>>, vector<25x1250xf32>
      tpu.vector_store %arg5[%swap3A_1152, %swap3A_1153], %dot_general3A_1151 {strides = array<i32>} : memref<1250x1250xf32, #tpu.memory_space<vmem>>, vector<25x1250xf32>,
      %get3A_1155 = arith.constant 2 : index
      %get3A_1156 = arith.constant 0 : index
      %get3A_1157 = arith.constant 0 : index
      %get3A_1158 = vector.load %arg7[%get3A_1155, %get3A_1156, %get3A_1157] : memref<50x25x153xf32, #tpu.memory_space<vmem>>, vector<1x25x153xf32>
      %get3A_1159 = vector.shape_cast %get3A_1158 : vector<1x25x153xf32> to vector<25x153xf32>
      %slice3A_1160 = vector.extract_strided_slice %get3A_1159 {offsets = [0, 0], sizes = [25, 128], strides = [1, 1]} : vector<25x153xf32> to vector<25x128xf32>
      %reshape3A_1161 = vector.shape_cast %slice3A_1160 : vector<25x128xf32> to vector<25x1x128xf32>
      %swap3A_1162 = arith.constant 0 : index
      %swap3A_1163 = arith.constant 2 : index
      %swap3A_1164 = arith.constant 0 : index
      %swap3A_1165 = vector.load %arg6[%swap3A_1162, %swap3A_1163, %swap3A_1164] : memref<25x50x128xf32, #tpu.memory_space<vmem>>, vector<25x1x128xf32>
      tpu.vector_store %arg6[%swap3A_1162, %swap3A_1163, %swap3A_1164], %reshape3A_1161 {strides = array<i32>} : memref<25x50x128xf32, #tpu.memory_space<vmem>>, vector<25x1x128xf32>,
      %add3A_1166 = arith.constant 50 : i32
      %add3A_1167 = vector.broadcast %add3A_1166 : i32 to vector<25x1250xi32>
      %add3A_1168 = arith.addi %iota3A, %add3A_1167 : vector<25x1250xi32>
      %eq3A_1169 = arith.cmpi eq, %iota3A_12, %add3A_1168 : vector<25x1250xi32>
      %convert_element_type3A_1170 = arith.extui %eq3A_1169 : vector<25x1250xi1> to vector<25x1250xi32>
      %convert_element_type3A_1171 = arith.sitofp %convert_element_type3A_1170 : vector<25x1250xi32> to vector<25x1250xf32>
      %convert_element_type3A_1172 = arith.truncf %convert_element_type3A_1171 : vector<25x1250xf32> to vector<25x1250xbf16>
      %slice3A_1173 = vector.extract_strided_slice %get3A_1159 {offsets = [0, 128], sizes = [25, 25], strides = [1, 1]} : vector<25x153xf32> to vector<25x25xf32>
      %convert_element_type3A_1174 = arith.truncf %slice3A_1173 : vector<25x25xf32> to vector<25x25xbf16>
      %dot_general3A_1175 = arith.constant dense<0.000000e+00> : vector<25x1250xf32>
      %dot_general3A_1176 = tpu.matmul %convert_element_type3A_1174, %convert_element_type3A_1172, %dot_general3A_1175 {dimension_numbers = #tpu.dot_dimension_numbers<[1], [0], [0], [1], [0, 0, 1, 1], [], []>, transpose_lhs_hint = false} : vector<25x25xbf16>, vector<25x1250xbf16>, vector<25x1250xf32> -> vector<25x1250xf32>
      %swap3A_1177 = arith.constant 50 : index
      %swap3A_1178 = arith.constant 0 : index
      %swap3A_1179 = vector.load %arg5[%swap3A_1177, %swap3A_1178] : memref<1250x1250xf32, #tpu.memory_space<vmem>>, vector<25x1250xf32>
      tpu.vector_store %arg5[%swap3A_1177, %swap3A_1178], %dot_general3A_1176 {strides = array<i32>} : memref<1250x1250xf32, #tpu.memory_space<vmem>>, vector<25x1250xf32>,
      %get3A_1180 = arith.constant 3 : index
      %get3A_1181 = arith.constant 0 : index
      %get3A_1182 = arith.constant 0 : index
      %get3A_1183 = vector.load %arg7[%get3A_1180, %get3A_1181, %get3A_1182] : memref<50x25x153xf32, #tpu.memory_space<vmem>>, vector<1x25x153xf32>
      %get3A_1184 = vector.shape_cast %get3A_1183 : vector<1x25x153xf32> to vector<25x153xf32>
      %slice3A_1185 = vector.extract_strided_slice %get3A_1184 {offsets = [0, 0], sizes = [25, 128], strides = [1, 1]} : vector<25x153xf32> to vector<25x128xf32>
      %reshape3A_1186 = vector.shape_cast %slice3A_1185 : vector<25x128xf32> to vector<25x1x128xf32>
      %swap3A_1187 = arith.constant 0 : index
      %swap3A_1188 = arith.constant 3 : index
      %swap3A_1189 = arith.constant 0 : index
      %swap3A_1190 = vector.load %arg6[%swap3A_1187, %swap3A_1188, %swap3A_1189] : memref<25x50x128xf32, #tpu.memory_space<vmem>>, vector<25x1x128xf32>
      tpu.vector_store %arg6[%swap3A_1187, %swap3A_1188, %swap3A_1189], %reshape3A_1186 {strides = array<i32>} : memref<25x50x128xf32, #tpu.memory_space<vmem>>, vector<25x1x128xf32>,
      %add3A_1191 = arith.constant 75 : i32
      %add3A_1192 = vector.broadcast %add3A_1191 : i32 to vector<25x1250xi32>
      %add3A_1193 = arith.addi %iota3A, %add3A_1192 : vector<25x1250xi32>
      %eq3A_1194 = arith.cmpi eq, %iota3A_12, %add3A_1193 : vector<25x1250xi32>
      %convert_element_type3A_1195 = arith.extui %eq3A_1194 : vector<25x1250xi1> to vector<25x1250xi32>
      %convert_element_type3A_1196 = arith.sitofp %convert_element_type3A_1195 : vector<25x1250xi32> to vector<25x1250xf32>
      %convert_element_type3A_1197 = arith.truncf %convert_element_type3A_1196 : vector<25x1250xf32> to vector<25x1250xbf16>
      %slice3A_1198 = vector.extract_strided_slice %get3A_1184 {offsets = [0, 128], sizes = [25, 25], strides = [1, 1]} : vector<25x153xf32> to vector<25x25xf32>
      %convert_element_type3A_1199 = arith.truncf %slice3A_1198 : vector<25x25xf32> to vector<25x25xbf16>
      %dot_general3A_1200 = arith.constant dense<0.000000e+00> : vector<25x1250xf32>
      %dot_general3A_1201 = tpu.matmul %convert_element_type3A_1199, %convert_element_type3A_1197, %dot_general3A_1200 {dimension_numbers = #tpu.dot_dimension_numbers<[1], [0], [0], [1], [0, 0, 1, 1], [], []>, transpose_lhs_hint = false} : vector<25x25xbf16>, vector<25x1250xbf16>, vector<25x1250xf32> -> vector<25x1250xf32>
      %swap3A_1202 = arith.constant 75 : index
      %swap3A_1203 = arith.constant 0 : index
      %swap3A_1204 = vector.load %arg5[%swap3A_1202, %swap3A_1203] : memref<1250x1250xf32, #tpu.memory_space<vmem>>, vector<25x1250xf32>
      tpu.vector_store %arg5[%swap3A_1202, %swap3A_1203], %dot_general3A_1201 {strides = array<i32>} : memref<1250x1250xf32, #tpu.memory_space<vmem>>, vector<25x1250xf32>,
      %get3A_1205 = arith.constant 4 : index
      %get3A_1206 = arith.constant 0 : index
      %get3A_1207 = arith.constant 0 : index
      %get3A_1208 = vector.load %arg7[%get3A_1205, %get3A_1206, %get3A_1207] : memref<50x25x153xf32, #tpu.memory_space<vmem>>, vector<1x25x153xf32>
      %get3A_1209 = vector.shape_cast %get3A_1208 : vector<1x25x153xf32> to vector<25x153xf32>
      %slice3A_1210 = vector.extract_strided_slice %get3A_1209 {offsets = [0, 0], sizes = [25, 128], strides = [1, 1]} : vector<25x153xf32> to vector<25x128xf32>
      %reshape3A_1211 = vector.shape_cast %slice3A_1210 : vector<25x128xf32> to vector<25x1x128xf32>
      %swap3A_1212 = arith.constant 0 : index
      %swap3A_1213 = arith.constant 4 : index
      %swap3A_1214 = arith.constant 0 : index
      %swap3A_1215 = vector.load %arg6[%swap3A_1212, %swap3A_1213, %swap3A_1214] : memref<25x50x128xf32, #tpu.memory_space<vmem>>, vector<25x1x128xf32>
      tpu.vector_store %arg6[%swap3A_1212, %swap3A_1213, %swap3A_1214], %reshape3A_1211 {strides = array<i32>} : memref<25x50x128xf32, #tpu.memory_space<vmem>>, vector<25x1x128xf32>,
      %add3A_1216 = arith.constant 100 : i32
      %add3A_1217 = vector.broadcast %add3A_1216 : i32 to vector<25x1250xi32>
      %add3A_1218 = arith.addi %iota3A, %add3A_1217 : vector<25x1250xi32>
      %eq3A_1219 = arith.cmpi eq, %iota3A_12, %add3A_1218 : vector<25x1250xi32>
      %convert_element_type3A_1220 = arith.extui %eq3A_1219 : vector<25x1250xi1> to vector<25x1250xi32>
      %convert_element_type3A_1221 = arith.sitofp %convert_element_type3A_1220 : vector<25x1250xi32> to vector<25x1250xf32>
      %convert_element_type3A_1222 = arith.truncf %convert_element_type3A_1221 : vector<25x1250xf32> to vector<25x1250xbf16>
      %slice3A_1223 = vector.extract_strided_slice %get3A_1209 {offsets = [0, 128], sizes = [25, 25], strides = [1, 1]} : vector<25x153xf32> to vector<25x25xf32>
      %convert_element_type3A_1224 = arith.truncf %slice3A_1223 : vector<25x25xf32> to vector<25x25xbf16>
      %dot_general3A_1225 = arith.constant dense<0.000000e+00> : vector<25x1250xf32>
      %dot_general3A_1226 = tpu.matmul %convert_element_type3A_1224, %convert_element_type3A_1222, %dot_general3A_1225 {dimension_numbers = #tpu.dot_dimension_numbers<[1], [0], [0], [1], [0, 0, 1, 1], [], []>, transpose_lhs_hint = false} : vector<25x25xbf16>, vector<25x1250xbf16>, vector<25x1250xf32> -> vector<25x1250xf32>
      %swap3A_1227 = arith.constant 100 : index
      %swap3A_1228 = arith.constant 0 : index
      %swap3A_1229 = vector.load %arg5[%swap3A_1227, %swap3A_1228] : memref<1250x1250xf32, #tpu.memory_space<vmem>>, vector<25x1250xf32>
      tpu.vector_store %arg5[%swap3A_1227, %swap3A_1228], %dot_general3A_1226 {strides = array<i32>} : memref<1250x1250xf32, #tpu.memory_space<vmem>>, vector<25x1250xf32>,
      %get3A_1230 = arith.constant 5 : index
      %get3A_1231 = arith.constant 0 : index
      %get3A_1232 = arith.constant 0 : index
      %get3A_1233 = vector.load %arg7[%get3A_1230, %get3A_1231, %get3A_1232] : memref<50x25x153xf32, #tpu.memory_space<vmem>>, vector<1x25x153xf32>
      %get3A_1234 = vector.shape_cast %get3A_1233 : vector<1x25x153xf32> to vector<25x153xf32>
      %slice3A_1235 = vector.extract_strided_slice %get3A_1234 {offsets = [0, 0], sizes = [25, 128], strides = [1, 1]} : vector<25x153xf32> to vector<25x128xf32>
      %reshape3A_1236 = vector.shape_cast %slice3A_1235 : vector<25x128xf32> to vector<25x1x128xf32>
      %swap3A_1237 = arith.constant 0 : index
      %swap3A_1238 = arith.constant 5 : index
      %swap3A_1239 = arith.constant 0 : index
      %swap3A_1240 = vector.load %arg6[%swap3A_1237, %swap3A_1238, %swap3A_1239] : memref<25x50x128xf32, #tpu.memory_space<vmem>>, vector<25x1x128xf32>
      tpu.vector_store %arg6[%swap3A_1237, %swap3A_1238, %swap3A_1239], %reshape3A_1236 {strides = array<i32>} : memref<25x50x128xf32, #tpu.memory_space<vmem>>, vector<25x1x128xf32>,
      %add3A_1241 = arith.constant 125 : i32
      %add3A_1242 = vector.broadcast %add3A_1241 : i32 to vector<25x1250xi32>
      %add3A_1243 = arith.addi %iota3A, %add3A_1242 : vector<25x1250xi32>
      %eq3A_1244 = arith.cmpi eq, %iota3A_12, %add3A_1243 : vector<25x1250xi32>
      %convert_element_type3A_1245 = arith.extui %eq3A_1244 : vector<25x1250xi1> to vector<25x1250xi32>
      %convert_element_type3A_1246 = arith.sitofp %convert_element_type3A_1245 : vector<25x1250xi32> to vector<25x1250xf32>
      %convert_element_type3A_1247 = arith.truncf %convert_element_type3A_1246 : vector<25x1250xf32> to vector<25x1250xbf16>
      %slice3A_1248 = vector.extract_strided_slice %get3A_1234 {offsets = [0, 128], sizes = [25, 25], strides = [1, 1]} : vector<25x153xf32> to vector<25x25xf32>
      %convert_element_type3A_1249 = arith.truncf %slice3A_1248 : vector<25x25xf32> to vector<25x25xbf16>
      %dot_general3A_1250 = arith.constant dense<0.000000e+00> : vector<25x1250xf32>
      %dot_general3A_1251 = tpu.matmul %convert_element_type3A_1249, %convert_element_type3A_1247, %dot_general3A_1250 {dimension_numbers = #tpu.dot_dimension_numbers<[1], [0], [0], [1], [0, 0, 1, 1], [], []>, transpose_lhs_hint = false} : vector<25x25xbf16>, vector<25x1250xbf16>, vector<25x1250xf32> -> vector<25x1250xf32>
      %swap3A_1252 = arith.constant 125 : index
      %swap3A_1253 = arith.constant 0 : index
      %swap3A_1254 = vector.load %arg5[%swap3A_1252, %swap3A_1253] : memref<1250x1250xf32, #tpu.memory_space<vmem>>, vector<25x1250xf32>
      tpu.vector_store %arg5[%swap3A_1252, %swap3A_1253], %dot_general3A_1251 {strides = array<i32>} : memref<1250x1250xf32, #tpu.memory_space<vmem>>, vector<25x1250xf32>,
      %get3A_1255 = arith.constant 6 : index
      %get3A_1256 = arith.constant 0 : index
      %get3A_1257 = arith.constant 0 : index
      %get3A_1258 = vector.load %arg7[%get3A_1255, %get3A_1256, %get3A_1257] : memref<50x25x153xf32, #tpu.memory_space<vmem>>, vector<1x25x153xf32>
      %get3A_1259 = vector.shape_cast %get3A_1258 : vector<1x25x153xf32> to vector<25x153xf32>
      %slice3A_1260 = vector.extract_strided_slice %get3A_1259 {offsets = [0, 0], sizes = [25, 128], strides = [1, 1]} : vector<25x153xf32> to vector<25x128xf32>
      %reshape3A_1261 = vector.shape_cast %slice3A_1260 : vector<25x128xf32> to vector<25x1x128xf32>
      %swap3A_1262 = arith.constant 0 : index
      %swap3A_1263 = arith.constant 6 : index
      %swap3A_1264 = arith.constant 0 : index
      %swap3A_1265 = vector.load %arg6[%swap3A_1262, %swap3A_1263, %swap3A_1264] : memref<25x50x128xf32, #tpu.memory_space<vmem>>, vector<25x1x128xf32>
      tpu.vector_store %arg6[%swap3A_1262, %swap3A_1263, %swap3A_1264], %reshape3A_1261 {strides = array<i32>} : memref<25x50x128xf32, #tpu.memory_space<vmem>>, vector<25x1x128xf32>,
      %add3A_1266 = arith.constant 150 : i32
      %add3A_1267 = vector.broadcast %add3A_1266 : i32 to vector<25x1250xi32>
      %add3A_1268 = arith.addi %iota3A, %add3A_1267 : vector<25x1250xi32>
      %eq3A_1269 = arith.cmpi eq, %iota3A_12, %add3A_1268 : vector<25x1250xi32>
      %convert_element_type3A_1270 = arith.extui %eq3A_1269 : vector<25x1250xi1> to vector<25x1250xi32>
      %convert_element_type3A_1271 = arith.sitofp %convert_element_type3A_1270 : vector<25x1250xi32> to vector<25x1250xf32>
      %convert_element_type3A_1272 = arith.truncf %convert_element_type3A_1271 : vector<25x1250xf32> to vector<25x1250xbf16>
      %slice3A_1273 = vector.extract_strided_slice %get3A_1259 {offsets = [0, 128], sizes = [25, 25], strides = [1, 1]} : vector<25x153xf32> to vector<25x25xf32>
      %convert_element_type3A_1274 = arith.truncf %slice3A_1273 : vector<25x25xf32> to vector<25x25xbf16>
      %dot_general3A_1275 = arith.constant dense<0.000000e+00> : vector<25x1250xf32>
      %dot_general3A_1276 = tpu.matmul %convert_element_type3A_1274, %convert_element_type3A_1272, %dot_general3A_1275 {dimension_numbers = #tpu.dot_dimension_numbers<[1], [0], [0], [1], [0, 0, 1, 1], [], []>, transpose_lhs_hint = false} : vector<25x25xbf16>, vector<25x1250xbf16>, vector<25x1250xf32> -> vector<25x1250xf32>
      %swap3A_1277 = arith.constant 150 : index
      %swap3A_1278 = arith.constant 0 : index
      %swap3A_1279 = vector.load %arg5[%swap3A_1277, %swap3A_1278] : memref<1250x1250xf32, #tpu.memory_space<vmem>>, vector<25x1250xf32>
      tpu.vector_store %arg5[%swap3A_1277, %swap3A_1278], %dot_general3A_1276 {strides = array<i32>} : memref<1250x1250xf32, #tpu.memory_space<vmem>>, vector<25x1250xf32>,
      %get3A_1280 = arith.constant 7 : index
      %get3A_1281 = arith.constant 0 : index
      %get3A_1282 = arith.constant 0 : index
      %get3A_1283 = vector.load %arg7[%get3A_1280, %get3A_1281, %get3A_1282] : memref<50x25x153xf32, #tpu.memory_space<vmem>>, vector<1x25x153xf32>
      %get3A_1284 = vector.shape_cast %get3A_1283 : vector<1x25x153xf32> to vector<25x153xf32>
      %slice3A_1285 = vector.extract_strided_slice %get3A_1284 {offsets = [0, 0], sizes = [25, 128], strides = [1, 1]} : vector<25x153xf32> to vector<25x128xf32>
      %reshape3A_1286 = vector.shape_cast %slice3A_1285 : vector<25x128xf32> to vector<25x1x128xf32>
      %swap3A_1287 = arith.constant 0 : index
      %swap3A_1288 = arith.constant 7 : index
      %swap3A_1289 = arith.constant 0 : index
      %swap3A_1290 = vector.load %arg6[%swap3A_1287, %swap3A_1288, %swap3A_1289] : memref<25x50x128xf32, #tpu.memory_space<vmem>>, vector<25x1x128xf32>
      tpu.vector_store %arg6[%swap3A_1287, %swap3A_1288, %swap3A_1289], %reshape3A_1286 {strides = array<i32>} : memref<25x50x128xf32, #tpu.memory_space<vmem>>, vector<25x1x128xf32>,
      %add3A_1291 = arith.constant 175 : i32
      %add3A_1292 = vector.broadcast %add3A_1291 : i32 to vector<25x1250xi32>
      %add3A_1293 = arith.addi %iota3A, %add3A_1292 : vector<25x1250xi32>
      %eq3A_1294 = arith.cmpi eq, %iota3A_12, %add3A_1293 : vector<25x1250xi32>
      %convert_element_type3A_1295 = arith.extui %eq3A_1294 : vector<25x1250xi1> to vector<25x1250xi32>
      %convert_element_type3A_1296 = arith.sitofp %convert_element_type3A_1295 : vector<25x1250xi32> to vector<25x1250xf32>
      %convert_element_type3A_1297 = arith.truncf %convert_element_type3A_1296 : vector<25x1250xf32> to vector<25x1250xbf16>
      %slice3A_1298 = vector.extract_strided_slice %get3A_1284 {offsets = [0, 128], sizes = [25, 25], strides = [1, 1]} : vector<25x153xf32> to vector<25x25xf32>
      %convert_element_type3A_1299 = arith.truncf %slice3A_1298 : vector<25x25xf32> to vector<25x25xbf16>
      %dot_general3A_1300 = arith.constant dense<0.000000e+00> : vector<25x1250xf32>
      %dot_general3A_1301 = tpu.matmul %convert_element_type3A_1299, %convert_element_type3A_1297, %dot_general3A_1300 {dimension_numbers = #tpu.dot_dimension_numbers<[1], [0], [0], [1], [0, 0, 1, 1], [], []>, transpose_lhs_hint = false} : vector<25x25xbf16>, vector<25x1250xbf16>, vector<25x1250xf32> -> vector<25x1250xf32>
      %swap3A_1302 = arith.constant 175 : index
      %swap3A_1303 = arith.constant 0 : index
      %swap3A_1304 = vector.load %arg5[%swap3A_1302, %swap3A_1303] : memref<1250x1250xf32, #tpu.memory_space<vmem>>, vector<25x1250xf32>
      tpu.vector_store %arg5[%swap3A_1302, %swap3A_1303], %dot_general3A_1301 {strides = array<i32>} : memref<1250x1250xf32, #tpu.memory_space<vmem>>, vector<25x1250xf32>,
      %get3A_1305 = arith.constant 8 : index
      %get3A_1306 = arith.constant 0 : index
      %get3A_1307 = arith.constant 0 : index
      %get3A_1308 = vector.load %arg7[%get3A_1305, %get3A_1306, %get3A_1307] : memref<50x25x153xf32, #tpu.memory_space<vmem>>, vector<1x25x153xf32>
      %get3A_1309 = vector.shape_cast %get3A_1308 : vector<1x25x153xf32> to vector<25x153xf32>
      %slice3A_1310 = vector.extract_strided_slice %get3A_1309 {offsets = [0, 0], sizes = [25, 128], strides = [1, 1]} : vector<25x153xf32> to vector<25x128xf32>
      %reshape3A_1311 = vector.shape_cast %slice3A_1310 : vector<25x128xf32> to vector<25x1x128xf32>
      %swap3A_1312 = arith.constant 0 : index
      %swap3A_1313 = arith.constant 8 : index
      %swap3A_1314 = arith.constant 0 : index
      %swap3A_1315 = vector.load %arg6[%swap3A_1312, %swap3A_1313, %swap3A_1314] : memref<25x50x128xf32, #tpu.memory_space<vmem>>, vector<25x1x128xf32>
      tpu.vector_store %arg6[%swap3A_1312, %swap3A_1313, %swap3A_1314], %reshape3A_1311 {strides = array<i32>} : memref<25x50x128xf32, #tpu.memory_space<vmem>>, vector<25x1x128xf32>,
      %add3A_1316 = arith.constant 200 : i32
      %add3A_1317 = vector.broadcast %add3A_1316 : i32 to vector<25x1250xi32>
      %add3A_1318 = arith.addi %iota3A, %add3A_1317 : vector<25x1250xi32>
      %eq3A_1319 = arith.cmpi eq, %iota3A_12, %add3A_1318 : vector<25x1250xi32>
      %convert_element_type3A_1320 = arith.extui %eq3A_1319 : vector<25x1250xi1> to vector<25x1250xi32>
      %convert_element_type3A_1321 = arith.sitofp %convert_element_type3A_1320 : vector<25x1250xi32> to vector<25x1250xf32>
      %convert_element_type3A_1322 = arith.truncf %convert_element_type3A_1321 : vector<25x1250xf32> to vector<25x1250xbf16>
      %slice3A_1323 = vector.extract_strided_slice %get3A_1309 {offsets = [0, 128], sizes = [25, 25], strides = [1, 1]} : vector<25x153xf32> to vector<25x25xf32>
      %convert_element_type3A_1324 = arith.truncf %slice3A_1323 : vector<25x25xf32> to vector<25x25xbf16>
      %dot_general3A_1325 = arith.constant dense<0.000000e+00> : vector<25x1250xf32>
      %dot_general3A_1326 = tpu.matmul %convert_element_type3A_1324, %convert_element_type3A_1322, %dot_general3A_1325 {dimension_numbers = #tpu.dot_dimension_numbers<[1], [0], [0], [1], [0, 0, 1, 1], [], []>, transpose_lhs_hint = false} : vector<25x25xbf16>, vector<25x1250xbf16>, vector<25x1250xf32> -> vector<25x1250xf32>
      %swap3A_1327 = arith.constant 200 : index
      %swap3A_1328 = arith.constant 0 : index
      %swap3A_1329 = vector.load %arg5[%swap3A_1327, %swap3A_1328] : memref<1250x1250xf32, #tpu.memory_space<vmem>>, vector<25x1250xf32>
      tpu.vector_store %arg5[%swap3A_1327, %swap3A_1328], %dot_general3A_1326 {strides = array<i32>} : memref<1250x1250xf32, #tpu.memory_space<vmem>>, vector<25x1250xf32>,
      %get3A_1330 = arith.constant 9 : index
      %get3A_1331 = arith.constant 0 : index
      %get3A_1332 = arith.constant 0 : index
      %get3A_1333 = vector.load %arg7[%get3A_1330, %get3A_1331, %get3A_1332] : memref<50x25x153xf32, #tpu.memory_space<vmem>>, vector<1x25x153xf32>
      %get3A_1334 = vector.shape_cast %get3A_1333 : vector<1x25x153xf32> to vector<25x153xf32>
      %slice3A_1335 = vector.extract_strided_slice %get3A_1334 {offsets = [0, 0], sizes = [25, 128], strides = [1, 1]} : vector<25x153xf32> to vector<25x128xf32>
      %reshape3A_1336 = vector.shape_cast %slice3A_1335 : vector<25x128xf32> to vector<25x1x128xf32>
      %swap3A_1337 = arith.constant 0 : index
      %swap3A_1338 = arith.constant 9 : index
      %swap3A_1339 = arith.constant 0 : index
      %swap3A_1340 = vector.load %arg6[%swap3A_1337, %swap3A_1338, %swap3A_1339] : memref<25x50x128xf32, #tpu.memory_space<vmem>>, vector<25x1x128xf32>
      tpu.vector_store %arg6[%swap3A_1337, %swap3A_1338, %swap3A_1339], %reshape3A_1336 {strides = array<i32>} : memref<25x50x128xf32, #tpu.memory_space<vmem>>, vector<25x1x128xf32>,
      %add3A_1341 = arith.constant 225 : i32
      %add3A_1342 = vector.broadcast %add3A_1341 : i32 to vector<25x1250xi32>
      %add3A_1343 = arith.addi %iota3A, %add3A_1342 : vector<25x1250xi32>
      %eq3A_1344 = arith.cmpi eq, %iota3A_12, %add3A_1343 : vector<25x1250xi32>
      %convert_element_type3A_1345 = arith.extui %eq3A_1344 : vector<25x1250xi1> to vector<25x1250xi32>
      %convert_element_type3A_1346 = arith.sitofp %convert_element_type3A_1345 : vector<25x1250xi32> to vector<25x1250xf32>
      %convert_element_type3A_1347 = arith.truncf %convert_element_type3A_1346 : vector<25x1250xf32> to vector<25x1250xbf16>
      %slice3A_1348 = vector.extract_strided_slice %get3A_1334 {offsets = [0, 128], sizes = [25, 25], strides = [1, 1]} : vector<25x153xf32> to vector<25x25xf32>
      %convert_element_type3A_1349 = arith.truncf %slice3A_1348 : vector<25x25xf32> to vector<25x25xbf16>
      %dot_general3A_1350 = arith.constant dense<0.000000e+00> : vector<25x1250xf32>
      %dot_general3A_1351 = tpu.matmul %convert_element_type3A_1349, %convert_element_type3A_1347, %dot_general3A_1350 {dimension_numbers = #tpu.dot_dimension_numbers<[1], [0], [0], [1], [0, 0, 1, 1], [], []>, transpose_lhs_hint = false} : vector<25x25xbf16>, vector<25x1250xbf16>, vector<25x1250xf32> -> vector<25x1250xf32>
      %swap3A_1352 = arith.constant 225 : index
      %swap3A_1353 = arith.constant 0 : index
      %swap3A_1354 = vector.load %arg5[%swap3A_1352, %swap3A_1353] : memref<1250x1250xf32, #tpu.memory_space<vmem>>, vector<25x1250xf32>
      tpu.vector_store %arg5[%swap3A_1352, %swap3A_1353], %dot_general3A_1351 {strides = array<i32>} : memref<1250x1250xf32, #tpu.memory_space<vmem>>, vector<25x1250xf32>,
      %get3A_1355 = arith.constant 10 : index
      %get3A_1356 = arith.constant 0 : index
      %get3A_1357 = arith.constant 0 : index
      %get3A_1358 = vector.load %arg7[%get3A_1355, %get3A_1356, %get3A_1357] : memref<50x25x153xf32, #tpu.memory_space<vmem>>, vector<1x25x153xf32>
      %get3A_1359 = vector.shape_cast %get3A_1358 : vector<1x25x153xf32> to vector<25x153xf32>
      %slice3A_1360 = vector.extract_strided_slice %get3A_1359 {offsets = [0, 0], sizes = [25, 128], strides = [1, 1]} : vector<25x153xf32> to vector<25x128xf32>
      %reshape3A_1361 = vector.shape_cast %slice3A_1360 : vector<25x128xf32> to vector<25x1x128xf32>
      %swap3A_1362 = arith.constant 0 : index
      %swap3A_1363 = arith.constant 10 : index
      %swap3A_1364 = arith.constant 0 : index
      %swap3A_1365 = vector.load %arg6[%swap3A_1362, %swap3A_1363, %swap3A_1364] : memref<25x50x128xf32, #tpu.memory_space<vmem>>, vector<25x1x128xf32>
      tpu.vector_store %arg6[%swap3A_1362, %swap3A_1363, %swap3A_1364], %reshape3A_1361 {strides = array<i32>} : memref<25x50x128xf32, #tpu.memory_space<vmem>>, vector<25x1x128xf32>,
      %add3A_1366 = arith.constant 250 : i32
      %add3A_1367 = vector.broadcast %add3A_1366 : i32 to vector<25x1250xi32>
      %add3A_1368 = arith.addi %iota3A, %add3A_1367 : vector<25x1250xi32>
      %eq3A_1369 = arith.cmpi eq, %iota3A_12, %add3A_1368 : vector<25x1250xi32>
      %convert_element_type3A_1370 = arith.extui %eq3A_1369 : vector<25x1250xi1> to vector<25x1250xi32>
      %convert_element_type3A_1371 = arith.sitofp %convert_element_type3A_1370 : vector<25x1250xi32> to vector<25x1250xf32>
      %convert_element_type3A_1372 = arith.truncf %convert_element_type3A_1371 : vector<25x1250xf32> to vector<25x1250xbf16>
      %slice3A_1373 = vector.extract_strided_slice %get3A_1359 {offsets = [0, 128], sizes = [25, 25], strides = [1, 1]} : vector<25x153xf32> to vector<25x25xf32>
      %convert_element_type3A_1374 = arith.truncf %slice3A_1373 : vector<25x25xf32> to vector<25x25xbf16>
      %dot_general3A_1375 = arith.constant dense<0.000000e+00> : vector<25x1250xf32>
      %dot_general3A_1376 = tpu.matmul %convert_element_type3A_1374, %convert_element_type3A_1372, %dot_general3A_1375 {dimension_numbers = #tpu.dot_dimension_numbers<[1], [0], [0], [1], [0, 0, 1, 1], [], []>, transpose_lhs_hint = false} : vector<25x25xbf16>, vector<25x1250xbf16>, vector<25x1250xf32> -> vector<25x1250xf32>
      %swap3A_1377 = arith.constant 250 : index
      %swap3A_1378 = arith.constant 0 : index
      %swap3A_1379 = vector.load %arg5[%swap3A_1377, %swap3A_1378] : memref<1250x1250xf32, #tpu.memory_space<vmem>>, vector<25x1250xf32>
      tpu.vector_store %arg5[%swap3A_1377, %swap3A_1378], %dot_general3A_1376 {strides = array<i32>} : memref<1250x1250xf32, #tpu.memory_space<vmem>>, vector<25x1250xf32>,
      %get3A_1380 = arith.constant 11 : index
      %get3A_1381 = arith.constant 0 : index
      %get3A_1382 = arith.constant 0 : index
      %get3A_1383 = vector.load %arg7[%get3A_1380, %get3A_1381, %get3A_1382] : memref<50x25x153xf32, #tpu.memory_space<vmem>>, vector<1x25x153xf32>
      %get3A_1384 = vector.shape_cast %get3A_1383 : vector<1x25x153xf32> to vector<25x153xf32>
      %slice3A_1385 = vector.extract_strided_slice %get3A_1384 {offsets = [0, 0], sizes = [25, 128], strides = [1, 1]} : vector<25x153xf32> to vector<25x128xf32>
      %reshape3A_1386 = vector.shape_cast %slice3A_1385 : vector<25x128xf32> to vector<25x1x128xf32>
      %swap3A_1387 = arith.constant 0 : index
      %swap3A_1388 = arith.constant 11 : index
      %swap3A_1389 = arith.constant 0 : index
      %swap3A_1390 = vector.load %arg6[%swap3A_1387, %swap3A_1388, %swap3A_1389] : memref<25x50x128xf32, #tpu.memory_space<vmem>>, vector<25x1x128xf32>
      tpu.vector_store %arg6[%swap3A_1387, %swap3A_1388, %swap3A_1389], %reshape3A_1386 {strides = array<i32>} : memref<25x50x128xf32, #tpu.memory_space<vmem>>, vector<25x1x128xf32>,
      %add3A_1391 = arith.constant 275 : i32
      %add3A_1392 = vector.broadcast %add3A_1391 : i32 to vector<25x1250xi32>
      %add3A_1393 = arith.addi %iota3A, %add3A_1392 : vector<25x1250xi32>
      %eq3A_1394 = arith.cmpi eq, %iota3A_12, %add3A_1393 : vector<25x1250xi32>
      %convert_element_type3A_1395 = arith.extui %eq3A_1394 : vector<25x1250xi1> to vector<25x1250xi32>
      %convert_element_type3A_1396 = arith.sitofp %convert_element_type3A_1395 : vector<25x1250xi32> to vector<25x1250xf32>
      %convert_element_type3A_1397 = arith.truncf %convert_element_type3A_1396 : vector<25x1250xf32> to vector<25x1250xbf16>
      %slice3A_1398 = vector.extract_strided_slice %get3A_1384 {offsets = [0, 128], sizes = [25, 25], strides = [1, 1]} : vector<25x153xf32> to vector<25x25xf32>
      %convert_element_type3A_1399 = arith.truncf %slice3A_1398 : vector<25x25xf32> to vector<25x25xbf16>
      %dot_general3A_1400 = arith.constant dense<0.000000e+00> : vector<25x1250xf32>
      %dot_general3A_1401 = tpu.matmul %convert_element_type3A_1399, %convert_element_type3A_1397, %dot_general3A_1400 {dimension_numbers = #tpu.dot_dimension_numbers<[1], [0], [0], [1], [0, 0, 1, 1], [], []>, transpose_lhs_hint = false} : vector<25x25xbf16>, vector<25x1250xbf16>, vector<25x1250xf32> -> vector<25x1250xf32>
      %swap3A_1402 = arith.constant 275 : index
      %swap3A_1403 = arith.constant 0 : index
      %swap3A_1404 = vector.load %arg5[%swap3A_1402, %swap3A_1403] : memref<1250x1250xf32, #tpu.memory_space<vmem>>, vector<25x1250xf32>
      tpu.vector_store %arg5[%swap3A_1402, %swap3A_1403], %dot_general3A_1401 {strides = array<i32>} : memref<1250x1250xf32, #tpu.memory_space<vmem>>, vector<25x1250xf32>,
      %get3A_1405 = arith.constant 12 : index
      %get3A_1406 = arith.constant 0 : index
      %get3A_1407 = arith.constant 0 : index
      %get3A_1408 = vector.load %arg7[%get3A_1405, %get3A_1406, %get3A_1407] : memref<50x25x153xf32, #tpu.memory_space<vmem>>, vector<1x25x153xf32>
      %get3A_1409 = vector.shape_cast %get3A_1408 : vector<1x25x153xf32> to vector<25x153xf32>
      %slice3A_1410 = vector.extract_strided_slice %get3A_1409 {offsets = [0, 0], sizes = [25, 128], strides = [1, 1]} : vector<25x153xf32> to vector<25x128xf32>
      %reshape3A_1411 = vector.shape_cast %slice3A_1410 : vector<25x128xf32> to vector<25x1x128xf32>
      %swap3A_1412 = arith.constant 0 : index
      %swap3A_1413 = arith.constant 12 : index
      %swap3A_1414 = arith.constant 0 : index
      %swap3A_1415 = vector.load %arg6[%swap3A_1412, %swap3A_1413, %swap3A_1414] : memref<25x50x128xf32, #tpu.memory_space<vmem>>, vector<25x1x128xf32>
      tpu.vector_store %arg6[%swap3A_1412, %swap3A_1413, %swap3A_1414], %reshape3A_1411 {strides = array<i32>} : memref<25x50x128xf32, #tpu.memory_space<vmem>>, vector<25x1x128xf32>,
      %add3A_1416 = arith.constant 300 : i32
      %add3A_1417 = vector.broadcast %add3A_1416 : i32 to vector<25x1250xi32>
      %add3A_1418 = arith.addi %iota3A, %add3A_1417 : vector<25x1250xi32>
      %eq3A_1419 = arith.cmpi eq, %iota3A_12, %add3A_1418 : vector<25x1250xi32>
      %convert_element_type3A_1420 = arith.extui %eq3A_1419 : vector<25x1250xi1> to vector<25x1250xi32>
      %convert_element_type3A_1421 = arith.sitofp %convert_element_type3A_1420 : vector<25x1250xi32> to vector<25x1250xf32>
      %convert_element_type3A_1422 = arith.truncf %convert_element_type3A_1421 : vector<25x1250xf32> to vector<25x1250xbf16>
      %slice3A_1423 = vector.extract_strided_slice %get3A_1409 {offsets = [0, 128], sizes = [25, 25], strides = [1, 1]} : vector<25x153xf32> to vector<25x25xf32>
      %convert_element_type3A_1424 = arith.truncf %slice3A_1423 : vector<25x25xf32> to vector<25x25xbf16>
      %dot_general3A_1425 = arith.constant dense<0.000000e+00> : vector<25x1250xf32>
      %dot_general3A_1426 = tpu.matmul %convert_element_type3A_1424, %convert_element_type3A_1422, %dot_general3A_1425 {dimension_numbers = #tpu.dot_dimension_numbers<[1], [0], [0], [1], [0, 0, 1, 1], [], []>, transpose_lhs_hint = false} : vector<25x25xbf16>, vector<25x1250xbf16>, vector<25x1250xf32> -> vector<25x1250xf32>
      %swap3A_1427 = arith.constant 300 : index
      %swap3A_1428 = arith.constant 0 : index
      %swap3A_1429 = vector.load %arg5[%swap3A_1427, %swap3A_1428] : memref<1250x1250xf32, #tpu.memory_space<vmem>>, vector<25x1250xf32>
      tpu.vector_store %arg5[%swap3A_1427, %swap3A_1428], %dot_general3A_1426 {strides = array<i32>} : memref<1250x1250xf32, #tpu.memory_space<vmem>>, vector<25x1250xf32>,
      %get3A_1430 = arith.constant 13 : index
      %get3A_1431 = arith.constant 0 : index
      %get3A_1432 = arith.constant 0 : index
      %get3A_1433 = vector.load %arg7[%get3A_1430, %get3A_1431, %get3A_1432] : memref<50x25x153xf32, #tpu.memory_space<vmem>>, vector<1x25x153xf32>
      %get3A_1434 = vector.shape_cast %get3A_1433 : vector<1x25x153xf32> to vector<25x153xf32>
      %slice3A_1435 = vector.extract_strided_slice %get3A_1434 {offsets = [0, 0], sizes = [25, 128], strides = [1, 1]} : vector<25x153xf32> to vector<25x128xf32>
      %reshape3A_1436 = vector.shape_cast %slice3A_1435 : vector<25x128xf32> to vector<25x1x128xf32>
      %swap3A_1437 = arith.constant 0 : index
      %swap3A_1438 = arith.constant 13 : index
      %swap3A_1439 = arith.constant 0 : index
      %swap3A_1440 = vector.load %arg6[%swap3A_1437, %swap3A_1438, %swap3A_1439] : memref<25x50x128xf32, #tpu.memory_space<vmem>>, vector<25x1x128xf32>
      tpu.vector_store %arg6[%swap3A_1437, %swap3A_1438, %swap3A_1439], %reshape3A_1436 {strides = array<i32>} : memref<25x50x128xf32, #tpu.memory_space<vmem>>, vector<25x1x128xf32>,
      %add3A_1441 = arith.constant 325 : i32
      %add3A_1442 = vector.broadcast %add3A_1441 : i32 to vector<25x1250xi32>
      %add3A_1443 = arith.addi %iota3A, %add3A_1442 : vector<25x1250xi32>
      %eq3A_1444 = arith.cmpi eq, %iota3A_12, %add3A_1443 : vector<25x1250xi32>
      %convert_element_type3A_1445 = arith.extui %eq3A_1444 : vector<25x1250xi1> to vector<25x1250xi32>
      %convert_element_type3A_1446 = arith.sitofp %convert_element_type3A_1445 : vector<25x1250xi32> to vector<25x1250xf32>
      %convert_element_type3A_1447 = arith.truncf %convert_element_type3A_1446 : vector<25x1250xf32> to vector<25x1250xbf16>
      %slice3A_1448 = vector.extract_strided_slice %get3A_1434 {offsets = [0, 128], sizes = [25, 25], strides = [1, 1]} : vector<25x153xf32> to vector<25x25xf32>
      %convert_element_type3A_1449 = arith.truncf %slice3A_1448 : vector<25x25xf32> to vector<25x25xbf16>
      %dot_general3A_1450 = arith.constant dense<0.000000e+00> : vector<25x1250xf32>
      %dot_general3A_1451 = tpu.matmul %convert_element_type3A_1449, %convert_element_type3A_1447, %dot_general3A_1450 {dimension_numbers = #tpu.dot_dimension_numbers<[1], [0], [0], [1], [0, 0, 1, 1], [], []>, transpose_lhs_hint = false} : vector<25x25xbf16>, vector<25x1250xbf16>, vector<25x1250xf32> -> vector<25x1250xf32>
      %swap3A_1452 = arith.constant 325 : index
      %swap3A_1453 = arith.constant 0 : index
      %swap3A_1454 = vector.load %arg5[%swap3A_1452, %swap3A_1453] : memref<1250x1250xf32, #tpu.memory_space<vmem>>, vector<25x1250xf32>
      tpu.vector_store %arg5[%swap3A_1452, %swap3A_1453], %dot_general3A_1451 {strides = array<i32>} : memref<1250x1250xf32, #tpu.memory_space<vmem>>, vector<25x1250xf32>,
      %get3A_1455 = arith.constant 14 : index
      %get3A_1456 = arith.constant 0 : index
      %get3A_1457 = arith.constant 0 : index
      %get3A_1458 = vector.load %arg7[%get3A_1455, %get3A_1456, %get3A_1457] : memref<50x25x153xf32, #tpu.memory_space<vmem>>, vector<1x25x153xf32>
      %get3A_1459 = vector.shape_cast %get3A_1458 : vector<1x25x153xf32> to vector<25x153xf32>
      %slice3A_1460 = vector.extract_strided_slice %get3A_1459 {offsets = [0, 0], sizes = [25, 128], strides = [1, 1]} : vector<25x153xf32> to vector<25x128xf32>
      %reshape3A_1461 = vector.shape_cast %slice3A_1460 : vector<25x128xf32> to vector<25x1x128xf32>
      %swap3A_1462 = arith.constant 0 : index
      %swap3A_1463 = arith.constant 14 : index
      %swap3A_1464 = arith.constant 0 : index
      %swap3A_1465 = vector.load %arg6[%swap3A_1462, %swap3A_1463, %swap3A_1464] : memref<25x50x128xf32, #tpu.memory_space<vmem>>, vector<25x1x128xf32>
      tpu.vector_store %arg6[%swap3A_1462, %swap3A_1463, %swap3A_1464], %reshape3A_1461 {strides = array<i32>} : memref<25x50x128xf32, #tpu.memory_space<vmem>>, vector<25x1x128xf32>,
      %add3A_1466 = arith.constant 350 : i32
      %add3A_1467 = vector.broadcast %add3A_1466 : i32 to vector<25x1250xi32>
      %add3A_1468 = arith.addi %iota3A, %add3A_1467 : vector<25x1250xi32>
      %eq3A_1469 = arith.cmpi eq, %iota3A_12, %add3A_1468 : vector<25x1250xi32>
      %convert_element_type3A_1470 = arith.extui %eq3A_1469 : vector<25x1250xi1> to vector<25x1250xi32>
      %convert_element_type3A_1471 = arith.sitofp %convert_element_type3A_1470 : vector<25x1250xi32> to vector<25x1250xf32>
      %convert_element_type3A_1472 = arith.truncf %convert_element_type3A_1471 : vector<25x1250xf32> to vector<25x1250xbf16>
      %slice3A_1473 = vector.extract_strided_slice %get3A_1459 {offsets = [0, 128], sizes = [25, 25], strides = [1, 1]} : vector<25x153xf32> to vector<25x25xf32>
      %convert_element_type3A_1474 = arith.truncf %slice3A_1473 : vector<25x25xf32> to vector<25x25xbf16>
      %dot_general3A_1475 = arith.constant dense<0.000000e+00> : vector<25x1250xf32>
      %dot_general3A_1476 = tpu.matmul %convert_element_type3A_1474, %convert_element_type3A_1472, %dot_general3A_1475 {dimension_numbers = #tpu.dot_dimension_numbers<[1], [0], [0], [1], [0, 0, 1, 1], [], []>, transpose_lhs_hint = false} : vector<25x25xbf16>, vector<25x1250xbf16>, vector<25x1250xf32> -> vector<25x1250xf32>
      %swap3A_1477 = arith.constant 350 : index
      %swap3A_1478 = arith.constant 0 : index
      %swap3A_1479 = vector.load %arg5[%swap3A_1477, %swap3A_1478] : memref<1250x1250xf32, #tpu.memory_space<vmem>>, vector<25x1250xf32>
      tpu.vector_store %arg5[%swap3A_1477, %swap3A_1478], %dot_general3A_1476 {strides = array<i32>} : memref<1250x1250xf32, #tpu.memory_space<vmem>>, vector<25x1250xf32>,
      %get3A_1480 = arith.constant 15 : index
      %get3A_1481 = arith.constant 0 : index
      %get3A_1482 = arith.constant 0 : index
      %get3A_1483 = vector.load %arg7[%get3A_1480, %get3A_1481, %get3A_1482] : memref<50x25x153xf32, #tpu.memory_space<vmem>>, vector<1x25x153xf32>
      %get3A_1484 = vector.shape_cast %get3A_1483 : vector<1x25x153xf32> to vector<25x153xf32>
      %slice3A_1485 = vector.extract_strided_slice %get3A_1484 {offsets = [0, 0], sizes = [25, 128], strides = [1, 1]} : vector<25x153xf32> to vector<25x128xf32>
      %reshape3A_1486 = vector.shape_cast %slice3A_1485 : vector<25x128xf32> to vector<25x1x128xf32>
      %swap3A_1487 = arith.constant 0 : index
      %swap3A_1488 = arith.constant 15 : index
      %swap3A_1489 = arith.constant 0 : index
      %swap3A_1490 = vector.load %arg6[%swap3A_1487, %swap3A_1488, %swap3A_1489] : memref<25x50x128xf32, #tpu.memory_space<vmem>>, vector<25x1x128xf32>
      tpu.vector_store %arg6[%swap3A_1487, %swap3A_1488, %swap3A_1489], %reshape3A_1486 {strides = array<i32>} : memref<25x50x128xf32, #tpu.memory_space<vmem>>, vector<25x1x128xf32>,
      %add3A_1491 = arith.constant 375 : i32
      %add3A_1492 = vector.broadcast %add3A_1491 : i32 to vector<25x1250xi32>
      %add3A_1493 = arith.addi %iota3A, %add3A_1492 : vector<25x1250xi32>
      %eq3A_1494 = arith.cmpi eq, %iota3A_12, %add3A_1493 : vector<25x1250xi32>
      %convert_element_type3A_1495 = arith.extui %eq3A_1494 : vector<25x1250xi1> to vector<25x1250xi32>
      %convert_element_type3A_1496 = arith.sitofp %convert_element_type3A_1495 : vector<25x1250xi32> to vector<25x1250xf32>
      %convert_element_type3A_1497 = arith.truncf %convert_element_type3A_1496 : vector<25x1250xf32> to vector<25x1250xbf16>
      %slice3A_1498 = vector.extract_strided_slice %get3A_1484 {offsets = [0, 128], sizes = [25, 25], strides = [1, 1]} : vector<25x153xf32> to vector<25x25xf32>
      %convert_element_type3A_1499 = arith.truncf %slice3A_1498 : vector<25x25xf32> to vector<25x25xbf16>
      %dot_general3A_1500 = arith.constant dense<0.000000e+00> : vector<25x1250xf32>
      %dot_general3A_1501 = tpu.matmul %convert_element_type3A_1499, %convert_element_type3A_1497, %dot_general3A_1500 {dimension_numbers = #tpu.dot_dimension_numbers<[1], [0], [0], [1], [0, 0, 1, 1], [], []>, transpose_lhs_hint = false} : vector<25x25xbf16>, vector<25x1250xbf16>, vector<25x1250xf32> -> vector<25x1250xf32>
      %swap3A_1502 = arith.constant 375 : index
      %swap3A_1503 = arith.constant 0 : index
      %swap3A_1504 = vector.load %arg5[%swap3A_1502, %swap3A_1503] : memref<1250x1250xf32, #tpu.memory_space<vmem>>, vector<25x1250xf32>
      tpu.vector_store %arg5[%swap3A_1502, %swap3A_1503], %dot_general3A_1501 {strides = array<i32>} : memref<1250x1250xf32, #tpu.memory_space<vmem>>, vector<25x1250xf32>,
      %get3A_1505 = arith.constant 16 : index
      %get3A_1506 = arith.constant 0 : index
      %get3A_1507 = arith.constant 0 : index
      %get3A_1508 = vector.load %arg7[%get3A_1505, %get3A_1506, %get3A_1507] : memref<50x25x153xf32, #tpu.memory_space<vmem>>, vector<1x25x153xf32>
      %get3A_1509 = vector.shape_cast %get3A_1508 : vector<1x25x153xf32> to vector<25x153xf32>
      %slice3A_1510 = vector.extract_strided_slice %get3A_1509 {offsets = [0, 0], sizes = [25, 128], strides = [1, 1]} : vector<25x153xf32> to vector<25x128xf32>
      %reshape3A_1511 = vector.shape_cast %slice3A_1510 : vector<25x128xf32> to vector<25x1x128xf32>
      %swap3A_1512 = arith.constant 0 : index
      %swap3A_1513 = arith.constant 16 : index
      %swap3A_1514 = arith.constant 0 : index
      %swap3A_1515 = vector.load %arg6[%swap3A_1512, %swap3A_1513, %swap3A_1514] : memref<25x50x128xf32, #tpu.memory_space<vmem>>, vector<25x1x128xf32>
      tpu.vector_store %arg6[%swap3A_1512, %swap3A_1513, %swap3A_1514], %reshape3A_1511 {strides = array<i32>} : memref<25x50x128xf32, #tpu.memory_space<vmem>>, vector<25x1x128xf32>,
      %add3A_1516 = arith.constant 400 : i32
      %add3A_1517 = vector.broadcast %add3A_1516 : i32 to vector<25x1250xi32>
      %add3A_1518 = arith.addi %iota3A, %add3A_1517 : vector<25x1250xi32>
      %eq3A_1519 = arith.cmpi eq, %iota3A_12, %add3A_1518 : vector<25x1250xi32>
      %convert_element_type3A_1520 = arith.extui %eq3A_1519 : vector<25x1250xi1> to vector<25x1250xi32>
      %convert_element_type3A_1521 = arith.sitofp %convert_element_type3A_1520 : vector<25x1250xi32> to vector<25x1250xf32>
      %convert_element_type3A_1522 = arith.truncf %convert_element_type3A_1521 : vector<25x1250xf32> to vector<25x1250xbf16>
      %slice3A_1523 = vector.extract_strided_slice %get3A_1509 {offsets = [0, 128], sizes = [25, 25], strides = [1, 1]} : vector<25x153xf32> to vector<25x25xf32>
      %convert_element_type3A_1524 = arith.truncf %slice3A_1523 : vector<25x25xf32> to vector<25x25xbf16>
      %dot_general3A_1525 = arith.constant dense<0.000000e+00> : vector<25x1250xf32>
      %dot_general3A_1526 = tpu.matmul %convert_element_type3A_1524, %convert_element_type3A_1522, %dot_general3A_1525 {dimension_numbers = #tpu.dot_dimension_numbers<[1], [0], [0], [1], [0, 0, 1, 1], [], []>, transpose_lhs_hint = false} : vector<25x25xbf16>, vector<25x1250xbf16>, vector<25x1250xf32> -> vector<25x1250xf32>
      %swap3A_1527 = arith.constant 400 : index
      %swap3A_1528 = arith.constant 0 : index
      %swap3A_1529 = vector.load %arg5[%swap3A_1527, %swap3A_1528] : memref<1250x1250xf32, #tpu.memory_space<vmem>>, vector<25x1250xf32>
      tpu.vector_store %arg5[%swap3A_1527, %swap3A_1528], %dot_general3A_1526 {strides = array<i32>} : memref<1250x1250xf32, #tpu.memory_space<vmem>>, vector<25x1250xf32>,
      %get3A_1530 = arith.constant 17 : index
      %get3A_1531 = arith.constant 0 : index
      %get3A_1532 = arith.constant 0 : index
      %get3A_1533 = vector.load %arg7[%get3A_1530, %get3A_1531, %get3A_1532] : memref<50x25x153xf32, #tpu.memory_space<vmem>>, vector<1x25x153xf32>
      %get3A_1534 = vector.shape_cast %get3A_1533 : vector<1x25x153xf32> to vector<25x153xf32>
      %slice3A_1535 = vector.extract_strided_slice %get3A_1534 {offsets = [0, 0], sizes = [25, 128], strides = [1, 1]} : vector<25x153xf32> to vector<25x128xf32>
      %reshape3A_1536 = vector.shape_cast %slice3A_1535 : vector<25x128xf32> to vector<25x1x128xf32>
      %swap3A_1537 = arith.constant 0 : index
      %swap3A_1538 = arith.constant 17 : index
      %swap3A_1539 = arith.constant 0 : index
      %swap3A_1540 = vector.load %arg6[%swap3A_1537, %swap3A_1538, %swap3A_1539] : memref<25x50x128xf32, #tpu.memory_space<vmem>>, vector<25x1x128xf32>
      tpu.vector_store %arg6[%swap3A_1537, %swap3A_1538, %swap3A_1539], %reshape3A_1536 {strides = array<i32>} : memref<25x50x128xf32, #tpu.memory_space<vmem>>, vector<25x1x128xf32>,
      %add3A_1541 = arith.constant 425 : i32
      %add3A_1542 = vector.broadcast %add3A_1541 : i32 to vector<25x1250xi32>
      %add3A_1543 = arith.addi %iota3A, %add3A_1542 : vector<25x1250xi32>
      %eq3A_1544 = arith.cmpi eq, %iota3A_12, %add3A_1543 : vector<25x1250xi32>
      %convert_element_type3A_1545 = arith.extui %eq3A_1544 : vector<25x1250xi1> to vector<25x1250xi32>
      %convert_element_type3A_1546 = arith.sitofp %convert_element_type3A_1545 : vector<25x1250xi32> to vector<25x1250xf32>
      %convert_element_type3A_1547 = arith.truncf %convert_element_type3A_1546 : vector<25x1250xf32> to vector<25x1250xbf16>
      %slice3A_1548 = vector.extract_strided_slice %get3A_1534 {offsets = [0, 128], sizes = [25, 25], strides = [1, 1]} : vector<25x153xf32> to vector<25x25xf32>
      %convert_element_type3A_1549 = arith.truncf %slice3A_1548 : vector<25x25xf32> to vector<25x25xbf16>
      %dot_general3A_1550 = arith.constant dense<0.000000e+00> : vector<25x1250xf32>
      %dot_general3A_1551 = tpu.matmul %convert_element_type3A_1549, %convert_element_type3A_1547, %dot_general3A_1550 {dimension_numbers = #tpu.dot_dimension_numbers<[1], [0], [0], [1], [0, 0, 1, 1], [], []>, transpose_lhs_hint = false} : vector<25x25xbf16>, vector<25x1250xbf16>, vector<25x1250xf32> -> vector<25x1250xf32>
      %swap3A_1552 = arith.constant 425 : index
      %swap3A_1553 = arith.constant 0 : index
      %swap3A_1554 = vector.load %arg5[%swap3A_1552, %swap3A_1553] : memref<1250x1250xf32, #tpu.memory_space<vmem>>, vector<25x1250xf32>
      tpu.vector_store %arg5[%swap3A_1552, %swap3A_1553], %dot_general3A_1551 {strides = array<i32>} : memref<1250x1250xf32, #tpu.memory_space<vmem>>, vector<25x1250xf32>,
      %get3A_1555 = arith.constant 18 : index
      %get3A_1556 = arith.constant 0 : index
      %get3A_1557 = arith.constant 0 : index
      %get3A_1558 = vector.load %arg7[%get3A_1555, %get3A_1556, %get3A_1557] : memref<50x25x153xf32, #tpu.memory_space<vmem>>, vector<1x25x153xf32>
      %get3A_1559 = vector.shape_cast %get3A_1558 : vector<1x25x153xf32> to vector<25x153xf32>
      %slice3A_1560 = vector.extract_strided_slice %get3A_1559 {offsets = [0, 0], sizes = [25, 128], strides = [1, 1]} : vector<25x153xf32> to vector<25x128xf32>
      %reshape3A_1561 = vector.shape_cast %slice3A_1560 : vector<25x128xf32> to vector<25x1x128xf32>
      %swap3A_1562 = arith.constant 0 : index
      %swap3A_1563 = arith.constant 18 : index
      %swap3A_1564 = arith.constant 0 : index
      %swap3A_1565 = vector.load %arg6[%swap3A_1562, %swap3A_1563, %swap3A_1564] : memref<25x50x128xf32, #tpu.memory_space<vmem>>, vector<25x1x128xf32>
      tpu.vector_store %arg6[%swap3A_1562, %swap3A_1563, %swap3A_1564], %reshape3A_1561 {strides = array<i32>} : memref<25x50x128xf32, #tpu.memory_space<vmem>>, vector<25x1x128xf32>,
      %add3A_1566 = arith.constant 450 : i32
      %add3A_1567 = vector.broadcast %add3A_1566 : i32 to vector<25x1250xi32>
      %add3A_1568 = arith.addi %iota3A, %add3A_1567 : vector<25x1250xi32>
      %eq3A_1569 = arith.cmpi eq, %iota3A_12, %add3A_1568 : vector<25x1250xi32>
      %convert_element_type3A_1570 = arith.extui %eq3A_1569 : vector<25x1250xi1> to vector<25x1250xi32>
      %convert_element_type3A_1571 = arith.sitofp %convert_element_type3A_1570 : vector<25x1250xi32> to vector<25x1250xf32>
      %convert_element_type3A_1572 = arith.truncf %convert_element_type3A_1571 : vector<25x1250xf32> to vector<25x1250xbf16>
      %slice3A_1573 = vector.extract_strided_slice %get3A_1559 {offsets = [0, 128], sizes = [25, 25], strides = [1, 1]} : vector<25x153xf32> to vector<25x25xf32>
      %convert_element_type3A_1574 = arith.truncf %slice3A_1573 : vector<25x25xf32> to vector<25x25xbf16>
      %dot_general3A_1575 = arith.constant dense<0.000000e+00> : vector<25x1250xf32>
      %dot_general3A_1576 = tpu.matmul %convert_element_type3A_1574, %convert_element_type3A_1572, %dot_general3A_1575 {dimension_numbers = #tpu.dot_dimension_numbers<[1], [0], [0], [1], [0, 0, 1, 1], [], []>, transpose_lhs_hint = false} : vector<25x25xbf16>, vector<25x1250xbf16>, vector<25x1250xf32> -> vector<25x1250xf32>
      %swap3A_1577 = arith.constant 450 : index
      %swap3A_1578 = arith.constant 0 : index
      %swap3A_1579 = vector.load %arg5[%swap3A_1577, %swap3A_1578] : memref<1250x1250xf32, #tpu.memory_space<vmem>>, vector<25x1250xf32>
      tpu.vector_store %arg5[%swap3A_1577, %swap3A_1578], %dot_general3A_1576 {strides = array<i32>} : memref<1250x1250xf32, #tpu.memory_space<vmem>>, vector<25x1250xf32>,
      %get3A_1580 = arith.constant 19 : index
      %get3A_1581 = arith.constant 0 : index
      %get3A_1582 = arith.constant 0 : index
      %get3A_1583 = vector.load %arg7[%get3A_1580, %get3A_1581, %get3A_1582] : memref<50x25x153xf32, #tpu.memory_space<vmem>>, vector<1x25x153xf32>
      %get3A_1584 = vector.shape_cast %get3A_1583 : vector<1x25x153xf32> to vector<25x153xf32>
      %slice3A_1585 = vector.extract_strided_slice %get3A_1584 {offsets = [0, 0], sizes = [25, 128], strides = [1, 1]} : vector<25x153xf32> to vector<25x128xf32>
      %reshape3A_1586 = vector.shape_cast %slice3A_1585 : vector<25x128xf32> to vector<25x1x128xf32>
      %swap3A_1587 = arith.constant 0 : index
      %swap3A_1588 = arith.constant 19 : index
      %swap3A_1589 = arith.constant 0 : index
      %swap3A_1590 = vector.load %arg6[%swap3A_1587, %swap3A_1588, %swap3A_1589] : memref<25x50x128xf32, #tpu.memory_space<vmem>>, vector<25x1x128xf32>
      tpu.vector_store %arg6[%swap3A_1587, %swap3A_1588, %swap3A_1589], %reshape3A_1586 {strides = array<i32>} : memref<25x50x128xf32, #tpu.memory_space<vmem>>, vector<25x1x128xf32>,
      %add3A_1591 = arith.constant 475 : i32
      %add3A_1592 = vector.broadcast %add3A_1591 : i32 to vector<25x1250xi32>
      %add3A_1593 = arith.addi %iota3A, %add3A_1592 : vector<25x1250xi32>
      %eq3A_1594 = arith.cmpi eq, %iota3A_12, %add3A_1593 : vector<25x1250xi32>
      %convert_element_type3A_1595 = arith.extui %eq3A_1594 : vector<25x1250xi1> to vector<25x1250xi32>
      %convert_element_type3A_1596 = arith.sitofp %convert_element_type3A_1595 : vector<25x1250xi32> to vector<25x1250xf32>
      %convert_element_type3A_1597 = arith.truncf %convert_element_type3A_1596 : vector<25x1250xf32> to vector<25x1250xbf16>
      %slice3A_1598 = vector.extract_strided_slice %get3A_1584 {offsets = [0, 128], sizes = [25, 25], strides = [1, 1]} : vector<25x153xf32> to vector<25x25xf32>
      %convert_element_type3A_1599 = arith.truncf %slice3A_1598 : vector<25x25xf32> to vector<25x25xbf16>
      %dot_general3A_1600 = arith.constant dense<0.000000e+00> : vector<25x1250xf32>
      %dot_general3A_1601 = tpu.matmul %convert_element_type3A_1599, %convert_element_type3A_1597, %dot_general3A_1600 {dimension_numbers = #tpu.dot_dimension_numbers<[1], [0], [0], [1], [0, 0, 1, 1], [], []>, transpose_lhs_hint = false} : vector<25x25xbf16>, vector<25x1250xbf16>, vector<25x1250xf32> -> vector<25x1250xf32>
      %swap3A_1602 = arith.constant 475 : index
      %swap3A_1603 = arith.constant 0 : index
      %swap3A_1604 = vector.load %arg5[%swap3A_1602, %swap3A_1603] : memref<1250x1250xf32, #tpu.memory_space<vmem>>, vector<25x1250xf32>
      tpu.vector_store %arg5[%swap3A_1602, %swap3A_1603], %dot_general3A_1601 {strides = array<i32>} : memref<1250x1250xf32, #tpu.memory_space<vmem>>, vector<25x1250xf32>,
      %get3A_1605 = arith.constant 20 : index
      %get3A_1606 = arith.constant 0 : index
      %get3A_1607 = arith.constant 0 : index
      %get3A_1608 = vector.load %arg7[%get3A_1605, %get3A_1606, %get3A_1607] : memref<50x25x153xf32, #tpu.memory_space<vmem>>, vector<1x25x153xf32>
      %get3A_1609 = vector.shape_cast %get3A_1608 : vector<1x25x153xf32> to vector<25x153xf32>
      %slice3A_1610 = vector.extract_strided_slice %get3A_1609 {offsets = [0, 0], sizes = [25, 128], strides = [1, 1]} : vector<25x153xf32> to vector<25x128xf32>
      %reshape3A_1611 = vector.shape_cast %slice3A_1610 : vector<25x128xf32> to vector<25x1x128xf32>
      %swap3A_1612 = arith.constant 0 : index
      %swap3A_1613 = arith.constant 20 : index
      %swap3A_1614 = arith.constant 0 : index
      %swap3A_1615 = vector.load %arg6[%swap3A_1612, %swap3A_1613, %swap3A_1614] : memref<25x50x128xf32, #tpu.memory_space<vmem>>, vector<25x1x128xf32>
      tpu.vector_store %arg6[%swap3A_1612, %swap3A_1613, %swap3A_1614], %reshape3A_1611 {strides = array<i32>} : memref<25x50x128xf32, #tpu.memory_space<vmem>>, vector<25x1x128xf32>,
      %add3A_1616 = arith.constant 500 : i32
      %add3A_1617 = vector.broadcast %add3A_1616 : i32 to vector<25x1250xi32>
      %add3A_1618 = arith.addi %iota3A, %add3A_1617 : vector<25x1250xi32>
      %eq3A_1619 = arith.cmpi eq, %iota3A_12, %add3A_1618 : vector<25x1250xi32>
      %convert_element_type3A_1620 = arith.extui %eq3A_1619 : vector<25x1250xi1> to vector<25x1250xi32>
      %convert_element_type3A_1621 = arith.sitofp %convert_element_type3A_1620 : vector<25x1250xi32> to vector<25x1250xf32>
      %convert_element_type3A_1622 = arith.truncf %convert_element_type3A_1621 : vector<25x1250xf32> to vector<25x1250xbf16>
      %slice3A_1623 = vector.extract_strided_slice %get3A_1609 {offsets = [0, 128], sizes = [25, 25], strides = [1, 1]} : vector<25x153xf32> to vector<25x25xf32>
      %convert_element_type3A_1624 = arith.truncf %slice3A_1623 : vector<25x25xf32> to vector<25x25xbf16>
      %dot_general3A_1625 = arith.constant dense<0.000000e+00> : vector<25x1250xf32>
      %dot_general3A_1626 = tpu.matmul %convert_element_type3A_1624, %convert_element_type3A_1622, %dot_general3A_1625 {dimension_numbers = #tpu.dot_dimension_numbers<[1], [0], [0], [1], [0, 0, 1, 1], [], []>, transpose_lhs_hint = false} : vector<25x25xbf16>, vector<25x1250xbf16>, vector<25x1250xf32> -> vector<25x1250xf32>
      %swap3A_1627 = arith.constant 500 : index
      %swap3A_1628 = arith.constant 0 : index
      %swap3A_1629 = vector.load %arg5[%swap3A_1627, %swap3A_1628] : memref<1250x1250xf32, #tpu.memory_space<vmem>>, vector<25x1250xf32>
      tpu.vector_store %arg5[%swap3A_1627, %swap3A_1628], %dot_general3A_1626 {strides = array<i32>} : memref<1250x1250xf32, #tpu.memory_space<vmem>>, vector<25x1250xf32>,
      %get3A_1630 = arith.constant 21 : index
      %get3A_1631 = arith.constant 0 : index
      %get3A_1632 = arith.constant 0 : index
      %get3A_1633 = vector.load %arg7[%get3A_1630, %get3A_1631, %get3A_1632] : memref<50x25x153xf32, #tpu.memory_space<vmem>>, vector<1x25x153xf32>
      %get3A_1634 = vector.shape_cast %get3A_1633 : vector<1x25x153xf32> to vector<25x153xf32>
      %slice3A_1635 = vector.extract_strided_slice %get3A_1634 {offsets = [0, 0], sizes = [25, 128], strides = [1, 1]} : vector<25x153xf32> to vector<25x128xf32>
      %reshape3A_1636 = vector.shape_cast %slice3A_1635 : vector<25x128xf32> to vector<25x1x128xf32>
      %swap3A_1637 = arith.constant 0 : index
      %swap3A_1638 = arith.constant 21 : index
      %swap3A_1639 = arith.constant 0 : index
      %swap3A_1640 = vector.load %arg6[%swap3A_1637, %swap3A_1638, %swap3A_1639] : memref<25x50x128xf32, #tpu.memory_space<vmem>>, vector<25x1x128xf32>
      tpu.vector_store %arg6[%swap3A_1637, %swap3A_1638, %swap3A_1639], %reshape3A_1636 {strides = array<i32>} : memref<25x50x128xf32, #tpu.memory_space<vmem>>, vector<25x1x128xf32>,
      %add3A_1641 = arith.constant 525 : i32
      %add3A_1642 = vector.broadcast %add3A_1641 : i32 to vector<25x1250xi32>
      %add3A_1643 = arith.addi %iota3A, %add3A_1642 : vector<25x1250xi32>
      %eq3A_1644 = arith.cmpi eq, %iota3A_12, %add3A_1643 : vector<25x1250xi32>
      %convert_element_type3A_1645 = arith.extui %eq3A_1644 : vector<25x1250xi1> to vector<25x1250xi32>
      %convert_element_type3A_1646 = arith.sitofp %convert_element_type3A_1645 : vector<25x1250xi32> to vector<25x1250xf32>
      %convert_element_type3A_1647 = arith.truncf %convert_element_type3A_1646 : vector<25x1250xf32> to vector<25x1250xbf16>
      %slice3A_1648 = vector.extract_strided_slice %get3A_1634 {offsets = [0, 128], sizes = [25, 25], strides = [1, 1]} : vector<25x153xf32> to vector<25x25xf32>
      %convert_element_type3A_1649 = arith.truncf %slice3A_1648 : vector<25x25xf32> to vector<25x25xbf16>
      %dot_general3A_1650 = arith.constant dense<0.000000e+00> : vector<25x1250xf32>
      %dot_general3A_1651 = tpu.matmul %convert_element_type3A_1649, %convert_element_type3A_1647, %dot_general3A_1650 {dimension_numbers = #tpu.dot_dimension_numbers<[1], [0], [0], [1], [0, 0, 1, 1], [], []>, transpose_lhs_hint = false} : vector<25x25xbf16>, vector<25x1250xbf16>, vector<25x1250xf32> -> vector<25x1250xf32>
      %swap3A_1652 = arith.constant 525 : index
      %swap3A_1653 = arith.constant 0 : index
      %swap3A_1654 = vector.load %arg5[%swap3A_1652, %swap3A_1653] : memref<1250x1250xf32, #tpu.memory_space<vmem>>, vector<25x1250xf32>
      tpu.vector_store %arg5[%swap3A_1652, %swap3A_1653], %dot_general3A_1651 {strides = array<i32>} : memref<1250x1250xf32, #tpu.memory_space<vmem>>, vector<25x1250xf32>,
      %get3A_1655 = arith.constant 22 : index
      %get3A_1656 = arith.constant 0 : index
      %get3A_1657 = arith.constant 0 : index
      %get3A_1658 = vector.load %arg7[%get3A_1655, %get3A_1656, %get3A_1657] : memref<50x25x153xf32, #tpu.memory_space<vmem>>, vector<1x25x153xf32>
      %get3A_1659 = vector.shape_cast %get3A_1658 : vector<1x25x153xf32> to vector<25x153xf32>
      %slice3A_1660 = vector.extract_strided_slice %get3A_1659 {offsets = [0, 0], sizes = [25, 128], strides = [1, 1]} : vector<25x153xf32> to vector<25x128xf32>
      %reshape3A_1661 = vector.shape_cast %slice3A_1660 : vector<25x128xf32> to vector<25x1x128xf32>
      %swap3A_1662 = arith.constant 0 : index
      %swap3A_1663 = arith.constant 22 : index
      %swap3A_1664 = arith.constant 0 : index
      %swap3A_1665 = vector.load %arg6[%swap3A_1662, %swap3A_1663, %swap3A_1664] : memref<25x50x128xf32, #tpu.memory_space<vmem>>, vector<25x1x128xf32>
      tpu.vector_store %arg6[%swap3A_1662, %swap3A_1663, %swap3A_1664], %reshape3A_1661 {strides = array<i32>} : memref<25x50x128xf32, #tpu.memory_space<vmem>>, vector<25x1x128xf32>,
      %add3A_1666 = arith.constant 550 : i32
      %add3A_1667 = vector.broadcast %add3A_1666 : i32 to vector<25x1250xi32>
      %add3A_1668 = arith.addi %iota3A, %add3A_1667 : vector<25x1250xi32>
      %eq3A_1669 = arith.cmpi eq, %iota3A_12, %add3A_1668 : vector<25x1250xi32>
      %convert_element_type3A_1670 = arith.extui %eq3A_1669 : vector<25x1250xi1> to vector<25x1250xi32>
      %convert_element_type3A_1671 = arith.sitofp %convert_element_type3A_1670 : vector<25x1250xi32> to vector<25x1250xf32>
      %convert_element_type3A_1672 = arith.truncf %convert_element_type3A_1671 : vector<25x1250xf32> to vector<25x1250xbf16>
      %slice3A_1673 = vector.extract_strided_slice %get3A_1659 {offsets = [0, 128], sizes = [25, 25], strides = [1, 1]} : vector<25x153xf32> to vector<25x25xf32>
      %convert_element_type3A_1674 = arith.truncf %slice3A_1673 : vector<25x25xf32> to vector<25x25xbf16>
      %dot_general3A_1675 = arith.constant dense<0.000000e+00> : vector<25x1250xf32>
      %dot_general3A_1676 = tpu.matmul %convert_element_type3A_1674, %convert_element_type3A_1672, %dot_general3A_1675 {dimension_numbers = #tpu.dot_dimension_numbers<[1], [0], [0], [1], [0, 0, 1, 1], [], []>, transpose_lhs_hint = false} : vector<25x25xbf16>, vector<25x1250xbf16>, vector<25x1250xf32> -> vector<25x1250xf32>
      %swap3A_1677 = arith.constant 550 : index
      %swap3A_1678 = arith.constant 0 : index
      %swap3A_1679 = vector.load %arg5[%swap3A_1677, %swap3A_1678] : memref<1250x1250xf32, #tpu.memory_space<vmem>>, vector<25x1250xf32>
      tpu.vector_store %arg5[%swap3A_1677, %swap3A_1678], %dot_general3A_1676 {strides = array<i32>} : memref<1250x1250xf32, #tpu.memory_space<vmem>>, vector<25x1250xf32>,
      %get3A_1680 = arith.constant 23 : index
      %get3A_1681 = arith.constant 0 : index
      %get3A_1682 = arith.constant 0 : index
      %get3A_1683 = vector.load %arg7[%get3A_1680, %get3A_1681, %get3A_1682] : memref<50x25x153xf32, #tpu.memory_space<vmem>>, vector<1x25x153xf32>
      %get3A_1684 = vector.shape_cast %get3A_1683 : vector<1x25x153xf32> to vector<25x153xf32>
      %slice3A_1685 = vector.extract_strided_slice %get3A_1684 {offsets = [0, 0], sizes = [25, 128], strides = [1, 1]} : vector<25x153xf32> to vector<25x128xf32>
      %reshape3A_1686 = vector.shape_cast %slice3A_1685 : vector<25x128xf32> to vector<25x1x128xf32>
      %swap3A_1687 = arith.constant 0 : index
      %swap3A_1688 = arith.constant 23 : index
      %swap3A_1689 = arith.constant 0 : index
      %swap3A_1690 = vector.load %arg6[%swap3A_1687, %swap3A_1688, %swap3A_1689] : memref<25x50x128xf32, #tpu.memory_space<vmem>>, vector<25x1x128xf32>
      tpu.vector_store %arg6[%swap3A_1687, %swap3A_1688, %swap3A_1689], %reshape3A_1686 {strides = array<i32>} : memref<25x50x128xf32, #tpu.memory_space<vmem>>, vector<25x1x128xf32>,
      %add3A_1691 = arith.constant 575 : i32
      %add3A_1692 = vector.broadcast %add3A_1691 : i32 to vector<25x1250xi32>
      %add3A_1693 = arith.addi %iota3A, %add3A_1692 : vector<25x1250xi32>
      %eq3A_1694 = arith.cmpi eq, %iota3A_12, %add3A_1693 : vector<25x1250xi32>
      %convert_element_type3A_1695 = arith.extui %eq3A_1694 : vector<25x1250xi1> to vector<25x1250xi32>
      %convert_element_type3A_1696 = arith.sitofp %convert_element_type3A_1695 : vector<25x1250xi32> to vector<25x1250xf32>
      %convert_element_type3A_1697 = arith.truncf %convert_element_type3A_1696 : vector<25x1250xf32> to vector<25x1250xbf16>
      %slice3A_1698 = vector.extract_strided_slice %get3A_1684 {offsets = [0, 128], sizes = [25, 25], strides = [1, 1]} : vector<25x153xf32> to vector<25x25xf32>
      %convert_element_type3A_1699 = arith.truncf %slice3A_1698 : vector<25x25xf32> to vector<25x25xbf16>
      %dot_general3A_1700 = arith.constant dense<0.000000e+00> : vector<25x1250xf32>
      %dot_general3A_1701 = tpu.matmul %convert_element_type3A_1699, %convert_element_type3A_1697, %dot_general3A_1700 {dimension_numbers = #tpu.dot_dimension_numbers<[1], [0], [0], [1], [0, 0, 1, 1], [], []>, transpose_lhs_hint = false} : vector<25x25xbf16>, vector<25x1250xbf16>, vector<25x1250xf32> -> vector<25x1250xf32>
      %swap3A_1702 = arith.constant 575 : index
      %swap3A_1703 = arith.constant 0 : index
      %swap3A_1704 = vector.load %arg5[%swap3A_1702, %swap3A_1703] : memref<1250x1250xf32, #tpu.memory_space<vmem>>, vector<25x1250xf32>
      tpu.vector_store %arg5[%swap3A_1702, %swap3A_1703], %dot_general3A_1701 {strides = array<i32>} : memref<1250x1250xf32, #tpu.memory_space<vmem>>, vector<25x1250xf32>,
      %get3A_1705 = arith.constant 24 : index
      %get3A_1706 = arith.constant 0 : index
      %get3A_1707 = arith.constant 0 : index
      %get3A_1708 = vector.load %arg7[%get3A_1705, %get3A_1706, %get3A_1707] : memref<50x25x153xf32, #tpu.memory_space<vmem>>, vector<1x25x153xf32>
      %get3A_1709 = vector.shape_cast %get3A_1708 : vector<1x25x153xf32> to vector<25x153xf32>
      %slice3A_1710 = vector.extract_strided_slice %get3A_1709 {offsets = [0, 0], sizes = [25, 128], strides = [1, 1]} : vector<25x153xf32> to vector<25x128xf32>
      %reshape3A_1711 = vector.shape_cast %slice3A_1710 : vector<25x128xf32> to vector<25x1x128xf32>
      %swap3A_1712 = arith.constant 0 : index
      %swap3A_1713 = arith.constant 24 : index
      %swap3A_1714 = arith.constant 0 : index
      %swap3A_1715 = vector.load %arg6[%swap3A_1712, %swap3A_1713, %swap3A_1714] : memref<25x50x128xf32, #tpu.memory_space<vmem>>, vector<25x1x128xf32>
      tpu.vector_store %arg6[%swap3A_1712, %swap3A_1713, %swap3A_1714], %reshape3A_1711 {strides = array<i32>} : memref<25x50x128xf32, #tpu.memory_space<vmem>>, vector<25x1x128xf32>,
      %add3A_1716 = arith.constant 600 : i32
      %add3A_1717 = vector.broadcast %add3A_1716 : i32 to vector<25x1250xi32>
      %add3A_1718 = arith.addi %iota3A, %add3A_1717 : vector<25x1250xi32>
      %eq3A_1719 = arith.cmpi eq, %iota3A_12, %add3A_1718 : vector<25x1250xi32>
      %convert_element_type3A_1720 = arith.extui %eq3A_1719 : vector<25x1250xi1> to vector<25x1250xi32>
      %convert_element_type3A_1721 = arith.sitofp %convert_element_type3A_1720 : vector<25x1250xi32> to vector<25x1250xf32>
      %convert_element_type3A_1722 = arith.truncf %convert_element_type3A_1721 : vector<25x1250xf32> to vector<25x1250xbf16>
      %slice3A_1723 = vector.extract_strided_slice %get3A_1709 {offsets = [0, 128], sizes = [25, 25], strides = [1, 1]} : vector<25x153xf32> to vector<25x25xf32>
      %convert_element_type3A_1724 = arith.truncf %slice3A_1723 : vector<25x25xf32> to vector<25x25xbf16>
      %dot_general3A_1725 = arith.constant dense<0.000000e+00> : vector<25x1250xf32>
      %dot_general3A_1726 = tpu.matmul %convert_element_type3A_1724, %convert_element_type3A_1722, %dot_general3A_1725 {dimension_numbers = #tpu.dot_dimension_numbers<[1], [0], [0], [1], [0, 0, 1, 1], [], []>, transpose_lhs_hint = false} : vector<25x25xbf16>, vector<25x1250xbf16>, vector<25x1250xf32> -> vector<25x1250xf32>
      %swap3A_1727 = arith.constant 600 : index
      %swap3A_1728 = arith.constant 0 : index
      %swap3A_1729 = vector.load %arg5[%swap3A_1727, %swap3A_1728] : memref<1250x1250xf32, #tpu.memory_space<vmem>>, vector<25x1250xf32>
      tpu.vector_store %arg5[%swap3A_1727, %swap3A_1728], %dot_general3A_1726 {strides = array<i32>} : memref<1250x1250xf32, #tpu.memory_space<vmem>>, vector<25x1250xf32>,
      %get3A_1730 = arith.constant 25 : index
      %get3A_1731 = arith.constant 0 : index
      %get3A_1732 = arith.constant 0 : index
      %get3A_1733 = vector.load %arg7[%get3A_1730, %get3A_1731, %get3A_1732] : memref<50x25x153xf32, #tpu.memory_space<vmem>>, vector<1x25x153xf32>
      %get3A_1734 = vector.shape_cast %get3A_1733 : vector<1x25x153xf32> to vector<25x153xf32>
      %slice3A_1735 = vector.extract_strided_slice %get3A_1734 {offsets = [0, 0], sizes = [25, 128], strides = [1, 1]} : vector<25x153xf32> to vector<25x128xf32>
      %reshape3A_1736 = vector.shape_cast %slice3A_1735 : vector<25x128xf32> to vector<25x1x128xf32>
      %swap3A_1737 = arith.constant 0 : index
      %swap3A_1738 = arith.constant 25 : index
      %swap3A_1739 = arith.constant 0 : index
      %swap3A_1740 = vector.load %arg6[%swap3A_1737, %swap3A_1738, %swap3A_1739] : memref<25x50x128xf32, #tpu.memory_space<vmem>>, vector<25x1x128xf32>
      tpu.vector_store %arg6[%swap3A_1737, %swap3A_1738, %swap3A_1739], %reshape3A_1736 {strides = array<i32>} : memref<25x50x128xf32, #tpu.memory_space<vmem>>, vector<25x1x128xf32>,
      %add3A_1741 = arith.constant 625 : i32
      %add3A_1742 = vector.broadcast %add3A_1741 : i32 to vector<25x1250xi32>
      %add3A_1743 = arith.addi %iota3A, %add3A_1742 : vector<25x1250xi32>
      %eq3A_1744 = arith.cmpi eq, %iota3A_12, %add3A_1743 : vector<25x1250xi32>
      %convert_element_type3A_1745 = arith.extui %eq3A_1744 : vector<25x1250xi1> to vector<25x1250xi32>
      %convert_element_type3A_1746 = arith.sitofp %convert_element_type3A_1745 : vector<25x1250xi32> to vector<25x1250xf32>
      %convert_element_type3A_1747 = arith.truncf %convert_element_type3A_1746 : vector<25x1250xf32> to vector<25x1250xbf16>
      %slice3A_1748 = vector.extract_strided_slice %get3A_1734 {offsets = [0, 128], sizes = [25, 25], strides = [1, 1]} : vector<25x153xf32> to vector<25x25xf32>
      %convert_element_type3A_1749 = arith.truncf %slice3A_1748 : vector<25x25xf32> to vector<25x25xbf16>
      %dot_general3A_1750 = arith.constant dense<0.000000e+00> : vector<25x1250xf32>
      %dot_general3A_1751 = tpu.matmul %convert_element_type3A_1749, %convert_element_type3A_1747, %dot_general3A_1750 {dimension_numbers = #tpu.dot_dimension_numbers<[1], [0], [0], [1], [0, 0, 1, 1], [], []>, transpose_lhs_hint = false} : vector<25x25xbf16>, vector<25x1250xbf16>, vector<25x1250xf32> -> vector<25x1250xf32>
      %swap3A_1752 = arith.constant 625 : index
      %swap3A_1753 = arith.constant 0 : index
      %swap3A_1754 = vector.load %arg5[%swap3A_1752, %swap3A_1753] : memref<1250x1250xf32, #tpu.memory_space<vmem>>, vector<25x1250xf32>
      tpu.vector_store %arg5[%swap3A_1752, %swap3A_1753], %dot_general3A_1751 {strides = array<i32>} : memref<1250x1250xf32, #tpu.memory_space<vmem>>, vector<25x1250xf32>,
      %get3A_1755 = arith.constant 26 : index
      %get3A_1756 = arith.constant 0 : index
      %get3A_1757 = arith.constant 0 : index
      %get3A_1758 = vector.load %arg7[%get3A_1755, %get3A_1756, %get3A_1757] : memref<50x25x153xf32, #tpu.memory_space<vmem>>, vector<1x25x153xf32>
      %get3A_1759 = vector.shape_cast %get3A_1758 : vector<1x25x153xf32> to vector<25x153xf32>
      %slice3A_1760 = vector.extract_strided_slice %get3A_1759 {offsets = [0, 0], sizes = [25, 128], strides = [1, 1]} : vector<25x153xf32> to vector<25x128xf32>
      %reshape3A_1761 = vector.shape_cast %slice3A_1760 : vector<25x128xf32> to vector<25x1x128xf32>
      %swap3A_1762 = arith.constant 0 : index
      %swap3A_1763 = arith.constant 26 : index
      %swap3A_1764 = arith.constant 0 : index
      %swap3A_1765 = vector.load %arg6[%swap3A_1762, %swap3A_1763, %swap3A_1764] : memref<25x50x128xf32, #tpu.memory_space<vmem>>, vector<25x1x128xf32>
      tpu.vector_store %arg6[%swap3A_1762, %swap3A_1763, %swap3A_1764], %reshape3A_1761 {strides = array<i32>} : memref<25x50x128xf32, #tpu.memory_space<vmem>>, vector<25x1x128xf32>,
      %add3A_1766 = arith.constant 650 : i32
      %add3A_1767 = vector.broadcast %add3A_1766 : i32 to vector<25x1250xi32>
      %add3A_1768 = arith.addi %iota3A, %add3A_1767 : vector<25x1250xi32>
      %eq3A_1769 = arith.cmpi eq, %iota3A_12, %add3A_1768 : vector<25x1250xi32>
      %convert_element_type3A_1770 = arith.extui %eq3A_1769 : vector<25x1250xi1> to vector<25x1250xi32>
      %convert_element_type3A_1771 = arith.sitofp %convert_element_type3A_1770 : vector<25x1250xi32> to vector<25x1250xf32>
      %convert_element_type3A_1772 = arith.truncf %convert_element_type3A_1771 : vector<25x1250xf32> to vector<25x1250xbf16>
      %slice3A_1773 = vector.extract_strided_slice %get3A_1759 {offsets = [0, 128], sizes = [25, 25], strides = [1, 1]} : vector<25x153xf32> to vector<25x25xf32>
      %convert_element_type3A_1774 = arith.truncf %slice3A_1773 : vector<25x25xf32> to vector<25x25xbf16>
      %dot_general3A_1775 = arith.constant dense<0.000000e+00> : vector<25x1250xf32>
      %dot_general3A_1776 = tpu.matmul %convert_element_type3A_1774, %convert_element_type3A_1772, %dot_general3A_1775 {dimension_numbers = #tpu.dot_dimension_numbers<[1], [0], [0], [1], [0, 0, 1, 1], [], []>, transpose_lhs_hint = false} : vector<25x25xbf16>, vector<25x1250xbf16>, vector<25x1250xf32> -> vector<25x1250xf32>
      %swap3A_1777 = arith.constant 650 : index
      %swap3A_1778 = arith.constant 0 : index
      %swap3A_1779 = vector.load %arg5[%swap3A_1777, %swap3A_1778] : memref<1250x1250xf32, #tpu.memory_space<vmem>>, vector<25x1250xf32>
      tpu.vector_store %arg5[%swap3A_1777, %swap3A_1778], %dot_general3A_1776 {strides = array<i32>} : memref<1250x1250xf32, #tpu.memory_space<vmem>>, vector<25x1250xf32>,
      %get3A_1780 = arith.constant 27 : index
      %get3A_1781 = arith.constant 0 : index
      %get3A_1782 = arith.constant 0 : index
      %get3A_1783 = vector.load %arg7[%get3A_1780, %get3A_1781, %get3A_1782] : memref<50x25x153xf32, #tpu.memory_space<vmem>>, vector<1x25x153xf32>
      %get3A_1784 = vector.shape_cast %get3A_1783 : vector<1x25x153xf32> to vector<25x153xf32>
      %slice3A_1785 = vector.extract_strided_slice %get3A_1784 {offsets = [0, 0], sizes = [25, 128], strides = [1, 1]} : vector<25x153xf32> to vector<25x128xf32>
      %reshape3A_1786 = vector.shape_cast %slice3A_1785 : vector<25x128xf32> to vector<25x1x128xf32>
      %swap3A_1787 = arith.constant 0 : index
      %swap3A_1788 = arith.constant 27 : index
      %swap3A_1789 = arith.constant 0 : index
      %swap3A_1790 = vector.load %arg6[%swap3A_1787, %swap3A_1788, %swap3A_1789] : memref<25x50x128xf32, #tpu.memory_space<vmem>>, vector<25x1x128xf32>
      tpu.vector_store %arg6[%swap3A_1787, %swap3A_1788, %swap3A_1789], %reshape3A_1786 {strides = array<i32>} : memref<25x50x128xf32, #tpu.memory_space<vmem>>, vector<25x1x128xf32>,
      %add3A_1791 = arith.constant 675 : i32
      %add3A_1792 = vector.broadcast %add3A_1791 : i32 to vector<25x1250xi32>
      %add3A_1793 = arith.addi %iota3A, %add3A_1792 : vector<25x1250xi32>
      %eq3A_1794 = arith.cmpi eq, %iota3A_12, %add3A_1793 : vector<25x1250xi32>
      %convert_element_type3A_1795 = arith.extui %eq3A_1794 : vector<25x1250xi1> to vector<25x1250xi32>
      %convert_element_type3A_1796 = arith.sitofp %convert_element_type3A_1795 : vector<25x1250xi32> to vector<25x1250xf32>
      %convert_element_type3A_1797 = arith.truncf %convert_element_type3A_1796 : vector<25x1250xf32> to vector<25x1250xbf16>
      %slice3A_1798 = vector.extract_strided_slice %get3A_1784 {offsets = [0, 128], sizes = [25, 25], strides = [1, 1]} : vector<25x153xf32> to vector<25x25xf32>
      %convert_element_type3A_1799 = arith.truncf %slice3A_1798 : vector<25x25xf32> to vector<25x25xbf16>
      %dot_general3A_1800 = arith.constant dense<0.000000e+00> : vector<25x1250xf32>
      %dot_general3A_1801 = tpu.matmul %convert_element_type3A_1799, %convert_element_type3A_1797, %dot_general3A_1800 {dimension_numbers = #tpu.dot_dimension_numbers<[1], [0], [0], [1], [0, 0, 1, 1], [], []>, transpose_lhs_hint = false} : vector<25x25xbf16>, vector<25x1250xbf16>, vector<25x1250xf32> -> vector<25x1250xf32>
      %swap3A_1802 = arith.constant 675 : index
      %swap3A_1803 = arith.constant 0 : index
      %swap3A_1804 = vector.load %arg5[%swap3A_1802, %swap3A_1803] : memref<1250x1250xf32, #tpu.memory_space<vmem>>, vector<25x1250xf32>
      tpu.vector_store %arg5[%swap3A_1802, %swap3A_1803], %dot_general3A_1801 {strides = array<i32>} : memref<1250x1250xf32, #tpu.memory_space<vmem>>, vector<25x1250xf32>,
      %get3A_1805 = arith.constant 28 : index
      %get3A_1806 = arith.constant 0 : index
      %get3A_1807 = arith.constant 0 : index
      %get3A_1808 = vector.load %arg7[%get3A_1805, %get3A_1806, %get3A_1807] : memref<50x25x153xf32, #tpu.memory_space<vmem>>, vector<1x25x153xf32>
      %get3A_1809 = vector.shape_cast %get3A_1808 : vector<1x25x153xf32> to vector<25x153xf32>
      %slice3A_1810 = vector.extract_strided_slice %get3A_1809 {offsets = [0, 0], sizes = [25, 128], strides = [1, 1]} : vector<25x153xf32> to vector<25x128xf32>
      %reshape3A_1811 = vector.shape_cast %slice3A_1810 : vector<25x128xf32> to vector<25x1x128xf32>
      %swap3A_1812 = arith.constant 0 : index
      %swap3A_1813 = arith.constant 28 : index
      %swap3A_1814 = arith.constant 0 : index
      %swap3A_1815 = vector.load %arg6[%swap3A_1812, %swap3A_1813, %swap3A_1814] : memref<25x50x128xf32, #tpu.memory_space<vmem>>, vector<25x1x128xf32>
      tpu.vector_store %arg6[%swap3A_1812, %swap3A_1813, %swap3A_1814], %reshape3A_1811 {strides = array<i32>} : memref<25x50x128xf32, #tpu.memory_space<vmem>>, vector<25x1x128xf32>,
      %add3A_1816 = arith.constant 700 : i32
      %add3A_1817 = vector.broadcast %add3A_1816 : i32 to vector<25x1250xi32>
      %add3A_1818 = arith.addi %iota3A, %add3A_1817 : vector<25x1250xi32>
      %eq3A_1819 = arith.cmpi eq, %iota3A_12, %add3A_1818 : vector<25x1250xi32>
      %convert_element_type3A_1820 = arith.extui %eq3A_1819 : vector<25x1250xi1> to vector<25x1250xi32>
      %convert_element_type3A_1821 = arith.sitofp %convert_element_type3A_1820 : vector<25x1250xi32> to vector<25x1250xf32>
      %convert_element_type3A_1822 = arith.truncf %convert_element_type3A_1821 : vector<25x1250xf32> to vector<25x1250xbf16>
      %slice3A_1823 = vector.extract_strided_slice %get3A_1809 {offsets = [0, 128], sizes = [25, 25], strides = [1, 1]} : vector<25x153xf32> to vector<25x25xf32>
      %convert_element_type3A_1824 = arith.truncf %slice3A_1823 : vector<25x25xf32> to vector<25x25xbf16>
      %dot_general3A_1825 = arith.constant dense<0.000000e+00> : vector<25x1250xf32>
      %dot_general3A_1826 = tpu.matmul %convert_element_type3A_1824, %convert_element_type3A_1822, %dot_general3A_1825 {dimension_numbers = #tpu.dot_dimension_numbers<[1], [0], [0], [1], [0, 0, 1, 1], [], []>, transpose_lhs_hint = false} : vector<25x25xbf16>, vector<25x1250xbf16>, vector<25x1250xf32> -> vector<25x1250xf32>
      %swap3A_1827 = arith.constant 700 : index
      %swap3A_1828 = arith.constant 0 : index
      %swap3A_1829 = vector.load %arg5[%swap3A_1827, %swap3A_1828] : memref<1250x1250xf32, #tpu.memory_space<vmem>>, vector<25x1250xf32>
      tpu.vector_store %arg5[%swap3A_1827, %swap3A_1828], %dot_general3A_1826 {strides = array<i32>} : memref<1250x1250xf32, #tpu.memory_space<vmem>>, vector<25x1250xf32>,
      %get3A_1830 = arith.constant 29 : index
      %get3A_1831 = arith.constant 0 : index
      %get3A_1832 = arith.constant 0 : index
      %get3A_1833 = vector.load %arg7[%get3A_1830, %get3A_1831, %get3A_1832] : memref<50x25x153xf32, #tpu.memory_space<vmem>>, vector<1x25x153xf32>
      %get3A_1834 = vector.shape_cast %get3A_1833 : vector<1x25x153xf32> to vector<25x153xf32>
      %slice3A_1835 = vector.extract_strided_slice %get3A_1834 {offsets = [0, 0], sizes = [25, 128], strides = [1, 1]} : vector<25x153xf32> to vector<25x128xf32>
      %reshape3A_1836 = vector.shape_cast %slice3A_1835 : vector<25x128xf32> to vector<25x1x128xf32>
      %swap3A_1837 = arith.constant 0 : index
      %swap3A_1838 = arith.constant 29 : index
      %swap3A_1839 = arith.constant 0 : index
      %swap3A_1840 = vector.load %arg6[%swap3A_1837, %swap3A_1838, %swap3A_1839] : memref<25x50x128xf32, #tpu.memory_space<vmem>>, vector<25x1x128xf32>
      tpu.vector_store %arg6[%swap3A_1837, %swap3A_1838, %swap3A_1839], %reshape3A_1836 {strides = array<i32>} : memref<25x50x128xf32, #tpu.memory_space<vmem>>, vector<25x1x128xf32>,
      %add3A_1841 = arith.constant 725 : i32
      %add3A_1842 = vector.broadcast %add3A_1841 : i32 to vector<25x1250xi32>
      %add3A_1843 = arith.addi %iota3A, %add3A_1842 : vector<25x1250xi32>
      %eq3A_1844 = arith.cmpi eq, %iota3A_12, %add3A_1843 : vector<25x1250xi32>
      %convert_element_type3A_1845 = arith.extui %eq3A_1844 : vector<25x1250xi1> to vector<25x1250xi32>
      %convert_element_type3A_1846 = arith.sitofp %convert_element_type3A_1845 : vector<25x1250xi32> to vector<25x1250xf32>
      %convert_element_type3A_1847 = arith.truncf %convert_element_type3A_1846 : vector<25x1250xf32> to vector<25x1250xbf16>
      %slice3A_1848 = vector.extract_strided_slice %get3A_1834 {offsets = [0, 128], sizes = [25, 25], strides = [1, 1]} : vector<25x153xf32> to vector<25x25xf32>
      %convert_element_type3A_1849 = arith.truncf %slice3A_1848 : vector<25x25xf32> to vector<25x25xbf16>
      %dot_general3A_1850 = arith.constant dense<0.000000e+00> : vector<25x1250xf32>
      %dot_general3A_1851 = tpu.matmul %convert_element_type3A_1849, %convert_element_type3A_1847, %dot_general3A_1850 {dimension_numbers = #tpu.dot_dimension_numbers<[1], [0], [0], [1], [0, 0, 1, 1], [], []>, transpose_lhs_hint = false} : vector<25x25xbf16>, vector<25x1250xbf16>, vector<25x1250xf32> -> vector<25x1250xf32>
      %swap3A_1852 = arith.constant 725 : index
      %swap3A_1853 = arith.constant 0 : index
      %swap3A_1854 = vector.load %arg5[%swap3A_1852, %swap3A_1853] : memref<1250x1250xf32, #tpu.memory_space<vmem>>, vector<25x1250xf32>
      tpu.vector_store %arg5[%swap3A_1852, %swap3A_1853], %dot_general3A_1851 {strides = array<i32>} : memref<1250x1250xf32, #tpu.memory_space<vmem>>, vector<25x1250xf32>,
      %get3A_1855 = arith.constant 30 : index
      %get3A_1856 = arith.constant 0 : index
      %get3A_1857 = arith.constant 0 : index
      %get3A_1858 = vector.load %arg7[%get3A_1855, %get3A_1856, %get3A_1857] : memref<50x25x153xf32, #tpu.memory_space<vmem>>, vector<1x25x153xf32>
      %get3A_1859 = vector.shape_cast %get3A_1858 : vector<1x25x153xf32> to vector<25x153xf32>
      %slice3A_1860 = vector.extract_strided_slice %get3A_1859 {offsets = [0, 0], sizes = [25, 128], strides = [1, 1]} : vector<25x153xf32> to vector<25x128xf32>
      %reshape3A_1861 = vector.shape_cast %slice3A_1860 : vector<25x128xf32> to vector<25x1x128xf32>
      %swap3A_1862 = arith.constant 0 : index
      %swap3A_1863 = arith.constant 30 : index
      %swap3A_1864 = arith.constant 0 : index
      %swap3A_1865 = vector.load %arg6[%swap3A_1862, %swap3A_1863, %swap3A_1864] : memref<25x50x128xf32, #tpu.memory_space<vmem>>, vector<25x1x128xf32>
      tpu.vector_store %arg6[%swap3A_1862, %swap3A_1863, %swap3A_1864], %reshape3A_1861 {strides = array<i32>} : memref<25x50x128xf32, #tpu.memory_space<vmem>>, vector<25x1x128xf32>,
      %add3A_1866 = arith.constant 750 : i32
      %add3A_1867 = vector.broadcast %add3A_1866 : i32 to vector<25x1250xi32>
      %add3A_1868 = arith.addi %iota3A, %add3A_1867 : vector<25x1250xi32>
      %eq3A_1869 = arith.cmpi eq, %iota3A_12, %add3A_1868 : vector<25x1250xi32>
      %convert_element_type3A_1870 = arith.extui %eq3A_1869 : vector<25x1250xi1> to vector<25x1250xi32>
      %convert_element_type3A_1871 = arith.sitofp %convert_element_type3A_1870 : vector<25x1250xi32> to vector<25x1250xf32>
      %convert_element_type3A_1872 = arith.truncf %convert_element_type3A_1871 : vector<25x1250xf32> to vector<25x1250xbf16>
      %slice3A_1873 = vector.extract_strided_slice %get3A_1859 {offsets = [0, 128], sizes = [25, 25], strides = [1, 1]} : vector<25x153xf32> to vector<25x25xf32>
      %convert_element_type3A_1874 = arith.truncf %slice3A_1873 : vector<25x25xf32> to vector<25x25xbf16>
      %dot_general3A_1875 = arith.constant dense<0.000000e+00> : vector<25x1250xf32>
      %dot_general3A_1876 = tpu.matmul %convert_element_type3A_1874, %convert_element_type3A_1872, %dot_general3A_1875 {dimension_numbers = #tpu.dot_dimension_numbers<[1], [0], [0], [1], [0, 0, 1, 1], [], []>, transpose_lhs_hint = false} : vector<25x25xbf16>, vector<25x1250xbf16>, vector<25x1250xf32> -> vector<25x1250xf32>
      %swap3A_1877 = arith.constant 750 : index
      %swap3A_1878 = arith.constant 0 : index
      %swap3A_1879 = vector.load %arg5[%swap3A_1877, %swap3A_1878] : memref<1250x1250xf32, #tpu.memory_space<vmem>>, vector<25x1250xf32>
      tpu.vector_store %arg5[%swap3A_1877, %swap3A_1878], %dot_general3A_1876 {strides = array<i32>} : memref<1250x1250xf32, #tpu.memory_space<vmem>>, vector<25x1250xf32>,
      %get3A_1880 = arith.constant 31 : index
      %get3A_1881 = arith.constant 0 : index
      %get3A_1882 = arith.constant 0 : index
      %get3A_1883 = vector.load %arg7[%get3A_1880, %get3A_1881, %get3A_1882] : memref<50x25x153xf32, #tpu.memory_space<vmem>>, vector<1x25x153xf32>
      %get3A_1884 = vector.shape_cast %get3A_1883 : vector<1x25x153xf32> to vector<25x153xf32>
      %slice3A_1885 = vector.extract_strided_slice %get3A_1884 {offsets = [0, 0], sizes = [25, 128], strides = [1, 1]} : vector<25x153xf32> to vector<25x128xf32>
      %reshape3A_1886 = vector.shape_cast %slice3A_1885 : vector<25x128xf32> to vector<25x1x128xf32>
      %swap3A_1887 = arith.constant 0 : index
      %swap3A_1888 = arith.constant 31 : index
      %swap3A_1889 = arith.constant 0 : index
      %swap3A_1890 = vector.load %arg6[%swap3A_1887, %swap3A_1888, %swap3A_1889] : memref<25x50x128xf32, #tpu.memory_space<vmem>>, vector<25x1x128xf32>
      tpu.vector_store %arg6[%swap3A_1887, %swap3A_1888, %swap3A_1889], %reshape3A_1886 {strides = array<i32>} : memref<25x50x128xf32, #tpu.memory_space<vmem>>, vector<25x1x128xf32>,
      %add3A_1891 = arith.constant 775 : i32
      %add3A_1892 = vector.broadcast %add3A_1891 : i32 to vector<25x1250xi32>
      %add3A_1893 = arith.addi %iota3A, %add3A_1892 : vector<25x1250xi32>
      %eq3A_1894 = arith.cmpi eq, %iota3A_12, %add3A_1893 : vector<25x1250xi32>
      %convert_element_type3A_1895 = arith.extui %eq3A_1894 : vector<25x1250xi1> to vector<25x1250xi32>
      %convert_element_type3A_1896 = arith.sitofp %convert_element_type3A_1895 : vector<25x1250xi32> to vector<25x1250xf32>
      %convert_element_type3A_1897 = arith.truncf %convert_element_type3A_1896 : vector<25x1250xf32> to vector<25x1250xbf16>
      %slice3A_1898 = vector.extract_strided_slice %get3A_1884 {offsets = [0, 128], sizes = [25, 25], strides = [1, 1]} : vector<25x153xf32> to vector<25x25xf32>
      %convert_element_type3A_1899 = arith.truncf %slice3A_1898 : vector<25x25xf32> to vector<25x25xbf16>
      %dot_general3A_1900 = arith.constant dense<0.000000e+00> : vector<25x1250xf32>
      %dot_general3A_1901 = tpu.matmul %convert_element_type3A_1899, %convert_element_type3A_1897, %dot_general3A_1900 {dimension_numbers = #tpu.dot_dimension_numbers<[1], [0], [0], [1], [0, 0, 1, 1], [], []>, transpose_lhs_hint = false} : vector<25x25xbf16>, vector<25x1250xbf16>, vector<25x1250xf32> -> vector<25x1250xf32>
      %swap3A_1902 = arith.constant 775 : index
      %swap3A_1903 = arith.constant 0 : index
      %swap3A_1904 = vector.load %arg5[%swap3A_1902, %swap3A_1903] : memref<1250x1250xf32, #tpu.memory_space<vmem>>, vector<25x1250xf32>
      tpu.vector_store %arg5[%swap3A_1902, %swap3A_1903], %dot_general3A_1901 {strides = array<i32>} : memref<1250x1250xf32, #tpu.memory_space<vmem>>, vector<25x1250xf32>,
      %get3A_1905 = arith.constant 32 : index
      %get3A_1906 = arith.constant 0 : index
      %get3A_1907 = arith.constant 0 : index
      %get3A_1908 = vector.load %arg7[%get3A_1905, %get3A_1906, %get3A_1907] : memref<50x25x153xf32, #tpu.memory_space<vmem>>, vector<1x25x153xf32>
      %get3A_1909 = vector.shape_cast %get3A_1908 : vector<1x25x153xf32> to vector<25x153xf32>
      %slice3A_1910 = vector.extract_strided_slice %get3A_1909 {offsets = [0, 0], sizes = [25, 128], strides = [1, 1]} : vector<25x153xf32> to vector<25x128xf32>
      %reshape3A_1911 = vector.shape_cast %slice3A_1910 : vector<25x128xf32> to vector<25x1x128xf32>
      %swap3A_1912 = arith.constant 0 : index
      %swap3A_1913 = arith.constant 32 : index
      %swap3A_1914 = arith.constant 0 : index
      %swap3A_1915 = vector.load %arg6[%swap3A_1912, %swap3A_1913, %swap3A_1914] : memref<25x50x128xf32, #tpu.memory_space<vmem>>, vector<25x1x128xf32>
      tpu.vector_store %arg6[%swap3A_1912, %swap3A_1913, %swap3A_1914], %reshape3A_1911 {strides = array<i32>} : memref<25x50x128xf32, #tpu.memory_space<vmem>>, vector<25x1x128xf32>,
      %add3A_1916 = arith.constant 800 : i32
      %add3A_1917 = vector.broadcast %add3A_1916 : i32 to vector<25x1250xi32>
      %add3A_1918 = arith.addi %iota3A, %add3A_1917 : vector<25x1250xi32>
      %eq3A_1919 = arith.cmpi eq, %iota3A_12, %add3A_1918 : vector<25x1250xi32>
      %convert_element_type3A_1920 = arith.extui %eq3A_1919 : vector<25x1250xi1> to vector<25x1250xi32>
      %convert_element_type3A_1921 = arith.sitofp %convert_element_type3A_1920 : vector<25x1250xi32> to vector<25x1250xf32>
      %convert_element_type3A_1922 = arith.truncf %convert_element_type3A_1921 : vector<25x1250xf32> to vector<25x1250xbf16>
      %slice3A_1923 = vector.extract_strided_slice %get3A_1909 {offsets = [0, 128], sizes = [25, 25], strides = [1, 1]} : vector<25x153xf32> to vector<25x25xf32>
      %convert_element_type3A_1924 = arith.truncf %slice3A_1923 : vector<25x25xf32> to vector<25x25xbf16>
      %dot_general3A_1925 = arith.constant dense<0.000000e+00> : vector<25x1250xf32>
      %dot_general3A_1926 = tpu.matmul %convert_element_type3A_1924, %convert_element_type3A_1922, %dot_general3A_1925 {dimension_numbers = #tpu.dot_dimension_numbers<[1], [0], [0], [1], [0, 0, 1, 1], [], []>, transpose_lhs_hint = false} : vector<25x25xbf16>, vector<25x1250xbf16>, vector<25x1250xf32> -> vector<25x1250xf32>
      %swap3A_1927 = arith.constant 800 : index
      %swap3A_1928 = arith.constant 0 : index
      %swap3A_1929 = vector.load %arg5[%swap3A_1927, %swap3A_1928] : memref<1250x1250xf32, #tpu.memory_space<vmem>>, vector<25x1250xf32>
      tpu.vector_store %arg5[%swap3A_1927, %swap3A_1928], %dot_general3A_1926 {strides = array<i32>} : memref<1250x1250xf32, #tpu.memory_space<vmem>>, vector<25x1250xf32>,
      %get3A_1930 = arith.constant 33 : index
      %get3A_1931 = arith.constant 0 : index
      %get3A_1932 = arith.constant 0 : index
      %get3A_1933 = vector.load %arg7[%get3A_1930, %get3A_1931, %get3A_1932] : memref<50x25x153xf32, #tpu.memory_space<vmem>>, vector<1x25x153xf32>
      %get3A_1934 = vector.shape_cast %get3A_1933 : vector<1x25x153xf32> to vector<25x153xf32>
      %slice3A_1935 = vector.extract_strided_slice %get3A_1934 {offsets = [0, 0], sizes = [25, 128], strides = [1, 1]} : vector<25x153xf32> to vector<25x128xf32>
      %reshape3A_1936 = vector.shape_cast %slice3A_1935 : vector<25x128xf32> to vector<25x1x128xf32>
      %swap3A_1937 = arith.constant 0 : index
      %swap3A_1938 = arith.constant 33 : index
      %swap3A_1939 = arith.constant 0 : index
      %swap3A_1940 = vector.load %arg6[%swap3A_1937, %swap3A_1938, %swap3A_1939] : memref<25x50x128xf32, #tpu.memory_space<vmem>>, vector<25x1x128xf32>
      tpu.vector_store %arg6[%swap3A_1937, %swap3A_1938, %swap3A_1939], %reshape3A_1936 {strides = array<i32>} : memref<25x50x128xf32, #tpu.memory_space<vmem>>, vector<25x1x128xf32>,
      %add3A_1941 = arith.constant 825 : i32
      %add3A_1942 = vector.broadcast %add3A_1941 : i32 to vector<25x1250xi32>
      %add3A_1943 = arith.addi %iota3A, %add3A_1942 : vector<25x1250xi32>
      %eq3A_1944 = arith.cmpi eq, %iota3A_12, %add3A_1943 : vector<25x1250xi32>
      %convert_element_type3A_1945 = arith.extui %eq3A_1944 : vector<25x1250xi1> to vector<25x1250xi32>
      %convert_element_type3A_1946 = arith.sitofp %convert_element_type3A_1945 : vector<25x1250xi32> to vector<25x1250xf32>
      %convert_element_type3A_1947 = arith.truncf %convert_element_type3A_1946 : vector<25x1250xf32> to vector<25x1250xbf16>
      %slice3A_1948 = vector.extract_strided_slice %get3A_1934 {offsets = [0, 128], sizes = [25, 25], strides = [1, 1]} : vector<25x153xf32> to vector<25x25xf32>
      %convert_element_type3A_1949 = arith.truncf %slice3A_1948 : vector<25x25xf32> to vector<25x25xbf16>
      %dot_general3A_1950 = arith.constant dense<0.000000e+00> : vector<25x1250xf32>
      %dot_general3A_1951 = tpu.matmul %convert_element_type3A_1949, %convert_element_type3A_1947, %dot_general3A_1950 {dimension_numbers = #tpu.dot_dimension_numbers<[1], [0], [0], [1], [0, 0, 1, 1], [], []>, transpose_lhs_hint = false} : vector<25x25xbf16>, vector<25x1250xbf16>, vector<25x1250xf32> -> vector<25x1250xf32>
      %swap3A_1952 = arith.constant 825 : index
      %swap3A_1953 = arith.constant 0 : index
      %swap3A_1954 = vector.load %arg5[%swap3A_1952, %swap3A_1953] : memref<1250x1250xf32, #tpu.memory_space<vmem>>, vector<25x1250xf32>
      tpu.vector_store %arg5[%swap3A_1952, %swap3A_1953], %dot_general3A_1951 {strides = array<i32>} : memref<1250x1250xf32, #tpu.memory_space<vmem>>, vector<25x1250xf32>,
      %get3A_1955 = arith.constant 34 : index
      %get3A_1956 = arith.constant 0 : index
      %get3A_1957 = arith.constant 0 : index
      %get3A_1958 = vector.load %arg7[%get3A_1955, %get3A_1956, %get3A_1957] : memref<50x25x153xf32, #tpu.memory_space<vmem>>, vector<1x25x153xf32>
      %get3A_1959 = vector.shape_cast %get3A_1958 : vector<1x25x153xf32> to vector<25x153xf32>
      %slice3A_1960 = vector.extract_strided_slice %get3A_1959 {offsets = [0, 0], sizes = [25, 128], strides = [1, 1]} : vector<25x153xf32> to vector<25x128xf32>
      %reshape3A_1961 = vector.shape_cast %slice3A_1960 : vector<25x128xf32> to vector<25x1x128xf32>
      %swap3A_1962 = arith.constant 0 : index
      %swap3A_1963 = arith.constant 34 : index
      %swap3A_1964 = arith.constant 0 : index
      %swap3A_1965 = vector.load %arg6[%swap3A_1962, %swap3A_1963, %swap3A_1964] : memref<25x50x128xf32, #tpu.memory_space<vmem>>, vector<25x1x128xf32>
      tpu.vector_store %arg6[%swap3A_1962, %swap3A_1963, %swap3A_1964], %reshape3A_1961 {strides = array<i32>} : memref<25x50x128xf32, #tpu.memory_space<vmem>>, vector<25x1x128xf32>,
      %add3A_1966 = arith.constant 850 : i32
      %add3A_1967 = vector.broadcast %add3A_1966 : i32 to vector<25x1250xi32>
      %add3A_1968 = arith.addi %iota3A, %add3A_1967 : vector<25x1250xi32>
      %eq3A_1969 = arith.cmpi eq, %iota3A_12, %add3A_1968 : vector<25x1250xi32>
      %convert_element_type3A_1970 = arith.extui %eq3A_1969 : vector<25x1250xi1> to vector<25x1250xi32>
      %convert_element_type3A_1971 = arith.sitofp %convert_element_type3A_1970 : vector<25x1250xi32> to vector<25x1250xf32>
      %convert_element_type3A_1972 = arith.truncf %convert_element_type3A_1971 : vector<25x1250xf32> to vector<25x1250xbf16>
      %slice3A_1973 = vector.extract_strided_slice %get3A_1959 {offsets = [0, 128], sizes = [25, 25], strides = [1, 1]} : vector<25x153xf32> to vector<25x25xf32>
      %convert_element_type3A_1974 = arith.truncf %slice3A_1973 : vector<25x25xf32> to vector<25x25xbf16>
      %dot_general3A_1975 = arith.constant dense<0.000000e+00> : vector<25x1250xf32>
      %dot_general3A_1976 = tpu.matmul %convert_element_type3A_1974, %convert_element_type3A_1972, %dot_general3A_1975 {dimension_numbers = #tpu.dot_dimension_numbers<[1], [0], [0], [1], [0, 0, 1, 1], [], []>, transpose_lhs_hint = false} : vector<25x25xbf16>, vector<25x1250xbf16>, vector<25x1250xf32> -> vector<25x1250xf32>
      %swap3A_1977 = arith.constant 850 : index
      %swap3A_1978 = arith.constant 0 : index
      %swap3A_1979 = vector.load %arg5[%swap3A_1977, %swap3A_1978] : memref<1250x1250xf32, #tpu.memory_space<vmem>>, vector<25x1250xf32>
      tpu.vector_store %arg5[%swap3A_1977, %swap3A_1978], %dot_general3A_1976 {strides = array<i32>} : memref<1250x1250xf32, #tpu.memory_space<vmem>>, vector<25x1250xf32>,
      %get3A_1980 = arith.constant 35 : index
      %get3A_1981 = arith.constant 0 : index
      %get3A_1982 = arith.constant 0 : index
      %get3A_1983 = vector.load %arg7[%get3A_1980, %get3A_1981, %get3A_1982] : memref<50x25x153xf32, #tpu.memory_space<vmem>>, vector<1x25x153xf32>
      %get3A_1984 = vector.shape_cast %get3A_1983 : vector<1x25x153xf32> to vector<25x153xf32>
      %slice3A_1985 = vector.extract_strided_slice %get3A_1984 {offsets = [0, 0], sizes = [25, 128], strides = [1, 1]} : vector<25x153xf32> to vector<25x128xf32>
      %reshape3A_1986 = vector.shape_cast %slice3A_1985 : vector<25x128xf32> to vector<25x1x128xf32>
      %swap3A_1987 = arith.constant 0 : index
      %swap3A_1988 = arith.constant 35 : index
      %swap3A_1989 = arith.constant 0 : index
      %swap3A_1990 = vector.load %arg6[%swap3A_1987, %swap3A_1988, %swap3A_1989] : memref<25x50x128xf32, #tpu.memory_space<vmem>>, vector<25x1x128xf32>
      tpu.vector_store %arg6[%swap3A_1987, %swap3A_1988, %swap3A_1989], %reshape3A_1986 {strides = array<i32>} : memref<25x50x128xf32, #tpu.memory_space<vmem>>, vector<25x1x128xf32>,
      %add3A_1991 = arith.constant 875 : i32
      %add3A_1992 = vector.broadcast %add3A_1991 : i32 to vector<25x1250xi32>
      %add3A_1993 = arith.addi %iota3A, %add3A_1992 : vector<25x1250xi32>
      %eq3A_1994 = arith.cmpi eq, %iota3A_12, %add3A_1993 : vector<25x1250xi32>
      %convert_element_type3A_1995 = arith.extui %eq3A_1994 : vector<25x1250xi1> to vector<25x1250xi32>
      %convert_element_type3A_1996 = arith.sitofp %convert_element_type3A_1995 : vector<25x1250xi32> to vector<25x1250xf32>
      %convert_element_type3A_1997 = arith.truncf %convert_element_type3A_1996 : vector<25x1250xf32> to vector<25x1250xbf16>
      %slice3A_1998 = vector.extract_strided_slice %get3A_1984 {offsets = [0, 128], sizes = [25, 25], strides = [1, 1]} : vector<25x153xf32> to vector<25x25xf32>
      %convert_element_type3A_1999 = arith.truncf %slice3A_1998 : vector<25x25xf32> to vector<25x25xbf16>
      %dot_general3A_2000 = arith.constant dense<0.000000e+00> : vector<25x1250xf32>
      %dot_general3A_2001 = tpu.matmul %convert_element_type3A_1999, %convert_element_type3A_1997, %dot_general3A_2000 {dimension_numbers = #tpu.dot_dimension_numbers<[1], [0], [0], [1], [0, 0, 1, 1], [], []>, transpose_lhs_hint = false} : vector<25x25xbf16>, vector<25x1250xbf16>, vector<25x1250xf32> -> vector<25x1250xf32>
      %swap3A_2002 = arith.constant 875 : index
      %swap3A_2003 = arith.constant 0 : index
      %swap3A_2004 = vector.load %arg5[%swap3A_2002, %swap3A_2003] : memref<1250x1250xf32, #tpu.memory_space<vmem>>, vector<25x1250xf32>
      tpu.vector_store %arg5[%swap3A_2002, %swap3A_2003], %dot_general3A_2001 {strides = array<i32>} : memref<1250x1250xf32, #tpu.memory_space<vmem>>, vector<25x1250xf32>,
      %get3A_2005 = arith.constant 36 : index
      %get3A_2006 = arith.constant 0 : index
      %get3A_2007 = arith.constant 0 : index
      %get3A_2008 = vector.load %arg7[%get3A_2005, %get3A_2006, %get3A_2007] : memref<50x25x153xf32, #tpu.memory_space<vmem>>, vector<1x25x153xf32>
      %get3A_2009 = vector.shape_cast %get3A_2008 : vector<1x25x153xf32> to vector<25x153xf32>
      %slice3A_2010 = vector.extract_strided_slice %get3A_2009 {offsets = [0, 0], sizes = [25, 128], strides = [1, 1]} : vector<25x153xf32> to vector<25x128xf32>
      %reshape3A_2011 = vector.shape_cast %slice3A_2010 : vector<25x128xf32> to vector<25x1x128xf32>
      %swap3A_2012 = arith.constant 0 : index
      %swap3A_2013 = arith.constant 36 : index
      %swap3A_2014 = arith.constant 0 : index
      %swap3A_2015 = vector.load %arg6[%swap3A_2012, %swap3A_2013, %swap3A_2014] : memref<25x50x128xf32, #tpu.memory_space<vmem>>, vector<25x1x128xf32>
      tpu.vector_store %arg6[%swap3A_2012, %swap3A_2013, %swap3A_2014], %reshape3A_2011 {strides = array<i32>} : memref<25x50x128xf32, #tpu.memory_space<vmem>>, vector<25x1x128xf32>,
      %add3A_2016 = arith.constant 900 : i32
      %add3A_2017 = vector.broadcast %add3A_2016 : i32 to vector<25x1250xi32>
      %add3A_2018 = arith.addi %iota3A, %add3A_2017 : vector<25x1250xi32>
      %eq3A_2019 = arith.cmpi eq, %iota3A_12, %add3A_2018 : vector<25x1250xi32>
      %convert_element_type3A_2020 = arith.extui %eq3A_2019 : vector<25x1250xi1> to vector<25x1250xi32>
      %convert_element_type3A_2021 = arith.sitofp %convert_element_type3A_2020 : vector<25x1250xi32> to vector<25x1250xf32>
      %convert_element_type3A_2022 = arith.truncf %convert_element_type3A_2021 : vector<25x1250xf32> to vector<25x1250xbf16>
      %slice3A_2023 = vector.extract_strided_slice %get3A_2009 {offsets = [0, 128], sizes = [25, 25], strides = [1, 1]} : vector<25x153xf32> to vector<25x25xf32>
      %convert_element_type3A_2024 = arith.truncf %slice3A_2023 : vector<25x25xf32> to vector<25x25xbf16>
      %dot_general3A_2025 = arith.constant dense<0.000000e+00> : vector<25x1250xf32>
      %dot_general3A_2026 = tpu.matmul %convert_element_type3A_2024, %convert_element_type3A_2022, %dot_general3A_2025 {dimension_numbers = #tpu.dot_dimension_numbers<[1], [0], [0], [1], [0, 0, 1, 1], [], []>, transpose_lhs_hint = false} : vector<25x25xbf16>, vector<25x1250xbf16>, vector<25x1250xf32> -> vector<25x1250xf32>
      %swap3A_2027 = arith.constant 900 : index
      %swap3A_2028 = arith.constant 0 : index
      %swap3A_2029 = vector.load %arg5[%swap3A_2027, %swap3A_2028] : memref<1250x1250xf32, #tpu.memory_space<vmem>>, vector<25x1250xf32>
      tpu.vector_store %arg5[%swap3A_2027, %swap3A_2028], %dot_general3A_2026 {strides = array<i32>} : memref<1250x1250xf32, #tpu.memory_space<vmem>>, vector<25x1250xf32>,
      %get3A_2030 = arith.constant 37 : index
      %get3A_2031 = arith.constant 0 : index
      %get3A_2032 = arith.constant 0 : index
      %get3A_2033 = vector.load %arg7[%get3A_2030, %get3A_2031, %get3A_2032] : memref<50x25x153xf32, #tpu.memory_space<vmem>>, vector<1x25x153xf32>
      %get3A_2034 = vector.shape_cast %get3A_2033 : vector<1x25x153xf32> to vector<25x153xf32>
      %slice3A_2035 = vector.extract_strided_slice %get3A_2034 {offsets = [0, 0], sizes = [25, 128], strides = [1, 1]} : vector<25x153xf32> to vector<25x128xf32>
      %reshape3A_2036 = vector.shape_cast %slice3A_2035 : vector<25x128xf32> to vector<25x1x128xf32>
      %swap3A_2037 = arith.constant 0 : index
      %swap3A_2038 = arith.constant 37 : index
      %swap3A_2039 = arith.constant 0 : index
      %swap3A_2040 = vector.load %arg6[%swap3A_2037, %swap3A_2038, %swap3A_2039] : memref<25x50x128xf32, #tpu.memory_space<vmem>>, vector<25x1x128xf32>
      tpu.vector_store %arg6[%swap3A_2037, %swap3A_2038, %swap3A_2039], %reshape3A_2036 {strides = array<i32>} : memref<25x50x128xf32, #tpu.memory_space<vmem>>, vector<25x1x128xf32>,
      %add3A_2041 = arith.constant 925 : i32
      %add3A_2042 = vector.broadcast %add3A_2041 : i32 to vector<25x1250xi32>
      %add3A_2043 = arith.addi %iota3A, %add3A_2042 : vector<25x1250xi32>
      %eq3A_2044 = arith.cmpi eq, %iota3A_12, %add3A_2043 : vector<25x1250xi32>
      %convert_element_type3A_2045 = arith.extui %eq3A_2044 : vector<25x1250xi1> to vector<25x1250xi32>
      %convert_element_type3A_2046 = arith.sitofp %convert_element_type3A_2045 : vector<25x1250xi32> to vector<25x1250xf32>
      %convert_element_type3A_2047 = arith.truncf %convert_element_type3A_2046 : vector<25x1250xf32> to vector<25x1250xbf16>
      %slice3A_2048 = vector.extract_strided_slice %get3A_2034 {offsets = [0, 128], sizes = [25, 25], strides = [1, 1]} : vector<25x153xf32> to vector<25x25xf32>
      %convert_element_type3A_2049 = arith.truncf %slice3A_2048 : vector<25x25xf32> to vector<25x25xbf16>
      %dot_general3A_2050 = arith.constant dense<0.000000e+00> : vector<25x1250xf32>
      %dot_general3A_2051 = tpu.matmul %convert_element_type3A_2049, %convert_element_type3A_2047, %dot_general3A_2050 {dimension_numbers = #tpu.dot_dimension_numbers<[1], [0], [0], [1], [0, 0, 1, 1], [], []>, transpose_lhs_hint = false} : vector<25x25xbf16>, vector<25x1250xbf16>, vector<25x1250xf32> -> vector<25x1250xf32>
      %swap3A_2052 = arith.constant 925 : index
      %swap3A_2053 = arith.constant 0 : index
      %swap3A_2054 = vector.load %arg5[%swap3A_2052, %swap3A_2053] : memref<1250x1250xf32, #tpu.memory_space<vmem>>, vector<25x1250xf32>
      tpu.vector_store %arg5[%swap3A_2052, %swap3A_2053], %dot_general3A_2051 {strides = array<i32>} : memref<1250x1250xf32, #tpu.memory_space<vmem>>, vector<25x1250xf32>,
      %get3A_2055 = arith.constant 38 : index
      %get3A_2056 = arith.constant 0 : index
      %get3A_2057 = arith.constant 0 : index
      %get3A_2058 = vector.load %arg7[%get3A_2055, %get3A_2056, %get3A_2057] : memref<50x25x153xf32, #tpu.memory_space<vmem>>, vector<1x25x153xf32>
      %get3A_2059 = vector.shape_cast %get3A_2058 : vector<1x25x153xf32> to vector<25x153xf32>
      %slice3A_2060 = vector.extract_strided_slice %get3A_2059 {offsets = [0, 0], sizes = [25, 128], strides = [1, 1]} : vector<25x153xf32> to vector<25x128xf32>
      %reshape3A_2061 = vector.shape_cast %slice3A_2060 : vector<25x128xf32> to vector<25x1x128xf32>
      %swap3A_2062 = arith.constant 0 : index
      %swap3A_2063 = arith.constant 38 : index
      %swap3A_2064 = arith.constant 0 : index
      %swap3A_2065 = vector.load %arg6[%swap3A_2062, %swap3A_2063, %swap3A_2064] : memref<25x50x128xf32, #tpu.memory_space<vmem>>, vector<25x1x128xf32>
      tpu.vector_store %arg6[%swap3A_2062, %swap3A_2063, %swap3A_2064], %reshape3A_2061 {strides = array<i32>} : memref<25x50x128xf32, #tpu.memory_space<vmem>>, vector<25x1x128xf32>,
      %add3A_2066 = arith.constant 950 : i32
      %add3A_2067 = vector.broadcast %add3A_2066 : i32 to vector<25x1250xi32>
      %add3A_2068 = arith.addi %iota3A, %add3A_2067 : vector<25x1250xi32>
      %eq3A_2069 = arith.cmpi eq, %iota3A_12, %add3A_2068 : vector<25x1250xi32>
      %convert_element_type3A_2070 = arith.extui %eq3A_2069 : vector<25x1250xi1> to vector<25x1250xi32>
      %convert_element_type3A_2071 = arith.sitofp %convert_element_type3A_2070 : vector<25x1250xi32> to vector<25x1250xf32>
      %convert_element_type3A_2072 = arith.truncf %convert_element_type3A_2071 : vector<25x1250xf32> to vector<25x1250xbf16>
      %slice3A_2073 = vector.extract_strided_slice %get3A_2059 {offsets = [0, 128], sizes = [25, 25], strides = [1, 1]} : vector<25x153xf32> to vector<25x25xf32>
      %convert_element_type3A_2074 = arith.truncf %slice3A_2073 : vector<25x25xf32> to vector<25x25xbf16>
      %dot_general3A_2075 = arith.constant dense<0.000000e+00> : vector<25x1250xf32>
      %dot_general3A_2076 = tpu.matmul %convert_element_type3A_2074, %convert_element_type3A_2072, %dot_general3A_2075 {dimension_numbers = #tpu.dot_dimension_numbers<[1], [0], [0], [1], [0, 0, 1, 1], [], []>, transpose_lhs_hint = false} : vector<25x25xbf16>, vector<25x1250xbf16>, vector<25x1250xf32> -> vector<25x1250xf32>
      %swap3A_2077 = arith.constant 950 : index
      %swap3A_2078 = arith.constant 0 : index
      %swap3A_2079 = vector.load %arg5[%swap3A_2077, %swap3A_2078] : memref<1250x1250xf32, #tpu.memory_space<vmem>>, vector<25x1250xf32>
      tpu.vector_store %arg5[%swap3A_2077, %swap3A_2078], %dot_general3A_2076 {strides = array<i32>} : memref<1250x1250xf32, #tpu.memory_space<vmem>>, vector<25x1250xf32>,
      %get3A_2080 = arith.constant 39 : index
      %get3A_2081 = arith.constant 0 : index
      %get3A_2082 = arith.constant 0 : index
      %get3A_2083 = vector.load %arg7[%get3A_2080, %get3A_2081, %get3A_2082] : memref<50x25x153xf32, #tpu.memory_space<vmem>>, vector<1x25x153xf32>
      %get3A_2084 = vector.shape_cast %get3A_2083 : vector<1x25x153xf32> to vector<25x153xf32>
      %slice3A_2085 = vector.extract_strided_slice %get3A_2084 {offsets = [0, 0], sizes = [25, 128], strides = [1, 1]} : vector<25x153xf32> to vector<25x128xf32>
      %reshape3A_2086 = vector.shape_cast %slice3A_2085 : vector<25x128xf32> to vector<25x1x128xf32>
      %swap3A_2087 = arith.constant 0 : index
      %swap3A_2088 = arith.constant 39 : index
      %swap3A_2089 = arith.constant 0 : index
      %swap3A_2090 = vector.load %arg6[%swap3A_2087, %swap3A_2088, %swap3A_2089] : memref<25x50x128xf32, #tpu.memory_space<vmem>>, vector<25x1x128xf32>
      tpu.vector_store %arg6[%swap3A_2087, %swap3A_2088, %swap3A_2089], %reshape3A_2086 {strides = array<i32>} : memref<25x50x128xf32, #tpu.memory_space<vmem>>, vector<25x1x128xf32>,
      %add3A_2091 = arith.constant 975 : i32
      %add3A_2092 = vector.broadcast %add3A_2091 : i32 to vector<25x1250xi32>
      %add3A_2093 = arith.addi %iota3A, %add3A_2092 : vector<25x1250xi32>
      %eq3A_2094 = arith.cmpi eq, %iota3A_12, %add3A_2093 : vector<25x1250xi32>
      %convert_element_type3A_2095 = arith.extui %eq3A_2094 : vector<25x1250xi1> to vector<25x1250xi32>
      %convert_element_type3A_2096 = arith.sitofp %convert_element_type3A_2095 : vector<25x1250xi32> to vector<25x1250xf32>
      %convert_element_type3A_2097 = arith.truncf %convert_element_type3A_2096 : vector<25x1250xf32> to vector<25x1250xbf16>
      %slice3A_2098 = vector.extract_strided_slice %get3A_2084 {offsets = [0, 128], sizes = [25, 25], strides = [1, 1]} : vector<25x153xf32> to vector<25x25xf32>
      %convert_element_type3A_2099 = arith.truncf %slice3A_2098 : vector<25x25xf32> to vector<25x25xbf16>
      %dot_general3A_2100 = arith.constant dense<0.000000e+00> : vector<25x1250xf32>
      %dot_general3A_2101 = tpu.matmul %convert_element_type3A_2099, %convert_element_type3A_2097, %dot_general3A_2100 {dimension_numbers = #tpu.dot_dimension_numbers<[1], [0], [0], [1], [0, 0, 1, 1], [], []>, transpose_lhs_hint = false} : vector<25x25xbf16>, vector<25x1250xbf16>, vector<25x1250xf32> -> vector<25x1250xf32>
      %swap3A_2102 = arith.constant 975 : index
      %swap3A_2103 = arith.constant 0 : index
      %swap3A_2104 = vector.load %arg5[%swap3A_2102, %swap3A_2103] : memref<1250x1250xf32, #tpu.memory_space<vmem>>, vector<25x1250xf32>
      tpu.vector_store %arg5[%swap3A_2102, %swap3A_2103], %dot_general3A_2101 {strides = array<i32>} : memref<1250x1250xf32, #tpu.memory_space<vmem>>, vector<25x1250xf32>,
      %get3A_2105 = arith.constant 40 : index
      %get3A_2106 = arith.constant 0 : index
      %get3A_2107 = arith.constant 0 : index
      %get3A_2108 = vector.load %arg7[%get3A_2105, %get3A_2106, %get3A_2107] : memref<50x25x153xf32, #tpu.memory_space<vmem>>, vector<1x25x153xf32>
      %get3A_2109 = vector.shape_cast %get3A_2108 : vector<1x25x153xf32> to vector<25x153xf32>
      %slice3A_2110 = vector.extract_strided_slice %get3A_2109 {offsets = [0, 0], sizes = [25, 128], strides = [1, 1]} : vector<25x153xf32> to vector<25x128xf32>
      %reshape3A_2111 = vector.shape_cast %slice3A_2110 : vector<25x128xf32> to vector<25x1x128xf32>
      %swap3A_2112 = arith.constant 0 : index
      %swap3A_2113 = arith.constant 40 : index
      %swap3A_2114 = arith.constant 0 : index
      %swap3A_2115 = vector.load %arg6[%swap3A_2112, %swap3A_2113, %swap3A_2114] : memref<25x50x128xf32, #tpu.memory_space<vmem>>, vector<25x1x128xf32>
      tpu.vector_store %arg6[%swap3A_2112, %swap3A_2113, %swap3A_2114], %reshape3A_2111 {strides = array<i32>} : memref<25x50x128xf32, #tpu.memory_space<vmem>>, vector<25x1x128xf32>,
      %add3A_2116 = arith.constant 1000 : i32
      %add3A_2117 = vector.broadcast %add3A_2116 : i32 to vector<25x1250xi32>
      %add3A_2118 = arith.addi %iota3A, %add3A_2117 : vector<25x1250xi32>
      %eq3A_2119 = arith.cmpi eq, %iota3A_12, %add3A_2118 : vector<25x1250xi32>
      %convert_element_type3A_2120 = arith.extui %eq3A_2119 : vector<25x1250xi1> to vector<25x1250xi32>
      %convert_element_type3A_2121 = arith.sitofp %convert_element_type3A_2120 : vector<25x1250xi32> to vector<25x1250xf32>
      %convert_element_type3A_2122 = arith.truncf %convert_element_type3A_2121 : vector<25x1250xf32> to vector<25x1250xbf16>
      %slice3A_2123 = vector.extract_strided_slice %get3A_2109 {offsets = [0, 128], sizes = [25, 25], strides = [1, 1]} : vector<25x153xf32> to vector<25x25xf32>
      %convert_element_type3A_2124 = arith.truncf %slice3A_2123 : vector<25x25xf32> to vector<25x25xbf16>
      %dot_general3A_2125 = arith.constant dense<0.000000e+00> : vector<25x1250xf32>
      %dot_general3A_2126 = tpu.matmul %convert_element_type3A_2124, %convert_element_type3A_2122, %dot_general3A_2125 {dimension_numbers = #tpu.dot_dimension_numbers<[1], [0], [0], [1], [0, 0, 1, 1], [], []>, transpose_lhs_hint = false} : vector<25x25xbf16>, vector<25x1250xbf16>, vector<25x1250xf32> -> vector<25x1250xf32>
      %swap3A_2127 = arith.constant 1000 : index
      %swap3A_2128 = arith.constant 0 : index
      %swap3A_2129 = vector.load %arg5[%swap3A_2127, %swap3A_2128] : memref<1250x1250xf32, #tpu.memory_space<vmem>>, vector<25x1250xf32>
      tpu.vector_store %arg5[%swap3A_2127, %swap3A_2128], %dot_general3A_2126 {strides = array<i32>} : memref<1250x1250xf32, #tpu.memory_space<vmem>>, vector<25x1250xf32>,
      %get3A_2130 = arith.constant 41 : index
      %get3A_2131 = arith.constant 0 : index
      %get3A_2132 = arith.constant 0 : index
      %get3A_2133 = vector.load %arg7[%get3A_2130, %get3A_2131, %get3A_2132] : memref<50x25x153xf32, #tpu.memory_space<vmem>>, vector<1x25x153xf32>
      %get3A_2134 = vector.shape_cast %get3A_2133 : vector<1x25x153xf32> to vector<25x153xf32>
      %slice3A_2135 = vector.extract_strided_slice %get3A_2134 {offsets = [0, 0], sizes = [25, 128], strides = [1, 1]} : vector<25x153xf32> to vector<25x128xf32>
      %reshape3A_2136 = vector.shape_cast %slice3A_2135 : vector<25x128xf32> to vector<25x1x128xf32>
      %swap3A_2137 = arith.constant 0 : index
      %swap3A_2138 = arith.constant 41 : index
      %swap3A_2139 = arith.constant 0 : index
      %swap3A_2140 = vector.load %arg6[%swap3A_2137, %swap3A_2138, %swap3A_2139] : memref<25x50x128xf32, #tpu.memory_space<vmem>>, vector<25x1x128xf32>
      tpu.vector_store %arg6[%swap3A_2137, %swap3A_2138, %swap3A_2139], %reshape3A_2136 {strides = array<i32>} : memref<25x50x128xf32, #tpu.memory_space<vmem>>, vector<25x1x128xf32>,
      %add3A_2141 = arith.constant 1025 : i32
      %add3A_2142 = vector.broadcast %add3A_2141 : i32 to vector<25x1250xi32>
      %add3A_2143 = arith.addi %iota3A, %add3A_2142 : vector<25x1250xi32>
      %eq3A_2144 = arith.cmpi eq, %iota3A_12, %add3A_2143 : vector<25x1250xi32>
      %convert_element_type3A_2145 = arith.extui %eq3A_2144 : vector<25x1250xi1> to vector<25x1250xi32>
      %convert_element_type3A_2146 = arith.sitofp %convert_element_type3A_2145 : vector<25x1250xi32> to vector<25x1250xf32>
      %convert_element_type3A_2147 = arith.truncf %convert_element_type3A_2146 : vector<25x1250xf32> to vector<25x1250xbf16>
      %slice3A_2148 = vector.extract_strided_slice %get3A_2134 {offsets = [0, 128], sizes = [25, 25], strides = [1, 1]} : vector<25x153xf32> to vector<25x25xf32>
      %convert_element_type3A_2149 = arith.truncf %slice3A_2148 : vector<25x25xf32> to vector<25x25xbf16>
      %dot_general3A_2150 = arith.constant dense<0.000000e+00> : vector<25x1250xf32>
      %dot_general3A_2151 = tpu.matmul %convert_element_type3A_2149, %convert_element_type3A_2147, %dot_general3A_2150 {dimension_numbers = #tpu.dot_dimension_numbers<[1], [0], [0], [1], [0, 0, 1, 1], [], []>, transpose_lhs_hint = false} : vector<25x25xbf16>, vector<25x1250xbf16>, vector<25x1250xf32> -> vector<25x1250xf32>
      %swap3A_2152 = arith.constant 1025 : index
      %swap3A_2153 = arith.constant 0 : index
      %swap3A_2154 = vector.load %arg5[%swap3A_2152, %swap3A_2153] : memref<1250x1250xf32, #tpu.memory_space<vmem>>, vector<25x1250xf32>
      tpu.vector_store %arg5[%swap3A_2152, %swap3A_2153], %dot_general3A_2151 {strides = array<i32>} : memref<1250x1250xf32, #tpu.memory_space<vmem>>, vector<25x1250xf32>,
      %get3A_2155 = arith.constant 42 : index
      %get3A_2156 = arith.constant 0 : index
      %get3A_2157 = arith.constant 0 : index
      %get3A_2158 = vector.load %arg7[%get3A_2155, %get3A_2156, %get3A_2157] : memref<50x25x153xf32, #tpu.memory_space<vmem>>, vector<1x25x153xf32>
      %get3A_2159 = vector.shape_cast %get3A_2158 : vector<1x25x153xf32> to vector<25x153xf32>
      %slice3A_2160 = vector.extract_strided_slice %get3A_2159 {offsets = [0, 0], sizes = [25, 128], strides = [1, 1]} : vector<25x153xf32> to vector<25x128xf32>
      %reshape3A_2161 = vector.shape_cast %slice3A_2160 : vector<25x128xf32> to vector<25x1x128xf32>
      %swap3A_2162 = arith.constant 0 : index
      %swap3A_2163 = arith.constant 42 : index
      %swap3A_2164 = arith.constant 0 : index
      %swap3A_2165 = vector.load %arg6[%swap3A_2162, %swap3A_2163, %swap3A_2164] : memref<25x50x128xf32, #tpu.memory_space<vmem>>, vector<25x1x128xf32>
      tpu.vector_store %arg6[%swap3A_2162, %swap3A_2163, %swap3A_2164], %reshape3A_2161 {strides = array<i32>} : memref<25x50x128xf32, #tpu.memory_space<vmem>>, vector<25x1x128xf32>,
      %add3A_2166 = arith.constant 1050 : i32
      %add3A_2167 = vector.broadcast %add3A_2166 : i32 to vector<25x1250xi32>
      %add3A_2168 = arith.addi %iota3A, %add3A_2167 : vector<25x1250xi32>
      %eq3A_2169 = arith.cmpi eq, %iota3A_12, %add3A_2168 : vector<25x1250xi32>
      %convert_element_type3A_2170 = arith.extui %eq3A_2169 : vector<25x1250xi1> to vector<25x1250xi32>
      %convert_element_type3A_2171 = arith.sitofp %convert_element_type3A_2170 : vector<25x1250xi32> to vector<25x1250xf32>
      %convert_element_type3A_2172 = arith.truncf %convert_element_type3A_2171 : vector<25x1250xf32> to vector<25x1250xbf16>
      %slice3A_2173 = vector.extract_strided_slice %get3A_2159 {offsets = [0, 128], sizes = [25, 25], strides = [1, 1]} : vector<25x153xf32> to vector<25x25xf32>
      %convert_element_type3A_2174 = arith.truncf %slice3A_2173 : vector<25x25xf32> to vector<25x25xbf16>
      %dot_general3A_2175 = arith.constant dense<0.000000e+00> : vector<25x1250xf32>
      %dot_general3A_2176 = tpu.matmul %convert_element_type3A_2174, %convert_element_type3A_2172, %dot_general3A_2175 {dimension_numbers = #tpu.dot_dimension_numbers<[1], [0], [0], [1], [0, 0, 1, 1], [], []>, transpose_lhs_hint = false} : vector<25x25xbf16>, vector<25x1250xbf16>, vector<25x1250xf32> -> vector<25x1250xf32>
      %swap3A_2177 = arith.constant 1050 : index
      %swap3A_2178 = arith.constant 0 : index
      %swap3A_2179 = vector.load %arg5[%swap3A_2177, %swap3A_2178] : memref<1250x1250xf32, #tpu.memory_space<vmem>>, vector<25x1250xf32>
      tpu.vector_store %arg5[%swap3A_2177, %swap3A_2178], %dot_general3A_2176 {strides = array<i32>} : memref<1250x1250xf32, #tpu.memory_space<vmem>>, vector<25x1250xf32>,
      %get3A_2180 = arith.constant 43 : index
      %get3A_2181 = arith.constant 0 : index
      %get3A_2182 = arith.constant 0 : index
      %get3A_2183 = vector.load %arg7[%get3A_2180, %get3A_2181, %get3A_2182] : memref<50x25x153xf32, #tpu.memory_space<vmem>>, vector<1x25x153xf32>
      %get3A_2184 = vector.shape_cast %get3A_2183 : vector<1x25x153xf32> to vector<25x153xf32>
      %slice3A_2185 = vector.extract_strided_slice %get3A_2184 {offsets = [0, 0], sizes = [25, 128], strides = [1, 1]} : vector<25x153xf32> to vector<25x128xf32>
      %reshape3A_2186 = vector.shape_cast %slice3A_2185 : vector<25x128xf32> to vector<25x1x128xf32>
      %swap3A_2187 = arith.constant 0 : index
      %swap3A_2188 = arith.constant 43 : index
      %swap3A_2189 = arith.constant 0 : index
      %swap3A_2190 = vector.load %arg6[%swap3A_2187, %swap3A_2188, %swap3A_2189] : memref<25x50x128xf32, #tpu.memory_space<vmem>>, vector<25x1x128xf32>
      tpu.vector_store %arg6[%swap3A_2187, %swap3A_2188, %swap3A_2189], %reshape3A_2186 {strides = array<i32>} : memref<25x50x128xf32, #tpu.memory_space<vmem>>, vector<25x1x128xf32>,
      %add3A_2191 = arith.constant 1075 : i32
      %add3A_2192 = vector.broadcast %add3A_2191 : i32 to vector<25x1250xi32>
      %add3A_2193 = arith.addi %iota3A, %add3A_2192 : vector<25x1250xi32>
      %eq3A_2194 = arith.cmpi eq, %iota3A_12, %add3A_2193 : vector<25x1250xi32>
      %convert_element_type3A_2195 = arith.extui %eq3A_2194 : vector<25x1250xi1> to vector<25x1250xi32>
      %convert_element_type3A_2196 = arith.sitofp %convert_element_type3A_2195 : vector<25x1250xi32> to vector<25x1250xf32>
      %convert_element_type3A_2197 = arith.truncf %convert_element_type3A_2196 : vector<25x1250xf32> to vector<25x1250xbf16>
      %slice3A_2198 = vector.extract_strided_slice %get3A_2184 {offsets = [0, 128], sizes = [25, 25], strides = [1, 1]} : vector<25x153xf32> to vector<25x25xf32>
      %convert_element_type3A_2199 = arith.truncf %slice3A_2198 : vector<25x25xf32> to vector<25x25xbf16>
      %dot_general3A_2200 = arith.constant dense<0.000000e+00> : vector<25x1250xf32>
      %dot_general3A_2201 = tpu.matmul %convert_element_type3A_2199, %convert_element_type3A_2197, %dot_general3A_2200 {dimension_numbers = #tpu.dot_dimension_numbers<[1], [0], [0], [1], [0, 0, 1, 1], [], []>, transpose_lhs_hint = false} : vector<25x25xbf16>, vector<25x1250xbf16>, vector<25x1250xf32> -> vector<25x1250xf32>
      %swap3A_2202 = arith.constant 1075 : index
      %swap3A_2203 = arith.constant 0 : index
      %swap3A_2204 = vector.load %arg5[%swap3A_2202, %swap3A_2203] : memref<1250x1250xf32, #tpu.memory_space<vmem>>, vector<25x1250xf32>
      tpu.vector_store %arg5[%swap3A_2202, %swap3A_2203], %dot_general3A_2201 {strides = array<i32>} : memref<1250x1250xf32, #tpu.memory_space<vmem>>, vector<25x1250xf32>,
      %get3A_2205 = arith.constant 44 : index
      %get3A_2206 = arith.constant 0 : index
      %get3A_2207 = arith.constant 0 : index
      %get3A_2208 = vector.load %arg7[%get3A_2205, %get3A_2206, %get3A_2207] : memref<50x25x153xf32, #tpu.memory_space<vmem>>, vector<1x25x153xf32>
      %get3A_2209 = vector.shape_cast %get3A_2208 : vector<1x25x153xf32> to vector<25x153xf32>
      %slice3A_2210 = vector.extract_strided_slice %get3A_2209 {offsets = [0, 0], sizes = [25, 128], strides = [1, 1]} : vector<25x153xf32> to vector<25x128xf32>
      %reshape3A_2211 = vector.shape_cast %slice3A_2210 : vector<25x128xf32> to vector<25x1x128xf32>
      %swap3A_2212 = arith.constant 0 : index
      %swap3A_2213 = arith.constant 44 : index
      %swap3A_2214 = arith.constant 0 : index
      %swap3A_2215 = vector.load %arg6[%swap3A_2212, %swap3A_2213, %swap3A_2214] : memref<25x50x128xf32, #tpu.memory_space<vmem>>, vector<25x1x128xf32>
      tpu.vector_store %arg6[%swap3A_2212, %swap3A_2213, %swap3A_2214], %reshape3A_2211 {strides = array<i32>} : memref<25x50x128xf32, #tpu.memory_space<vmem>>, vector<25x1x128xf32>,
      %add3A_2216 = arith.constant 1100 : i32
      %add3A_2217 = vector.broadcast %add3A_2216 : i32 to vector<25x1250xi32>
      %add3A_2218 = arith.addi %iota3A, %add3A_2217 : vector<25x1250xi32>
      %eq3A_2219 = arith.cmpi eq, %iota3A_12, %add3A_2218 : vector<25x1250xi32>
      %convert_element_type3A_2220 = arith.extui %eq3A_2219 : vector<25x1250xi1> to vector<25x1250xi32>
      %convert_element_type3A_2221 = arith.sitofp %convert_element_type3A_2220 : vector<25x1250xi32> to vector<25x1250xf32>
      %convert_element_type3A_2222 = arith.truncf %convert_element_type3A_2221 : vector<25x1250xf32> to vector<25x1250xbf16>
      %slice3A_2223 = vector.extract_strided_slice %get3A_2209 {offsets = [0, 128], sizes = [25, 25], strides = [1, 1]} : vector<25x153xf32> to vector<25x25xf32>
      %convert_element_type3A_2224 = arith.truncf %slice3A_2223 : vector<25x25xf32> to vector<25x25xbf16>
      %dot_general3A_2225 = arith.constant dense<0.000000e+00> : vector<25x1250xf32>
      %dot_general3A_2226 = tpu.matmul %convert_element_type3A_2224, %convert_element_type3A_2222, %dot_general3A_2225 {dimension_numbers = #tpu.dot_dimension_numbers<[1], [0], [0], [1], [0, 0, 1, 1], [], []>, transpose_lhs_hint = false} : vector<25x25xbf16>, vector<25x1250xbf16>, vector<25x1250xf32> -> vector<25x1250xf32>
      %swap3A_2227 = arith.constant 1100 : index
      %swap3A_2228 = arith.constant 0 : index
      %swap3A_2229 = vector.load %arg5[%swap3A_2227, %swap3A_2228] : memref<1250x1250xf32, #tpu.memory_space<vmem>>, vector<25x1250xf32>
      tpu.vector_store %arg5[%swap3A_2227, %swap3A_2228], %dot_general3A_2226 {strides = array<i32>} : memref<1250x1250xf32, #tpu.memory_space<vmem>>, vector<25x1250xf32>,
      %get3A_2230 = arith.constant 45 : index
      %get3A_2231 = arith.constant 0 : index
      %get3A_2232 = arith.constant 0 : index
      %get3A_2233 = vector.load %arg7[%get3A_2230, %get3A_2231, %get3A_2232] : memref<50x25x153xf32, #tpu.memory_space<vmem>>, vector<1x25x153xf32>
      %get3A_2234 = vector.shape_cast %get3A_2233 : vector<1x25x153xf32> to vector<25x153xf32>
      %slice3A_2235 = vector.extract_strided_slice %get3A_2234 {offsets = [0, 0], sizes = [25, 128], strides = [1, 1]} : vector<25x153xf32> to vector<25x128xf32>
      %reshape3A_2236 = vector.shape_cast %slice3A_2235 : vector<25x128xf32> to vector<25x1x128xf32>
      %swap3A_2237 = arith.constant 0 : index
      %swap3A_2238 = arith.constant 45 : index
      %swap3A_2239 = arith.constant 0 : index
      %swap3A_2240 = vector.load %arg6[%swap3A_2237, %swap3A_2238, %swap3A_2239] : memref<25x50x128xf32, #tpu.memory_space<vmem>>, vector<25x1x128xf32>
      tpu.vector_store %arg6[%swap3A_2237, %swap3A_2238, %swap3A_2239], %reshape3A_2236 {strides = array<i32>} : memref<25x50x128xf32, #tpu.memory_space<vmem>>, vector<25x1x128xf32>,
      %add3A_2241 = arith.constant 1125 : i32
      %add3A_2242 = vector.broadcast %add3A_2241 : i32 to vector<25x1250xi32>
      %add3A_2243 = arith.addi %iota3A, %add3A_2242 : vector<25x1250xi32>
      %eq3A_2244 = arith.cmpi eq, %iota3A_12, %add3A_2243 : vector<25x1250xi32>
      %convert_element_type3A_2245 = arith.extui %eq3A_2244 : vector<25x1250xi1> to vector<25x1250xi32>
      %convert_element_type3A_2246 = arith.sitofp %convert_element_type3A_2245 : vector<25x1250xi32> to vector<25x1250xf32>
      %convert_element_type3A_2247 = arith.truncf %convert_element_type3A_2246 : vector<25x1250xf32> to vector<25x1250xbf16>
      %slice3A_2248 = vector.extract_strided_slice %get3A_2234 {offsets = [0, 128], sizes = [25, 25], strides = [1, 1]} : vector<25x153xf32> to vector<25x25xf32>
      %convert_element_type3A_2249 = arith.truncf %slice3A_2248 : vector<25x25xf32> to vector<25x25xbf16>
      %dot_general3A_2250 = arith.constant dense<0.000000e+00> : vector<25x1250xf32>
      %dot_general3A_2251 = tpu.matmul %convert_element_type3A_2249, %convert_element_type3A_2247, %dot_general3A_2250 {dimension_numbers = #tpu.dot_dimension_numbers<[1], [0], [0], [1], [0, 0, 1, 1], [], []>, transpose_lhs_hint = false} : vector<25x25xbf16>, vector<25x1250xbf16>, vector<25x1250xf32> -> vector<25x1250xf32>
      %swap3A_2252 = arith.constant 1125 : index
      %swap3A_2253 = arith.constant 0 : index
      %swap3A_2254 = vector.load %arg5[%swap3A_2252, %swap3A_2253] : memref<1250x1250xf32, #tpu.memory_space<vmem>>, vector<25x1250xf32>
      tpu.vector_store %arg5[%swap3A_2252, %swap3A_2253], %dot_general3A_2251 {strides = array<i32>} : memref<1250x1250xf32, #tpu.memory_space<vmem>>, vector<25x1250xf32>,
      %get3A_2255 = arith.constant 46 : index
      %get3A_2256 = arith.constant 0 : index
      %get3A_2257 = arith.constant 0 : index
      %get3A_2258 = vector.load %arg7[%get3A_2255, %get3A_2256, %get3A_2257] : memref<50x25x153xf32, #tpu.memory_space<vmem>>, vector<1x25x153xf32>
      %get3A_2259 = vector.shape_cast %get3A_2258 : vector<1x25x153xf32> to vector<25x153xf32>
      %slice3A_2260 = vector.extract_strided_slice %get3A_2259 {offsets = [0, 0], sizes = [25, 128], strides = [1, 1]} : vector<25x153xf32> to vector<25x128xf32>
      %reshape3A_2261 = vector.shape_cast %slice3A_2260 : vector<25x128xf32> to vector<25x1x128xf32>
      %swap3A_2262 = arith.constant 0 : index
      %swap3A_2263 = arith.constant 46 : index
      %swap3A_2264 = arith.constant 0 : index
      %swap3A_2265 = vector.load %arg6[%swap3A_2262, %swap3A_2263, %swap3A_2264] : memref<25x50x128xf32, #tpu.memory_space<vmem>>, vector<25x1x128xf32>
      tpu.vector_store %arg6[%swap3A_2262, %swap3A_2263, %swap3A_2264], %reshape3A_2261 {strides = array<i32>} : memref<25x50x128xf32, #tpu.memory_space<vmem>>, vector<25x1x128xf32>,
      %add3A_2266 = arith.constant 1150 : i32
      %add3A_2267 = vector.broadcast %add3A_2266 : i32 to vector<25x1250xi32>
      %add3A_2268 = arith.addi %iota3A, %add3A_2267 : vector<25x1250xi32>
      %eq3A_2269 = arith.cmpi eq, %iota3A_12, %add3A_2268 : vector<25x1250xi32>
      %convert_element_type3A_2270 = arith.extui %eq3A_2269 : vector<25x1250xi1> to vector<25x1250xi32>
      %convert_element_type3A_2271 = arith.sitofp %convert_element_type3A_2270 : vector<25x1250xi32> to vector<25x1250xf32>
      %convert_element_type3A_2272 = arith.truncf %convert_element_type3A_2271 : vector<25x1250xf32> to vector<25x1250xbf16>
      %slice3A_2273 = vector.extract_strided_slice %get3A_2259 {offsets = [0, 128], sizes = [25, 25], strides = [1, 1]} : vector<25x153xf32> to vector<25x25xf32>
      %convert_element_type3A_2274 = arith.truncf %slice3A_2273 : vector<25x25xf32> to vector<25x25xbf16>
      %dot_general3A_2275 = arith.constant dense<0.000000e+00> : vector<25x1250xf32>
      %dot_general3A_2276 = tpu.matmul %convert_element_type3A_2274, %convert_element_type3A_2272, %dot_general3A_2275 {dimension_numbers = #tpu.dot_dimension_numbers<[1], [0], [0], [1], [0, 0, 1, 1], [], []>, transpose_lhs_hint = false} : vector<25x25xbf16>, vector<25x1250xbf16>, vector<25x1250xf32> -> vector<25x1250xf32>
      %swap3A_2277 = arith.constant 1150 : index
      %swap3A_2278 = arith.constant 0 : index
      %swap3A_2279 = vector.load %arg5[%swap3A_2277, %swap3A_2278] : memref<1250x1250xf32, #tpu.memory_space<vmem>>, vector<25x1250xf32>
      tpu.vector_store %arg5[%swap3A_2277, %swap3A_2278], %dot_general3A_2276 {strides = array<i32>} : memref<1250x1250xf32, #tpu.memory_space<vmem>>, vector<25x1250xf32>,
      %get3A_2280 = arith.constant 47 : index
      %get3A_2281 = arith.constant 0 : index
      %get3A_2282 = arith.constant 0 : index
      %get3A_2283 = vector.load %arg7[%get3A_2280, %get3A_2281, %get3A_2282] : memref<50x25x153xf32, #tpu.memory_space<vmem>>, vector<1x25x153xf32>
      %get3A_2284 = vector.shape_cast %get3A_2283 : vector<1x25x153xf32> to vector<25x153xf32>
      %slice3A_2285 = vector.extract_strided_slice %get3A_2284 {offsets = [0, 0], sizes = [25, 128], strides = [1, 1]} : vector<25x153xf32> to vector<25x128xf32>
      %reshape3A_2286 = vector.shape_cast %slice3A_2285 : vector<25x128xf32> to vector<25x1x128xf32>
      %swap3A_2287 = arith.constant 0 : index
      %swap3A_2288 = arith.constant 47 : index
      %swap3A_2289 = arith.constant 0 : index
      %swap3A_2290 = vector.load %arg6[%swap3A_2287, %swap3A_2288, %swap3A_2289] : memref<25x50x128xf32, #tpu.memory_space<vmem>>, vector<25x1x128xf32>
      tpu.vector_store %arg6[%swap3A_2287, %swap3A_2288, %swap3A_2289], %reshape3A_2286 {strides = array<i32>} : memref<25x50x128xf32, #tpu.memory_space<vmem>>, vector<25x1x128xf32>,
      %add3A_2291 = arith.constant 1175 : i32
      %add3A_2292 = vector.broadcast %add3A_2291 : i32 to vector<25x1250xi32>
      %add3A_2293 = arith.addi %iota3A, %add3A_2292 : vector<25x1250xi32>
      %eq3A_2294 = arith.cmpi eq, %iota3A_12, %add3A_2293 : vector<25x1250xi32>
      %convert_element_type3A_2295 = arith.extui %eq3A_2294 : vector<25x1250xi1> to vector<25x1250xi32>
      %convert_element_type3A_2296 = arith.sitofp %convert_element_type3A_2295 : vector<25x1250xi32> to vector<25x1250xf32>
      %convert_element_type3A_2297 = arith.truncf %convert_element_type3A_2296 : vector<25x1250xf32> to vector<25x1250xbf16>
      %slice3A_2298 = vector.extract_strided_slice %get3A_2284 {offsets = [0, 128], sizes = [25, 25], strides = [1, 1]} : vector<25x153xf32> to vector<25x25xf32>
      %convert_element_type3A_2299 = arith.truncf %slice3A_2298 : vector<25x25xf32> to vector<25x25xbf16>
      %dot_general3A_2300 = arith.constant dense<0.000000e+00> : vector<25x1250xf32>
      %dot_general3A_2301 = tpu.matmul %convert_element_type3A_2299, %convert_element_type3A_2297, %dot_general3A_2300 {dimension_numbers = #tpu.dot_dimension_numbers<[1], [0], [0], [1], [0, 0, 1, 1], [], []>, transpose_lhs_hint = false} : vector<25x25xbf16>, vector<25x1250xbf16>, vector<25x1250xf32> -> vector<25x1250xf32>
      %swap3A_2302 = arith.constant 1175 : index
      %swap3A_2303 = arith.constant 0 : index
      %swap3A_2304 = vector.load %arg5[%swap3A_2302, %swap3A_2303] : memref<1250x1250xf32, #tpu.memory_space<vmem>>, vector<25x1250xf32>
      tpu.vector_store %arg5[%swap3A_2302, %swap3A_2303], %dot_general3A_2301 {strides = array<i32>} : memref<1250x1250xf32, #tpu.memory_space<vmem>>, vector<25x1250xf32>,
      %get3A_2305 = arith.constant 48 : index
      %get3A_2306 = arith.constant 0 : index
      %get3A_2307 = arith.constant 0 : index
      %get3A_2308 = vector.load %arg7[%get3A_2305, %get3A_2306, %get3A_2307] : memref<50x25x153xf32, #tpu.memory_space<vmem>>, vector<1x25x153xf32>
      %get3A_2309 = vector.shape_cast %get3A_2308 : vector<1x25x153xf32> to vector<25x153xf32>
      %slice3A_2310 = vector.extract_strided_slice %get3A_2309 {offsets = [0, 0], sizes = [25, 128], strides = [1, 1]} : vector<25x153xf32> to vector<25x128xf32>
      %reshape3A_2311 = vector.shape_cast %slice3A_2310 : vector<25x128xf32> to vector<25x1x128xf32>
      %swap3A_2312 = arith.constant 0 : index
      %swap3A_2313 = arith.constant 48 : index
      %swap3A_2314 = arith.constant 0 : index
      %swap3A_2315 = vector.load %arg6[%swap3A_2312, %swap3A_2313, %swap3A_2314] : memref<25x50x128xf32, #tpu.memory_space<vmem>>, vector<25x1x128xf32>
      tpu.vector_store %arg6[%swap3A_2312, %swap3A_2313, %swap3A_2314], %reshape3A_2311 {strides = array<i32>} : memref<25x50x128xf32, #tpu.memory_space<vmem>>, vector<25x1x128xf32>,
      %add3A_2316 = arith.constant 1200 : i32
      %add3A_2317 = vector.broadcast %add3A_2316 : i32 to vector<25x1250xi32>
      %add3A_2318 = arith.addi %iota3A, %add3A_2317 : vector<25x1250xi32>
      %eq3A_2319 = arith.cmpi eq, %iota3A_12, %add3A_2318 : vector<25x1250xi32>
      %convert_element_type3A_2320 = arith.extui %eq3A_2319 : vector<25x1250xi1> to vector<25x1250xi32>
      %convert_element_type3A_2321 = arith.sitofp %convert_element_type3A_2320 : vector<25x1250xi32> to vector<25x1250xf32>
      %convert_element_type3A_2322 = arith.truncf %convert_element_type3A_2321 : vector<25x1250xf32> to vector<25x1250xbf16>
      %slice3A_2323 = vector.extract_strided_slice %get3A_2309 {offsets = [0, 128], sizes = [25, 25], strides = [1, 1]} : vector<25x153xf32> to vector<25x25xf32>
      %convert_element_type3A_2324 = arith.truncf %slice3A_2323 : vector<25x25xf32> to vector<25x25xbf16>
      %dot_general3A_2325 = arith.constant dense<0.000000e+00> : vector<25x1250xf32>
      %dot_general3A_2326 = tpu.matmul %convert_element_type3A_2324, %convert_element_type3A_2322, %dot_general3A_2325 {dimension_numbers = #tpu.dot_dimension_numbers<[1], [0], [0], [1], [0, 0, 1, 1], [], []>, transpose_lhs_hint = false} : vector<25x25xbf16>, vector<25x1250xbf16>, vector<25x1250xf32> -> vector<25x1250xf32>
      %swap3A_2327 = arith.constant 1200 : index
      %swap3A_2328 = arith.constant 0 : index
      %swap3A_2329 = vector.load %arg5[%swap3A_2327, %swap3A_2328] : memref<1250x1250xf32, #tpu.memory_space<vmem>>, vector<25x1250xf32>
      tpu.vector_store %arg5[%swap3A_2327, %swap3A_2328], %dot_general3A_2326 {strides = array<i32>} : memref<1250x1250xf32, #tpu.memory_space<vmem>>, vector<25x1250xf32>,
      %get3A_2330 = arith.constant 49 : index
      %get3A_2331 = arith.constant 0 : index
      %get3A_2332 = arith.constant 0 : index
      %get3A_2333 = vector.load %arg7[%get3A_2330, %get3A_2331, %get3A_2332] : memref<50x25x153xf32, #tpu.memory_space<vmem>>, vector<1x25x153xf32>
      %get3A_2334 = vector.shape_cast %get3A_2333 : vector<1x25x153xf32> to vector<25x153xf32>
      %slice3A_2335 = vector.extract_strided_slice %get3A_2334 {offsets = [0, 0], sizes = [25, 128], strides = [1, 1]} : vector<25x153xf32> to vector<25x128xf32>
      %reshape3A_2336 = vector.shape_cast %slice3A_2335 : vector<25x128xf32> to vector<25x1x128xf32>
      %swap3A_2337 = arith.constant 0 : index
      %swap3A_2338 = arith.constant 49 : index
      %swap3A_2339 = arith.constant 0 : index
      %swap3A_2340 = vector.load %arg6[%swap3A_2337, %swap3A_2338, %swap3A_2339] : memref<25x50x128xf32, #tpu.memory_space<vmem>>, vector<25x1x128xf32>
      tpu.vector_store %arg6[%swap3A_2337, %swap3A_2338, %swap3A_2339], %reshape3A_2336 {strides = array<i32>} : memref<25x50x128xf32, #tpu.memory_space<vmem>>, vector<25x1x128xf32>,
      %add3A_2341 = arith.constant 1225 : i32
      %add3A_2342 = vector.broadcast %add3A_2341 : i32 to vector<25x1250xi32>
      %add3A_2343 = arith.addi %iota3A, %add3A_2342 : vector<25x1250xi32>
      %eq3A_2344 = arith.cmpi eq, %iota3A_12, %add3A_2343 : vector<25x1250xi32>
      %convert_element_type3A_2345 = arith.extui %eq3A_2344 : vector<25x1250xi1> to vector<25x1250xi32>
      %convert_element_type3A_2346 = arith.sitofp %convert_element_type3A_2345 : vector<25x1250xi32> to vector<25x1250xf32>
      %convert_element_type3A_2347 = arith.truncf %convert_element_type3A_2346 : vector<25x1250xf32> to vector<25x1250xbf16>
      %slice3A_2348 = vector.extract_strided_slice %get3A_2334 {offsets = [0, 128], sizes = [25, 25], strides = [1, 1]} : vector<25x153xf32> to vector<25x25xf32>
      %convert_element_type3A_2349 = arith.truncf %slice3A_2348 : vector<25x25xf32> to vector<25x25xbf16>
      %dot_general3A_2350 = arith.constant dense<0.000000e+00> : vector<25x1250xf32>
      %dot_general3A_2351 = tpu.matmul %convert_element_type3A_2349, %convert_element_type3A_2347, %dot_general3A_2350 {dimension_numbers = #tpu.dot_dimension_numbers<[1], [0], [0], [1], [0, 0, 1, 1], [], []>, transpose_lhs_hint = false} : vector<25x25xbf16>, vector<25x1250xbf16>, vector<25x1250xf32> -> vector<25x1250xf32>
      %swap3A_2352 = arith.constant 1225 : index
      %swap3A_2353 = arith.constant 0 : index
      %swap3A_2354 = vector.load %arg5[%swap3A_2352, %swap3A_2353] : memref<1250x1250xf32, #tpu.memory_space<vmem>>, vector<25x1250xf32>
      tpu.vector_store %arg5[%swap3A_2352, %swap3A_2353], %dot_general3A_2351 {strides = array<i32>} : memref<1250x1250xf32, #tpu.memory_space<vmem>>, vector<25x1250xf32>,
    } else {
    }
    return
  }
  func.func @transform_0(%arg0: i32) -> (i32, i32) {
    %c0_i32 = arith.constant 0 : i32
    %c0_i32_0 = arith.constant 0 : i32
    return %arg0, %c0_i32 : i32, i32
  }
  func.func @transform_1(%arg0: i32) -> (i32, i32) {
    %c0_i32 = arith.constant 0 : i32
    %c0_i32_0 = arith.constant 0 : i32
    return %arg0, %c0_i32 : i32, i32
  }
  func.func @transform_2(%arg0: i32) -> (i32, i32) {
    %c0_i32 = arith.constant 0 : i32
    %c0_i32_0 = arith.constant 0 : i32
    %c0_i32_1 = arith.constant 0 : i32
    return %c0_i32, %c0_i32_0 : i32, i32
  }
  func.func @transform_3(%arg0: i32) -> (i32, i32) {
    %c0_i32 = arith.constant 0 : i32
    %c0_i32_0 = arith.constant 0 : i32
    %c0_i32_1 = arith.constant 0 : i32
    return %c0_i32, %c0_i32_0 : i32, i32
  }
  func.func @transform_4(%arg0: i32) -> (i32, i32) {
    %c0_i32 = arith.constant 0 : i32
    %c0_i32_0 = arith.constant 0 : i32
    %c0_i32_1 = arith.constant 0 : i32
    return %c0_i32, %c0_i32_0 : i32, i32
  }
  func.func @transform_5(%arg0: i32) -> (i32, i32, i32) {
    %c0_i32 = arith.constant 0 : i32
    %c0_i32_0 = arith.constant 0 : i32
    %c0_i32_1 = arith.constant 0 : i32
    %c0_i32_2 = arith.constant 0 : i32
    return %c0_i32, %c0_i32_0, %c0_i32_1 : i32, i32, i32
  }
}

</mosaic_0001>

<sc_bundles>
// kernel: kernel.4.cloned.1.call-start
scs
__scs_entry_jumppad:
0x0: {  	(pc) =	sbr.rel $0x88, $3  }
0x1: {  	(tag) =	ssettag $0x0;
	lr =	simm.s32 $0x1  }
0x2: {  	[smem:$0x3F9D] =	sst lr;
	_ =	strace $0xD0000000  }
0x3: {  	_ = 	snop  }
0x4: {  	_ = 	snop  }
0x5: {  	_ = 	snop  }
0x6: {  	_ = 	snop  }
0x7: {  	_ = 	snop  }
__scs_overlays_trampoline_lowered:
0x8: {  	[smem:$0x3FAC] =	sst s0  }
0x9: {  	[smem:$0x3FAD] =	sst s1  }
0xa: {  	[smem:$0x3FAE] =	sst s2  }
0xb: {  	[smem:$0x3FAF] =	sst s3  }
0xc: {  	[smem:$0x3FB0] =	sst s4  }
0xd: {  	[smem:$0x3FB1] =	sst s5  }
0xe: {  	[smem:$0x3FB2] =	sst s6  }
0xf: {  	[smem:$0x3FB3] =	sst s7  }
0x10: {  	[smem:$0x3FB4] =	sst s8  }
0x11: {  	[smem:$0x3FB5] =	sst s9;
	s0 =	simm.s32 @!p0 $0x0  }
0x12: {  	s1 =	sld [smem:$0x3F9B];
	s0 =	simm.s32 @p0 $0x1  }
0x13: {  	[smem:$0x3FB6] =	sst s0;
	s0 =	simm.s32 @!p1 $0x0  }
0x14: {  	s2 =	sld [smem:$0x3F9A];
	s0 =	simm.s32 @p1 $0x1  }
0x15: {  	[smem:$0x3FB7] =	sst s0;
	s0 =	simm.s32 @!p2 $0x0  }
0x16: {  	s3 =	sld [smem:$0x3FDB];
	s0 =	simm.s32 @p2 $0x1  }
0x17: {  	s4 =	simm.s32 $0x1BF5;
	[smem:$0x3FB9] =	sst s0  }
0x18: {  	s0 =	sld [smem:$0x3F9C];
	_ =	swait.ge [sflag:s4], $0x0  }
0x19: {  	s7 =	sld [smem:$0x3F9D]  }
0x1a: {  	s8 =	sadd.s32 $0xFFFFE003, lr  }
0x1b: {  	s9 =	sadd.s32 $0xFFFFFEF7, lr;
	s5 =	simm.s32 $0xFFFFFFFF;
	p2 =	slt.u32 s8, $0xFFFFF086  }
0x1c: {  	p1 =	slt.u32 s9, $0xF7A;
	s5 =	simm.s32 @!p2 $0x0  }
0x1d: {  	s5 =	simm.s32 @p1 $0x1;
	p0 =	seq.s32 s7, s2  }
0x1e: {  	s7 =	smul.u32 @!p0 $0xF7A, s2;
	p2 =	seq.s32 @!p0 s5, $0x0  }
0x1f: {  	s9 =	smul.u32 $0xF7A, s1;
	s8 =	simm.s32 @!p0 $0x1BF5;
	p2 =	por !p2, p0  }
0x20: {  	[sflag:s8] =	ssyncset.s32 @!p0 $0xFFFFF086;
	s6 =	sadd.s32 @!p0 s3, s7;
	s7 =	simm.s32 @!p0 $0x108  }
0x21: {  	s3 =	sadd.s32 s3, s9;
	s6 =	sadd.s32 @!p0 $0x88, s6;
	s7 =	simm.s32 @p2 $0x1082  }
0x22: {  	[simem:s7], [sflag:s8] =	dma.local @!p0 [hbm:s6], $0xF7A  }
0x23: {  	s9 =	sor.u32 $0xD0000000, s2;
	s6 =	simm.s32 $0x108;
	_ =	swait.ge @!p0 [sflag:s8], $0x0  }
0x24: {  	s3 =	sadd.s32 $0x88, s3;
	s6 =	simm.s32 @!p1 $0x1082;
	[sflag:s4] =	ssyncset.s32 $0xFFFFF086  }
0x25: {  	[simem:s6], [sflag:s4] =	dma.local [hbm:s3], $0xF7A  }
0x26: {  	[smem:$0x3F9D] =	sst s1;
	(tag) =	ssettag s2;
	_ =	strace s9  }
0x27: {  	s1 =	sld [smem:$0x3FAD]  }
0x28: {  	s2 =	sld [smem:$0x3FAE]  }
0x29: {  	s4 =	sld [smem:$0x3FB0]  }
0x2a: {  	p0 =	seq.s32 s5, $0x0;
	s5 =	sld [smem:$0x3FB1]  }
0x2b: {  	s6 =	sld [smem:$0x3FB2]  }
0x2c: {  	s7 =	sld [smem:$0x3FB3]  }
0x2d: {  	s3 =	simm.s32 $0x108;
	s8 =	sld [smem:$0x3FB4]  }
0x2e: {  	s3 =	simm.s32 @!p0 $0x1082;
	s9 =	sld [smem:$0x3FB5]  }
0x2f: {  	lr =	sadd.s32 s0, s3;
	s0 =	sld [smem:$0x3FAC]  }
0x30: {  	s3 =	sld [smem:$0x3FAF]  }
0x31: {  	[smem:$0x3FB8] =	sst s10  }
0x32: {  	s10 =	sld [smem:$0x3FB6];
	_ =	sdelay $0x3  }
0x33: {  	p0 =	seq.s32 s10, $0x1;
	s10 =	sld [smem:$0x3FB8];
	_ =	sdelay $0x3  }
0x34: {  	[smem:$0x3FB8] =	sst s10  }
0x35: {  	s10 =	sld [smem:$0x3FB7];
	_ =	sdelay $0x3  }
0x36: {  	p1 =	seq.s32 s10, $0x1;
	s10 =	sld [smem:$0x3FB8];
	_ =	sdelay $0x3  }
0x37: {  	[smem:$0x3FB8] =	sst s10  }
0x38: {  	s10 =	sld [smem:$0x3FB9]  }
0x39: {  	_ = 	snop;
	(pc) =	sbr.ind lr, $3  }
0x3a: {  	_ = 	snop  }
0x3b: {  	_ = 	snop  }
0x3c: {  	p2 =	seq.s32 s10, $0x1;
	s10 =	sld [smem:$0x3FB8]  }
0x3d: {  	_ =	shalt  }
0x3e: {  	_ =	shalt  }
0x3f: {  	_ =	shalt  }
0x40: {  	_ =	shalt  }
0x41: {  	_ =	shalt  }
0x42: {  	_ =	shalt  }
0x43: {  	_ =	shalt  }
0x44: {  	_ =	shalt  }
0x45: {  	_ =	shalt  }
0x46: {  	_ =	shalt  }
0x47: {  	_ =	shalt  }
0x48: {  	_ =	shalt  }
0x49: {  	_ =	shalt  }
0x4a: {  	_ =	shalt  }
0x4b: {  	_ =	shalt  }
0x4c: {  	_ =	shalt  }
0x4d: {  	_ =	shalt  }
0x4e: {  	_ =	shalt  }
0x4f: {  	_ =	shalt  }
0x50: {  	_ =	shalt  }
0x51: {  	_ =	shalt  }
0x52: {  	_ =	shalt  }
0x53: {  	_ =	shalt  }
0x54: {  	_ =	shalt  }
0x55: {  	_ =	shalt  }
0x56: {  	_ =	shalt  }
0x57: {  	_ =	shalt  }
0x58: {  	_ =	shalt  }
0x59: {  	_ =	shalt  }
0x5a: {  	_ =	shalt  }
0x5b: {  	_ =	shalt  }
0x5c: {  	_ =	shalt  }
0x5d: {  	_ =	shalt  }
0x5e: {  	_ =	shalt  }
0x5f: {  	_ =	shalt  }
0x60: {  	_ =	shalt  }
0x61: {  	_ =	shalt  }
0x62: {  	_ =	shalt  }
0x63: {  	_ =	shalt  }
0x64: {  	_ =	shalt  }
0x65: {  	_ =	shalt  }
0x66: {  	_ =	shalt  }
0x67: {  	_ =	shalt  }
0x68: {  	_ =	shalt  }
0x69: {  	_ =	shalt  }
0x6a: {  	_ =	shalt  }
0x6b: {  	_ =	shalt  }
0x6c: {  	_ =	shalt  }
0x6d: {  	_ =	shalt  }
0x6e: {  	_ =	shalt  }
0x6f: {  	_ =	shalt  }
0x70: {  	_ =	shalt  }
0x71: {  	_ =	shalt  }
0x72: {  	_ =	shalt  }
0x73: {  	_ =	shalt  }
0x74: {  	_ =	shalt  }
0x75: {  	_ =	shalt  }
0x76: {  	_ =	shalt  }
0x77: {  	_ =	shalt  }
0x78: {  	_ =	shalt  }
0x79: {  	_ =	shalt  }
0x7a: {  	_ =	shalt  }
0x7b: {  	_ =	shalt  }
0x7c: {  	_ =	shalt  }
0x7d: {  	_ =	shalt  }
0x7e: {  	_ =	shalt  }
0x7f: {  	_ =	shalt  }
0x80: {  	_ =	shalt  }
0x81: {  	_ =	shalt  }
0x82: {  	_ =	shalt  }
0x83: {  	_ =	shalt  }
0x84: {  	_ =	shalt  }
0x85: {  	_ =	shalt  }
0x86: {  	_ =	shalt  }
0x87: {  	_ =	shalt  }
.Lfunc_end0:
.L_simem_size_0:
called_computation_lowered:
.L_overlay_start_0:
0x88: {  	s2 =	sld [smem:$0x3FD9]  }
0x89: {  	s3 =	sld [smem:$0x3FFE];
	_ =	sdelay $0x1  }
0x8a: {  	s1 =	srdreg.scid  }
0x8b: {  	s0 =	sand.u32 $0x1, s1  }
0x8c: {  	s17 =	sshll.u32 s0, $0xA;
	s2 =	sadd.s32 s3, s2  }
0x8d: {  	s2 =	sadd.s32 s2, s17  }
0x8e: {  	[smem:$0x3FC4] =	sst s2  }
0x8f: {  	_ = 	snop  }
0x90: {  	s2 =	sld [smem:$0x3FC8];
	(tm) =	ssettm $0x1  }
0x91: {  	s18 =	sld [smem:$0x3FFB];
	_ =	sdelay $0x3  }
0x92: {  	_ =	strace s18  }
0x93: {  	s3 =	sld [smem:$0x3FFC];
	_ =	sdelay $0x3  }
0x94: {  	_ =	strace s3  }
0x95: {  	s3 =	sld [smem:$0x3FFD];
	_ =	sdelay $0x3  }
0x96: {  	_ =	strace s3  }
0x97: {  	_ =	strace $0x8FFFFFFF  }
0x98: {  	s19 =	sld [smem:$0x3FDB];
	_ =	sdelay $0x1  }
0x99: {  	s4 =	simm.s32 $_scs_section_size  }
0x9a: {  	s5 =	simm.s32 $_size__tile_overlayer_lowered;
	s6 =	simm.s32 $_tile_overlayer_lowered  }
0x9b: {  	s22 =	simm.s32 $0x1BFF;
	s21 =	sshll.u32 s6, $0x1;
	s3 =	sadd.s32 s4, s19  }
0x9c: {  	s7 =	simm.s32 $0x0;
	s20 =	sshll.u32 s5, $0x1;
	s5 =	sadd.s32 s21, s3  }
0x9d: {  	[timem:s7], [sflag:s22] =	dma.local [hbm:s5], s20  }
0x9e: {  	_ =	swait.ge [sflag:s22], s20  }
0x9f: {  	s4 =	ssub.s32 $0x0, s20;
	[sflag:s22] =	ssyncset.done $0x0  }
0xa0: {  	[sflag:s22] =	ssyncadd.s32 s4;
	_ =	sdelay $0x1  }
0xa1: {  	s23 =	simm.s32 $0x1B8B  }
0xa2: {  	_ =	swait.ge [sflag:s23], $0x1  }
0xa3: {  	[sflag:s23] =	ssyncset.done $0x0  }
0xa4: {  	s25 =	simm.s32 $0x1B8E;
	s24 =	sld [smem:$0x3FFE];
	[sflag:s23] =	ssyncadd.s32 $0xFFFFFFFF  }
0xa5: {  	s26 =	simm.s32 $execute0_lowered;
	[smem:$0x3FD2] =	sst s25  }
0xa6: {  	s5 =	sshll.u32 s26, $0x1;
	_ =	strace $0x80000046;
	[dreg:$0x1] =	wrdreg $0xFFFFFFFF  }
0xa7: {  	s28 =	simm.s32 $_size_execute0_lowered;
	s3 =	sadd.s32 s3, s5;
	[dreg:$0x0] =	wrdreg $0x0  }
0xa8: {  	s5 =	sshll.u32 s28, $0x1;
	[dreg:$0x2] =	wrdreg s3  }
0xa9: {  	[dreg:$0x3] =	wrdreg s5  }
0xaa: {  	[dreg:$0x4] =	wrdreg $0xC0  }
0xab: {  	_ =	task [dreg:s7], $0x5FFFF  }
0xac: {  	[dreg:$0x1] =	wrdreg $0xFFFFFFFF  }
0xad: {  	[dreg:$0x0] =	wrdreg $0x60  }
0xae: {  	[dreg:$0x2] =	wrdreg s2  }
0xaf: {  	[dreg:$0x3] =	wrdreg s24  }
0xb0: {  	[dreg:$0x4] =	wrdreg $0x9  }
0xb1: {  	_ =	task.clear_ibuf [dreg:s7], $0x5FFFF;
	_ =	strace $0x90000046  }
0xb2: {  	s29 =	simm.s32 $0x9;
	_ =	strace $0x80000048  }
0xb3: {  	_ =	swait.ge [sflag:s29], $0x1  }
0xb4: {  	[sflag:s29] =	ssyncadd.s32 $0xFFFFFFFF  }
0xb5: {  	_ =	strace $0x90000048  }
0xb6: {  	_ =	sfence  }
0xb7: {  	s30 =	sld [smem:$0x0];
	_ =	sdelay $0x2  }
0xb8: {  	s31 =	sshll.u32 s1, $0xD;
	s1 =	sshrl.u32 s1, $0x2  }
0xb9: {  	s3 =	sand.u32 $0x4000, s31;
	s1 =	sadd.s32 s1, s30  }
0xba: {  	s0 =	sor.u32 s3, s0;
	s1 =	sshll.u32 s1, $0x11  }
0xbb: {  	s0 =	sor.u32 s1, s0  }
0xbc: {  	s0 =	sadd.s32 $0x8F2B, s0  }
0xbd: {  	[sflag:s0] =	ssyncadd.remote.s32 $0x1  }
0xbe: {  	_ =	sfence.sel $0xFFFF  }
0xbf: {  	[dreg:$0x0] =	wrdreg $0xFFFFFFFF;
	(pc) =	sbr.abs _section_cstart, $3  }
0xc0: {  	[dreg:$0x1] =	wrdreg $0xFFFFFFFF  }
0xc1: {  	_ =	task.clear_ibuf [dreg:s7], $0x2FFFF;
	_ =	strace $0x9FFFFFFF  }
0xc2: {  	(tm) =	ssettm $0x7FFFFFFF  }
0xc3: {  	_ =	shalt  }
tec
execute0_lowered:
.L_overlay_start_1:
0x0: {  	(tag) =	ssettag $0x1  }
0x1: {  	s4 =	srdreg.scid;
	s1 =	stileid.u32  }
0x2: {  	s0 =	rddreg [dreg:$0x0];
	s4 =	sand.u32 $0x1, s4;
	s5 =	sshll.u32 s1, $0x1  }
0x3: {  	s3 =	rddreg [dreg:$0x1];
	s2 =	simm.s32 $0x0;
	s7 =	sor.u32 s4, s5  }
0x4: {  	s14 =	simm.s32 $0x6400;
	s15 =	simm.s32 $0x2;
	s5 =	smul.u32 $0x640, s7  }
0x5: {  	s16 =	simm.s32 $0x12C00;
	s18 =	simm.s32 $0x3;
	s12 =	smul.u32 $0x1900, s7  }
0x6: {  	s19 =	simm.s32 $0x0;
	s8 =	sor.u32 $0x20, s7;
	s30 =	smul.u32 $0xC8, s7  }
0x7: {  	[smem:$0x7FF] =	sst s2;
	s9 =	sadd.s32 $0xE00, s3;
	s6 =	smul.u32 $0x640, s8  }
0x8: {  	s11 =	sadd.s32 $0x10, s0;
	s4 =	ssub.s32 $0x2, s4;
	s13 =	smul.u32 $0x1900, s8  }
.Ltmp0:
0x9: {  	p0 =	sgt.u32 s1, $0x8;
	s29 =	sshrl.u32 s4, $0x1;
	(pc) =	sbr.rel .LBB2_1-.Ltmp0, $4  }
0xa: {  	_ =	strace $0x80000047;
	s10 =	ssub.s32 s4, s29;
	s17 =	smul.u32 $0xC8, s8  }
0xb: {  	s3 =	sadd.s32 s0, s5;
	s4 =	sadd.s32 s5, s11;
	s7 =	sadd.s32 s9, s12  }
0xc: {  	v2 =	vimm.f32 $0.0e+00;
	s5 =	sadd.s32 s0, s6;
	s6 =	sadd.s32 s6, s11;
	s31 =	sadd.s32 s9, s13  }
0xd: {  	v3 =	vimm.f32 $1.000000000e+00;
	v0 =	vmov s30;
	s9 =	smax.u32 s10, $0x1;
	s13 =	simm.s32 $0x1;
	v1 =	vmov s17;
	[dreg:$0x3] =	wrdreg s31  }
.LBB2_10:
0xe: {  	v4 =	vand.u32 $0x7F, v4  }
0xf: {  	v5 =	vand.u32 $0x7F, v5;
	v4 =	vor.u32 v4, v18  }
0x10: {  	v15 =	vor.u32 v22, v15;
	v6 =	vand.u32 $0x7F, v6;
	v5 =	vor.u32 v5, v16  }
0x11: {  	v14 =	vor.u32 v21, v14;
	v7 =	vand.u32 $0x7F, v7;
	v6 =	vor.u32 v6, v15  }
0x12: {  	v13 =	vor.u32 v20, v13;
	v8 =	vand.u32 $0x7F, v8;
	v7 =	vor.u32 v7, v14  }
0x13: {  	v12 =	vor.u32 v17, v12;
	v9 =	vand.u32 $0x7F, v9;
	v8 =	vor.u32 v8, v13  }
0x14: {  	v11 =	vor.u32 v19, v11;
	v10 =	vand.u32 $0x7F, v10;
	v9 =	vor.u32 v9, v12;
	[tilespmem:v4+s16+$0x0] =	vst.idx.add.f32.msk $0xffff, v3  }
0x15: {  	v4 =	vor.u32 v10, v11;
	[tilespmem:v5+s16+$0x0] =	vst.idx.add.f32.msk $0xffff, v3  }
0x16: {  	[tilespmem:v6+s16+$0x0] =	vst.idx.add.f32.msk $0xffff, v3  }
0x17: {  	[tilespmem:v7+s16+$0x0] =	vst.idx.add.f32.msk $0xffff, v3  }
0x18: {  	[tilespmem:v8+s16+$0x0] =	vst.idx.add.f32.msk $0xffff, v3  }
0x19: {  	[tilespmem:v9+s16+$0x0] =	vst.idx.add.f32.msk $0xffff, v3  }
0x1a: {  	[tilespmem:v4+s16+$0x0] =	vst.idx.add.f32.msk $0xffff, v3  }
0x1b: {  	s31 =	simm.s32 $0x4;
	s0 =	rddreg [dreg:$0x3]  }
0x1c: {  	[hbm4b:s0+s2] =	stream.linear.scatter [tilespmem:s16], [sflag:$0x4], $0xC800, $0x38;
	[tilespmem:$0x1F400] =	vst v63  }
0x1d: {  	_ =	swait.ge [sflag:s31], $0xC800  }
0x1e: {  	[sflag:s31] =	ssyncset.done $0x0  }
0x1f: {  	[sflag:s31] =	ssyncadd.s32 $0xFFFF3800  }
.LBB2_11:
0x20: {  	s19 =	sadd.s32 $0x1, s19  }
0x21: {  	p1 =	sne.s32 s19, s9  }
.Ltmp1:
0x22: {  	_ = 	snop;
	(pc) =	sbr.rel @!p1 .LBB2_12-.Ltmp1, $4  }
0x23: {  	_ = 	snop  }
0x24: {  	_ =	swait.ge [sflag:s18], $0xC800  }
0x25: {  	[sflag:s18] =	ssyncset.done $0x0  }
0x26: {  	[sflag:s18] =	ssyncadd.s32 $0xFFFF3800  }
.LBB2_1:
0x27: {  	s0 =	simm.s32 $0x80;
	s1 =	simm.s32 $0x100  }
0x28: {  	[tilespmem:s2], [sflag:$0x1] =	stream.strided.gather [hbm4b:s3+s0], $0x1900, s1, s0, $0x38;
	[tilespmem:$0x1F400] =	vst v63  }
0x29: {  	s8 =	simm.s32 $0x1900  }
0x2a: {  	[tilespmem:s8], [sflag:$0x1] =	stream.strided.gather [hbm4b:s4+s0], $0x1900, s1, s0, $0x38;
	[tilespmem:$0x1F400] =	vst v63  }
0x2b: {  	s20 =	simm.s32 @!p0 $0x100;
	s21 =	simm.s32 @!p0 $0x3200;
	s0 =	simm.s32 @!p0 $0x80  }
0x2c: {  	[tilespmem:s21], [sflag:$0x2] =	stream.strided.gather @!p0 [hbm4b:s5+s0], $0x1900, s20, s0, $0x38;
	[tilespmem:$0x1F400] =	vst v63  }
0x2d: {  	s26 =	sand.u32 $0xF800, s2;
	s28 =	sand.u32 $0x200, s2;
	s21 =	simm.s32 @!p0 $0x4B00  }
0x2e: {  	[tilespmem:s21], [sflag:$0x2] =	stream.strided.gather @!p0 [hbm4b:s6+s0], $0x1900, s20, s0, $0x38;
	[tilespmem:$0x1F400] =	vst v63  }
0x2f: {  	s20 =	sor.u32 s28, s26  }
0x30: {  	[tilespmem:s20+$0x6410] =	vst v2  }
0x31: {  	[tilespmem:s20+$0x6400] =	vst v2  }
0x32: {  	[tilespmem:s20+$0x6470] =	vst v2  }
0x33: {  	[tilespmem:s20+$0x6460] =	vst v2  }
0x34: {  	[tilespmem:s20+$0x6450] =	vst v2  }
0x35: {  	[tilespmem:s20+$0x6440] =	vst v2  }
0x36: {  	[tilespmem:s20+$0x64C0] =	vst v2  }
0x37: {  	[tilespmem:s20+$0x6430] =	vst v2  }
0x38: {  	[tilespmem:s20+$0x6420] =	vst v2  }
0x39: {  	[tilespmem:s20+$0x65C0] =	vst v2  }
0x3a: {  	[tilespmem:s20+$0x6550] =	vst v2  }
0x3b: {  	[tilespmem:s20+$0x6570] =	vst v2  }
0x3c: {  	[tilespmem:s20+$0x65F0] =	vst v2  }
0x3d: {  	[tilespmem:s20+$0x6560] =	vst v2  }
0x3e: {  	[tilespmem:s20+$0x6480] =	vst v2  }
0x3f: {  	[tilespmem:s20+$0x65E0] =	vst v2  }
0x40: {  	[tilespmem:s20+$0x65D0] =	vst v2  }
0x41: {  	[tilespmem:s20+$0x64B0] =	vst v2  }
0x42: {  	[tilespmem:s20+$0x65B0] =	vst v2  }
0x43: {  	[tilespmem:s20+$0x64D0] =	vst v2  }
0x44: {  	[tilespmem:s20+$0x64A0] =	vst v2  }
0x45: {  	[tilespmem:s20+$0x65A0] =	vst v2  }
0x46: {  	[tilespmem:s20+$0x64F0] =	vst v2  }
0x47: {  	[tilespmem:s20+$0x6590] =	vst v2  }
0x48: {  	[tilespmem:s20+$0x64E0] =	vst v2  }
0x49: {  	[tilespmem:s20+$0x6520] =	vst v2  }
0x4a: {  	[tilespmem:s20+$0x6540] =	vst v2  }
0x4b: {  	p1 =	por $0x0, $0x0;
	s0 =	simm.s32 $0x1;
	[tilespmem:s20+$0x6490] =	vst v2  }
0x4c: {  	s0 =	simm.s32 @!p1 $0x0;
	[tilespmem:s20+$0x6530] =	vst v2  }
0x4d: {  	[tilespmem:s20+$0x6510] =	vst v2;
	s0 =	sshll.u32 s0, $0x9  }
0x4e: {  	[tilespmem:s20+$0x6500] =	vst v2;
	s0 =	sadd.s32 $0x0, s0  }
0x4f: {  	[tilespmem:s20+$0x6580] =	vst v2;
	s29 =	sor.u32 $0x400, s0  }
0x50: {  	s30 =	sor.u32 $0x410, s0;
	s10 =	sadd.s32 $0x80, s0;
	[tilespmem:s29+$0x6400] =	vst v2  }
0x51: {  	s17 =	sadd.s32 $0x100, s0;
	s22 =	sor.u32 $0x400, s10;
	[tilespmem:s30+$0x6400] =	vst v2  }
0x52: {  	s24 =	sor.u32 $0x400, s17;
	[tilespmem:s22+$0x6400] =	vst v2  }
0x53: {  	s31 =	sor.u32 $0x420, s0;
	[tilespmem:s24+$0x6400] =	vst v2  }
0x54: {  	s23 =	sor.u32 $0x410, s10;
	[tilespmem:s31+$0x6400] =	vst v2  }
0x55: {  	s25 =	sor.u32 $0x410, s17;
	s29 =	sadd.s32 $0x180, s0;
	[tilespmem:s23+$0x6400] =	vst v2  }
0x56: {  	s1 =	sor.u32 $0x430, s0;
	s8 =	sor.u32 $0x438, s0;
	s0 =	sor.u32 $0x400, s29;
	[tilespmem:s25+$0x6400] =	vst v2  }
0x57: {  	[tilespmem:s0+$0x6400] =	vst v2  }
0x58: {  	s11 =	sor.u32 $0x420, s10;
	[tilespmem:s1+$0x6400] =	vst v2  }
0x59: {  	s26 =	sor.u32 $0x420, s17;
	[tilespmem:s11+$0x6400] =	vst v2  }
0x5a: {  	s30 =	sor.u32 $0x410, s29;
	[tilespmem:s26+$0x6400] =	vst v2  }
0x5b: {  	[tilespmem:s30+$0x6400] =	vst v2  }
0x5c: {  	s12 =	sor.u32 $0x430, s10;
	[tilespmem:s8+$0x6400] =	vst v2  }
0x5d: {  	s28 =	sor.u32 $0x430, s17;
	[tilespmem:s12+$0x6400] =	vst v2  }
0x5e: {  	s31 =	sor.u32 $0x420, s29;
	[tilespmem:s28+$0x6400] =	vst v2  }
0x5f: {  	s20 =	simm.s32 $0x0;
	s21 =	sor.u32 $0x438, s10;
	[tilespmem:s31+$0x6400] =	vst v2  }
0x60: {  	p1 =	por !p1, !p1;
	s24 =	sor.u32 $0x438, s29;
	[tilespmem:s21+$0x6400] =	vst v2;
	s21 =	sor.u32 $0x438, s17  }
0x61: {  	s22 =	simm.s32 $0x400;
	s0 =	sor.u32 $0x430, s29;
	[tilespmem:s21+$0x6400] =	vst v2;
	s21 =	simm.s32 $0x200  }
.LBB2_2:
0x62: {  	s23 =	simm.s32 $0x1  }
0x63: {  	s25 =	sand.u32 $0xF800, s22;
	s26 =	sand.u32 $0x200, s21;
	[tilespmem:s0+$0x6400] =	vst v2;
	s23 =	simm.s32 @!p1 $0x0  }
0x64: {  	s20 =	sadd.s32 $0x4, s20;
	s0 =	sshll.u32 s23, $0x9;
	s23 =	sor.u32 s26, s25;
	[tilespmem:s24+$0x6400] =	vst v2  }
0x65: {  	p2 =	slt.u32 s20, $0xC4;
	s0 =	sadd.s32 s0, s22;
	[tilespmem:s23+$0x6410] =	vst v2  }
0x66: {  	[tilespmem:s23+$0x6400] =	vst v2;
	s1 =	sadd.s32 $0x80, s0;
	s26 =	sadd.s32 $0x100, s0;
	s24 =	sadd.s32 $0x180, s0  }
0x67: {  	[tilespmem:s23+$0x6470] =	vst v2;
	s30 =	sor.u32 $0x400, s1;
	s25 =	sor.u32 $0x400, s24  }
0x68: {  	s29 =	sor.u32 $0x400, s26;
	[tilespmem:s23+$0x6460] =	vst v2  }
0x69: {  	[tilespmem:s23+$0x6450] =	vst v2  }
0x6a: {  	[tilespmem:s23+$0x6440] =	vst v2  }
0x6b: {  	[tilespmem:s23+$0x64C0] =	vst v2  }
0x6c: {  	s28 =	sor.u32 $0x420, s24;
	[tilespmem:s23+$0x6430] =	vst v2  }
0x6d: {  	s31 =	sor.u32 $0x400, s0;
	[tilespmem:s23+$0x6420] =	vst v2  }
0x6e: {  	[tilespmem:s31+$0x6400] =	vst v2;
	s31 =	sor.u32 $0x410, s0  }
0x6f: {  	[tilespmem:s31+$0x6400] =	vst v2;
	s31 =	sor.u32 $0x420, s0  }
0x70: {  	[tilespmem:s31+$0x6400] =	vst v2;
	s31 =	sor.u32 $0x430, s0  }
0x71: {  	s0 =	sor.u32 $0x438, s0;
	[tilespmem:s31+$0x6400] =	vst v2  }
0x72: {  	[tilespmem:s0+$0x6400] =	vst v2  }
0x73: {  	s31 =	sor.u32 $0x410, s26;
	[tilespmem:s23+$0x65C0] =	vst v2  }
0x74: {  	s0 =	sor.u32 $0x420, s26;
	[tilespmem:s23+$0x6550] =	vst v2  }
0x75: {  	s12 =	sor.u32 $0x430, s26;
	[tilespmem:s23+$0x6570] =	vst v2  }
0x76: {  	[tilespmem:s23+$0x65F0] =	vst v2  }
0x77: {  	[tilespmem:s23+$0x6560] =	vst v2  }
0x78: {  	s8 =	sor.u32 $0x410, s1;
	[tilespmem:s23+$0x6480] =	vst v2  }
0x79: {  	s17 =	sor.u32 $0x420, s1;
	[tilespmem:s23+$0x65E0] =	vst v2  }
0x7a: {  	s10 =	sor.u32 $0x430, s1;
	[tilespmem:s23+$0x65D0] =	vst v2  }
0x7b: {  	s1 =	sor.u32 $0x438, s1;
	[tilespmem:s23+$0x64B0] =	vst v2  }
0x7c: {  	[tilespmem:s23+$0x65B0] =	vst v2  }
0x7d: {  	s11 =	sor.u32 $0x410, s24;
	[tilespmem:s23+$0x64D0] =	vst v2  }
0x7e: {  	[tilespmem:s23+$0x64A0] =	vst v2  }
0x7f: {  	[tilespmem:s23+$0x65A0] =	vst v2  }
0x80: {  	[tilespmem:s23+$0x64F0] =	vst v2  }
0x81: {  	[tilespmem:s23+$0x6590] =	vst v2  }
0x82: {  	[tilespmem:s23+$0x64E0] =	vst v2  }
0x83: {  	[tilespmem:s23+$0x6520] =	vst v2  }
0x84: {  	[tilespmem:s23+$0x6540] =	vst v2  }
0x85: {  	[tilespmem:s23+$0x6490] =	vst v2  }
0x86: {  	[tilespmem:s30+$0x6400] =	vst v2  }
0x87: {  	[tilespmem:s8+$0x6400] =	vst v2  }
0x88: {  	[tilespmem:s17+$0x6400] =	vst v2  }
0x89: {  	[tilespmem:s10+$0x6400] =	vst v2  }
0x8a: {  	[tilespmem:s1+$0x6400] =	vst v2  }
0x8b: {  	[tilespmem:s23+$0x6530] =	vst v2  }
0x8c: {  	[tilespmem:s23+$0x6510] =	vst v2  }
0x8d: {  	[tilespmem:s23+$0x6500] =	vst v2  }
0x8e: {  	[tilespmem:s29+$0x6400] =	vst v2  }
0x8f: {  	[tilespmem:s31+$0x6400] =	vst v2  }
0x90: {  	[tilespmem:s0+$0x6400] =	vst v2  }
0x91: {  	s0 =	sor.u32 $0x438, s26;
	[tilespmem:s12+$0x6400] =	vst v2  }
.Ltmp2:
0x92: {  	[tilespmem:s0+$0x6400] =	vst v2;
	(pc) =	sbr.rel @p2 .LBB2_2-.Ltmp2, $4  }
0x93: {  	[tilespmem:s23+$0x6580] =	vst v2  }
0x94: {  	[tilespmem:s25+$0x6400] =	vst v2  }
0x95: {  	p1 =	por !p1, !p1;
	s0 =	sor.u32 $0x430, s24;
	[tilespmem:s11+$0x6400] =	vst v2  }
0x96: {  	s21 =	sadd.s32 $0x200, s21;
	s22 =	sadd.s32 $0x400, s22;
	s24 =	sor.u32 $0x438, s24;
	[tilespmem:s28+$0x6400] =	vst v2  }
0x97: {  	[tilespmem:s0+$0x6400] =	vst v2  }
0x98: {  	[tilespmem:s24+$0x6400] =	vst v2  }
0x99: {  	_ =	swait.ge [sflag:s13], $0x1900  }
0x9a: {  	[sflag:s13] =	ssyncset.done $0x0  }
0x9b: {  	[sflag:s13] =	ssyncadd.s32 $0xFFFFE700  }
0x9c: {  	_ =	swait.ge [sflag:s13], $0x1900  }
0x9d: {  	[sflag:s13] =	ssyncset.done $0x0  }
0x9e: {  	s31 =	simm.s32 $0x40;
	[sflag:s13] =	ssyncadd.s32 $0xFFFFE700  }
0x9f: {  	s20 =	simm.s32 $0x1940;
	v5 =	vld [tilespmem:s31+$0x30]  }
0xa0: {  	v4 =	vld [tilespmem:s20+$0x30]  }
0xa1: {  	v6 =	vld [tilespmem:s20+$0xFFFFFFC0]  }
0xa2: {  	v11 =	vld [tilespmem:s31+$0xFFFFFFD0]  }
0xa3: {  	v12 =	vld [tilespmem:s31+$0xFFFFFFE0]  }
0xa4: {  	v16 =	vld [tilespmem:s31+$0x0]  }
0xa5: {  	v18 =	vld [tilespmem:s31+$0x10]  }
0xa6: {  	v22 =	vld [tilespmem:s31+$0x20]  }
0xa7: {  	v13 =	vld [tilespmem:s31+$0xFFFFFFF0];
	_ =	sdelay $0x1  }
0xa8: {  	v9 =	vsub.s32 v5, v0;
	v10 =	vsub.s32 v4, v0  }
0xa9: {  	v4 =	vsub.s32 v6, v0;
	v5 =	vshll.u32 v5, $0x7;
	v15 =	vsub.s32 v11, v0  }
0xaa: {  	v25 =	vsub.s32 v16, v0;
	v29 =	vsub.s32 v18, v0;
	v31 =	vsub.s32 v22, v0  }
0xab: {  	v7 =	vld [tilespmem:s20+$0xFFFFFFD0];
	v33 =	vshll.u32 v11, $0x7;
	v62 =	vshll.u32 v12, $0x7;
	v34 =	vshll.u32 v13, $0x7  }
0xac: {  	v16 =	vshll.u32 v16, $0x7;
	v18 =	vshll.u32 v18, $0x7;
	v35 =	vshll.u32 v22, $0x7  }
0xad: {  	v8 =	vld [tilespmem:s20+$0xFFFFFFE0];
	v6 =	vshll.u32 v9, $0x8;
	v9 =	vshll.u32 v10, $0x3;
	v15 =	vshll.u32 v15, $0x8  }
0xae: {  	v59 =	vshll.u32 v31, $0x8;
	v63 =	vand.u32 $0x380, v33;
	v22 =	vand.u32 $0x380, v62  }
0xaf: {  	v14 =	vld [tilespmem:s20+$0xFFFFFFF0];
	v6 =	vand.u32 $0xFFFFF800, v6;
	v9 =	vand.u32 $0xFFFFFC00, v9;
	v15 =	vand.u32 $0xFFFFF800, v15  }
0xb0: {  	v17 =	vld [tilespmem:s20+$0x0];
	v6 =	vadd.s32 v6, v9;
	v9 =	vand.u32 $0x380, v5;
	v5 =	vsub.s32 v7, v0  }
0xb1: {  	v26 =	vld [tilespmem:s20+$0x20];
	v7 =	vand.u32 $0x7F, v10;
	v10 =	vsub.s32 v12, v0;
	v9 =	vor.u32 v9, v6  }
0xb2: {  	v6 =	vsub.s32 v8, v0;
	v8 =	vsub.s32 v13, v0;
	v21 =	vshll.u32 v5, $0x3  }
0xb3: {  	v20 =	vld [tilespmem:s20+$0x10];
	v10 =	vshll.u32 v10, $0x8;
	v19 =	vor.u32 v7, v9;
	v9 =	vshll.u32 v4, $0x3  }
0xb4: {  	v7 =	vsub.s32 v14, v0;
	v23 =	vshll.u32 v6, $0x3;
	v24 =	vshll.u32 v8, $0x8  }
0xb5: {  	v8 =	vsub.s32 v17, v0;
	v17 =	vshll.u32 v25, $0x8;
	v21 =	vand.u32 $0xFFFFFC00, v21  }
0xb6: {  	v32 =	vand.u32 $0xFFFFF800, v10;
	v10 =	vsub.s32 v26, v0;
	v26 =	vand.u32 $0xFFFFF800, v59  }
0xb7: {  	v27 =	vshll.u32 v7, $0x3;
	v57 =	vand.u32 $0xFFFFFC00, v9;
	v28 =	vshll.u32 v8, $0x3  }
0xb8: {  	v14 =	vld [tilespmem:s31+$0xFFFFFFC0];
	v9 =	vsub.s32 v20, v0;
	v20 =	vshll.u32 v29, $0x8;
	v23 =	vand.u32 $0xFFFFFC00, v23  }
0xb9: {  	v60 =	vshll.u32 v10, $0x3;
	v24 =	vand.u32 $0xFFFFF800, v24;
	v17 =	vand.u32 $0xFFFFF800, v17  }
0xba: {  	v36 =	vadd.s32 v15, v21;
	v21 =	vand.u32 $0x380, v34;
	v58 =	vshll.u32 v9, $0x3  }
0xbb: {  	v27 =	vand.u32 $0xFFFFFC00, v27;
	v28 =	vand.u32 $0xFFFFFC00, v28;
	v20 =	vand.u32 $0xFFFFF800, v20  }
0xbc: {  	v11 =	vand.u32 $0xFFFFFC00, v60;
	v15 =	vadd.s32 v32, v23;
	v29 =	vand.u32 $0xFFFFFC00, v58  }
0xbd: {  	v13 =	vadd.s32 v17, v28;
	v11 =	vadd.s32 v26, v11;
	v30 =	vsub.s32 v14, v0  }
0xbe: {  	v17 =	vand.u32 $0x380, v18;
	v12 =	vadd.s32 v20, v29;
	v30 =	vshll.u32 v30, $0x8  }
0xbf: {  	v20 =	vand.u32 $0x380, v16;
	v61 =	vshll.u32 v14, $0x7;
	v30 =	vand.u32 $0xFFFFF800, v30  }
0xc0: {  	v16 =	vor.u32 v63, v36;
	v23 =	vand.u32 $0x380, v61;
	v25 =	vadd.s32 v30, v57  }
0xc1: {  	s21 =	simm.s32 $0x0;
	s22 =	simm.s32 $0xC0;
	v14 =	vadd.s32 v24, v27;
	[tilespmem:v19+s14+$0x0] =	vst.idx.add.f32.msk $0xffff, v3;
	v19 =	vand.u32 $0x380, v35;
	v18 =	vor.u32 v23, v25  }
.LBB2_4:
0xc2: {  	v23 =	vld [tilespmem:s22+$0x30];
	v15 =	vor.u32 v22, v15;
	v14 =	vor.u32 v21, v14;
	v13 =	vor.u32 v20, v13;
	s20 =	sadd.s32 $0x80, s20  }
0xc3: {  	s21 =	sadd.s32 $0x8, s21;
	v4 =	vand.u32 $0x7F, v4;
	v12 =	vor.u32 v17, v12;
	v11 =	vor.u32 v19, v11;
	v20 =	vld [tilespmem:s20+$0x30]  }
0xc4: {  	v5 =	vand.u32 $0x7F, v5;
	v6 =	vand.u32 $0x7F, v6;
	v7 =	vand.u32 $0x7F, v7;
	p1 =	slt.u32 s21, $0x188;
	v17 =	vld [tilespmem:s20+$0xFFFFFFC0]  }
0xc5: {  	v8 =	vand.u32 $0x7F, v8;
	v9 =	vand.u32 $0x7F, v9;
	v10 =	vand.u32 $0x7F, v10;
	v19 =	vld [tilespmem:s22+$0xFFFFFFD0]  }
0xc6: {  	v18 =	vor.u32 v4, v18;
	v16 =	vor.u32 v5, v16;
	v15 =	vor.u32 v6, v15;
	v21 =	vld [tilespmem:s20+$0xFFFFFFD0]  }
0xc7: {  	v14 =	vor.u32 v7, v14;
	v13 =	vor.u32 v8, v13;
	v12 =	vor.u32 v9, v12;
	v22 =	vld [tilespmem:s22+$0xFFFFFFE0]  }
0xc8: {  	v11 =	vor.u32 v10, v11;
	v5 =	vsub.s32 v23, v0;
	v6 =	vld [tilespmem:s20+$0xFFFFFFE0];
	v7 =	vsub.s32 v20, v0  }
0xc9: {  	v5 =	vshll.u32 v5, $0x8;
	v4 =	vsub.s32 v17, v0;
	v17 =	vld [tilespmem:s22+$0xFFFFFFF0];
	v8 =	vshll.u32 v7, $0x3  }
0xca: {  	v10 =	vshll.u32 v23, $0x7;
	v5 =	vand.u32 $0xFFFFF800, v5;
	v9 =	vld [tilespmem:s20+$0xFFFFFFF0];
	v8 =	vand.u32 $0xFFFFFC00, v8  }
0xcb: {  	v10 =	vand.u32 $0x380, v10;
	v20 =	vsub.s32 v19, v0;
	v23 =	vld [tilespmem:s22+$0x0];
	v8 =	vadd.s32 v5, v8  }
0xcc: {  	v7 =	vand.u32 $0x7F, v7;
	v5 =	vsub.s32 v21, v0;
	v21 =	vld [tilespmem:s20+$0x0];
	v8 =	vor.u32 v10, v8  }
0xcd: {  	v10 =	vsub.s32 v22, v0;
	v6 =	vsub.s32 v6, v0;
	v24 =	vld [tilespmem:s22+$0x10];
	v25 =	vor.u32 v7, v8  }
0xce: {  	v26 =	vshll.u32 v4, $0x3;
	v20 =	vshll.u32 v20, $0x8;
	v8 =	vsub.s32 v17, v0;
	v27 =	vld [tilespmem:s20+$0x10]  }
0xcf: {  	v28 =	vshll.u32 v5, $0x3;
	v10 =	vshll.u32 v10, $0x8;
	v7 =	vsub.s32 v9, v0;
	v29 =	vld [tilespmem:s22+$0x20]  }
0xd0: {  	v30 =	vshll.u32 v6, $0x3;
	v31 =	vshll.u32 v8, $0x8;
	v9 =	vsub.s32 v23, v0;
	v32 =	vld [tilespmem:s20+$0x20]  }
0xd1: {  	v34 =	vshll.u32 v7, $0x3;
	v33 =	vld [tilespmem:s22+$0xFFFFFFC0];
	v8 =	vsub.s32 v21, v0;
	v21 =	vshll.u32 v9, $0x8  }
0xd2: {  	v26 =	vand.u32 $0xFFFFFC00, v26;
	v35 =	vshll.u32 v8, $0x3;
	v36 =	vsub.s32 v24, v0;
	[tilespmem:v25+s14+$0x0] =	vst.idx.add.f32.msk $0xffff, v3  }
0xd3: {  	v20 =	vand.u32 $0xFFFFF800, v20;
	v9 =	vsub.s32 v27, v0;
	v25 =	vshll.u32 v36, $0x8;
	[tilespmem:v18+s14+$0x0] =	vst.idx.add.f32.msk $0xffff, v3  }
0xd4: {  	v18 =	vand.u32 $0xFFFFFC00, v28;
	v27 =	vshll.u32 v9, $0x3;
	v28 =	vsub.s32 v29, v0;
	[tilespmem:v16+s14+$0x0] =	vst.idx.add.f32.msk $0xffff, v3  }
0xd5: {  	v16 =	vand.u32 $0xFFFFF800, v10;
	v10 =	vsub.s32 v32, v0;
	v28 =	vshll.u32 v28, $0x8;
	[tilespmem:v15+s14+$0x0] =	vst.idx.add.f32.msk $0xffff, v3  }
0xd6: {  	v30 =	vand.u32 $0xFFFFFC00, v30;
	v15 =	vsub.s32 v33, v0;
	v32 =	vshll.u32 v10, $0x3;
	[tilespmem:v14+s14+$0x0] =	vst.idx.add.f32.msk $0xffff, v3  }
0xd7: {  	v31 =	vand.u32 $0xFFFFF800, v31;
	v34 =	vand.u32 $0xFFFFFC00, v34;
	v14 =	vshll.u32 v15, $0x8;
	[tilespmem:v13+s14+$0x0] =	vst.idx.add.f32.msk $0xffff, v3  }
0xd8: {  	v21 =	vand.u32 $0xFFFFF800, v21;
	v35 =	vand.u32 $0xFFFFFC00, v35;
	v13 =	vand.u32 $0xFFFFF800, v14;
	[tilespmem:v12+s14+$0x0] =	vst.idx.add.f32.msk $0xffff, v3  }
0xd9: {  	v12 =	vand.u32 $0xFFFFF800, v25;
	v25 =	vand.u32 $0xFFFFFC00, v27;
	v27 =	vand.u32 $0xFFFFF800, v28;
	[tilespmem:v11+s14+$0x0] =	vst.idx.add.f32.msk $0xffff, v3  }
0xda: {  	v19 =	vshll.u32 v19, $0x7;
	v28 =	vshll.u32 v33, $0x7;
	v11 =	vand.u32 $0xFFFFFC00, v32  }
0xdb: {  	v22 =	vshll.u32 v22, $0x7;
	v17 =	vshll.u32 v17, $0x7;
	v23 =	vshll.u32 v23, $0x7  }
0xdc: {  	v24 =	vshll.u32 v24, $0x7;
	v29 =	vshll.u32 v29, $0x7;
	v26 =	vadd.s32 v13, v26  }
.Ltmp3:
0xdd: {  	v15 =	vadd.s32 v16, v30;
	v14 =	vadd.s32 v31, v34;
	v32 =	vadd.s32 v20, v18;
	(pc) =	sbr.rel @p1 .LBB2_4-.Ltmp3, $4  }
0xde: {  	v13 =	vadd.s32 v21, v35;
	v12 =	vadd.s32 v12, v25;
	v11 =	vadd.s32 v27, v11  }
0xdf: {  	v19 =	vand.u32 $0x380, v19;
	v22 =	vand.u32 $0x380, v22;
	v16 =	vand.u32 $0x380, v28  }
0xe0: {  	v21 =	vand.u32 $0x380, v17;
	v20 =	vand.u32 $0x380, v23;
	v17 =	vand.u32 $0x380, v24  }
0xe1: {  	s22 =	sadd.s32 $0x80, s22;
	v18 =	vor.u32 v16, v26;
	v16 =	vor.u32 v19, v32;
	v19 =	vand.u32 $0x380, v29  }
0xe2: {  	v4 =	vand.u32 $0x7F, v4  }
0xe3: {  	v5 =	vand.u32 $0x7F, v5;
	v4 =	vor.u32 v4, v18  }
0xe4: {  	v15 =	vor.u32 v22, v15;
	v6 =	vand.u32 $0x7F, v6;
	v5 =	vor.u32 v5, v16  }
0xe5: {  	v14 =	vor.u32 v21, v14;
	v7 =	vand.u32 $0x7F, v7;
	v6 =	vor.u32 v6, v15  }
0xe6: {  	v13 =	vor.u32 v20, v13;
	v8 =	vand.u32 $0x7F, v8;
	v7 =	vor.u32 v7, v14  }
0xe7: {  	v12 =	vor.u32 v17, v12;
	v9 =	vand.u32 $0x7F, v9;
	v8 =	vor.u32 v8, v13  }
0xe8: {  	v11 =	vor.u32 v19, v11;
	v10 =	vand.u32 $0x7F, v10;
	v9 =	vor.u32 v9, v12;
	[tilespmem:v4+s14+$0x0] =	vst.idx.add.f32.msk $0xffff, v3  }
0xe9: {  	v4 =	vor.u32 v10, v11;
	[tilespmem:v5+s14+$0x0] =	vst.idx.add.f32.msk $0xffff, v3  }
0xea: {  	[tilespmem:v6+s14+$0x0] =	vst.idx.add.f32.msk $0xffff, v3  }
.Ltmp4:
0xeb: {  	[tilespmem:v7+s14+$0x0] =	vst.idx.add.f32.msk $0xffff, v3;
	(pc) =	sbr.rel @p0 .LBB2_11-.Ltmp4, $4  }
0xec: {  	[tilespmem:v8+s14+$0x0] =	vst.idx.add.f32.msk $0xffff, v3  }
0xed: {  	[tilespmem:v9+s14+$0x0] =	vst.idx.add.f32.msk $0xffff, v3  }
0xee: {  	s0 =	simm.s32 $0x0;
	[tilespmem:v4+s14+$0x0] =	vst.idx.add.f32.msk $0xffff, v3  }
0xef: {  	[hbm4b:s7+s0] =	stream.linear.scatter [tilespmem:s14], [sflag:$0x3], $0xC800, $0x38;
	[tilespmem:$0x1F400] =	vst v63  }
0xf0: {  	s1 =	sand.u32 $0xF800, s0;
	s29 =	sand.u32 $0x200, s0  }
0xf1: {  	s0 =	sor.u32 s29, s1  }
0xf2: {  	s20 =	sadd.s32 $0x12C00, s0;
	[tilespmem:s0+$0x12C00] =	vst v2  }
0xf3: {  	[tilespmem:s20+$0x40] =	vst v2  }
0xf4: {  	[tilespmem:s20+$0x30] =	vst v2  }
0xf5: {  	[tilespmem:s20+$0x20] =	vst v2  }
0xf6: {  	[tilespmem:s20+$0x10] =	vst v2  }
0xf7: {  	[tilespmem:s20+$0x190] =	vst v2  }
0xf8: {  	[tilespmem:s20+$0x1A0] =	vst v2  }
0xf9: {  	[tilespmem:s20+$0x1B0] =	vst v2  }
0xfa: {  	[tilespmem:s20+$0x1D0] =	vst v2  }
0xfb: {  	[tilespmem:s20+$0x1C0] =	vst v2  }
0xfc: {  	[tilespmem:s20+$0x1F0] =	vst v2  }
0xfd: {  	[tilespmem:s20+$0x150] =	vst v2  }
0xfe: {  	[tilespmem:s20+$0x170] =	vst v2  }
0xff: {  	[tilespmem:s20+$0x1E0] =	vst v2  }
0x100: {  	[tilespmem:s20+$0xC0] =	vst v2  }
0x101: {  	[tilespmem:s20+$0x160] =	vst v2  }
0x102: {  	[tilespmem:s20+$0x140] =	vst v2  }
0x103: {  	[tilespmem:s20+$0x180] =	vst v2  }
0x104: {  	[tilespmem:s20+$0x130] =	vst v2  }
0x105: {  	[tilespmem:s20+$0xB0] =	vst v2  }
0x106: {  	[tilespmem:s20+$0x80] =	vst v2  }
0x107: {  	[tilespmem:s20+$0xD0] =	vst v2  }
0x108: {  	[tilespmem:s20+$0x120] =	vst v2  }
0x109: {  	[tilespmem:s20+$0xA0] =	vst v2  }
0x10a: {  	p1 =	por $0x0, $0x0;
	s1 =	simm.s32 $0x1;
	[tilespmem:s20+$0xF0] =	vst v2  }
0x10b: {  	s1 =	simm.s32 @!p1 $0x0;
	[tilespmem:s20+$0x110] =	vst v2  }
0x10c: {  	s30 =	sshll.u32 s1, $0x9;
	[tilespmem:s20+$0xE0] =	vst v2  }
0x10d: {  	[tilespmem:s20+$0x90] =	vst v2;
	s0 =	sadd.s32 $0x0, s30  }
0x10e: {  	[tilespmem:s20+$0x100] =	vst v2;
	s31 =	sor.u32 $0x400, s0  }
0x10f: {  	[tilespmem:s31+$0x12C00] =	vst v2  }
0x110: {  	[tilespmem:s20+$0x70] =	vst v2  }
0x111: {  	s8 =	sor.u32 $0x410, s0;
	s10 =	sor.u32 $0x420, s0;
	s23 =	sadd.s32 $0x80, s0;
	[tilespmem:s20+$0x60] =	vst v2  }
0x112: {  	s11 =	sor.u32 $0x430, s0;
	s29 =	sadd.s32 $0x100, s0;
	s24 =	sor.u32 $0x400, s23;
	[tilespmem:s20+$0x50] =	vst v2  }
0x113: {  	s12 =	sor.u32 $0x438, s0;
	s17 =	sadd.s32 $0x180, s0;
	s0 =	sor.u32 $0x400, s29;
	[tilespmem:s24+$0x12C00] =	vst v2  }
0x114: {  	[tilespmem:s0+$0x12C00] =	vst v2  }
0x115: {  	s25 =	sor.u32 $0x410, s23;
	[tilespmem:s8+$0x12C00] =	vst v2  }
0x116: {  	s30 =	sor.u32 $0x410, s29;
	[tilespmem:s25+$0x12C00] =	vst v2  }
0x117: {  	[tilespmem:s30+$0x12C00] =	vst v2  }
0x118: {  	s8 =	sor.u32 $0x400, s17;
	[tilespmem:s10+$0x12C00] =	vst v2  }
0x119: {  	s26 =	sor.u32 $0x420, s23;
	[tilespmem:s8+$0x12C00] =	vst v2  }
0x11a: {  	s31 =	sor.u32 $0x420, s29;
	[tilespmem:s26+$0x12C00] =	vst v2  }
0x11b: {  	[tilespmem:s31+$0x12C00] =	vst v2  }
0x11c: {  	s10 =	sor.u32 $0x410, s17;
	[tilespmem:s11+$0x12C00] =	vst v2  }
0x11d: {  	s28 =	sor.u32 $0x430, s23;
	[tilespmem:s10+$0x12C00] =	vst v2  }
0x11e: {  	[tilespmem:s28+$0x12C00] =	vst v2  }
0x11f: {  	s21 =	sor.u32 $0x420, s17;
	[tilespmem:s12+$0x12C00] =	vst v2  }
0x120: {  	s22 =	sor.u32 $0x430, s17;
	[tilespmem:s21+$0x12C00] =	vst v2  }
0x121: {  	p1 =	por !p1, !p1;
	s1 =	sor.u32 $0x438, s17;
	[tilespmem:s22+$0x12C00] =	vst v2  }
0x122: {  	s20 =	simm.s32 $0x0;
	s0 =	sor.u32 $0x430, s29;
	[tilespmem:s1+$0x12C00] =	vst v2;
	s1 =	sor.u32 $0x438, s23  }
0x123: {  	s21 =	simm.s32 $0x200;
	s22 =	simm.s32 $0x400;
	s23 =	sor.u32 $0x438, s29;
	[tilespmem:s1+$0x12C00] =	vst v2  }
.LBB2_7:
0x124: {  	s1 =	simm.s32 $0x1  }
0x125: {  	s8 =	sand.u32 $0xF800, s22;
	s10 =	sand.u32 $0x200, s21;
	[tilespmem:s0+$0x12C00] =	vst v2;
	s1 =	simm.s32 @!p1 $0x0  }
0x126: {  	s20 =	sadd.s32 $0x4, s20;
	s0 =	sshll.u32 s1, $0x9;
	s1 =	sor.u32 s10, s8;
	[tilespmem:s23+$0x12C00] =	vst v2  }
0x127: {  	p2 =	slt.u32 s20, $0xC4;
	s8 =	sadd.s32 s0, s22;
	s24 =	sadd.s32 $0x12C00, s1;
	[tilespmem:s1+$0x12C00] =	vst v2  }
0x128: {  	[tilespmem:s24+$0x40] =	vst v2;
	s0 =	sadd.s32 $0x80, s8;
	s23 =	sadd.s32 $0x100, s8;
	s1 =	sadd.s32 $0x180, s8  }
0x129: {  	[tilespmem:s24+$0x30] =	vst v2  }
0x12a: {  	[tilespmem:s24+$0x20] =	vst v2  }
0x12b: {  	s10 =	sor.u32 $0x400, s8;
	[tilespmem:s24+$0x10] =	vst v2  }
0x12c: {  	[tilespmem:s10+$0x12C00] =	vst v2  }
0x12d: {  	[tilespmem:s24+$0x190] =	vst v2  }
0x12e: {  	[tilespmem:s24+$0x1A0] =	vst v2  }
0x12f: {  	[tilespmem:s24+$0x70] =	vst v2  }
0x130: {  	s25 =	sor.u32 $0x400, s0;
	[tilespmem:s24+$0x60] =	vst v2  }
0x131: {  	s26 =	sor.u32 $0x410, s0;
	s10 =	sor.u32 $0x410, s8;
	[tilespmem:s24+$0x50] =	vst v2  }
0x132: {  	s28 =	sor.u32 $0x420, s0;
	[tilespmem:s10+$0x12C00] =	vst v2;
	s10 =	sor.u32 $0x420, s8  }
0x133: {  	[tilespmem:s10+$0x12C00] =	vst v2;
	s10 =	sor.u32 $0x430, s8  }
0x134: {  	s8 =	sor.u32 $0x438, s8;
	[tilespmem:s10+$0x12C00] =	vst v2  }
0x135: {  	s30 =	sor.u32 $0x400, s23;
	[tilespmem:s8+$0x12C00] =	vst v2  }
0x136: {  	s31 =	sor.u32 $0x410, s23;
	[tilespmem:s24+$0x1B0] =	vst v2  }
0x137: {  	s29 =	sor.u32 $0x420, s23;
	s8 =	sor.u32 $0x400, s1;
	[tilespmem:s24+$0x1D0] =	vst v2  }
0x138: {  	s10 =	sor.u32 $0x410, s1;
	[tilespmem:s24+$0x1C0] =	vst v2  }
0x139: {  	s11 =	sor.u32 $0x420, s1;
	[tilespmem:s24+$0x1F0] =	vst v2  }
0x13a: {  	s12 =	sor.u32 $0x430, s1;
	[tilespmem:s24+$0x150] =	vst v2  }
0x13b: {  	s1 =	sor.u32 $0x438, s1;
	[tilespmem:s24+$0x170] =	vst v2  }
0x13c: {  	[tilespmem:s24+$0x1E0] =	vst v2  }
0x13d: {  	s17 =	sor.u32 $0x430, s0;
	[tilespmem:s24+$0xC0] =	vst v2  }
0x13e: {  	s0 =	sor.u32 $0x438, s0;
	[tilespmem:s24+$0x160] =	vst v2  }
0x13f: {  	[tilespmem:s24+$0x140] =	vst v2  }
0x140: {  	[tilespmem:s24+$0x180] =	vst v2  }
0x141: {  	[tilespmem:s8+$0x12C00] =	vst v2  }
0x142: {  	[tilespmem:s10+$0x12C00] =	vst v2  }
0x143: {  	[tilespmem:s11+$0x12C00] =	vst v2  }
0x144: {  	[tilespmem:s12+$0x12C00] =	vst v2  }
0x145: {  	[tilespmem:s1+$0x12C00] =	vst v2  }
0x146: {  	[tilespmem:s24+$0x130] =	vst v2  }
0x147: {  	[tilespmem:s24+$0xB0] =	vst v2  }
0x148: {  	[tilespmem:s24+$0x80] =	vst v2  }
0x149: {  	[tilespmem:s24+$0xD0] =	vst v2  }
0x14a: {  	[tilespmem:s24+$0x120] =	vst v2  }
0x14b: {  	[tilespmem:s24+$0xA0] =	vst v2  }
0x14c: {  	[tilespmem:s24+$0xF0] =	vst v2  }
0x14d: {  	[tilespmem:s24+$0x110] =	vst v2  }
0x14e: {  	[tilespmem:s24+$0xE0] =	vst v2  }
0x14f: {  	[tilespmem:s24+$0x90] =	vst v2  }
0x150: {  	[tilespmem:s25+$0x12C00] =	vst v2  }
0x151: {  	[tilespmem:s26+$0x12C00] =	vst v2  }
0x152: {  	[tilespmem:s28+$0x12C00] =	vst v2  }
0x153: {  	[tilespmem:s17+$0x12C00] =	vst v2  }
.Ltmp5:
0x154: {  	[tilespmem:s0+$0x12C00] =	vst v2;
	(pc) =	sbr.rel @p2 .LBB2_7-.Ltmp5, $4  }
0x155: {  	[tilespmem:s24+$0x100] =	vst v2  }
0x156: {  	[tilespmem:s30+$0x12C00] =	vst v2  }
0x157: {  	p1 =	por !p1, !p1;
	s0 =	sor.u32 $0x430, s23;
	[tilespmem:s31+$0x12C00] =	vst v2  }
0x158: {  	s21 =	sadd.s32 $0x200, s21;
	s22 =	sadd.s32 $0x400, s22;
	s23 =	sor.u32 $0x438, s23;
	[tilespmem:s29+$0x12C00] =	vst v2  }
0x159: {  	[tilespmem:s0+$0x12C00] =	vst v2  }
0x15a: {  	[tilespmem:s23+$0x12C00] =	vst v2  }
0x15b: {  	_ =	swait.ge [sflag:s15], $0x1900  }
0x15c: {  	[sflag:s15] =	ssyncset.done $0x0  }
0x15d: {  	[sflag:s15] =	ssyncadd.s32 $0xFFFFE700  }
0x15e: {  	_ =	swait.ge [sflag:s15], $0x1900  }
0x15f: {  	[sflag:s15] =	ssyncset.done $0x0  }
0x160: {  	s31 =	simm.s32 $0x3240;
	[sflag:s15] =	ssyncadd.s32 $0xFFFFE700  }
0x161: {  	s20 =	simm.s32 $0x4B40;
	v5 =	vld [tilespmem:s31+$0x30]  }
0x162: {  	v4 =	vld [tilespmem:s20+$0x30]  }
0x163: {  	v6 =	vld [tilespmem:s20+$0xFFFFFFC0]  }
0x164: {  	v11 =	vld [tilespmem:s31+$0xFFFFFFD0]  }
0x165: {  	v12 =	vld [tilespmem:s31+$0xFFFFFFE0]  }
0x166: {  	v16 =	vld [tilespmem:s31+$0x0]  }
0x167: {  	v18 =	vld [tilespmem:s31+$0x10]  }
0x168: {  	v22 =	vld [tilespmem:s31+$0x20]  }
0x169: {  	v13 =	vld [tilespmem:s31+$0xFFFFFFF0];
	_ =	sdelay $0x1  }
0x16a: {  	v9 =	vsub.s32 v5, v1;
	v10 =	vsub.s32 v4, v1  }
0x16b: {  	v4 =	vsub.s32 v6, v1;
	v5 =	vshll.u32 v5, $0x7;
	v15 =	vsub.s32 v11, v1  }
0x16c: {  	v25 =	vsub.s32 v16, v1;
	v29 =	vsub.s32 v18, v1;
	v31 =	vsub.s32 v22, v1  }
0x16d: {  	v7 =	vld [tilespmem:s20+$0xFFFFFFD0];
	v33 =	vshll.u32 v11, $0x7;
	v62 =	vshll.u32 v12, $0x7;
	v34 =	vshll.u32 v13, $0x7  }
0x16e: {  	v16 =	vshll.u32 v16, $0x7;
	v18 =	vshll.u32 v18, $0x7;
	v35 =	vshll.u32 v22, $0x7  }
0x16f: {  	v8 =	vld [tilespmem:s20+$0xFFFFFFE0];
	v6 =	vshll.u32 v9, $0x8;
	v9 =	vshll.u32 v10, $0x3;
	v15 =	vshll.u32 v15, $0x8  }
0x170: {  	v59 =	vshll.u32 v31, $0x8;
	v63 =	vand.u32 $0x380, v33;
	v22 =	vand.u32 $0x380, v62  }
0x171: {  	v14 =	vld [tilespmem:s20+$0xFFFFFFF0];
	v6 =	vand.u32 $0xFFFFF800, v6;
	v9 =	vand.u32 $0xFFFFFC00, v9;
	v15 =	vand.u32 $0xFFFFF800, v15  }
0x172: {  	v17 =	vld [tilespmem:s20+$0x0];
	v6 =	vadd.s32 v6, v9;
	v9 =	vand.u32 $0x380, v5;
	v5 =	vsub.s32 v7, v1  }
0x173: {  	v26 =	vld [tilespmem:s20+$0x20];
	v7 =	vand.u32 $0x7F, v10;
	v10 =	vsub.s32 v12, v1;
	v9 =	vor.u32 v9, v6  }
0x174: {  	v6 =	vsub.s32 v8, v1;
	v8 =	vsub.s32 v13, v1;
	v21 =	vshll.u32 v5, $0x3  }
0x175: {  	v20 =	vld [tilespmem:s20+$0x10];
	v10 =	vshll.u32 v10, $0x8;
	v19 =	vor.u32 v7, v9;
	v9 =	vshll.u32 v4, $0x3  }
0x176: {  	v7 =	vsub.s32 v14, v1;
	v23 =	vshll.u32 v6, $0x3;
	v24 =	vshll.u32 v8, $0x8  }
0x177: {  	v8 =	vsub.s32 v17, v1;
	v17 =	vshll.u32 v25, $0x8;
	v21 =	vand.u32 $0xFFFFFC00, v21  }
0x178: {  	v32 =	vand.u32 $0xFFFFF800, v10;
	v10 =	vsub.s32 v26, v1;
	v26 =	vand.u32 $0xFFFFF800, v59  }
0x179: {  	v27 =	vshll.u32 v7, $0x3;
	v57 =	vand.u32 $0xFFFFFC00, v9;
	v28 =	vshll.u32 v8, $0x3  }
0x17a: {  	v14 =	vld [tilespmem:s31+$0xFFFFFFC0];
	v9 =	vsub.s32 v20, v1;
	v20 =	vshll.u32 v29, $0x8;
	v23 =	vand.u32 $0xFFFFFC00, v23  }
0x17b: {  	v60 =	vshll.u32 v10, $0x3;
	v24 =	vand.u32 $0xFFFFF800, v24;
	v17 =	vand.u32 $0xFFFFF800, v17  }
0x17c: {  	v36 =	vadd.s32 v15, v21;
	v21 =	vand.u32 $0x380, v34;
	v58 =	vshll.u32 v9, $0x3  }
0x17d: {  	v27 =	vand.u32 $0xFFFFFC00, v27;
	v28 =	vand.u32 $0xFFFFFC00, v28;
	v20 =	vand.u32 $0xFFFFF800, v20  }
0x17e: {  	v11 =	vand.u32 $0xFFFFFC00, v60;
	v15 =	vadd.s32 v32, v23;
	v29 =	vand.u32 $0xFFFFFC00, v58  }
0x17f: {  	v13 =	vadd.s32 v17, v28;
	v11 =	vadd.s32 v26, v11;
	v30 =	vsub.s32 v14, v1  }
0x180: {  	v17 =	vand.u32 $0x380, v18;
	v12 =	vadd.s32 v20, v29;
	v30 =	vshll.u32 v30, $0x8  }
0x181: {  	v20 =	vand.u32 $0x380, v16;
	v61 =	vshll.u32 v14, $0x7;
	v30 =	vand.u32 $0xFFFFF800, v30  }
0x182: {  	v16 =	vor.u32 v63, v36;
	v23 =	vand.u32 $0x380, v61;
	v25 =	vadd.s32 v30, v57  }
0x183: {  	s21 =	simm.s32 $0x0;
	s22 =	simm.s32 $0x32C0;
	v14 =	vadd.s32 v24, v27;
	[tilespmem:v19+s16+$0x0] =	vst.idx.add.f32.msk $0xffff, v3;
	v19 =	vand.u32 $0x380, v35;
	v18 =	vor.u32 v23, v25  }
.LBB2_9:
0x184: {  	v23 =	vld [tilespmem:s22+$0x30];
	v15 =	vor.u32 v22, v15;
	v14 =	vor.u32 v21, v14;
	v13 =	vor.u32 v20, v13;
	s20 =	sadd.s32 $0x80, s20  }
0x185: {  	s21 =	sadd.s32 $0x8, s21;
	v4 =	vand.u32 $0x7F, v4;
	v12 =	vor.u32 v17, v12;
	v11 =	vor.u32 v19, v11;
	v20 =	vld [tilespmem:s20+$0x30]  }
0x186: {  	v5 =	vand.u32 $0x7F, v5;
	v6 =	vand.u32 $0x7F, v6;
	v7 =	vand.u32 $0x7F, v7;
	p1 =	slt.u32 s21, $0x188;
	v17 =	vld [tilespmem:s20+$0xFFFFFFC0]  }
0x187: {  	v8 =	vand.u32 $0x7F, v8;
	v9 =	vand.u32 $0x7F, v9;
	v10 =	vand.u32 $0x7F, v10;
	v19 =	vld [tilespmem:s22+$0xFFFFFFD0]  }
0x188: {  	v18 =	vor.u32 v4, v18;
	v16 =	vor.u32 v5, v16;
	v15 =	vor.u32 v6, v15;
	v21 =	vld [tilespmem:s20+$0xFFFFFFD0]  }
0x189: {  	v14 =	vor.u32 v7, v14;
	v13 =	vor.u32 v8, v13;
	v12 =	vor.u32 v9, v12;
	v22 =	vld [tilespmem:s22+$0xFFFFFFE0]  }
0x18a: {  	v11 =	vor.u32 v10, v11;
	v5 =	vsub.s32 v23, v1;
	v6 =	vld [tilespmem:s20+$0xFFFFFFE0];
	v7 =	vsub.s32 v20, v1  }
0x18b: {  	v5 =	vshll.u32 v5, $0x8;
	v4 =	vsub.s32 v17, v1;
	v17 =	vld [tilespmem:s22+$0xFFFFFFF0];
	v8 =	vshll.u32 v7, $0x3  }
0x18c: {  	v10 =	vshll.u32 v23, $0x7;
	v5 =	vand.u32 $0xFFFFF800, v5;
	v9 =	vld [tilespmem:s20+$0xFFFFFFF0];
	v8 =	vand.u32 $0xFFFFFC00, v8  }
0x18d: {  	v10 =	vand.u32 $0x380, v10;
	v20 =	vsub.s32 v19, v1;
	v23 =	vld [tilespmem:s22+$0x0];
	v8 =	vadd.s32 v5, v8  }
0x18e: {  	v7 =	vand.u32 $0x7F, v7;
	v5 =	vsub.s32 v21, v1;
	v21 =	vld [tilespmem:s20+$0x0];
	v8 =	vor.u32 v10, v8  }
0x18f: {  	v10 =	vsub.s32 v22, v1;
	v6 =	vsub.s32 v6, v1;
	v24 =	vld [tilespmem:s22+$0x10];
	v25 =	vor.u32 v7, v8  }
0x190: {  	v26 =	vshll.u32 v4, $0x3;
	v20 =	vshll.u32 v20, $0x8;
	v8 =	vsub.s32 v17, v1;
	v27 =	vld [tilespmem:s20+$0x10]  }
0x191: {  	v28 =	vshll.u32 v5, $0x3;
	v10 =	vshll.u32 v10, $0x8;
	v7 =	vsub.s32 v9, v1;
	v29 =	vld [tilespmem:s22+$0x20]  }
0x192: {  	v30 =	vshll.u32 v6, $0x3;
	v31 =	vshll.u32 v8, $0x8;
	v9 =	vsub.s32 v23, v1;
	v32 =	vld [tilespmem:s20+$0x20]  }
0x193: {  	v34 =	vshll.u32 v7, $0x3;
	v33 =	vld [tilespmem:s22+$0xFFFFFFC0];
	v8 =	vsub.s32 v21, v1;
	v21 =	vshll.u32 v9, $0x8  }
0x194: {  	v26 =	vand.u32 $0xFFFFFC00, v26;
	v35 =	vshll.u32 v8, $0x3;
	v36 =	vsub.s32 v24, v1;
	[tilespmem:v25+s16+$0x0] =	vst.idx.add.f32.msk $0xffff, v3  }
0x195: {  	v20 =	vand.u32 $0xFFFFF800, v20;
	v9 =	vsub.s32 v27, v1;
	v25 =	vshll.u32 v36, $0x8;
	[tilespmem:v18+s16+$0x0] =	vst.idx.add.f32.msk $0xffff, v3  }
0x196: {  	v18 =	vand.u32 $0xFFFFFC00, v28;
	v27 =	vshll.u32 v9, $0x3;
	v28 =	vsub.s32 v29, v1;
	[tilespmem:v16+s16+$0x0] =	vst.idx.add.f32.msk $0xffff, v3  }
0x197: {  	v16 =	vand.u32 $0xFFFFF800, v10;
	v10 =	vsub.s32 v32, v1;
	v28 =	vshll.u32 v28, $0x8;
	[tilespmem:v15+s16+$0x0] =	vst.idx.add.f32.msk $0xffff, v3  }
0x198: {  	v30 =	vand.u32 $0xFFFFFC00, v30;
	v15 =	vsub.s32 v33, v1;
	v32 =	vshll.u32 v10, $0x3;
	[tilespmem:v14+s16+$0x0] =	vst.idx.add.f32.msk $0xffff, v3  }
0x199: {  	v31 =	vand.u32 $0xFFFFF800, v31;
	v34 =	vand.u32 $0xFFFFFC00, v34;
	v14 =	vshll.u32 v15, $0x8;
	[tilespmem:v13+s16+$0x0] =	vst.idx.add.f32.msk $0xffff, v3  }
0x19a: {  	v21 =	vand.u32 $0xFFFFF800, v21;
	v35 =	vand.u32 $0xFFFFFC00, v35;
	v13 =	vand.u32 $0xFFFFF800, v14;
	[tilespmem:v12+s16+$0x0] =	vst.idx.add.f32.msk $0xffff, v3  }
0x19b: {  	v12 =	vand.u32 $0xFFFFF800, v25;
	v25 =	vand.u32 $0xFFFFFC00, v27;
	v27 =	vand.u32 $0xFFFFF800, v28;
	[tilespmem:v11+s16+$0x0] =	vst.idx.add.f32.msk $0xffff, v3  }
0x19c: {  	v19 =	vshll.u32 v19, $0x7;
	v28 =	vshll.u32 v33, $0x7;
	v11 =	vand.u32 $0xFFFFFC00, v32  }
0x19d: {  	v22 =	vshll.u32 v22, $0x7;
	v17 =	vshll.u32 v17, $0x7;
	v23 =	vshll.u32 v23, $0x7  }
0x19e: {  	v24 =	vshll.u32 v24, $0x7;
	v29 =	vshll.u32 v29, $0x7;
	v26 =	vadd.s32 v13, v26  }
.Ltmp6:
0x19f: {  	v15 =	vadd.s32 v16, v30;
	v14 =	vadd.s32 v31, v34;
	v32 =	vadd.s32 v20, v18;
	(pc) =	sbr.rel @p1 .LBB2_9-.Ltmp6, $4  }
0x1a0: {  	v13 =	vadd.s32 v21, v35;
	v12 =	vadd.s32 v12, v25;
	v11 =	vadd.s32 v27, v11  }
0x1a1: {  	v19 =	vand.u32 $0x380, v19;
	v22 =	vand.u32 $0x380, v22;
	v16 =	vand.u32 $0x380, v28  }
0x1a2: {  	v21 =	vand.u32 $0x380, v17;
	v20 =	vand.u32 $0x380, v23;
	v17 =	vand.u32 $0x380, v24  }
0x1a3: {  	s22 =	sadd.s32 $0x80, s22;
	v18 =	vor.u32 v16, v26;
	v16 =	vor.u32 v19, v32;
	v19 =	vand.u32 $0x380, v29  }
.Ltmp7:
0x1a4: {  	_ = 	snop;
	(pc) =	sbr.rel .LBB2_10-.Ltmp7, $1  }
0x1a5: {  	_ =	sdelay $0x3  }
.LBB2_12:
0x1a6: {  	_ =	sfence.sel $0x180000  }
0x1a7: {  	[bflag:$0x0] =	sbarrier.arrive $0xFFFF  }
0x1a8: {  	_ =	strace $0x90000047  }
0x1a9: {  	s0 =	stileid.u32;
	[bflag:$0x2] =	sbarrier.arrive $0xFFFF  }
0x1aa: {  	p0 =	sne.s32 s0, $0x0;
	s0 =	rddreg [dreg:$0x2]  }
0x1ab: {  	s0 =	sadd.s32 @!p0 $0x100000, s0  }
0x1ac: {  	[sflag:s0] =	ssyncadd.tile.s32 @!p0 $0x1;
	_ =	shalt  }
.Lfunc_end2:
_tile_overlayer_lowered:
.L_overlay_start_2:
0x1ad: {  	(tag) =	ssettag $0x2  }
0x1ae: {  	s0 =	rddreg [dreg:$0x0];
	s2 =	stileid.u32  }
0x1af: {  	s1 =	rddreg [dreg:$0x1];
	p0 =	sne.s32 s2, $0x0  }
0x1b0: {  	s3 =	rddreg [dreg:$0x2];
	[bflag:$0x3] =	sbarrier.arrive $0xFFFF;
	s2 =	simm.s32 @!p0 $0x1C04  }
0x1b1: {  	[timem:s3], [sflag:s2] =	dma.local @!p0 [hbm:s0], s1  }
0x1b2: {  	s0 =	simm.s32 @!p0 $0x4  }
0x1b3: {  	_ =	swait.ge @!p0 [sflag:s0], s1  }
0x1b4: {  	s1 =	ssub.s32 @!p0 $0x0, s1;
	[sflag:s0] =	ssyncset.done @!p0 $0x0  }
0x1b5: {  	[sflag:s0] =	ssyncadd.s32 @!p0 s1  }
0x1b6: {  	[bflag:$0x3] =	sbarrier.arrive $0xFFFF  }
0x1b7: {  	_ =	shalt  }

</sc_bundles>
